<compile_context>
chip_gen: v7x
topology: tpu7x:2x2x1
jax: 0.10.2.dev20260603
libtpu: 0.0.44.dev20260713+nightly
codegen_flags: <defaults>
</compile_context>

<pallas_src>
import functools

import jax
import jax.numpy as jnp
from jax import lax
from jax.experimental import pallas as pl
from jax.experimental.pallas import tpu as pltpu
from jax.experimental.pallas import tpu_sc as plsc

_B = 4
_S = 2048
_D = 1024
_N = _B * _S
_NC = 2
_NS = 16
_NW = _NC * _NS
_PER_W = _N // _NW
_CHUNK = 16
_STEPS = _PER_W // _CHUNK
_NBUF = 3
_LANES = 16
_SPW = _S // _NW
_SCHUNKS = _SPW // _CHUNK


def _embed_kernel(ids_hbm, table_hbm, pos_hbm, out_hbm,
                  idx_v, pos_v, rows_v, semg, semp, sems):
    wid = lax.axis_index("s") * _NC + lax.axis_index("c")
    s_base = wid * _SPW
    pos_ds = [
        pltpu.async_copy(pos_hbm.at[pl.ds(s_base + k * _CHUNK, _CHUNK)],
                         pos_v.at[k], semp)
        for k in range(_SCHUNKS)]
    for b in range(_B):
        pltpu.sync_copy(ids_hbm.at[b, pl.ds(s_base, _SPW)],
                        idx_v.at[pl.ds(b * _SPW, _SPW)])

    def issue(g):
        p = lax.rem(g, _NBUF)
        idxs = idx_v[pl.ds(g * _CHUNK, _CHUNK)]
        pltpu.async_copy(table_hbm.at[idxs], rows_v.at[p], semg.at[p])

    def wait_store(j):
        p = lax.rem(j, _NBUF)
        pltpu.make_async_copy(
            rows_v.at[p], out_hbm.at[0, pl.ds(0, _CHUNK)], sems.at[p]).wait()

    def process(j):
        p = lax.rem(j, _NBUF)
        q = lax.rem(j, _SCHUNKS)
        pltpu.make_async_copy(
            table_hbm.at[pl.ds(0, _CHUNK)], rows_v.at[p], semg.at[p]).wait()

        @plsc.parallel_loop(0, _CHUNK)
        def _add_row(i):
            for c in range(_D // _LANES):
                sl = pl.ds(c * _LANES, _LANES)
                plsc.addupdate(rows_v.at[p, i, sl], pos_v[q, i, sl])

        b_idx = j // _SCHUNKS
        pltpu.async_copy(
            rows_v.at[p],
            out_hbm.at[b_idx, pl.ds(s_base + q * _CHUNK, _CHUNK)],
            sems.at[p])

    def body(g, carry):
        @pl.when(g >= _NBUF)
        def _():
            wait_store(g - _NBUF)

        issue(g)
        process(g - 1)
        return carry

    issue(0)
    for d in pos_ds:
        d.wait()
    lax.fori_loop(1, _STEPS, body, None)
    process(_STEPS - 1)
    for j in range(_STEPS - _NBUF, _STEPS):
        wait_store(j)


def kernel(input_ids, token_table, pos_table):
    mesh = plsc.VectorSubcoreMesh(core_axis_name="c", subcore_axis_name="s")
    run = functools.partial(
        pl.kernel,
        out_type=jax.ShapeDtypeStruct((_B, _S, _D), jnp.float32),
        mesh=mesh,
        scratch_types=[
            pltpu.VMEM((_PER_W,), jnp.int32),
            pltpu.VMEM((_SCHUNKS, _CHUNK, _D), jnp.float32),
            pltpu.VMEM((_NBUF, _CHUNK, _D), jnp.float32),
            pltpu.SemaphoreType.DMA((_NBUF,)),
            pltpu.SemaphoreType.DMA,
            pltpu.SemaphoreType.DMA((_NBUF,)),
        ],
    )(_embed_kernel)
    return run(input_ids.astype(jnp.int32), token_table, pos_table)

# --- scband reference (transcript-rebuilt; emitter-appended) ---
"""Pipeline reference for scband-gpt2-embedding-21303037788393 (READ-ONLY COPY).

The authoritative reference and input builder live on the scoring server;
editing this copy changes nothing except your own understanding.
"""

import jax, jax.numpy as jnp
import numpy as np

VOCAB = 50257
D_MODEL = 1024
N_CTX = 2048
BATCH = 4
SEQ = 2048

def setup_inputs(seed: int = 0) -> dict:
    key = jax.random.key(seed)
    k1, k2, k3 = jax.random.split(key, 3)
    input_ids = jax.random.randint(k1, (BATCH, SEQ), 0, VOCAB, dtype=jnp.int64 if jax.config.jax_enable_x64 else jnp.int32)
    token_table = jax.random.normal(k2, (VOCAB, D_MODEL), dtype=jnp.float32) * 0.02
    pos_table = jax.random.normal(k3, (N_CTX, D_MODEL), dtype=jnp.float32) * 0.02
    return {"input_ids": input_ids, "token_table": token_table, "pos_table": pos_table}

def reference(input_ids, token_table, pos_table):
    n_ctx = input_ids.shape[-1]
    positions = jnp.arange(n_ctx)[None, :]  # [1, S]
    token_embeds = jnp.take(token_table, input_ids, axis=0)        # [B, S, D]
    position_embeds = jnp.take(pos_table, positions, axis=0)        # [1, S, D]
    embeddings = token_embeds + position_embeds
    # dropout is identity in eval / p=0.0
    return embeddings

if __name__ == "__main__":
    import jax
    _d = setup_inputs()
    print(jax.jit(kernel)(*tuple(_d.values())))

</pallas_src>

<mosaic_0001>
#map = affine_map<(d0, d1) -> (0, 0)>
#map1 = affine_map<(d0, d1) -> (0, 0, 0)>
module attributes {stable_mosaic.version = 14 : i64} {
  func.func @_embed_kernel(%arg0: i32, %arg1: i32, %arg2: memref<4x2048xi32, #tpu.memory_space<hbm>>, %arg3: memref<50257x1024xf32, #tpu.memory_space<hbm>>, %arg4: memref<2048x1024xf32, #tpu.memory_space<hbm>>, %arg5: memref<4x2048x1024xf32, #tpu.memory_space<hbm>>, %arg6: memref<256xi32, #tpu.memory_space<vmem>>, %arg7: memref<4x16x1024xf32, #tpu.memory_space<vmem>>, %arg8: memref<3x16x1024xf32, #tpu.memory_space<vmem>>, %arg9: memref<3x!tpu.dma_semaphore, #tpu.memory_space<semaphore_mem>>, %arg10: memref<!tpu.dma_semaphore, #tpu.memory_space<semaphore_mem>>, %arg11: memref<3x!tpu.dma_semaphore, #tpu.memory_space<semaphore_mem>>) attributes {dimension_semantics = [#tpu.dimension_semantics<core_parallel>, #tpu.dimension_semantics<subcore_parallel>], iteration_bounds = array<i64: 2, 16>, scalar_prefetch = 0 : i64, scratch_operands = 6 : i64, tpu.core_type = #tpu.core_type<sc_vector_subcore>, window_params = [{transform_indices = #map}, {transform_indices = #map}, {transform_indices = #map}, {transform_indices = #map1}]} {
    %mul3A = arith.constant 2 : i32
    %mul3A_0 = arith.muli %arg1, %mul3A : i32
    %add3A = arith.addi %mul3A_0, %arg0 : i32
    %mul3A_1 = arith.constant 64 : i32
    %mul3A_2 = arith.muli %add3A, %mul3A_1 : i32
    %add3A_3 = arith.constant 0 : i32
    %add3A_4 = arith.addi %mul3A_2, %add3A_3 : i32
    %dma_start3A = arith.constant 0 : i32
    %dma_start3A_5 = arith.constant 0 : i32
    %dma_start3A_6 = arith.constant 0 : i32
    %dma_start3A_7 = tpu.memref_slice %arg7[%dma_start3A, %dma_start3A_5, %dma_start3A_6] : memref<4x16x1024xf32, #tpu.memory_space<vmem>> -> memref<1x16x1024xf32, #tpu.memory_space<vmem>>
    %dma_start3A_8 = tpu.memref_squeeze %dma_start3A_7 : memref<1x16x1024xf32, #tpu.memory_space<vmem>> -> memref<16x1024xf32, #tpu.memory_space<vmem>>
    %dma_start3A_9 = arith.constant 0 : i32
    %dma_start3A_10 = tpu.memref_slice %arg4[%add3A_4, %dma_start3A_9] : memref<2048x1024xf32, #tpu.memory_space<hbm>> -> memref<16x1024xf32, #tpu.memory_space<hbm>>
    %dma_start3A_11 = arith.constant 0 : i32
    %dma_start3A_12 = arith.constant 0 : i32
    %dma_start3A_13 = tpu.memref_slice %arg7[%dma_start3A, %dma_start3A_11, %dma_start3A_12] : memref<4x16x1024xf32, #tpu.memory_space<vmem>> -> memref<1x16x1024xf32, #tpu.memory_space<vmem>>
    %dma_start3A_14 = tpu.memref_squeeze %dma_start3A_13 : memref<1x16x1024xf32, #tpu.memory_space<vmem>> -> memref<16x1024xf32, #tpu.memory_space<vmem>>
    %dma_start3A_15 = arith.constant 0 : i32
    %dma_start3A_16 = tpu.memref_slice %arg4[%add3A_4, %dma_start3A_15] : memref<2048x1024xf32, #tpu.memory_space<hbm>> -> memref<16x1024xf32, #tpu.memory_space<hbm>>
    tpu.enqueue_dma source(%dma_start3A_16 : memref<16x1024xf32, #tpu.memory_space<hbm>>) target(%dma_start3A_14 : memref<16x1024xf32, #tpu.memory_space<vmem>>) target_semaphore(%arg10 : memref<!tpu.dma_semaphore, #tpu.memory_space<semaphore_mem>>)
    %add3A_17 = arith.constant 16 : i32
    %add3A_18 = arith.addi %mul3A_2, %add3A_17 : i32
    %dma_start3A_19 = arith.constant 1 : i32
    %dma_start3A_20 = arith.constant 0 : i32
    %dma_start3A_21 = arith.constant 0 : i32
    %dma_start3A_22 = tpu.memref_slice %arg7[%dma_start3A_19, %dma_start3A_20, %dma_start3A_21] : memref<4x16x1024xf32, #tpu.memory_space<vmem>> -> memref<1x16x1024xf32, #tpu.memory_space<vmem>>
    %dma_start3A_23 = tpu.memref_squeeze %dma_start3A_22 : memref<1x16x1024xf32, #tpu.memory_space<vmem>> -> memref<16x1024xf32, #tpu.memory_space<vmem>>
    %dma_start3A_24 = arith.constant 0 : i32
    %dma_start3A_25 = tpu.memref_slice %arg4[%add3A_18, %dma_start3A_24] : memref<2048x1024xf32, #tpu.memory_space<hbm>> -> memref<16x1024xf32, #tpu.memory_space<hbm>>
    %dma_start3A_26 = arith.constant 0 : i32
    %dma_start3A_27 = arith.constant 0 : i32
    %dma_start3A_28 = tpu.memref_slice %arg7[%dma_start3A_19, %dma_start3A_26, %dma_start3A_27] : memref<4x16x1024xf32, #tpu.memory_space<vmem>> -> memref<1x16x1024xf32, #tpu.memory_space<vmem>>
    %dma_start3A_29 = tpu.memref_squeeze %dma_start3A_28 : memref<1x16x1024xf32, #tpu.memory_space<vmem>> -> memref<16x1024xf32, #tpu.memory_space<vmem>>
    %dma_start3A_30 = arith.constant 0 : i32
    %dma_start3A_31 = tpu.memref_slice %arg4[%add3A_18, %dma_start3A_30] : memref<2048x1024xf32, #tpu.memory_space<hbm>> -> memref<16x1024xf32, #tpu.memory_space<hbm>>
    tpu.enqueue_dma source(%dma_start3A_31 : memref<16x1024xf32, #tpu.memory_space<hbm>>) target(%dma_start3A_29 : memref<16x1024xf32, #tpu.memory_space<vmem>>) target_semaphore(%arg10 : memref<!tpu.dma_semaphore, #tpu.memory_space<semaphore_mem>>)
    %add3A_32 = arith.constant 32 : i32
    %add3A_33 = arith.addi %mul3A_2, %add3A_32 : i32
    %dma_start3A_34 = arith.constant 2 : i32
    %dma_start3A_35 = arith.constant 0 : i32
    %dma_start3A_36 = arith.constant 0 : i32
    %dma_start3A_37 = tpu.memref_slice %arg7[%dma_start3A_34, %dma_start3A_35, %dma_start3A_36] : memref<4x16x1024xf32, #tpu.memory_space<vmem>> -> memref<1x16x1024xf32, #tpu.memory_space<vmem>>
    %dma_start3A_38 = tpu.memref_squeeze %dma_start3A_37 : memref<1x16x1024xf32, #tpu.memory_space<vmem>> -> memref<16x1024xf32, #tpu.memory_space<vmem>>
    %dma_start3A_39 = arith.constant 0 : i32
    %dma_start3A_40 = tpu.memref_slice %arg4[%add3A_33, %dma_start3A_39] : memref<2048x1024xf32, #tpu.memory_space<hbm>> -> memref<16x1024xf32, #tpu.memory_space<hbm>>
    %dma_start3A_41 = arith.constant 0 : i32
    %dma_start3A_42 = arith.constant 0 : i32
    %dma_start3A_43 = tpu.memref_slice %arg7[%dma_start3A_34, %dma_start3A_41, %dma_start3A_42] : memref<4x16x1024xf32, #tpu.memory_space<vmem>> -> memref<1x16x1024xf32, #tpu.memory_space<vmem>>
    %dma_start3A_44 = tpu.memref_squeeze %dma_start3A_43 : memref<1x16x1024xf32, #tpu.memory_space<vmem>> -> memref<16x1024xf32, #tpu.memory_space<vmem>>
    %dma_start3A_45 = arith.constant 0 : i32
    %dma_start3A_46 = tpu.memref_slice %arg4[%add3A_33, %dma_start3A_45] : memref<2048x1024xf32, #tpu.memory_space<hbm>> -> memref<16x1024xf32, #tpu.memory_space<hbm>>
    tpu.enqueue_dma source(%dma_start3A_46 : memref<16x1024xf32, #tpu.memory_space<hbm>>) target(%dma_start3A_44 : memref<16x1024xf32, #tpu.memory_space<vmem>>) target_semaphore(%arg10 : memref<!tpu.dma_semaphore, #tpu.memory_space<semaphore_mem>>)
    %add3A_47 = arith.constant 48 : i32
    %add3A_48 = arith.addi %mul3A_2, %add3A_47 : i32
    %dma_start3A_49 = arith.constant 3 : i32
    %dma_start3A_50 = arith.constant 0 : i32
    %dma_start3A_51 = arith.constant 0 : i32
    %dma_start3A_52 = tpu.memref_slice %arg7[%dma_start3A_49, %dma_start3A_50, %dma_start3A_51] : memref<4x16x1024xf32, #tpu.memory_space<vmem>> -> memref<1x16x1024xf32, #tpu.memory_space<vmem>>
    %dma_start3A_53 = tpu.memref_squeeze %dma_start3A_52 : memref<1x16x1024xf32, #tpu.memory_space<vmem>> -> memref<16x1024xf32, #tpu.memory_space<vmem>>
    %dma_start3A_54 = arith.constant 0 : i32
    %dma_start3A_55 = tpu.memref_slice %arg4[%add3A_48, %dma_start3A_54] : memref<2048x1024xf32, #tpu.memory_space<hbm>> -> memref<16x1024xf32, #tpu.memory_space<hbm>>
    %dma_start3A_56 = arith.constant 0 : i32
    %dma_start3A_57 = arith.constant 0 : i32
    %dma_start3A_58 = tpu.memref_slice %arg7[%dma_start3A_49, %dma_start3A_56, %dma_start3A_57] : memref<4x16x1024xf32, #tpu.memory_space<vmem>> -> memref<1x16x1024xf32, #tpu.memory_space<vmem>>
    %dma_start3A_59 = tpu.memref_squeeze %dma_start3A_58 : memref<1x16x1024xf32, #tpu.memory_space<vmem>> -> memref<16x1024xf32, #tpu.memory_space<vmem>>
    %dma_start3A_60 = arith.constant 0 : i32
    %dma_start3A_61 = tpu.memref_slice %arg4[%add3A_48, %dma_start3A_60] : memref<2048x1024xf32, #tpu.memory_space<hbm>> -> memref<16x1024xf32, #tpu.memory_space<hbm>>
    tpu.enqueue_dma source(%dma_start3A_61 : memref<16x1024xf32, #tpu.memory_space<hbm>>) target(%dma_start3A_59 : memref<16x1024xf32, #tpu.memory_space<vmem>>) target_semaphore(%arg10 : memref<!tpu.dma_semaphore, #tpu.memory_space<semaphore_mem>>)
    %run_scoped3A = arith.constant 0 : i32
    "tpu.region"() ({
      %run_scoped3A_243 = tpu.sem_alloc : memref<!tpu.dma_semaphore, #tpu.memory_space<semaphore_mem>>
      %dma_start3A_244 = arith.constant 0 : i32
      %dma_start3A_245 = tpu.memref_slice %arg6[%dma_start3A_244] : memref<256xi32, #tpu.memory_space<vmem>> -> memref<64xi32, #tpu.memory_space<vmem>>
      %dma_start3A_246 = tpu.memref_slice %arg2[%run_scoped3A, %mul3A_2] : memref<4x2048xi32, #tpu.memory_space<hbm>> -> memref<1x64xi32, #tpu.memory_space<hbm>>
      %dma_start3A_247 = tpu.memref_squeeze %dma_start3A_246 : memref<1x64xi32, #tpu.memory_space<hbm>> -> memref<64xi32, #tpu.memory_space<hbm>>
      %dma_start3A_248 = arith.constant 0 : i32
      %dma_start3A_249 = tpu.memref_slice %arg6[%dma_start3A_248] : memref<256xi32, #tpu.memory_space<vmem>> -> memref<64xi32, #tpu.memory_space<vmem>>
      %dma_start3A_250 = tpu.memref_slice %arg2[%run_scoped3A, %mul3A_2] : memref<4x2048xi32, #tpu.memory_space<hbm>> -> memref<1x64xi32, #tpu.memory_space<hbm>>
      %dma_start3A_251 = tpu.memref_squeeze %dma_start3A_250 : memref<1x64xi32, #tpu.memory_space<hbm>> -> memref<64xi32, #tpu.memory_space<hbm>>
      tpu.enqueue_dma source(%dma_start3A_251 : memref<64xi32, #tpu.memory_space<hbm>>) target(%dma_start3A_249 : memref<64xi32, #tpu.memory_space<vmem>>) target_semaphore(%run_scoped3A_243 : memref<!tpu.dma_semaphore, #tpu.memory_space<semaphore_mem>>)
      %dma_wait3A_252 = arith.constant 0 : i32
      %dma_wait3A_253 = tpu.memref_slice %arg6[%dma_wait3A_252] : memref<256xi32, #tpu.memory_space<vmem>> -> memref<64xi32, #tpu.memory_space<vmem>>
      %dma_wait3A_254 = tpu.memref_slice %arg2[%run_scoped3A, %mul3A_2] : memref<4x2048xi32, #tpu.memory_space<hbm>> -> memref<1x64xi32, #tpu.memory_space<hbm>>
      %dma_wait3A_255 = tpu.memref_squeeze %dma_wait3A_254 : memref<1x64xi32, #tpu.memory_space<hbm>> -> memref<64xi32, #tpu.memory_space<hbm>>
      %dma_wait3A_256 = arith.constant 0 : i32
      %dma_wait3A_257 = tpu.memref_slice %arg6[%dma_wait3A_256] : memref<256xi32, #tpu.memory_space<vmem>> -> memref<64xi32, #tpu.memory_space<vmem>>
      %dma_wait3A_258 = tpu.memref_slice %arg2[%run_scoped3A, %mul3A_2] : memref<4x2048xi32, #tpu.memory_space<hbm>> -> memref<1x64xi32, #tpu.memory_space<hbm>>
      %dma_wait3A_259 = tpu.memref_squeeze %dma_wait3A_258 : memref<1x64xi32, #tpu.memory_space<hbm>> -> memref<64xi32, #tpu.memory_space<hbm>>
      tpu.wait_dma2 semaphore(%run_scoped3A_243 : memref<!tpu.dma_semaphore, #tpu.memory_space<semaphore_mem>>) src(%dma_wait3A_259 : memref<64xi32, #tpu.memory_space<hbm>>) dst(%dma_wait3A_257 : memref<64xi32, #tpu.memory_space<vmem>>)
      tpu.yield
    }) : () -> ()
    %run_scoped3A_62 = arith.constant 1 : i32
    "tpu.region"() ({
      %run_scoped3A_243 = tpu.sem_alloc : memref<!tpu.dma_semaphore, #tpu.memory_space<semaphore_mem>>
      %dma_start3A_244 = arith.constant 64 : i32
      %dma_start3A_245 = tpu.memref_slice %arg6[%dma_start3A_244] : memref<256xi32, #tpu.memory_space<vmem>> -> memref<64xi32, #tpu.memory_space<vmem>>
      %dma_start3A_246 = tpu.memref_slice %arg2[%run_scoped3A_62, %mul3A_2] : memref<4x2048xi32, #tpu.memory_space<hbm>> -> memref<1x64xi32, #tpu.memory_space<hbm>>
      %dma_start3A_247 = tpu.memref_squeeze %dma_start3A_246 : memref<1x64xi32, #tpu.memory_space<hbm>> -> memref<64xi32, #tpu.memory_space<hbm>>
      %dma_start3A_248 = arith.constant 64 : i32
      %dma_start3A_249 = tpu.memref_slice %arg6[%dma_start3A_248] : memref<256xi32, #tpu.memory_space<vmem>> -> memref<64xi32, #tpu.memory_space<vmem>>
      %dma_start3A_250 = tpu.memref_slice %arg2[%run_scoped3A_62, %mul3A_2] : memref<4x2048xi32, #tpu.memory_space<hbm>> -> memref<1x64xi32, #tpu.memory_space<hbm>>
      %dma_start3A_251 = tpu.memref_squeeze %dma_start3A_250 : memref<1x64xi32, #tpu.memory_space<hbm>> -> memref<64xi32, #tpu.memory_space<hbm>>
      tpu.enqueue_dma source(%dma_start3A_251 : memref<64xi32, #tpu.memory_space<hbm>>) target(%dma_start3A_249 : memref<64xi32, #tpu.memory_space<vmem>>) target_semaphore(%run_scoped3A_243 : memref<!tpu.dma_semaphore, #tpu.memory_space<semaphore_mem>>)
      %dma_wait3A_252 = arith.constant 64 : i32
      %dma_wait3A_253 = tpu.memref_slice %arg6[%dma_wait3A_252] : memref<256xi32, #tpu.memory_space<vmem>> -> memref<64xi32, #tpu.memory_space<vmem>>
      %dma_wait3A_254 = tpu.memref_slice %arg2[%run_scoped3A_62, %mul3A_2] : memref<4x2048xi32, #tpu.memory_space<hbm>> -> memref<1x64xi32, #tpu.memory_space<hbm>>
      %dma_wait3A_255 = tpu.memref_squeeze %dma_wait3A_254 : memref<1x64xi32, #tpu.memory_space<hbm>> -> memref<64xi32, #tpu.memory_space<hbm>>
      %dma_wait3A_256 = arith.constant 64 : i32
      %dma_wait3A_257 = tpu.memref_slice %arg6[%dma_wait3A_256] : memref<256xi32, #tpu.memory_space<vmem>> -> memref<64xi32, #tpu.memory_space<vmem>>
      %dma_wait3A_258 = tpu.memref_slice %arg2[%run_scoped3A_62, %mul3A_2] : memref<4x2048xi32, #tpu.memory_space<hbm>> -> memref<1x64xi32, #tpu.memory_space<hbm>>
      %dma_wait3A_259 = tpu.memref_squeeze %dma_wait3A_258 : memref<1x64xi32, #tpu.memory_space<hbm>> -> memref<64xi32, #tpu.memory_space<hbm>>
      tpu.wait_dma2 semaphore(%run_scoped3A_243 : memref<!tpu.dma_semaphore, #tpu.memory_space<semaphore_mem>>) src(%dma_wait3A_259 : memref<64xi32, #tpu.memory_space<hbm>>) dst(%dma_wait3A_257 : memref<64xi32, #tpu.memory_space<vmem>>)
      tpu.yield
    }) : () -> ()
    %run_scoped3A_63 = arith.constant 2 : i32
    "tpu.region"() ({
      %run_scoped3A_243 = tpu.sem_alloc : memref<!tpu.dma_semaphore, #tpu.memory_space<semaphore_mem>>
      %dma_start3A_244 = arith.constant 128 : i32
      %dma_start3A_245 = tpu.memref_slice %arg6[%dma_start3A_244] : memref<256xi32, #tpu.memory_space<vmem>> -> memref<64xi32, #tpu.memory_space<vmem>>
      %dma_start3A_246 = tpu.memref_slice %arg2[%run_scoped3A_63, %mul3A_2] : memref<4x2048xi32, #tpu.memory_space<hbm>> -> memref<1x64xi32, #tpu.memory_space<hbm>>
      %dma_start3A_247 = tpu.memref_squeeze %dma_start3A_246 : memref<1x64xi32, #tpu.memory_space<hbm>> -> memref<64xi32, #tpu.memory_space<hbm>>
      %dma_start3A_248 = arith.constant 128 : i32
      %dma_start3A_249 = tpu.memref_slice %arg6[%dma_start3A_248] : memref<256xi32, #tpu.memory_space<vmem>> -> memref<64xi32, #tpu.memory_space<vmem>>
      %dma_start3A_250 = tpu.memref_slice %arg2[%run_scoped3A_63, %mul3A_2] : memref<4x2048xi32, #tpu.memory_space<hbm>> -> memref<1x64xi32, #tpu.memory_space<hbm>>
      %dma_start3A_251 = tpu.memref_squeeze %dma_start3A_250 : memref<1x64xi32, #tpu.memory_space<hbm>> -> memref<64xi32, #tpu.memory_space<hbm>>
      tpu.enqueue_dma source(%dma_start3A_251 : memref<64xi32, #tpu.memory_space<hbm>>) target(%dma_start3A_249 : memref<64xi32, #tpu.memory_space<vmem>>) target_semaphore(%run_scoped3A_243 : memref<!tpu.dma_semaphore, #tpu.memory_space<semaphore_mem>>)
      %dma_wait3A_252 = arith.constant 128 : i32
      %dma_wait3A_253 = tpu.memref_slice %arg6[%dma_wait3A_252] : memref<256xi32, #tpu.memory_space<vmem>> -> memref<64xi32, #tpu.memory_space<vmem>>
      %dma_wait3A_254 = tpu.memref_slice %arg2[%run_scoped3A_63, %mul3A_2] : memref<4x2048xi32, #tpu.memory_space<hbm>> -> memref<1x64xi32, #tpu.memory_space<hbm>>
      %dma_wait3A_255 = tpu.memref_squeeze %dma_wait3A_254 : memref<1x64xi32, #tpu.memory_space<hbm>> -> memref<64xi32, #tpu.memory_space<hbm>>
      %dma_wait3A_256 = arith.constant 128 : i32
      %dma_wait3A_257 = tpu.memref_slice %arg6[%dma_wait3A_256] : memref<256xi32, #tpu.memory_space<vmem>> -> memref<64xi32, #tpu.memory_space<vmem>>
      %dma_wait3A_258 = tpu.memref_slice %arg2[%run_scoped3A_63, %mul3A_2] : memref<4x2048xi32, #tpu.memory_space<hbm>> -> memref<1x64xi32, #tpu.memory_space<hbm>>
      %dma_wait3A_259 = tpu.memref_squeeze %dma_wait3A_258 : memref<1x64xi32, #tpu.memory_space<hbm>> -> memref<64xi32, #tpu.memory_space<hbm>>
      tpu.wait_dma2 semaphore(%run_scoped3A_243 : memref<!tpu.dma_semaphore, #tpu.memory_space<semaphore_mem>>) src(%dma_wait3A_259 : memref<64xi32, #tpu.memory_space<hbm>>) dst(%dma_wait3A_257 : memref<64xi32, #tpu.memory_space<vmem>>)
      tpu.yield
    }) : () -> ()
    %run_scoped3A_64 = arith.constant 3 : i32
    "tpu.region"() ({
      %run_scoped3A_243 = tpu.sem_alloc : memref<!tpu.dma_semaphore, #tpu.memory_space<semaphore_mem>>
      %dma_start3A_244 = arith.constant 192 : i32
      %dma_start3A_245 = tpu.memref_slice %arg6[%dma_start3A_244] : memref<256xi32, #tpu.memory_space<vmem>> -> memref<64xi32, #tpu.memory_space<vmem>>
      %dma_start3A_246 = tpu.memref_slice %arg2[%run_scoped3A_64, %mul3A_2] : memref<4x2048xi32, #tpu.memory_space<hbm>> -> memref<1x64xi32, #tpu.memory_space<hbm>>
      %dma_start3A_247 = tpu.memref_squeeze %dma_start3A_246 : memref<1x64xi32, #tpu.memory_space<hbm>> -> memref<64xi32, #tpu.memory_space<hbm>>
      %dma_start3A_248 = arith.constant 192 : i32
      %dma_start3A_249 = tpu.memref_slice %arg6[%dma_start3A_248] : memref<256xi32, #tpu.memory_space<vmem>> -> memref<64xi32, #tpu.memory_space<vmem>>
      %dma_start3A_250 = tpu.memref_slice %arg2[%run_scoped3A_64, %mul3A_2] : memref<4x2048xi32, #tpu.memory_space<hbm>> -> memref<1x64xi32, #tpu.memory_space<hbm>>
      %dma_start3A_251 = tpu.memref_squeeze %dma_start3A_250 : memref<1x64xi32, #tpu.memory_space<hbm>> -> memref<64xi32, #tpu.memory_space<hbm>>
      tpu.enqueue_dma source(%dma_start3A_251 : memref<64xi32, #tpu.memory_space<hbm>>) target(%dma_start3A_249 : memref<64xi32, #tpu.memory_space<vmem>>) target_semaphore(%run_scoped3A_243 : memref<!tpu.dma_semaphore, #tpu.memory_space<semaphore_mem>>)
      %dma_wait3A_252 = arith.constant 192 : i32
      %dma_wait3A_253 = tpu.memref_slice %arg6[%dma_wait3A_252] : memref<256xi32, #tpu.memory_space<vmem>> -> memref<64xi32, #tpu.memory_space<vmem>>
      %dma_wait3A_254 = tpu.memref_slice %arg2[%run_scoped3A_64, %mul3A_2] : memref<4x2048xi32, #tpu.memory_space<hbm>> -> memref<1x64xi32, #tpu.memory_space<hbm>>
      %dma_wait3A_255 = tpu.memref_squeeze %dma_wait3A_254 : memref<1x64xi32, #tpu.memory_space<hbm>> -> memref<64xi32, #tpu.memory_space<hbm>>
      %dma_wait3A_256 = arith.constant 192 : i32
      %dma_wait3A_257 = tpu.memref_slice %arg6[%dma_wait3A_256] : memref<256xi32, #tpu.memory_space<vmem>> -> memref<64xi32, #tpu.memory_space<vmem>>
      %dma_wait3A_258 = tpu.memref_slice %arg2[%run_scoped3A_64, %mul3A_2] : memref<4x2048xi32, #tpu.memory_space<hbm>> -> memref<1x64xi32, #tpu.memory_space<hbm>>
      %dma_wait3A_259 = tpu.memref_squeeze %dma_wait3A_258 : memref<1x64xi32, #tpu.memory_space<hbm>> -> memref<64xi32, #tpu.memory_space<hbm>>
      tpu.wait_dma2 semaphore(%run_scoped3A_243 : memref<!tpu.dma_semaphore, #tpu.memory_space<semaphore_mem>>) src(%dma_wait3A_259 : memref<64xi32, #tpu.memory_space<hbm>>) dst(%dma_wait3A_257 : memref<64xi32, #tpu.memory_space<vmem>>)
      tpu.yield
    }) : () -> ()
    %rem3A = arith.constant 0 : i32
    %rem3A_65 = arith.constant 3 : i32
    %rem3A_66 = arith.remsi %rem3A, %rem3A_65 : i32
    %get3A = arith.constant 0 : index
    %get3A_67 = tpu.vector_load %arg6[%get3A] {strides = array<i32>} : memref<256xi32, #tpu.memory_space<vmem>>, vector<16xi32>,
    %get3A_68 = vector.shape_cast %get3A_67 : vector<16xi32> to vector<16xi32>
    %dma_start3A_69 = arith.constant 0 : i32
    %dma_start3A_70 = arith.constant 0 : i32
    %dma_start3A_71 = tpu.memref_slice %arg8[%rem3A_66, %dma_start3A_69, %dma_start3A_70] : memref<3x16x1024xf32, #tpu.memory_space<vmem>> -> memref<1x16x1024xf32, #tpu.memory_space<vmem>>
    %dma_start3A_72 = tpu.memref_squeeze %dma_start3A_71 : memref<1x16x1024xf32, #tpu.memory_space<vmem>> -> memref<16x1024xf32, #tpu.memory_space<vmem>>
    %dma_start3A_73 = arith.constant 0 : i32
    %dma_start3A_74 = arith.constant 0 : i32
    %dma_start3A_75 = tpu.memref_slice %arg3[%dma_start3A_73, %dma_start3A_74] : memref<50257x1024xf32, #tpu.memory_space<hbm>> -> memref<50257x1024xf32, #tpu.memory_space<hbm>>
    %dma_start3A_76 = tpu.memref_slice %arg9[%rem3A_66] : memref<3x!tpu.dma_semaphore, #tpu.memory_space<semaphore_mem>> -> memref<1x!tpu.dma_semaphore, #tpu.memory_space<semaphore_mem>>
    %dma_start3A_77 = tpu.memref_squeeze %dma_start3A_76 : memref<1x!tpu.dma_semaphore, #tpu.memory_space<semaphore_mem>> -> memref<!tpu.dma_semaphore, #tpu.memory_space<semaphore_mem>>
    tpu.enqueue_indirect_dma source(%dma_start3A_75 : memref<50257x1024xf32, #tpu.memory_space<hbm>>) target(%dma_start3A_72 : memref<16x1024xf32, #tpu.memory_space<vmem>>) offsets(%get3A_68 : vector<16xi32>) semaphore(%dma_start3A_77 : memref<!tpu.dma_semaphore, #tpu.memory_space<semaphore_mem>>)
    %dma_wait3A = arith.constant 0 : i32
    %dma_wait3A_78 = arith.constant 0 : i32
    %dma_wait3A_79 = arith.constant 0 : i32
    %dma_wait3A_80 = tpu.memref_slice %arg7[%dma_wait3A, %dma_wait3A_78, %dma_wait3A_79] : memref<4x16x1024xf32, #tpu.memory_space<vmem>> -> memref<1x16x1024xf32, #tpu.memory_space<vmem>>
    %dma_wait3A_81 = tpu.memref_squeeze %dma_wait3A_80 : memref<1x16x1024xf32, #tpu.memory_space<vmem>> -> memref<16x1024xf32, #tpu.memory_space<vmem>>
    %dma_wait3A_82 = arith.constant 0 : i32
    %dma_wait3A_83 = tpu.memref_slice %arg4[%add3A_4, %dma_wait3A_82] : memref<2048x1024xf32, #tpu.memory_space<hbm>> -> memref<16x1024xf32, #tpu.memory_space<hbm>>
    %dma_wait3A_84 = arith.constant 0 : i32
    %dma_wait3A_85 = arith.constant 0 : i32
    %dma_wait3A_86 = tpu.memref_slice %arg7[%dma_wait3A, %dma_wait3A_84, %dma_wait3A_85] : memref<4x16x1024xf32, #tpu.memory_space<vmem>> -> memref<1x16x1024xf32, #tpu.memory_space<vmem>>
    %dma_wait3A_87 = tpu.memref_squeeze %dma_wait3A_86 : memref<1x16x1024xf32, #tpu.memory_space<vmem>> -> memref<16x1024xf32, #tpu.memory_space<vmem>>
    %dma_wait3A_88 = arith.constant 0 : i32
    %dma_wait3A_89 = tpu.memref_slice %arg4[%add3A_4, %dma_wait3A_88] : memref<2048x1024xf32, #tpu.memory_space<hbm>> -> memref<16x1024xf32, #tpu.memory_space<hbm>>
    tpu.wait_dma2 semaphore(%arg10 : memref<!tpu.dma_semaphore, #tpu.memory_space<semaphore_mem>>) src(%dma_wait3A_89 : memref<16x1024xf32, #tpu.memory_space<hbm>>) dst(%dma_wait3A_87 : memref<16x1024xf32, #tpu.memory_space<vmem>>)
    %dma_wait3A_90 = arith.constant 1 : i32
    %dma_wait3A_91 = arith.constant 0 : i32
    %dma_wait3A_92 = arith.constant 0 : i32
    %dma_wait3A_93 = tpu.memref_slice %arg7[%dma_wait3A_90, %dma_wait3A_91, %dma_wait3A_92] : memref<4x16x1024xf32, #tpu.memory_space<vmem>> -> memref<1x16x1024xf32, #tpu.memory_space<vmem>>
    %dma_wait3A_94 = tpu.memref_squeeze %dma_wait3A_93 : memref<1x16x1024xf32, #tpu.memory_space<vmem>> -> memref<16x1024xf32, #tpu.memory_space<vmem>>
    %dma_wait3A_95 = arith.constant 0 : i32
    %dma_wait3A_96 = tpu.memref_slice %arg4[%add3A_18, %dma_wait3A_95] : memref<2048x1024xf32, #tpu.memory_space<hbm>> -> memref<16x1024xf32, #tpu.memory_space<hbm>>
    %dma_wait3A_97 = arith.constant 0 : i32
    %dma_wait3A_98 = arith.constant 0 : i32
    %dma_wait3A_99 = tpu.memref_slice %arg7[%dma_wait3A_90, %dma_wait3A_97, %dma_wait3A_98] : memref<4x16x1024xf32, #tpu.memory_space<vmem>> -> memref<1x16x1024xf32, #tpu.memory_space<vmem>>
    %dma_wait3A_100 = tpu.memref_squeeze %dma_wait3A_99 : memref<1x16x1024xf32, #tpu.memory_space<vmem>> -> memref<16x1024xf32, #tpu.memory_space<vmem>>
    %dma_wait3A_101 = arith.constant 0 : i32
    %dma_wait3A_102 = tpu.memref_slice %arg4[%add3A_18, %dma_wait3A_101] : memref<2048x1024xf32, #tpu.memory_space<hbm>> -> memref<16x1024xf32, #tpu.memory_space<hbm>>
    tpu.wait_dma2 semaphore(%arg10 : memref<!tpu.dma_semaphore, #tpu.memory_space<semaphore_mem>>) src(%dma_wait3A_102 : memref<16x1024xf32, #tpu.memory_space<hbm>>) dst(%dma_wait3A_100 : memref<16x1024xf32, #tpu.memory_space<vmem>>)
    %dma_wait3A_103 = arith.constant 2 : i32
    %dma_wait3A_104 = arith.constant 0 : i32
    %dma_wait3A_105 = arith.constant 0 : i32
    %dma_wait3A_106 = tpu.memref_slice %arg7[%dma_wait3A_103, %dma_wait3A_104, %dma_wait3A_105] : memref<4x16x1024xf32, #tpu.memory_space<vmem>> -> memref<1x16x1024xf32, #tpu.memory_space<vmem>>
    %dma_wait3A_107 = tpu.memref_squeeze %dma_wait3A_106 : memref<1x16x1024xf32, #tpu.memory_space<vmem>> -> memref<16x1024xf32, #tpu.memory_space<vmem>>
    %dma_wait3A_108 = arith.constant 0 : i32
    %dma_wait3A_109 = tpu.memref_slice %arg4[%add3A_33, %dma_wait3A_108] : memref<2048x1024xf32, #tpu.memory_space<hbm>> -> memref<16x1024xf32, #tpu.memory_space<hbm>>
    %dma_wait3A_110 = arith.constant 0 : i32
    %dma_wait3A_111 = arith.constant 0 : i32
    %dma_wait3A_112 = tpu.memref_slice %arg7[%dma_wait3A_103, %dma_wait3A_110, %dma_wait3A_111] : memref<4x16x1024xf32, #tpu.memory_space<vmem>> -> memref<1x16x1024xf32, #tpu.memory_space<vmem>>
    %dma_wait3A_113 = tpu.memref_squeeze %dma_wait3A_112 : memref<1x16x1024xf32, #tpu.memory_space<vmem>> -> memref<16x1024xf32, #tpu.memory_space<vmem>>
    %dma_wait3A_114 = arith.constant 0 : i32
    %dma_wait3A_115 = tpu.memref_slice %arg4[%add3A_33, %dma_wait3A_114] : memref<2048x1024xf32, #tpu.memory_space<hbm>> -> memref<16x1024xf32, #tpu.memory_space<hbm>>
    tpu.wait_dma2 semaphore(%arg10 : memref<!tpu.dma_semaphore, #tpu.memory_space<semaphore_mem>>) src(%dma_wait3A_115 : memref<16x1024xf32, #tpu.memory_space<hbm>>) dst(%dma_wait3A_113 : memref<16x1024xf32, #tpu.memory_space<vmem>>)
    %dma_wait3A_116 = arith.constant 3 : i32
    %dma_wait3A_117 = arith.constant 0 : i32
    %dma_wait3A_118 = arith.constant 0 : i32
    %dma_wait3A_119 = tpu.memref_slice %arg7[%dma_wait3A_116, %dma_wait3A_117, %dma_wait3A_118] : memref<4x16x1024xf32, #tpu.memory_space<vmem>> -> memref<1x16x1024xf32, #tpu.memory_space<vmem>>
    %dma_wait3A_120 = tpu.memref_squeeze %dma_wait3A_119 : memref<1x16x1024xf32, #tpu.memory_space<vmem>> -> memref<16x1024xf32, #tpu.memory_space<vmem>>
    %dma_wait3A_121 = arith.constant 0 : i32
    %dma_wait3A_122 = tpu.memref_slice %arg4[%add3A_48, %dma_wait3A_121] : memref<2048x1024xf32, #tpu.memory_space<hbm>> -> memref<16x1024xf32, #tpu.memory_space<hbm>>
    %dma_wait3A_123 = arith.constant 0 : i32
    %dma_wait3A_124 = arith.constant 0 : i32
    %dma_wait3A_125 = tpu.memref_slice %arg7[%dma_wait3A_116, %dma_wait3A_123, %dma_wait3A_124] : memref<4x16x1024xf32, #tpu.memory_space<vmem>> -> memref<1x16x1024xf32, #tpu.memory_space<vmem>>
    %dma_wait3A_126 = tpu.memref_squeeze %dma_wait3A_125 : memref<1x16x1024xf32, #tpu.memory_space<vmem>> -> memref<16x1024xf32, #tpu.memory_space<vmem>>
    %dma_wait3A_127 = arith.constant 0 : i32
    %dma_wait3A_128 = tpu.memref_slice %arg4[%add3A_48, %dma_wait3A_127] : memref<2048x1024xf32, #tpu.memory_space<hbm>> -> memref<16x1024xf32, #tpu.memory_space<hbm>>
    tpu.wait_dma2 semaphore(%arg10 : memref<!tpu.dma_semaphore, #tpu.memory_space<semaphore_mem>>) src(%dma_wait3A_128 : memref<16x1024xf32, #tpu.memory_space<hbm>>) dst(%dma_wait3A_126 : memref<16x1024xf32, #tpu.memory_space<vmem>>)
    %scan3A = arith.constant 1 : i32
    %scan3A_129 = arith.constant 15 : i32
    %scan3A_130 = arith.addi %scan3A, %scan3A_129 : i32
    %scan3A_131 = arith.constant 1 : i32
    scf.for %scan3A_243 = %scan3A to %scan3A_130 step %scan3A_131  : i32 {
      %ge3A = arith.constant 3 : i32
      %ge3A_244 = arith.cmpi sge, %scan3A_243, %ge3A : i32
      %convert_element_type3A = arith.extui %ge3A_244 : i1 to i32
      %cond3A = arith.constant 0 : i32
      %cond3A_245 = arith.cmpi ne, %convert_element_type3A, %cond3A : i32
      scf.if %cond3A_245 {
        %sub3A_323 = arith.constant 3 : i32
        %sub3A_324 = arith.subi %scan3A_243, %sub3A_323 : i32
        %rem3A_325 = arith.constant 3 : i32
        %rem3A_326 = arith.remsi %sub3A_324, %rem3A_325 : i32
        %dma_wait3A_327 = arith.constant 0 : i32
        %dma_wait3A_328 = arith.constant 0 : i32
        %dma_wait3A_329 = arith.constant 0 : i32
        %dma_wait3A_330 = tpu.memref_slice %arg8[%rem3A_326, %dma_wait3A_328, %dma_wait3A_329] : memref<3x16x1024xf32, #tpu.memory_space<vmem>> -> memref<1x16x1024xf32, #tpu.memory_space<vmem>>
        %dma_wait3A_331 = tpu.memref_squeeze %dma_wait3A_330 : memref<1x16x1024xf32, #tpu.memory_space<vmem>> -> memref<16x1024xf32, #tpu.memory_space<vmem>>
        %dma_wait3A_332 = arith.constant 0 : i32
        %dma_wait3A_333 = arith.constant 0 : i32
        %dma_wait3A_334 = tpu.memref_slice %arg5[%dma_wait3A_327, %dma_wait3A_332, %dma_wait3A_333] : memref<4x2048x1024xf32, #tpu.memory_space<hbm>> -> memref<1x16x1024xf32, #tpu.memory_space<hbm>>
        %dma_wait3A_335 = tpu.memref_squeeze %dma_wait3A_334 : memref<1x16x1024xf32, #tpu.memory_space<hbm>> -> memref<16x1024xf32, #tpu.memory_space<hbm>>
        %dma_wait3A_336 = tpu.memref_slice %arg11[%rem3A_326] : memref<3x!tpu.dma_semaphore, #tpu.memory_space<semaphore_mem>> -> memref<1x!tpu.dma_semaphore, #tpu.memory_space<semaphore_mem>>
        %dma_wait3A_337 = tpu.memref_squeeze %dma_wait3A_336 : memref<1x!tpu.dma_semaphore, #tpu.memory_space<semaphore_mem>> -> memref<!tpu.dma_semaphore, #tpu.memory_space<semaphore_mem>>
        %dma_wait3A_338 = arith.constant 0 : i32
        %dma_wait3A_339 = arith.constant 0 : i32
        %dma_wait3A_340 = tpu.memref_slice %arg5[%dma_wait3A_327, %dma_wait3A_338, %dma_wait3A_339] : memref<4x2048x1024xf32, #tpu.memory_space<hbm>> -> memref<1x16x1024xf32, #tpu.memory_space<hbm>>
        %dma_wait3A_341 = tpu.memref_squeeze %dma_wait3A_340 : memref<1x16x1024xf32, #tpu.memory_space<hbm>> -> memref<16x1024xf32, #tpu.memory_space<hbm>>
        %dma_wait3A_342 = arith.constant 0 : i32
        %dma_wait3A_343 = arith.constant 0 : i32
        %dma_wait3A_344 = tpu.memref_slice %arg8[%rem3A_326, %dma_wait3A_342, %dma_wait3A_343] : memref<3x16x1024xf32, #tpu.memory_space<vmem>> -> memref<1x16x1024xf32, #tpu.memory_space<vmem>>
        %dma_wait3A_345 = tpu.memref_squeeze %dma_wait3A_344 : memref<1x16x1024xf32, #tpu.memory_space<vmem>> -> memref<16x1024xf32, #tpu.memory_space<vmem>>
        tpu.wait_dma2 semaphore(%dma_wait3A_337 : memref<!tpu.dma_semaphore, #tpu.memory_space<semaphore_mem>>) src(%dma_wait3A_345 : memref<16x1024xf32, #tpu.memory_space<vmem>>) dst(%dma_wait3A_341 : memref<16x1024xf32, #tpu.memory_space<hbm>>)
      } else {
      }
      %rem3A_246 = arith.constant 3 : i32
      %rem3A_247 = arith.remsi %scan3A_243, %rem3A_246 : i32
      %mul3A_248 = arith.constant 16 : i32
      %mul3A_249 = arith.muli %scan3A_243, %mul3A_248 : i32
      %get3A_250 = arith.index_cast %mul3A_249 : i32 to index
      %get3A_251 = tpu.vector_load %arg6[%get3A_250] {strides = array<i32>} : memref<256xi32, #tpu.memory_space<vmem>>, vector<16xi32>,
      %get3A_252 = vector.shape_cast %get3A_251 : vector<16xi32> to vector<16xi32>
      %dma_start3A_253 = arith.constant 0 : i32
      %dma_start3A_254 = arith.constant 0 : i32
      %dma_start3A_255 = tpu.memref_slice %arg8[%rem3A_247, %dma_start3A_253, %dma_start3A_254] : memref<3x16x1024xf32, #tpu.memory_space<vmem>> -> memref<1x16x1024xf32, #tpu.memory_space<vmem>>
      %dma_start3A_256 = tpu.memref_squeeze %dma_start3A_255 : memref<1x16x1024xf32, #tpu.memory_space<vmem>> -> memref<16x1024xf32, #tpu.memory_space<vmem>>
      %dma_start3A_257 = arith.constant 0 : i32
      %dma_start3A_258 = arith.constant 0 : i32
      %dma_start3A_259 = tpu.memref_slice %arg3[%dma_start3A_257, %dma_start3A_258] : memref<50257x1024xf32, #tpu.memory_space<hbm>> -> memref<50257x1024xf32, #tpu.memory_space<hbm>>
      %dma_start3A_260 = tpu.memref_slice %arg9[%rem3A_247] : memref<3x!tpu.dma_semaphore, #tpu.memory_space<semaphore_mem>> -> memref<1x!tpu.dma_semaphore, #tpu.memory_space<semaphore_mem>>
      %dma_start3A_261 = tpu.memref_squeeze %dma_start3A_260 : memref<1x!tpu.dma_semaphore, #tpu.memory_space<semaphore_mem>> -> memref<!tpu.dma_semaphore, #tpu.memory_space<semaphore_mem>>
      tpu.enqueue_indirect_dma source(%dma_start3A_259 : memref<50257x1024xf32, #tpu.memory_space<hbm>>) target(%dma_start3A_256 : memref<16x1024xf32, #tpu.memory_space<vmem>>) offsets(%get3A_252 : vector<16xi32>) semaphore(%dma_start3A_261 : memref<!tpu.dma_semaphore, #tpu.memory_space<semaphore_mem>>)
      %sub3A = arith.constant 1 : i32
      %sub3A_262 = arith.subi %scan3A_243, %sub3A : i32
      %rem3A_263 = arith.constant 3 : i32
      %rem3A_264 = arith.remsi %sub3A_262, %rem3A_263 : i32
      %rem3A_265 = arith.constant 4 : i32
      %rem3A_266 = arith.remsi %sub3A_262, %rem3A_265 : i32
      %dma_wait3A_267 = arith.constant 0 : i32
      %dma_wait3A_268 = arith.constant 0 : i32
      %dma_wait3A_269 = tpu.memref_slice %arg8[%rem3A_264, %dma_wait3A_267, %dma_wait3A_268] : memref<3x16x1024xf32, #tpu.memory_space<vmem>> -> memref<1x16x1024xf32, #tpu.memory_space<vmem>>
      %dma_wait3A_270 = tpu.memref_squeeze %dma_wait3A_269 : memref<1x16x1024xf32, #tpu.memory_space<vmem>> -> memref<16x1024xf32, #tpu.memory_space<vmem>>
      %dma_wait3A_271 = arith.constant 0 : i32
      %dma_wait3A_272 = arith.constant 0 : i32
      %dma_wait3A_273 = tpu.memref_slice %arg3[%dma_wait3A_271, %dma_wait3A_272] : memref<50257x1024xf32, #tpu.memory_space<hbm>> -> memref<16x1024xf32, #tpu.memory_space<hbm>>
      %dma_wait3A_274 = tpu.memref_slice %arg9[%rem3A_264] : memref<3x!tpu.dma_semaphore, #tpu.memory_space<semaphore_mem>> -> memref<1x!tpu.dma_semaphore, #tpu.memory_space<semaphore_mem>>
      %dma_wait3A_275 = tpu.memref_squeeze %dma_wait3A_274 : memref<1x!tpu.dma_semaphore, #tpu.memory_space<semaphore_mem>> -> memref<!tpu.dma_semaphore, #tpu.memory_space<semaphore_mem>>
      %dma_wait3A_276 = arith.constant 0 : i32
      %dma_wait3A_277 = arith.constant 0 : i32
      %dma_wait3A_278 = tpu.memref_slice %arg8[%rem3A_264, %dma_wait3A_276, %dma_wait3A_277] : memref<3x16x1024xf32, #tpu.memory_space<vmem>> -> memref<1x16x1024xf32, #tpu.memory_space<vmem>>
      %dma_wait3A_279 = tpu.memref_squeeze %dma_wait3A_278 : memref<1x16x1024xf32, #tpu.memory_space<vmem>> -> memref<16x1024xf32, #tpu.memory_space<vmem>>
      %dma_wait3A_280 = arith.constant 0 : i32
      %dma_wait3A_281 = arith.constant 0 : i32
      %dma_wait3A_282 = tpu.memref_slice %arg3[%dma_wait3A_280, %dma_wait3A_281] : memref<50257x1024xf32, #tpu.memory_space<hbm>> -> memref<16x1024xf32, #tpu.memory_space<hbm>>
      tpu.wait_dma2 semaphore(%dma_wait3A_275 : memref<!tpu.dma_semaphore, #tpu.memory_space<semaphore_mem>>) src(%dma_wait3A_282 : memref<16x1024xf32, #tpu.memory_space<hbm>>) dst(%dma_wait3A_279 : memref<16x1024xf32, #tpu.memory_space<vmem>>)
      %parallel_loop3A_283 = arith.constant 0 : i32
      %parallel_loop3A_284 = arith.constant 16 : i32
      %parallel_loop3A_285 = arith.constant 1 : i32
      scf.for %parallel_loop3A_323 = %parallel_loop3A_283 to %parallel_loop3A_284 step %parallel_loop3A_285  : i32 {
        %parallel_loop3A_324 = arith.index_cast %rem3A_266 : i32 to index
        %parallel_loop3A_325 = arith.index_cast %parallel_loop3A_323 : i32 to index
        %parallel_loop3A_326 = arith.constant 0 : index
        %parallel_loop3A_327 = tpu.vector_load %arg7[%parallel_loop3A_324, %parallel_loop3A_325, %parallel_loop3A_326] {strides = array<i32>} : memref<4x16x1024xf32, #tpu.memory_space<vmem>>, vector<1x1x16xf32>,
        %parallel_loop3A_328 = vector.shape_cast %parallel_loop3A_327 : vector<1x1x16xf32> to vector<16xf32>
        %parallel_loop3A_329 = arith.index_cast %rem3A_264 : i32 to index
        %parallel_loop3A_330 = arith.index_cast %parallel_loop3A_323 : i32 to index
        %parallel_loop3A_331 = arith.constant 0 : index
        %parallel_loop3A_332 = tpu.vector_load %arg8[%parallel_loop3A_329, %parallel_loop3A_330, %parallel_loop3A_331] {strides = array<i32>} : memref<3x16x1024xf32, #tpu.memory_space<vmem>>, vector<1x1x16xf32>,
        %parallel_loop3A_333 = vector.shape_cast %parallel_loop3A_332 : vector<1x1x16xf32> to vector<16xf32>
        %parallel_loop3A_334 = vector.shape_cast %parallel_loop3A_328 : vector<16xf32> to vector<1x1x16xf32>
        tpu.vector_store %arg8[%parallel_loop3A_329, %parallel_loop3A_330, %parallel_loop3A_331], %parallel_loop3A_334 {add = true, strides = array<i32>} : memref<3x16x1024xf32, #tpu.memory_space<vmem>>, vector<1x1x16xf32>,
        %parallel_loop3A_335 = arith.index_cast %rem3A_266 : i32 to index
        %parallel_loop3A_336 = arith.index_cast %parallel_loop3A_323 : i32 to index
        %parallel_loop3A_337 = arith.constant 16 : index
        %parallel_loop3A_338 = tpu.vector_load %arg7[%parallel_loop3A_335, %parallel_loop3A_336, %parallel_loop3A_337] {strides = array<i32>} : memref<4x16x1024xf32, #tpu.memory_space<vmem>>, vector<1x1x16xf32>,
        %parallel_loop3A_339 = vector.shape_cast %parallel_loop3A_338 : vector<1x1x16xf32> to vector<16xf32>
        %parallel_loop3A_340 = arith.index_cast %rem3A_264 : i32 to index
        %parallel_loop3A_341 = arith.index_cast %parallel_loop3A_323 : i32 to index
        %parallel_loop3A_342 = arith.constant 16 : index
        %parallel_loop3A_343 = tpu.vector_load %arg8[%parallel_loop3A_340, %parallel_loop3A_341, %parallel_loop3A_342] {strides = array<i32>} : memref<3x16x1024xf32, #tpu.memory_space<vmem>>, vector<1x1x16xf32>,
        %parallel_loop3A_344 = vector.shape_cast %parallel_loop3A_343 : vector<1x1x16xf32> to vector<16xf32>
        %parallel_loop3A_345 = vector.shape_cast %parallel_loop3A_339 : vector<16xf32> to vector<1x1x16xf32>
        tpu.vector_store %arg8[%parallel_loop3A_340, %parallel_loop3A_341, %parallel_loop3A_342], %parallel_loop3A_345 {add = true, strides = array<i32>} : memref<3x16x1024xf32, #tpu.memory_space<vmem>>, vector<1x1x16xf32>,
        %parallel_loop3A_346 = arith.index_cast %rem3A_266 : i32 to index
        %parallel_loop3A_347 = arith.index_cast %parallel_loop3A_323 : i32 to index
        %parallel_loop3A_348 = arith.constant 32 : index
        %parallel_loop3A_349 = tpu.vector_load %arg7[%parallel_loop3A_346, %parallel_loop3A_347, %parallel_loop3A_348] {strides = array<i32>} : memref<4x16x1024xf32, #tpu.memory_space<vmem>>, vector<1x1x16xf32>,
        %parallel_loop3A_350 = vector.shape_cast %parallel_loop3A_349 : vector<1x1x16xf32> to vector<16xf32>
        %parallel_loop3A_351 = arith.index_cast %rem3A_264 : i32 to index
        %parallel_loop3A_352 = arith.index_cast %parallel_loop3A_323 : i32 to index
        %parallel_loop3A_353 = arith.constant 32 : index
        %parallel_loop3A_354 = tpu.vector_load %arg8[%parallel_loop3A_351, %parallel_loop3A_352, %parallel_loop3A_353] {strides = array<i32>} : memref<3x16x1024xf32, #tpu.memory_space<vmem>>, vector<1x1x16xf32>,
        %parallel_loop3A_355 = vector.shape_cast %parallel_loop3A_354 : vector<1x1x16xf32> to vector<16xf32>
        %parallel_loop3A_356 = vector.shape_cast %parallel_loop3A_350 : vector<16xf32> to vector<1x1x16xf32>
        tpu.vector_store %arg8[%parallel_loop3A_351, %parallel_loop3A_352, %parallel_loop3A_353], %parallel_loop3A_356 {add = true, strides = array<i32>} : memref<3x16x1024xf32, #tpu.memory_space<vmem>>, vector<1x1x16xf32>,
        %parallel_loop3A_357 = arith.index_cast %rem3A_266 : i32 to index
        %parallel_loop3A_358 = arith.index_cast %parallel_loop3A_323 : i32 to index
        %parallel_loop3A_359 = arith.constant 48 : index
        %parallel_loop3A_360 = tpu.vector_load %arg7[%parallel_loop3A_357, %parallel_loop3A_358, %parallel_loop3A_359] {strides = array<i32>} : memref<4x16x1024xf32, #tpu.memory_space<vmem>>, vector<1x1x16xf32>,
        %parallel_loop3A_361 = vector.shape_cast %parallel_loop3A_360 : vector<1x1x16xf32> to vector<16xf32>
        %parallel_loop3A_362 = arith.index_cast %rem3A_264 : i32 to index
        %parallel_loop3A_363 = arith.index_cast %parallel_loop3A_323 : i32 to index
        %parallel_loop3A_364 = arith.constant 48 : index
        %parallel_loop3A_365 = tpu.vector_load %arg8[%parallel_loop3A_362, %parallel_loop3A_363, %parallel_loop3A_364] {strides = array<i32>} : memref<3x16x1024xf32, #tpu.memory_space<vmem>>, vector<1x1x16xf32>,
        %parallel_loop3A_366 = vector.shape_cast %parallel_loop3A_365 : vector<1x1x16xf32> to vector<16xf32>
        %parallel_loop3A_367 = vector.shape_cast %parallel_loop3A_361 : vector<16xf32> to vector<1x1x16xf32>
        tpu.vector_store %arg8[%parallel_loop3A_362, %parallel_loop3A_363, %parallel_loop3A_364], %parallel_loop3A_367 {add = true, strides = array<i32>} : memref<3x16x1024xf32, #tpu.memory_space<vmem>>, vector<1x1x16xf32>,
        %parallel_loop3A_368 = arith.index_cast %rem3A_266 : i32 to index
        %parallel_loop3A_369 = arith.index_cast %parallel_loop3A_323 : i32 to index
        %parallel_loop3A_370 = arith.constant 64 : index
        %parallel_loop3A_371 = tpu.vector_load %arg7[%parallel_loop3A_368, %parallel_loop3A_369, %parallel_loop3A_370] {strides = array<i32>} : memref<4x16x1024xf32, #tpu.memory_space<vmem>>, vector<1x1x16xf32>,
        %parallel_loop3A_372 = vector.shape_cast %parallel_loop3A_371 : vector<1x1x16xf32> to vector<16xf32>
        %parallel_loop3A_373 = arith.index_cast %rem3A_264 : i32 to index
        %parallel_loop3A_374 = arith.index_cast %parallel_loop3A_323 : i32 to index
        %parallel_loop3A_375 = arith.constant 64 : index
        %parallel_loop3A_376 = tpu.vector_load %arg8[%parallel_loop3A_373, %parallel_loop3A_374, %parallel_loop3A_375] {strides = array<i32>} : memref<3x16x1024xf32, #tpu.memory_space<vmem>>, vector<1x1x16xf32>,
        %parallel_loop3A_377 = vector.shape_cast %parallel_loop3A_376 : vector<1x1x16xf32> to vector<16xf32>
        %parallel_loop3A_378 = vector.shape_cast %parallel_loop3A_372 : vector<16xf32> to vector<1x1x16xf32>
        tpu.vector_store %arg8[%parallel_loop3A_373, %parallel_loop3A_374, %parallel_loop3A_375], %parallel_loop3A_378 {add = true, strides = array<i32>} : memref<3x16x1024xf32, #tpu.memory_space<vmem>>, vector<1x1x16xf32>,
        %parallel_loop3A_379 = arith.index_cast %rem3A_266 : i32 to index
        %parallel_loop3A_380 = arith.index_cast %parallel_loop3A_323 : i32 to index
        %parallel_loop3A_381 = arith.constant 80 : index
        %parallel_loop3A_382 = tpu.vector_load %arg7[%parallel_loop3A_379, %parallel_loop3A_380, %parallel_loop3A_381] {strides = array<i32>} : memref<4x16x1024xf32, #tpu.memory_space<vmem>>, vector<1x1x16xf32>,
        %parallel_loop3A_383 = vector.shape_cast %parallel_loop3A_382 : vector<1x1x16xf32> to vector<16xf32>
        %parallel_loop3A_384 = arith.index_cast %rem3A_264 : i32 to index
        %parallel_loop3A_385 = arith.index_cast %parallel_loop3A_323 : i32 to index
        %parallel_loop3A_386 = arith.constant 80 : index
        %parallel_loop3A_387 = tpu.vector_load %arg8[%parallel_loop3A_384, %parallel_loop3A_385, %parallel_loop3A_386] {strides = array<i32>} : memref<3x16x1024xf32, #tpu.memory_space<vmem>>, vector<1x1x16xf32>,
        %parallel_loop3A_388 = vector.shape_cast %parallel_loop3A_387 : vector<1x1x16xf32> to vector<16xf32>
        %parallel_loop3A_389 = vector.shape_cast %parallel_loop3A_383 : vector<16xf32> to vector<1x1x16xf32>
        tpu.vector_store %arg8[%parallel_loop3A_384, %parallel_loop3A_385, %parallel_loop3A_386], %parallel_loop3A_389 {add = true, strides = array<i32>} : memref<3x16x1024xf32, #tpu.memory_space<vmem>>, vector<1x1x16xf32>,
        %parallel_loop3A_390 = arith.index_cast %rem3A_266 : i32 to index
        %parallel_loop3A_391 = arith.index_cast %parallel_loop3A_323 : i32 to index
        %parallel_loop3A_392 = arith.constant 96 : index
        %parallel_loop3A_393 = tpu.vector_load %arg7[%parallel_loop3A_390, %parallel_loop3A_391, %parallel_loop3A_392] {strides = array<i32>} : memref<4x16x1024xf32, #tpu.memory_space<vmem>>, vector<1x1x16xf32>,
        %parallel_loop3A_394 = vector.shape_cast %parallel_loop3A_393 : vector<1x1x16xf32> to vector<16xf32>
        %parallel_loop3A_395 = arith.index_cast %rem3A_264 : i32 to index
        %parallel_loop3A_396 = arith.index_cast %parallel_loop3A_323 : i32 to index
        %parallel_loop3A_397 = arith.constant 96 : index
        %parallel_loop3A_398 = tpu.vector_load %arg8[%parallel_loop3A_395, %parallel_loop3A_396, %parallel_loop3A_397] {strides = array<i32>} : memref<3x16x1024xf32, #tpu.memory_space<vmem>>, vector<1x1x16xf32>,
        %parallel_loop3A_399 = vector.shape_cast %parallel_loop3A_398 : vector<1x1x16xf32> to vector<16xf32>
        %parallel_loop3A_400 = vector.shape_cast %parallel_loop3A_394 : vector<16xf32> to vector<1x1x16xf32>
        tpu.vector_store %arg8[%parallel_loop3A_395, %parallel_loop3A_396, %parallel_loop3A_397], %parallel_loop3A_400 {add = true, strides = array<i32>} : memref<3x16x1024xf32, #tpu.memory_space<vmem>>, vector<1x1x16xf32>,
        %parallel_loop3A_401 = arith.index_cast %rem3A_266 : i32 to index
        %parallel_loop3A_402 = arith.index_cast %parallel_loop3A_323 : i32 to index
        %parallel_loop3A_403 = arith.constant 112 : index
        %parallel_loop3A_404 = tpu.vector_load %arg7[%parallel_loop3A_401, %parallel_loop3A_402, %parallel_loop3A_403] {strides = array<i32>} : memref<4x16x1024xf32, #tpu.memory_space<vmem>>, vector<1x1x16xf32>,
        %parallel_loop3A_405 = vector.shape_cast %parallel_loop3A_404 : vector<1x1x16xf32> to vector<16xf32>
        %parallel_loop3A_406 = arith.index_cast %rem3A_264 : i32 to index
        %parallel_loop3A_407 = arith.index_cast %parallel_loop3A_323 : i32 to index
        %parallel_loop3A_408 = arith.constant 112 : index
        %parallel_loop3A_409 = tpu.vector_load %arg8[%parallel_loop3A_406, %parallel_loop3A_407, %parallel_loop3A_408] {strides = array<i32>} : memref<3x16x1024xf32, #tpu.memory_space<vmem>>, vector<1x1x16xf32>,
        %parallel_loop3A_410 = vector.shape_cast %parallel_loop3A_409 : vector<1x1x16xf32> to vector<16xf32>
        %parallel_loop3A_411 = vector.shape_cast %parallel_loop3A_405 : vector<16xf32> to vector<1x1x16xf32>
        tpu.vector_store %arg8[%parallel_loop3A_406, %parallel_loop3A_407, %parallel_loop3A_408], %parallel_loop3A_411 {add = true, strides = array<i32>} : memref<3x16x1024xf32, #tpu.memory_space<vmem>>, vector<1x1x16xf32>,
        %parallel_loop3A_412 = arith.index_cast %rem3A_266 : i32 to index
        %parallel_loop3A_413 = arith.index_cast %parallel_loop3A_323 : i32 to index
        %parallel_loop3A_414 = arith.constant 128 : index
        %parallel_loop3A_415 = tpu.vector_load %arg7[%parallel_loop3A_412, %parallel_loop3A_413, %parallel_loop3A_414] {strides = array<i32>} : memref<4x16x1024xf32, #tpu.memory_space<vmem>>, vector<1x1x16xf32>,
        %parallel_loop3A_416 = vector.shape_cast %parallel_loop3A_415 : vector<1x1x16xf32> to vector<16xf32>
        %parallel_loop3A_417 = arith.index_cast %rem3A_264 : i32 to index
        %parallel_loop3A_418 = arith.index_cast %parallel_loop3A_323 : i32 to index
        %parallel_loop3A_419 = arith.constant 128 : index
        %parallel_loop3A_420 = tpu.vector_load %arg8[%parallel_loop3A_417, %parallel_loop3A_418, %parallel_loop3A_419] {strides = array<i32>} : memref<3x16x1024xf32, #tpu.memory_space<vmem>>, vector<1x1x16xf32>,
        %parallel_loop3A_421 = vector.shape_cast %parallel_loop3A_420 : vector<1x1x16xf32> to vector<16xf32>
        %parallel_loop3A_422 = vector.shape_cast %parallel_loop3A_416 : vector<16xf32> to vector<1x1x16xf32>
        tpu.vector_store %arg8[%parallel_loop3A_417, %parallel_loop3A_418, %parallel_loop3A_419], %parallel_loop3A_422 {add = true, strides = array<i32>} : memref<3x16x1024xf32, #tpu.memory_space<vmem>>, vector<1x1x16xf32>,
        %parallel_loop3A_423 = arith.index_cast %rem3A_266 : i32 to index
        %parallel_loop3A_424 = arith.index_cast %parallel_loop3A_323 : i32 to index
        %parallel_loop3A_425 = arith.constant 144 : index
        %parallel_loop3A_426 = tpu.vector_load %arg7[%parallel_loop3A_423, %parallel_loop3A_424, %parallel_loop3A_425] {strides = array<i32>} : memref<4x16x1024xf32, #tpu.memory_space<vmem>>, vector<1x1x16xf32>,
        %parallel_loop3A_427 = vector.shape_cast %parallel_loop3A_426 : vector<1x1x16xf32> to vector<16xf32>
        %parallel_loop3A_428 = arith.index_cast %rem3A_264 : i32 to index
        %parallel_loop3A_429 = arith.index_cast %parallel_loop3A_323 : i32 to index
        %parallel_loop3A_430 = arith.constant 144 : index
        %parallel_loop3A_431 = tpu.vector_load %arg8[%parallel_loop3A_428, %parallel_loop3A_429, %parallel_loop3A_430] {strides = array<i32>} : memref<3x16x1024xf32, #tpu.memory_space<vmem>>, vector<1x1x16xf32>,
        %parallel_loop3A_432 = vector.shape_cast %parallel_loop3A_431 : vector<1x1x16xf32> to vector<16xf32>
        %parallel_loop3A_433 = vector.shape_cast %parallel_loop3A_427 : vector<16xf32> to vector<1x1x16xf32>
        tpu.vector_store %arg8[%parallel_loop3A_428, %parallel_loop3A_429, %parallel_loop3A_430], %parallel_loop3A_433 {add = true, strides = array<i32>} : memref<3x16x1024xf32, #tpu.memory_space<vmem>>, vector<1x1x16xf32>,
        %parallel_loop3A_434 = arith.index_cast %rem3A_266 : i32 to index
        %parallel_loop3A_435 = arith.index_cast %parallel_loop3A_323 : i32 to index
        %parallel_loop3A_436 = arith.constant 160 : index
        %parallel_loop3A_437 = tpu.vector_load %arg7[%parallel_loop3A_434, %parallel_loop3A_435, %parallel_loop3A_436] {strides = array<i32>} : memref<4x16x1024xf32, #tpu.memory_space<vmem>>, vector<1x1x16xf32>,
        %parallel_loop3A_438 = vector.shape_cast %parallel_loop3A_437 : vector<1x1x16xf32> to vector<16xf32>
        %parallel_loop3A_439 = arith.index_cast %rem3A_264 : i32 to index
        %parallel_loop3A_440 = arith.index_cast %parallel_loop3A_323 : i32 to index
        %parallel_loop3A_441 = arith.constant 160 : index
        %parallel_loop3A_442 = tpu.vector_load %arg8[%parallel_loop3A_439, %parallel_loop3A_440, %parallel_loop3A_441] {strides = array<i32>} : memref<3x16x1024xf32, #tpu.memory_space<vmem>>, vector<1x1x16xf32>,
        %parallel_loop3A_443 = vector.shape_cast %parallel_loop3A_442 : vector<1x1x16xf32> to vector<16xf32>
        %parallel_loop3A_444 = vector.shape_cast %parallel_loop3A_438 : vector<16xf32> to vector<1x1x16xf32>
        tpu.vector_store %arg8[%parallel_loop3A_439, %parallel_loop3A_440, %parallel_loop3A_441], %parallel_loop3A_444 {add = true, strides = array<i32>} : memref<3x16x1024xf32, #tpu.memory_space<vmem>>, vector<1x1x16xf32>,
        %parallel_loop3A_445 = arith.index_cast %rem3A_266 : i32 to index
        %parallel_loop3A_446 = arith.index_cast %parallel_loop3A_323 : i32 to index
        %parallel_loop3A_447 = arith.constant 176 : index
        %parallel_loop3A_448 = tpu.vector_load %arg7[%parallel_loop3A_445, %parallel_loop3A_446, %parallel_loop3A_447] {strides = array<i32>} : memref<4x16x1024xf32, #tpu.memory_space<vmem>>, vector<1x1x16xf32>,
        %parallel_loop3A_449 = vector.shape_cast %parallel_loop3A_448 : vector<1x1x16xf32> to vector<16xf32>
        %parallel_loop3A_450 = arith.index_cast %rem3A_264 : i32 to index
        %parallel_loop3A_451 = arith.index_cast %parallel_loop3A_323 : i32 to index
        %parallel_loop3A_452 = arith.constant 176 : index
        %parallel_loop3A_453 = tpu.vector_load %arg8[%parallel_loop3A_450, %parallel_loop3A_451, %parallel_loop3A_452] {strides = array<i32>} : memref<3x16x1024xf32, #tpu.memory_space<vmem>>, vector<1x1x16xf32>,
        %parallel_loop3A_454 = vector.shape_cast %parallel_loop3A_453 : vector<1x1x16xf32> to vector<16xf32>
        %parallel_loop3A_455 = vector.shape_cast %parallel_loop3A_449 : vector<16xf32> to vector<1x1x16xf32>
        tpu.vector_store %arg8[%parallel_loop3A_450, %parallel_loop3A_451, %parallel_loop3A_452], %parallel_loop3A_455 {add = true, strides = array<i32>} : memref<3x16x1024xf32, #tpu.memory_space<vmem>>, vector<1x1x16xf32>,
        %parallel_loop3A_456 = arith.index_cast %rem3A_266 : i32 to index
        %parallel_loop3A_457 = arith.index_cast %parallel_loop3A_323 : i32 to index
        %parallel_loop3A_458 = arith.constant 192 : index
        %parallel_loop3A_459 = tpu.vector_load %arg7[%parallel_loop3A_456, %parallel_loop3A_457, %parallel_loop3A_458] {strides = array<i32>} : memref<4x16x1024xf32, #tpu.memory_space<vmem>>, vector<1x1x16xf32>,
        %parallel_loop3A_460 = vector.shape_cast %parallel_loop3A_459 : vector<1x1x16xf32> to vector<16xf32>
        %parallel_loop3A_461 = arith.index_cast %rem3A_264 : i32 to index
        %parallel_loop3A_462 = arith.index_cast %parallel_loop3A_323 : i32 to index
        %parallel_loop3A_463 = arith.constant 192 : index
        %parallel_loop3A_464 = tpu.vector_load %arg8[%parallel_loop3A_461, %parallel_loop3A_462, %parallel_loop3A_463] {strides = array<i32>} : memref<3x16x1024xf32, #tpu.memory_space<vmem>>, vector<1x1x16xf32>,
        %parallel_loop3A_465 = vector.shape_cast %parallel_loop3A_464 : vector<1x1x16xf32> to vector<16xf32>
        %parallel_loop3A_466 = vector.shape_cast %parallel_loop3A_460 : vector<16xf32> to vector<1x1x16xf32>
        tpu.vector_store %arg8[%parallel_loop3A_461, %parallel_loop3A_462, %parallel_loop3A_463], %parallel_loop3A_466 {add = true, strides = array<i32>} : memref<3x16x1024xf32, #tpu.memory_space<vmem>>, vector<1x1x16xf32>,
        %parallel_loop3A_467 = arith.index_cast %rem3A_266 : i32 to index
        %parallel_loop3A_468 = arith.index_cast %parallel_loop3A_323 : i32 to index
        %parallel_loop3A_469 = arith.constant 208 : index
        %parallel_loop3A_470 = tpu.vector_load %arg7[%parallel_loop3A_467, %parallel_loop3A_468, %parallel_loop3A_469] {strides = array<i32>} : memref<4x16x1024xf32, #tpu.memory_space<vmem>>, vector<1x1x16xf32>,
        %parallel_loop3A_471 = vector.shape_cast %parallel_loop3A_470 : vector<1x1x16xf32> to vector<16xf32>
        %parallel_loop3A_472 = arith.index_cast %rem3A_264 : i32 to index
        %parallel_loop3A_473 = arith.index_cast %parallel_loop3A_323 : i32 to index
        %parallel_loop3A_474 = arith.constant 208 : index
        %parallel_loop3A_475 = tpu.vector_load %arg8[%parallel_loop3A_472, %parallel_loop3A_473, %parallel_loop3A_474] {strides = array<i32>} : memref<3x16x1024xf32, #tpu.memory_space<vmem>>, vector<1x1x16xf32>,
        %parallel_loop3A_476 = vector.shape_cast %parallel_loop3A_475 : vector<1x1x16xf32> to vector<16xf32>
        %parallel_loop3A_477 = vector.shape_cast %parallel_loop3A_471 : vector<16xf32> to vector<1x1x16xf32>
        tpu.vector_store %arg8[%parallel_loop3A_472, %parallel_loop3A_473, %parallel_loop3A_474], %parallel_loop3A_477 {add = true, strides = array<i32>} : memref<3x16x1024xf32, #tpu.memory_space<vmem>>, vector<1x1x16xf32>,
        %parallel_loop3A_478 = arith.index_cast %rem3A_266 : i32 to index
        %parallel_loop3A_479 = arith.index_cast %parallel_loop3A_323 : i32 to index
        %parallel_loop3A_480 = arith.constant 224 : index
        %parallel_loop3A_481 = tpu.vector_load %arg7[%parallel_loop3A_478, %parallel_loop3A_479, %parallel_loop3A_480] {strides = array<i32>} : memref<4x16x1024xf32, #tpu.memory_space<vmem>>, vector<1x1x16xf32>,
        %parallel_loop3A_482 = vector.shape_cast %parallel_loop3A_481 : vector<1x1x16xf32> to vector<16xf32>
        %parallel_loop3A_483 = arith.index_cast %rem3A_264 : i32 to index
        %parallel_loop3A_484 = arith.index_cast %parallel_loop3A_323 : i32 to index
        %parallel_loop3A_485 = arith.constant 224 : index
        %parallel_loop3A_486 = tpu.vector_load %arg8[%parallel_loop3A_483, %parallel_loop3A_484, %parallel_loop3A_485] {strides = array<i32>} : memref<3x16x1024xf32, #tpu.memory_space<vmem>>, vector<1x1x16xf32>,
        %parallel_loop3A_487 = vector.shape_cast %parallel_loop3A_486 : vector<1x1x16xf32> to vector<16xf32>
        %parallel_loop3A_488 = vector.shape_cast %parallel_loop3A_482 : vector<16xf32> to vector<1x1x16xf32>
        tpu.vector_store %arg8[%parallel_loop3A_483, %parallel_loop3A_484, %parallel_loop3A_485], %parallel_loop3A_488 {add = true, strides = array<i32>} : memref<3x16x1024xf32, #tpu.memory_space<vmem>>, vector<1x1x16xf32>,
        %parallel_loop3A_489 = arith.index_cast %rem3A_266 : i32 to index
        %parallel_loop3A_490 = arith.index_cast %parallel_loop3A_323 : i32 to index
        %parallel_loop3A_491 = arith.constant 240 : index
        %parallel_loop3A_492 = tpu.vector_load %arg7[%parallel_loop3A_489, %parallel_loop3A_490, %parallel_loop3A_491] {strides = array<i32>} : memref<4x16x1024xf32, #tpu.memory_space<vmem>>, vector<1x1x16xf32>,
        %parallel_loop3A_493 = vector.shape_cast %parallel_loop3A_492 : vector<1x1x16xf32> to vector<16xf32>
        %parallel_loop3A_494 = arith.index_cast %rem3A_264 : i32 to index
        %parallel_loop3A_495 = arith.index_cast %parallel_loop3A_323 : i32 to index
        %parallel_loop3A_496 = arith.constant 240 : index
        %parallel_loop3A_497 = tpu.vector_load %arg8[%parallel_loop3A_494, %parallel_loop3A_495, %parallel_loop3A_496] {strides = array<i32>} : memref<3x16x1024xf32, #tpu.memory_space<vmem>>, vector<1x1x16xf32>,
        %parallel_loop3A_498 = vector.shape_cast %parallel_loop3A_497 : vector<1x1x16xf32> to vector<16xf32>
        %parallel_loop3A_499 = vector.shape_cast %parallel_loop3A_493 : vector<16xf32> to vector<1x1x16xf32>
        tpu.vector_store %arg8[%parallel_loop3A_494, %parallel_loop3A_495, %parallel_loop3A_496], %parallel_loop3A_499 {add = true, strides = array<i32>} : memref<3x16x1024xf32, #tpu.memory_space<vmem>>, vector<1x1x16xf32>,
        %parallel_loop3A_500 = arith.index_cast %rem3A_266 : i32 to index
        %parallel_loop3A_501 = arith.index_cast %parallel_loop3A_323 : i32 to index
        %parallel_loop3A_502 = arith.constant 256 : index
        %parallel_loop3A_503 = tpu.vector_load %arg7[%parallel_loop3A_500, %parallel_loop3A_501, %parallel_loop3A_502] {strides = array<i32>} : memref<4x16x1024xf32, #tpu.memory_space<vmem>>, vector<1x1x16xf32>,
        %parallel_loop3A_504 = vector.shape_cast %parallel_loop3A_503 : vector<1x1x16xf32> to vector<16xf32>
        %parallel_loop3A_505 = arith.index_cast %rem3A_264 : i32 to index
        %parallel_loop3A_506 = arith.index_cast %parallel_loop3A_323 : i32 to index
        %parallel_loop3A_507 = arith.constant 256 : index
        %parallel_loop3A_508 = tpu.vector_load %arg8[%parallel_loop3A_505, %parallel_loop3A_506, %parallel_loop3A_507] {strides = array<i32>} : memref<3x16x1024xf32, #tpu.memory_space<vmem>>, vector<1x1x16xf32>,
        %parallel_loop3A_509 = vector.shape_cast %parallel_loop3A_508 : vector<1x1x16xf32> to vector<16xf32>
        %parallel_loop3A_510 = vector.shape_cast %parallel_loop3A_504 : vector<16xf32> to vector<1x1x16xf32>
        tpu.vector_store %arg8[%parallel_loop3A_505, %parallel_loop3A_506, %parallel_loop3A_507], %parallel_loop3A_510 {add = true, strides = array<i32>} : memref<3x16x1024xf32, #tpu.memory_space<vmem>>, vector<1x1x16xf32>,
        %parallel_loop3A_511 = arith.index_cast %rem3A_266 : i32 to index
        %parallel_loop3A_512 = arith.index_cast %parallel_loop3A_323 : i32 to index
        %parallel_loop3A_513 = arith.constant 272 : index
        %parallel_loop3A_514 = tpu.vector_load %arg7[%parallel_loop3A_511, %parallel_loop3A_512, %parallel_loop3A_513] {strides = array<i32>} : memref<4x16x1024xf32, #tpu.memory_space<vmem>>, vector<1x1x16xf32>,
        %parallel_loop3A_515 = vector.shape_cast %parallel_loop3A_514 : vector<1x1x16xf32> to vector<16xf32>
        %parallel_loop3A_516 = arith.index_cast %rem3A_264 : i32 to index
        %parallel_loop3A_517 = arith.index_cast %parallel_loop3A_323 : i32 to index
        %parallel_loop3A_518 = arith.constant 272 : index
        %parallel_loop3A_519 = tpu.vector_load %arg8[%parallel_loop3A_516, %parallel_loop3A_517, %parallel_loop3A_518] {strides = array<i32>} : memref<3x16x1024xf32, #tpu.memory_space<vmem>>, vector<1x1x16xf32>,
        %parallel_loop3A_520 = vector.shape_cast %parallel_loop3A_519 : vector<1x1x16xf32> to vector<16xf32>
        %parallel_loop3A_521 = vector.shape_cast %parallel_loop3A_515 : vector<16xf32> to vector<1x1x16xf32>
        tpu.vector_store %arg8[%parallel_loop3A_516, %parallel_loop3A_517, %parallel_loop3A_518], %parallel_loop3A_521 {add = true, strides = array<i32>} : memref<3x16x1024xf32, #tpu.memory_space<vmem>>, vector<1x1x16xf32>,
        %parallel_loop3A_522 = arith.index_cast %rem3A_266 : i32 to index
        %parallel_loop3A_523 = arith.index_cast %parallel_loop3A_323 : i32 to index
        %parallel_loop3A_524 = arith.constant 288 : index
        %parallel_loop3A_525 = tpu.vector_load %arg7[%parallel_loop3A_522, %parallel_loop3A_523, %parallel_loop3A_524] {strides = array<i32>} : memref<4x16x1024xf32, #tpu.memory_space<vmem>>, vector<1x1x16xf32>,
        %parallel_loop3A_526 = vector.shape_cast %parallel_loop3A_525 : vector<1x1x16xf32> to vector<16xf32>
        %parallel_loop3A_527 = arith.index_cast %rem3A_264 : i32 to index
        %parallel_loop3A_528 = arith.index_cast %parallel_loop3A_323 : i32 to index
        %parallel_loop3A_529 = arith.constant 288 : index
        %parallel_loop3A_530 = tpu.vector_load %arg8[%parallel_loop3A_527, %parallel_loop3A_528, %parallel_loop3A_529] {strides = array<i32>} : memref<3x16x1024xf32, #tpu.memory_space<vmem>>, vector<1x1x16xf32>,
        %parallel_loop3A_531 = vector.shape_cast %parallel_loop3A_530 : vector<1x1x16xf32> to vector<16xf32>
        %parallel_loop3A_532 = vector.shape_cast %parallel_loop3A_526 : vector<16xf32> to vector<1x1x16xf32>
        tpu.vector_store %arg8[%parallel_loop3A_527, %parallel_loop3A_528, %parallel_loop3A_529], %parallel_loop3A_532 {add = true, strides = array<i32>} : memref<3x16x1024xf32, #tpu.memory_space<vmem>>, vector<1x1x16xf32>,
        %parallel_loop3A_533 = arith.index_cast %rem3A_266 : i32 to index
        %parallel_loop3A_534 = arith.index_cast %parallel_loop3A_323 : i32 to index
        %parallel_loop3A_535 = arith.constant 304 : index
        %parallel_loop3A_536 = tpu.vector_load %arg7[%parallel_loop3A_533, %parallel_loop3A_534, %parallel_loop3A_535] {strides = array<i32>} : memref<4x16x1024xf32, #tpu.memory_space<vmem>>, vector<1x1x16xf32>,
        %parallel_loop3A_537 = vector.shape_cast %parallel_loop3A_536 : vector<1x1x16xf32> to vector<16xf32>
        %parallel_loop3A_538 = arith.index_cast %rem3A_264 : i32 to index
        %parallel_loop3A_539 = arith.index_cast %parallel_loop3A_323 : i32 to index
        %parallel_loop3A_540 = arith.constant 304 : index
        %parallel_loop3A_541 = tpu.vector_load %arg8[%parallel_loop3A_538, %parallel_loop3A_539, %parallel_loop3A_540] {strides = array<i32>} : memref<3x16x1024xf32, #tpu.memory_space<vmem>>, vector<1x1x16xf32>,
        %parallel_loop3A_542 = vector.shape_cast %parallel_loop3A_541 : vector<1x1x16xf32> to vector<16xf32>
        %parallel_loop3A_543 = vector.shape_cast %parallel_loop3A_537 : vector<16xf32> to vector<1x1x16xf32>
        tpu.vector_store %arg8[%parallel_loop3A_538, %parallel_loop3A_539, %parallel_loop3A_540], %parallel_loop3A_543 {add = true, strides = array<i32>} : memref<3x16x1024xf32, #tpu.memory_space<vmem>>, vector<1x1x16xf32>,
        %parallel_loop3A_544 = arith.index_cast %rem3A_266 : i32 to index
        %parallel_loop3A_545 = arith.index_cast %parallel_loop3A_323 : i32 to index
        %parallel_loop3A_546 = arith.constant 320 : index
        %parallel_loop3A_547 = tpu.vector_load %arg7[%parallel_loop3A_544, %parallel_loop3A_545, %parallel_loop3A_546] {strides = array<i32>} : memref<4x16x1024xf32, #tpu.memory_space<vmem>>, vector<1x1x16xf32>,
        %parallel_loop3A_548 = vector.shape_cast %parallel_loop3A_547 : vector<1x1x16xf32> to vector<16xf32>
        %parallel_loop3A_549 = arith.index_cast %rem3A_264 : i32 to index
        %parallel_loop3A_550 = arith.index_cast %parallel_loop3A_323 : i32 to index
        %parallel_loop3A_551 = arith.constant 320 : index
        %parallel_loop3A_552 = tpu.vector_load %arg8[%parallel_loop3A_549, %parallel_loop3A_550, %parallel_loop3A_551] {strides = array<i32>} : memref<3x16x1024xf32, #tpu.memory_space<vmem>>, vector<1x1x16xf32>,
        %parallel_loop3A_553 = vector.shape_cast %parallel_loop3A_552 : vector<1x1x16xf32> to vector<16xf32>
        %parallel_loop3A_554 = vector.shape_cast %parallel_loop3A_548 : vector<16xf32> to vector<1x1x16xf32>
        tpu.vector_store %arg8[%parallel_loop3A_549, %parallel_loop3A_550, %parallel_loop3A_551], %parallel_loop3A_554 {add = true, strides = array<i32>} : memref<3x16x1024xf32, #tpu.memory_space<vmem>>, vector<1x1x16xf32>,
        %parallel_loop3A_555 = arith.index_cast %rem3A_266 : i32 to index
        %parallel_loop3A_556 = arith.index_cast %parallel_loop3A_323 : i32 to index
        %parallel_loop3A_557 = arith.constant 336 : index
        %parallel_loop3A_558 = tpu.vector_load %arg7[%parallel_loop3A_555, %parallel_loop3A_556, %parallel_loop3A_557] {strides = array<i32>} : memref<4x16x1024xf32, #tpu.memory_space<vmem>>, vector<1x1x16xf32>,
        %parallel_loop3A_559 = vector.shape_cast %parallel_loop3A_558 : vector<1x1x16xf32> to vector<16xf32>
        %parallel_loop3A_560 = arith.index_cast %rem3A_264 : i32 to index
        %parallel_loop3A_561 = arith.index_cast %parallel_loop3A_323 : i32 to index
        %parallel_loop3A_562 = arith.constant 336 : index
        %parallel_loop3A_563 = tpu.vector_load %arg8[%parallel_loop3A_560, %parallel_loop3A_561, %parallel_loop3A_562] {strides = array<i32>} : memref<3x16x1024xf32, #tpu.memory_space<vmem>>, vector<1x1x16xf32>,
        %parallel_loop3A_564 = vector.shape_cast %parallel_loop3A_563 : vector<1x1x16xf32> to vector<16xf32>
        %parallel_loop3A_565 = vector.shape_cast %parallel_loop3A_559 : vector<16xf32> to vector<1x1x16xf32>
        tpu.vector_store %arg8[%parallel_loop3A_560, %parallel_loop3A_561, %parallel_loop3A_562], %parallel_loop3A_565 {add = true, strides = array<i32>} : memref<3x16x1024xf32, #tpu.memory_space<vmem>>, vector<1x1x16xf32>,
        %parallel_loop3A_566 = arith.index_cast %rem3A_266 : i32 to index
        %parallel_loop3A_567 = arith.index_cast %parallel_loop3A_323 : i32 to index
        %parallel_loop3A_568 = arith.constant 352 : index
        %parallel_loop3A_569 = tpu.vector_load %arg7[%parallel_loop3A_566, %parallel_loop3A_567, %parallel_loop3A_568] {strides = array<i32>} : memref<4x16x1024xf32, #tpu.memory_space<vmem>>, vector<1x1x16xf32>,
        %parallel_loop3A_570 = vector.shape_cast %parallel_loop3A_569 : vector<1x1x16xf32> to vector<16xf32>
        %parallel_loop3A_571 = arith.index_cast %rem3A_264 : i32 to index
        %parallel_loop3A_572 = arith.index_cast %parallel_loop3A_323 : i32 to index
        %parallel_loop3A_573 = arith.constant 352 : index
        %parallel_loop3A_574 = tpu.vector_load %arg8[%parallel_loop3A_571, %parallel_loop3A_572, %parallel_loop3A_573] {strides = array<i32>} : memref<3x16x1024xf32, #tpu.memory_space<vmem>>, vector<1x1x16xf32>,
        %parallel_loop3A_575 = vector.shape_cast %parallel_loop3A_574 : vector<1x1x16xf32> to vector<16xf32>
        %parallel_loop3A_576 = vector.shape_cast %parallel_loop3A_570 : vector<16xf32> to vector<1x1x16xf32>
        tpu.vector_store %arg8[%parallel_loop3A_571, %parallel_loop3A_572, %parallel_loop3A_573], %parallel_loop3A_576 {add = true, strides = array<i32>} : memref<3x16x1024xf32, #tpu.memory_space<vmem>>, vector<1x1x16xf32>,
        %parallel_loop3A_577 = arith.index_cast %rem3A_266 : i32 to index
        %parallel_loop3A_578 = arith.index_cast %parallel_loop3A_323 : i32 to index
        %parallel_loop3A_579 = arith.constant 368 : index
        %parallel_loop3A_580 = tpu.vector_load %arg7[%parallel_loop3A_577, %parallel_loop3A_578, %parallel_loop3A_579] {strides = array<i32>} : memref<4x16x1024xf32, #tpu.memory_space<vmem>>, vector<1x1x16xf32>,
        %parallel_loop3A_581 = vector.shape_cast %parallel_loop3A_580 : vector<1x1x16xf32> to vector<16xf32>
        %parallel_loop3A_582 = arith.index_cast %rem3A_264 : i32 to index
        %parallel_loop3A_583 = arith.index_cast %parallel_loop3A_323 : i32 to index
        %parallel_loop3A_584 = arith.constant 368 : index
        %parallel_loop3A_585 = tpu.vector_load %arg8[%parallel_loop3A_582, %parallel_loop3A_583, %parallel_loop3A_584] {strides = array<i32>} : memref<3x16x1024xf32, #tpu.memory_space<vmem>>, vector<1x1x16xf32>,
        %parallel_loop3A_586 = vector.shape_cast %parallel_loop3A_585 : vector<1x1x16xf32> to vector<16xf32>
        %parallel_loop3A_587 = vector.shape_cast %parallel_loop3A_581 : vector<16xf32> to vector<1x1x16xf32>
        tpu.vector_store %arg8[%parallel_loop3A_582, %parallel_loop3A_583, %parallel_loop3A_584], %parallel_loop3A_587 {add = true, strides = array<i32>} : memref<3x16x1024xf32, #tpu.memory_space<vmem>>, vector<1x1x16xf32>,
        %parallel_loop3A_588 = arith.index_cast %rem3A_266 : i32 to index
        %parallel_loop3A_589 = arith.index_cast %parallel_loop3A_323 : i32 to index
        %parallel_loop3A_590 = arith.constant 384 : index
        %parallel_loop3A_591 = tpu.vector_load %arg7[%parallel_loop3A_588, %parallel_loop3A_589, %parallel_loop3A_590] {strides = array<i32>} : memref<4x16x1024xf32, #tpu.memory_space<vmem>>, vector<1x1x16xf32>,
        %parallel_loop3A_592 = vector.shape_cast %parallel_loop3A_591 : vector<1x1x16xf32> to vector<16xf32>
        %parallel_loop3A_593 = arith.index_cast %rem3A_264 : i32 to index
        %parallel_loop3A_594 = arith.index_cast %parallel_loop3A_323 : i32 to index
        %parallel_loop3A_595 = arith.constant 384 : index
        %parallel_loop3A_596 = tpu.vector_load %arg8[%parallel_loop3A_593, %parallel_loop3A_594, %parallel_loop3A_595] {strides = array<i32>} : memref<3x16x1024xf32, #tpu.memory_space<vmem>>, vector<1x1x16xf32>,
        %parallel_loop3A_597 = vector.shape_cast %parallel_loop3A_596 : vector<1x1x16xf32> to vector<16xf32>
        %parallel_loop3A_598 = vector.shape_cast %parallel_loop3A_592 : vector<16xf32> to vector<1x1x16xf32>
        tpu.vector_store %arg8[%parallel_loop3A_593, %parallel_loop3A_594, %parallel_loop3A_595], %parallel_loop3A_598 {add = true, strides = array<i32>} : memref<3x16x1024xf32, #tpu.memory_space<vmem>>, vector<1x1x16xf32>,
        %parallel_loop3A_599 = arith.index_cast %rem3A_266 : i32 to index
        %parallel_loop3A_600 = arith.index_cast %parallel_loop3A_323 : i32 to index
        %parallel_loop3A_601 = arith.constant 400 : index
        %parallel_loop3A_602 = tpu.vector_load %arg7[%parallel_loop3A_599, %parallel_loop3A_600, %parallel_loop3A_601] {strides = array<i32>} : memref<4x16x1024xf32, #tpu.memory_space<vmem>>, vector<1x1x16xf32>,
        %parallel_loop3A_603 = vector.shape_cast %parallel_loop3A_602 : vector<1x1x16xf32> to vector<16xf32>
        %parallel_loop3A_604 = arith.index_cast %rem3A_264 : i32 to index
        %parallel_loop3A_605 = arith.index_cast %parallel_loop3A_323 : i32 to index
        %parallel_loop3A_606 = arith.constant 400 : index
        %parallel_loop3A_607 = tpu.vector_load %arg8[%parallel_loop3A_604, %parallel_loop3A_605, %parallel_loop3A_606] {strides = array<i32>} : memref<3x16x1024xf32, #tpu.memory_space<vmem>>, vector<1x1x16xf32>,
        %parallel_loop3A_608 = vector.shape_cast %parallel_loop3A_607 : vector<1x1x16xf32> to vector<16xf32>
        %parallel_loop3A_609 = vector.shape_cast %parallel_loop3A_603 : vector<16xf32> to vector<1x1x16xf32>
        tpu.vector_store %arg8[%parallel_loop3A_604, %parallel_loop3A_605, %parallel_loop3A_606], %parallel_loop3A_609 {add = true, strides = array<i32>} : memref<3x16x1024xf32, #tpu.memory_space<vmem>>, vector<1x1x16xf32>,
        %parallel_loop3A_610 = arith.index_cast %rem3A_266 : i32 to index
        %parallel_loop3A_611 = arith.index_cast %parallel_loop3A_323 : i32 to index
        %parallel_loop3A_612 = arith.constant 416 : index
        %parallel_loop3A_613 = tpu.vector_load %arg7[%parallel_loop3A_610, %parallel_loop3A_611, %parallel_loop3A_612] {strides = array<i32>} : memref<4x16x1024xf32, #tpu.memory_space<vmem>>, vector<1x1x16xf32>,
        %parallel_loop3A_614 = vector.shape_cast %parallel_loop3A_613 : vector<1x1x16xf32> to vector<16xf32>
        %parallel_loop3A_615 = arith.index_cast %rem3A_264 : i32 to index
        %parallel_loop3A_616 = arith.index_cast %parallel_loop3A_323 : i32 to index
        %parallel_loop3A_617 = arith.constant 416 : index
        %parallel_loop3A_618 = tpu.vector_load %arg8[%parallel_loop3A_615, %parallel_loop3A_616, %parallel_loop3A_617] {strides = array<i32>} : memref<3x16x1024xf32, #tpu.memory_space<vmem>>, vector<1x1x16xf32>,
        %parallel_loop3A_619 = vector.shape_cast %parallel_loop3A_618 : vector<1x1x16xf32> to vector<16xf32>
        %parallel_loop3A_620 = vector.shape_cast %parallel_loop3A_614 : vector<16xf32> to vector<1x1x16xf32>
        tpu.vector_store %arg8[%parallel_loop3A_615, %parallel_loop3A_616, %parallel_loop3A_617], %parallel_loop3A_620 {add = true, strides = array<i32>} : memref<3x16x1024xf32, #tpu.memory_space<vmem>>, vector<1x1x16xf32>,
        %parallel_loop3A_621 = arith.index_cast %rem3A_266 : i32 to index
        %parallel_loop3A_622 = arith.index_cast %parallel_loop3A_323 : i32 to index
        %parallel_loop3A_623 = arith.constant 432 : index
        %parallel_loop3A_624 = tpu.vector_load %arg7[%parallel_loop3A_621, %parallel_loop3A_622, %parallel_loop3A_623] {strides = array<i32>} : memref<4x16x1024xf32, #tpu.memory_space<vmem>>, vector<1x1x16xf32>,
        %parallel_loop3A_625 = vector.shape_cast %parallel_loop3A_624 : vector<1x1x16xf32> to vector<16xf32>
        %parallel_loop3A_626 = arith.index_cast %rem3A_264 : i32 to index
        %parallel_loop3A_627 = arith.index_cast %parallel_loop3A_323 : i32 to index
        %parallel_loop3A_628 = arith.constant 432 : index
        %parallel_loop3A_629 = tpu.vector_load %arg8[%parallel_loop3A_626, %parallel_loop3A_627, %parallel_loop3A_628] {strides = array<i32>} : memref<3x16x1024xf32, #tpu.memory_space<vmem>>, vector<1x1x16xf32>,
        %parallel_loop3A_630 = vector.shape_cast %parallel_loop3A_629 : vector<1x1x16xf32> to vector<16xf32>
        %parallel_loop3A_631 = vector.shape_cast %parallel_loop3A_625 : vector<16xf32> to vector<1x1x16xf32>
        tpu.vector_store %arg8[%parallel_loop3A_626, %parallel_loop3A_627, %parallel_loop3A_628], %parallel_loop3A_631 {add = true, strides = array<i32>} : memref<3x16x1024xf32, #tpu.memory_space<vmem>>, vector<1x1x16xf32>,
        %parallel_loop3A_632 = arith.index_cast %rem3A_266 : i32 to index
        %parallel_loop3A_633 = arith.index_cast %parallel_loop3A_323 : i32 to index
        %parallel_loop3A_634 = arith.constant 448 : index
        %parallel_loop3A_635 = tpu.vector_load %arg7[%parallel_loop3A_632, %parallel_loop3A_633, %parallel_loop3A_634] {strides = array<i32>} : memref<4x16x1024xf32, #tpu.memory_space<vmem>>, vector<1x1x16xf32>,
        %parallel_loop3A_636 = vector.shape_cast %parallel_loop3A_635 : vector<1x1x16xf32> to vector<16xf32>
        %parallel_loop3A_637 = arith.index_cast %rem3A_264 : i32 to index
        %parallel_loop3A_638 = arith.index_cast %parallel_loop3A_323 : i32 to index
        %parallel_loop3A_639 = arith.constant 448 : index
        %parallel_loop3A_640 = tpu.vector_load %arg8[%parallel_loop3A_637, %parallel_loop3A_638, %parallel_loop3A_639] {strides = array<i32>} : memref<3x16x1024xf32, #tpu.memory_space<vmem>>, vector<1x1x16xf32>,
        %parallel_loop3A_641 = vector.shape_cast %parallel_loop3A_640 : vector<1x1x16xf32> to vector<16xf32>
        %parallel_loop3A_642 = vector.shape_cast %parallel_loop3A_636 : vector<16xf32> to vector<1x1x16xf32>
        tpu.vector_store %arg8[%parallel_loop3A_637, %parallel_loop3A_638, %parallel_loop3A_639], %parallel_loop3A_642 {add = true, strides = array<i32>} : memref<3x16x1024xf32, #tpu.memory_space<vmem>>, vector<1x1x16xf32>,
        %parallel_loop3A_643 = arith.index_cast %rem3A_266 : i32 to index
        %parallel_loop3A_644 = arith.index_cast %parallel_loop3A_323 : i32 to index
        %parallel_loop3A_645 = arith.constant 464 : index
        %parallel_loop3A_646 = tpu.vector_load %arg7[%parallel_loop3A_643, %parallel_loop3A_644, %parallel_loop3A_645] {strides = array<i32>} : memref<4x16x1024xf32, #tpu.memory_space<vmem>>, vector<1x1x16xf32>,
        %parallel_loop3A_647 = vector.shape_cast %parallel_loop3A_646 : vector<1x1x16xf32> to vector<16xf32>
        %parallel_loop3A_648 = arith.index_cast %rem3A_264 : i32 to index
        %parallel_loop3A_649 = arith.index_cast %parallel_loop3A_323 : i32 to index
        %parallel_loop3A_650 = arith.constant 464 : index
        %parallel_loop3A_651 = tpu.vector_load %arg8[%parallel_loop3A_648, %parallel_loop3A_649, %parallel_loop3A_650] {strides = array<i32>} : memref<3x16x1024xf32, #tpu.memory_space<vmem>>, vector<1x1x16xf32>,
        %parallel_loop3A_652 = vector.shape_cast %parallel_loop3A_651 : vector<1x1x16xf32> to vector<16xf32>
        %parallel_loop3A_653 = vector.shape_cast %parallel_loop3A_647 : vector<16xf32> to vector<1x1x16xf32>
        tpu.vector_store %arg8[%parallel_loop3A_648, %parallel_loop3A_649, %parallel_loop3A_650], %parallel_loop3A_653 {add = true, strides = array<i32>} : memref<3x16x1024xf32, #tpu.memory_space<vmem>>, vector<1x1x16xf32>,
        %parallel_loop3A_654 = arith.index_cast %rem3A_266 : i32 to index
        %parallel_loop3A_655 = arith.index_cast %parallel_loop3A_323 : i32 to index
        %parallel_loop3A_656 = arith.constant 480 : index
        %parallel_loop3A_657 = tpu.vector_load %arg7[%parallel_loop3A_654, %parallel_loop3A_655, %parallel_loop3A_656] {strides = array<i32>} : memref<4x16x1024xf32, #tpu.memory_space<vmem>>, vector<1x1x16xf32>,
        %parallel_loop3A_658 = vector.shape_cast %parallel_loop3A_657 : vector<1x1x16xf32> to vector<16xf32>
        %parallel_loop3A_659 = arith.index_cast %rem3A_264 : i32 to index
        %parallel_loop3A_660 = arith.index_cast %parallel_loop3A_323 : i32 to index
        %parallel_loop3A_661 = arith.constant 480 : index
        %parallel_loop3A_662 = tpu.vector_load %arg8[%parallel_loop3A_659, %parallel_loop3A_660, %parallel_loop3A_661] {strides = array<i32>} : memref<3x16x1024xf32, #tpu.memory_space<vmem>>, vector<1x1x16xf32>,
        %parallel_loop3A_663 = vector.shape_cast %parallel_loop3A_662 : vector<1x1x16xf32> to vector<16xf32>
        %parallel_loop3A_664 = vector.shape_cast %parallel_loop3A_658 : vector<16xf32> to vector<1x1x16xf32>
        tpu.vector_store %arg8[%parallel_loop3A_659, %parallel_loop3A_660, %parallel_loop3A_661], %parallel_loop3A_664 {add = true, strides = array<i32>} : memref<3x16x1024xf32, #tpu.memory_space<vmem>>, vector<1x1x16xf32>,
        %parallel_loop3A_665 = arith.index_cast %rem3A_266 : i32 to index
        %parallel_loop3A_666 = arith.index_cast %parallel_loop3A_323 : i32 to index
        %parallel_loop3A_667 = arith.constant 496 : index
        %parallel_loop3A_668 = tpu.vector_load %arg7[%parallel_loop3A_665, %parallel_loop3A_666, %parallel_loop3A_667] {strides = array<i32>} : memref<4x16x1024xf32, #tpu.memory_space<vmem>>, vector<1x1x16xf32>,
        %parallel_loop3A_669 = vector.shape_cast %parallel_loop3A_668 : vector<1x1x16xf32> to vector<16xf32>
        %parallel_loop3A_670 = arith.index_cast %rem3A_264 : i32 to index
        %parallel_loop3A_671 = arith.index_cast %parallel_loop3A_323 : i32 to index
        %parallel_loop3A_672 = arith.constant 496 : index
        %parallel_loop3A_673 = tpu.vector_load %arg8[%parallel_loop3A_670, %parallel_loop3A_671, %parallel_loop3A_672] {strides = array<i32>} : memref<3x16x1024xf32, #tpu.memory_space<vmem>>, vector<1x1x16xf32>,
        %parallel_loop3A_674 = vector.shape_cast %parallel_loop3A_673 : vector<1x1x16xf32> to vector<16xf32>
        %parallel_loop3A_675 = vector.shape_cast %parallel_loop3A_669 : vector<16xf32> to vector<1x1x16xf32>
        tpu.vector_store %arg8[%parallel_loop3A_670, %parallel_loop3A_671, %parallel_loop3A_672], %parallel_loop3A_675 {add = true, strides = array<i32>} : memref<3x16x1024xf32, #tpu.memory_space<vmem>>, vector<1x1x16xf32>,
        %parallel_loop3A_676 = arith.index_cast %rem3A_266 : i32 to index
        %parallel_loop3A_677 = arith.index_cast %parallel_loop3A_323 : i32 to index
        %parallel_loop3A_678 = arith.constant 512 : index
        %parallel_loop3A_679 = tpu.vector_load %arg7[%parallel_loop3A_676, %parallel_loop3A_677, %parallel_loop3A_678] {strides = array<i32>} : memref<4x16x1024xf32, #tpu.memory_space<vmem>>, vector<1x1x16xf32>,
        %parallel_loop3A_680 = vector.shape_cast %parallel_loop3A_679 : vector<1x1x16xf32> to vector<16xf32>
        %parallel_loop3A_681 = arith.index_cast %rem3A_264 : i32 to index
        %parallel_loop3A_682 = arith.index_cast %parallel_loop3A_323 : i32 to index
        %parallel_loop3A_683 = arith.constant 512 : index
        %parallel_loop3A_684 = tpu.vector_load %arg8[%parallel_loop3A_681, %parallel_loop3A_682, %parallel_loop3A_683] {strides = array<i32>} : memref<3x16x1024xf32, #tpu.memory_space<vmem>>, vector<1x1x16xf32>,
        %parallel_loop3A_685 = vector.shape_cast %parallel_loop3A_684 : vector<1x1x16xf32> to vector<16xf32>
        %parallel_loop3A_686 = vector.shape_cast %parallel_loop3A_680 : vector<16xf32> to vector<1x1x16xf32>
        tpu.vector_store %arg8[%parallel_loop3A_681, %parallel_loop3A_682, %parallel_loop3A_683], %parallel_loop3A_686 {add = true, strides = array<i32>} : memref<3x16x1024xf32, #tpu.memory_space<vmem>>, vector<1x1x16xf32>,
        %parallel_loop3A_687 = arith.index_cast %rem3A_266 : i32 to index
        %parallel_loop3A_688 = arith.index_cast %parallel_loop3A_323 : i32 to index
        %parallel_loop3A_689 = arith.constant 528 : index
        %parallel_loop3A_690 = tpu.vector_load %arg7[%parallel_loop3A_687, %parallel_loop3A_688, %parallel_loop3A_689] {strides = array<i32>} : memref<4x16x1024xf32, #tpu.memory_space<vmem>>, vector<1x1x16xf32>,
        %parallel_loop3A_691 = vector.shape_cast %parallel_loop3A_690 : vector<1x1x16xf32> to vector<16xf32>
        %parallel_loop3A_692 = arith.index_cast %rem3A_264 : i32 to index
        %parallel_loop3A_693 = arith.index_cast %parallel_loop3A_323 : i32 to index
        %parallel_loop3A_694 = arith.constant 528 : index
        %parallel_loop3A_695 = tpu.vector_load %arg8[%parallel_loop3A_692, %parallel_loop3A_693, %parallel_loop3A_694] {strides = array<i32>} : memref<3x16x1024xf32, #tpu.memory_space<vmem>>, vector<1x1x16xf32>,
        %parallel_loop3A_696 = vector.shape_cast %parallel_loop3A_695 : vector<1x1x16xf32> to vector<16xf32>
        %parallel_loop3A_697 = vector.shape_cast %parallel_loop3A_691 : vector<16xf32> to vector<1x1x16xf32>
        tpu.vector_store %arg8[%parallel_loop3A_692, %parallel_loop3A_693, %parallel_loop3A_694], %parallel_loop3A_697 {add = true, strides = array<i32>} : memref<3x16x1024xf32, #tpu.memory_space<vmem>>, vector<1x1x16xf32>,
        %parallel_loop3A_698 = arith.index_cast %rem3A_266 : i32 to index
        %parallel_loop3A_699 = arith.index_cast %parallel_loop3A_323 : i32 to index
        %parallel_loop3A_700 = arith.constant 544 : index
        %parallel_loop3A_701 = tpu.vector_load %arg7[%parallel_loop3A_698, %parallel_loop3A_699, %parallel_loop3A_700] {strides = array<i32>} : memref<4x16x1024xf32, #tpu.memory_space<vmem>>, vector<1x1x16xf32>,
        %parallel_loop3A_702 = vector.shape_cast %parallel_loop3A_701 : vector<1x1x16xf32> to vector<16xf32>
        %parallel_loop3A_703 = arith.index_cast %rem3A_264 : i32 to index
        %parallel_loop3A_704 = arith.index_cast %parallel_loop3A_323 : i32 to index
        %parallel_loop3A_705 = arith.constant 544 : index
        %parallel_loop3A_706 = tpu.vector_load %arg8[%parallel_loop3A_703, %parallel_loop3A_704, %parallel_loop3A_705] {strides = array<i32>} : memref<3x16x1024xf32, #tpu.memory_space<vmem>>, vector<1x1x16xf32>,
        %parallel_loop3A_707 = vector.shape_cast %parallel_loop3A_706 : vector<1x1x16xf32> to vector<16xf32>
        %parallel_loop3A_708 = vector.shape_cast %parallel_loop3A_702 : vector<16xf32> to vector<1x1x16xf32>
        tpu.vector_store %arg8[%parallel_loop3A_703, %parallel_loop3A_704, %parallel_loop3A_705], %parallel_loop3A_708 {add = true, strides = array<i32>} : memref<3x16x1024xf32, #tpu.memory_space<vmem>>, vector<1x1x16xf32>,
        %parallel_loop3A_709 = arith.index_cast %rem3A_266 : i32 to index
        %parallel_loop3A_710 = arith.index_cast %parallel_loop3A_323 : i32 to index
        %parallel_loop3A_711 = arith.constant 560 : index
        %parallel_loop3A_712 = tpu.vector_load %arg7[%parallel_loop3A_709, %parallel_loop3A_710, %parallel_loop3A_711] {strides = array<i32>} : memref<4x16x1024xf32, #tpu.memory_space<vmem>>, vector<1x1x16xf32>,
        %parallel_loop3A_713 = vector.shape_cast %parallel_loop3A_712 : vector<1x1x16xf32> to vector<16xf32>
        %parallel_loop3A_714 = arith.index_cast %rem3A_264 : i32 to index
        %parallel_loop3A_715 = arith.index_cast %parallel_loop3A_323 : i32 to index
        %parallel_loop3A_716 = arith.constant 560 : index
        %parallel_loop3A_717 = tpu.vector_load %arg8[%parallel_loop3A_714, %parallel_loop3A_715, %parallel_loop3A_716] {strides = array<i32>} : memref<3x16x1024xf32, #tpu.memory_space<vmem>>, vector<1x1x16xf32>,
        %parallel_loop3A_718 = vector.shape_cast %parallel_loop3A_717 : vector<1x1x16xf32> to vector<16xf32>
        %parallel_loop3A_719 = vector.shape_cast %parallel_loop3A_713 : vector<16xf32> to vector<1x1x16xf32>
        tpu.vector_store %arg8[%parallel_loop3A_714, %parallel_loop3A_715, %parallel_loop3A_716], %parallel_loop3A_719 {add = true, strides = array<i32>} : memref<3x16x1024xf32, #tpu.memory_space<vmem>>, vector<1x1x16xf32>,
        %parallel_loop3A_720 = arith.index_cast %rem3A_266 : i32 to index
        %parallel_loop3A_721 = arith.index_cast %parallel_loop3A_323 : i32 to index
        %parallel_loop3A_722 = arith.constant 576 : index
        %parallel_loop3A_723 = tpu.vector_load %arg7[%parallel_loop3A_720, %parallel_loop3A_721, %parallel_loop3A_722] {strides = array<i32>} : memref<4x16x1024xf32, #tpu.memory_space<vmem>>, vector<1x1x16xf32>,
        %parallel_loop3A_724 = vector.shape_cast %parallel_loop3A_723 : vector<1x1x16xf32> to vector<16xf32>
        %parallel_loop3A_725 = arith.index_cast %rem3A_264 : i32 to index
        %parallel_loop3A_726 = arith.index_cast %parallel_loop3A_323 : i32 to index
        %parallel_loop3A_727 = arith.constant 576 : index
        %parallel_loop3A_728 = tpu.vector_load %arg8[%parallel_loop3A_725, %parallel_loop3A_726, %parallel_loop3A_727] {strides = array<i32>} : memref<3x16x1024xf32, #tpu.memory_space<vmem>>, vector<1x1x16xf32>,
        %parallel_loop3A_729 = vector.shape_cast %parallel_loop3A_728 : vector<1x1x16xf32> to vector<16xf32>
        %parallel_loop3A_730 = vector.shape_cast %parallel_loop3A_724 : vector<16xf32> to vector<1x1x16xf32>
        tpu.vector_store %arg8[%parallel_loop3A_725, %parallel_loop3A_726, %parallel_loop3A_727], %parallel_loop3A_730 {add = true, strides = array<i32>} : memref<3x16x1024xf32, #tpu.memory_space<vmem>>, vector<1x1x16xf32>,
        %parallel_loop3A_731 = arith.index_cast %rem3A_266 : i32 to index
        %parallel_loop3A_732 = arith.index_cast %parallel_loop3A_323 : i32 to index
        %parallel_loop3A_733 = arith.constant 592 : index
        %parallel_loop3A_734 = tpu.vector_load %arg7[%parallel_loop3A_731, %parallel_loop3A_732, %parallel_loop3A_733] {strides = array<i32>} : memref<4x16x1024xf32, #tpu.memory_space<vmem>>, vector<1x1x16xf32>,
        %parallel_loop3A_735 = vector.shape_cast %parallel_loop3A_734 : vector<1x1x16xf32> to vector<16xf32>
        %parallel_loop3A_736 = arith.index_cast %rem3A_264 : i32 to index
        %parallel_loop3A_737 = arith.index_cast %parallel_loop3A_323 : i32 to index
        %parallel_loop3A_738 = arith.constant 592 : index
        %parallel_loop3A_739 = tpu.vector_load %arg8[%parallel_loop3A_736, %parallel_loop3A_737, %parallel_loop3A_738] {strides = array<i32>} : memref<3x16x1024xf32, #tpu.memory_space<vmem>>, vector<1x1x16xf32>,
        %parallel_loop3A_740 = vector.shape_cast %parallel_loop3A_739 : vector<1x1x16xf32> to vector<16xf32>
        %parallel_loop3A_741 = vector.shape_cast %parallel_loop3A_735 : vector<16xf32> to vector<1x1x16xf32>
        tpu.vector_store %arg8[%parallel_loop3A_736, %parallel_loop3A_737, %parallel_loop3A_738], %parallel_loop3A_741 {add = true, strides = array<i32>} : memref<3x16x1024xf32, #tpu.memory_space<vmem>>, vector<1x1x16xf32>,
        %parallel_loop3A_742 = arith.index_cast %rem3A_266 : i32 to index
        %parallel_loop3A_743 = arith.index_cast %parallel_loop3A_323 : i32 to index
        %parallel_loop3A_744 = arith.constant 608 : index
        %parallel_loop3A_745 = tpu.vector_load %arg7[%parallel_loop3A_742, %parallel_loop3A_743, %parallel_loop3A_744] {strides = array<i32>} : memref<4x16x1024xf32, #tpu.memory_space<vmem>>, vector<1x1x16xf32>,
        %parallel_loop3A_746 = vector.shape_cast %parallel_loop3A_745 : vector<1x1x16xf32> to vector<16xf32>
        %parallel_loop3A_747 = arith.index_cast %rem3A_264 : i32 to index
        %parallel_loop3A_748 = arith.index_cast %parallel_loop3A_323 : i32 to index
        %parallel_loop3A_749 = arith.constant 608 : index
        %parallel_loop3A_750 = tpu.vector_load %arg8[%parallel_loop3A_747, %parallel_loop3A_748, %parallel_loop3A_749] {strides = array<i32>} : memref<3x16x1024xf32, #tpu.memory_space<vmem>>, vector<1x1x16xf32>,
        %parallel_loop3A_751 = vector.shape_cast %parallel_loop3A_750 : vector<1x1x16xf32> to vector<16xf32>
        %parallel_loop3A_752 = vector.shape_cast %parallel_loop3A_746 : vector<16xf32> to vector<1x1x16xf32>
        tpu.vector_store %arg8[%parallel_loop3A_747, %parallel_loop3A_748, %parallel_loop3A_749], %parallel_loop3A_752 {add = true, strides = array<i32>} : memref<3x16x1024xf32, #tpu.memory_space<vmem>>, vector<1x1x16xf32>,
        %parallel_loop3A_753 = arith.index_cast %rem3A_266 : i32 to index
        %parallel_loop3A_754 = arith.index_cast %parallel_loop3A_323 : i32 to index
        %parallel_loop3A_755 = arith.constant 624 : index
        %parallel_loop3A_756 = tpu.vector_load %arg7[%parallel_loop3A_753, %parallel_loop3A_754, %parallel_loop3A_755] {strides = array<i32>} : memref<4x16x1024xf32, #tpu.memory_space<vmem>>, vector<1x1x16xf32>,
        %parallel_loop3A_757 = vector.shape_cast %parallel_loop3A_756 : vector<1x1x16xf32> to vector<16xf32>
        %parallel_loop3A_758 = arith.index_cast %rem3A_264 : i32 to index
        %parallel_loop3A_759 = arith.index_cast %parallel_loop3A_323 : i32 to index
        %parallel_loop3A_760 = arith.constant 624 : index
        %parallel_loop3A_761 = tpu.vector_load %arg8[%parallel_loop3A_758, %parallel_loop3A_759, %parallel_loop3A_760] {strides = array<i32>} : memref<3x16x1024xf32, #tpu.memory_space<vmem>>, vector<1x1x16xf32>,
        %parallel_loop3A_762 = vector.shape_cast %parallel_loop3A_761 : vector<1x1x16xf32> to vector<16xf32>
        %parallel_loop3A_763 = vector.shape_cast %parallel_loop3A_757 : vector<16xf32> to vector<1x1x16xf32>
        tpu.vector_store %arg8[%parallel_loop3A_758, %parallel_loop3A_759, %parallel_loop3A_760], %parallel_loop3A_763 {add = true, strides = array<i32>} : memref<3x16x1024xf32, #tpu.memory_space<vmem>>, vector<1x1x16xf32>,
        %parallel_loop3A_764 = arith.index_cast %rem3A_266 : i32 to index
        %parallel_loop3A_765 = arith.index_cast %parallel_loop3A_323 : i32 to index
        %parallel_loop3A_766 = arith.constant 640 : index
        %parallel_loop3A_767 = tpu.vector_load %arg7[%parallel_loop3A_764, %parallel_loop3A_765, %parallel_loop3A_766] {strides = array<i32>} : memref<4x16x1024xf32, #tpu.memory_space<vmem>>, vector<1x1x16xf32>,
        %parallel_loop3A_768 = vector.shape_cast %parallel_loop3A_767 : vector<1x1x16xf32> to vector<16xf32>
        %parallel_loop3A_769 = arith.index_cast %rem3A_264 : i32 to index
        %parallel_loop3A_770 = arith.index_cast %parallel_loop3A_323 : i32 to index
        %parallel_loop3A_771 = arith.constant 640 : index
        %parallel_loop3A_772 = tpu.vector_load %arg8[%parallel_loop3A_769, %parallel_loop3A_770, %parallel_loop3A_771] {strides = array<i32>} : memref<3x16x1024xf32, #tpu.memory_space<vmem>>, vector<1x1x16xf32>,
        %parallel_loop3A_773 = vector.shape_cast %parallel_loop3A_772 : vector<1x1x16xf32> to vector<16xf32>
        %parallel_loop3A_774 = vector.shape_cast %parallel_loop3A_768 : vector<16xf32> to vector<1x1x16xf32>
        tpu.vector_store %arg8[%parallel_loop3A_769, %parallel_loop3A_770, %parallel_loop3A_771], %parallel_loop3A_774 {add = true, strides = array<i32>} : memref<3x16x1024xf32, #tpu.memory_space<vmem>>, vector<1x1x16xf32>,
        %parallel_loop3A_775 = arith.index_cast %rem3A_266 : i32 to index
        %parallel_loop3A_776 = arith.index_cast %parallel_loop3A_323 : i32 to index
        %parallel_loop3A_777 = arith.constant 656 : index
        %parallel_loop3A_778 = tpu.vector_load %arg7[%parallel_loop3A_775, %parallel_loop3A_776, %parallel_loop3A_777] {strides = array<i32>} : memref<4x16x1024xf32, #tpu.memory_space<vmem>>, vector<1x1x16xf32>,
        %parallel_loop3A_779 = vector.shape_cast %parallel_loop3A_778 : vector<1x1x16xf32> to vector<16xf32>
        %parallel_loop3A_780 = arith.index_cast %rem3A_264 : i32 to index
        %parallel_loop3A_781 = arith.index_cast %parallel_loop3A_323 : i32 to index
        %parallel_loop3A_782 = arith.constant 656 : index
        %parallel_loop3A_783 = tpu.vector_load %arg8[%parallel_loop3A_780, %parallel_loop3A_781, %parallel_loop3A_782] {strides = array<i32>} : memref<3x16x1024xf32, #tpu.memory_space<vmem>>, vector<1x1x16xf32>,
        %parallel_loop3A_784 = vector.shape_cast %parallel_loop3A_783 : vector<1x1x16xf32> to vector<16xf32>
        %parallel_loop3A_785 = vector.shape_cast %parallel_loop3A_779 : vector<16xf32> to vector<1x1x16xf32>
        tpu.vector_store %arg8[%parallel_loop3A_780, %parallel_loop3A_781, %parallel_loop3A_782], %parallel_loop3A_785 {add = true, strides = array<i32>} : memref<3x16x1024xf32, #tpu.memory_space<vmem>>, vector<1x1x16xf32>,
        %parallel_loop3A_786 = arith.index_cast %rem3A_266 : i32 to index
        %parallel_loop3A_787 = arith.index_cast %parallel_loop3A_323 : i32 to index
        %parallel_loop3A_788 = arith.constant 672 : index
        %parallel_loop3A_789 = tpu.vector_load %arg7[%parallel_loop3A_786, %parallel_loop3A_787, %parallel_loop3A_788] {strides = array<i32>} : memref<4x16x1024xf32, #tpu.memory_space<vmem>>, vector<1x1x16xf32>,
        %parallel_loop3A_790 = vector.shape_cast %parallel_loop3A_789 : vector<1x1x16xf32> to vector<16xf32>
        %parallel_loop3A_791 = arith.index_cast %rem3A_264 : i32 to index
        %parallel_loop3A_792 = arith.index_cast %parallel_loop3A_323 : i32 to index
        %parallel_loop3A_793 = arith.constant 672 : index
        %parallel_loop3A_794 = tpu.vector_load %arg8[%parallel_loop3A_791, %parallel_loop3A_792, %parallel_loop3A_793] {strides = array<i32>} : memref<3x16x1024xf32, #tpu.memory_space<vmem>>, vector<1x1x16xf32>,
        %parallel_loop3A_795 = vector.shape_cast %parallel_loop3A_794 : vector<1x1x16xf32> to vector<16xf32>
        %parallel_loop3A_796 = vector.shape_cast %parallel_loop3A_790 : vector<16xf32> to vector<1x1x16xf32>
        tpu.vector_store %arg8[%parallel_loop3A_791, %parallel_loop3A_792, %parallel_loop3A_793], %parallel_loop3A_796 {add = true, strides = array<i32>} : memref<3x16x1024xf32, #tpu.memory_space<vmem>>, vector<1x1x16xf32>,
        %parallel_loop3A_797 = arith.index_cast %rem3A_266 : i32 to index
        %parallel_loop3A_798 = arith.index_cast %parallel_loop3A_323 : i32 to index
        %parallel_loop3A_799 = arith.constant 688 : index
        %parallel_loop3A_800 = tpu.vector_load %arg7[%parallel_loop3A_797, %parallel_loop3A_798, %parallel_loop3A_799] {strides = array<i32>} : memref<4x16x1024xf32, #tpu.memory_space<vmem>>, vector<1x1x16xf32>,
        %parallel_loop3A_801 = vector.shape_cast %parallel_loop3A_800 : vector<1x1x16xf32> to vector<16xf32>
        %parallel_loop3A_802 = arith.index_cast %rem3A_264 : i32 to index
        %parallel_loop3A_803 = arith.index_cast %parallel_loop3A_323 : i32 to index
        %parallel_loop3A_804 = arith.constant 688 : index
        %parallel_loop3A_805 = tpu.vector_load %arg8[%parallel_loop3A_802, %parallel_loop3A_803, %parallel_loop3A_804] {strides = array<i32>} : memref<3x16x1024xf32, #tpu.memory_space<vmem>>, vector<1x1x16xf32>,
        %parallel_loop3A_806 = vector.shape_cast %parallel_loop3A_805 : vector<1x1x16xf32> to vector<16xf32>
        %parallel_loop3A_807 = vector.shape_cast %parallel_loop3A_801 : vector<16xf32> to vector<1x1x16xf32>
        tpu.vector_store %arg8[%parallel_loop3A_802, %parallel_loop3A_803, %parallel_loop3A_804], %parallel_loop3A_807 {add = true, strides = array<i32>} : memref<3x16x1024xf32, #tpu.memory_space<vmem>>, vector<1x1x16xf32>,
        %parallel_loop3A_808 = arith.index_cast %rem3A_266 : i32 to index
        %parallel_loop3A_809 = arith.index_cast %parallel_loop3A_323 : i32 to index
        %parallel_loop3A_810 = arith.constant 704 : index
        %parallel_loop3A_811 = tpu.vector_load %arg7[%parallel_loop3A_808, %parallel_loop3A_809, %parallel_loop3A_810] {strides = array<i32>} : memref<4x16x1024xf32, #tpu.memory_space<vmem>>, vector<1x1x16xf32>,
        %parallel_loop3A_812 = vector.shape_cast %parallel_loop3A_811 : vector<1x1x16xf32> to vector<16xf32>
        %parallel_loop3A_813 = arith.index_cast %rem3A_264 : i32 to index
        %parallel_loop3A_814 = arith.index_cast %parallel_loop3A_323 : i32 to index
        %parallel_loop3A_815 = arith.constant 704 : index
        %parallel_loop3A_816 = tpu.vector_load %arg8[%parallel_loop3A_813, %parallel_loop3A_814, %parallel_loop3A_815] {strides = array<i32>} : memref<3x16x1024xf32, #tpu.memory_space<vmem>>, vector<1x1x16xf32>,
        %parallel_loop3A_817 = vector.shape_cast %parallel_loop3A_816 : vector<1x1x16xf32> to vector<16xf32>
        %parallel_loop3A_818 = vector.shape_cast %parallel_loop3A_812 : vector<16xf32> to vector<1x1x16xf32>
        tpu.vector_store %arg8[%parallel_loop3A_813, %parallel_loop3A_814, %parallel_loop3A_815], %parallel_loop3A_818 {add = true, strides = array<i32>} : memref<3x16x1024xf32, #tpu.memory_space<vmem>>, vector<1x1x16xf32>,
        %parallel_loop3A_819 = arith.index_cast %rem3A_266 : i32 to index
        %parallel_loop3A_820 = arith.index_cast %parallel_loop3A_323 : i32 to index
        %parallel_loop3A_821 = arith.constant 720 : index
        %parallel_loop3A_822 = tpu.vector_load %arg7[%parallel_loop3A_819, %parallel_loop3A_820, %parallel_loop3A_821] {strides = array<i32>} : memref<4x16x1024xf32, #tpu.memory_space<vmem>>, vector<1x1x16xf32>,
        %parallel_loop3A_823 = vector.shape_cast %parallel_loop3A_822 : vector<1x1x16xf32> to vector<16xf32>
        %parallel_loop3A_824 = arith.index_cast %rem3A_264 : i32 to index
        %parallel_loop3A_825 = arith.index_cast %parallel_loop3A_323 : i32 to index
        %parallel_loop3A_826 = arith.constant 720 : index
        %parallel_loop3A_827 = tpu.vector_load %arg8[%parallel_loop3A_824, %parallel_loop3A_825, %parallel_loop3A_826] {strides = array<i32>} : memref<3x16x1024xf32, #tpu.memory_space<vmem>>, vector<1x1x16xf32>,
        %parallel_loop3A_828 = vector.shape_cast %parallel_loop3A_827 : vector<1x1x16xf32> to vector<16xf32>
        %parallel_loop3A_829 = vector.shape_cast %parallel_loop3A_823 : vector<16xf32> to vector<1x1x16xf32>
        tpu.vector_store %arg8[%parallel_loop3A_824, %parallel_loop3A_825, %parallel_loop3A_826], %parallel_loop3A_829 {add = true, strides = array<i32>} : memref<3x16x1024xf32, #tpu.memory_space<vmem>>, vector<1x1x16xf32>,
        %parallel_loop3A_830 = arith.index_cast %rem3A_266 : i32 to index
        %parallel_loop3A_831 = arith.index_cast %parallel_loop3A_323 : i32 to index
        %parallel_loop3A_832 = arith.constant 736 : index
        %parallel_loop3A_833 = tpu.vector_load %arg7[%parallel_loop3A_830, %parallel_loop3A_831, %parallel_loop3A_832] {strides = array<i32>} : memref<4x16x1024xf32, #tpu.memory_space<vmem>>, vector<1x1x16xf32>,
        %parallel_loop3A_834 = vector.shape_cast %parallel_loop3A_833 : vector<1x1x16xf32> to vector<16xf32>
        %parallel_loop3A_835 = arith.index_cast %rem3A_264 : i32 to index
        %parallel_loop3A_836 = arith.index_cast %parallel_loop3A_323 : i32 to index
        %parallel_loop3A_837 = arith.constant 736 : index
        %parallel_loop3A_838 = tpu.vector_load %arg8[%parallel_loop3A_835, %parallel_loop3A_836, %parallel_loop3A_837] {strides = array<i32>} : memref<3x16x1024xf32, #tpu.memory_space<vmem>>, vector<1x1x16xf32>,
        %parallel_loop3A_839 = vector.shape_cast %parallel_loop3A_838 : vector<1x1x16xf32> to vector<16xf32>
        %parallel_loop3A_840 = vector.shape_cast %parallel_loop3A_834 : vector<16xf32> to vector<1x1x16xf32>
        tpu.vector_store %arg8[%parallel_loop3A_835, %parallel_loop3A_836, %parallel_loop3A_837], %parallel_loop3A_840 {add = true, strides = array<i32>} : memref<3x16x1024xf32, #tpu.memory_space<vmem>>, vector<1x1x16xf32>,
        %parallel_loop3A_841 = arith.index_cast %rem3A_266 : i32 to index
        %parallel_loop3A_842 = arith.index_cast %parallel_loop3A_323 : i32 to index
        %parallel_loop3A_843 = arith.constant 752 : index
        %parallel_loop3A_844 = tpu.vector_load %arg7[%parallel_loop3A_841, %parallel_loop3A_842, %parallel_loop3A_843] {strides = array<i32>} : memref<4x16x1024xf32, #tpu.memory_space<vmem>>, vector<1x1x16xf32>,
        %parallel_loop3A_845 = vector.shape_cast %parallel_loop3A_844 : vector<1x1x16xf32> to vector<16xf32>
        %parallel_loop3A_846 = arith.index_cast %rem3A_264 : i32 to index
        %parallel_loop3A_847 = arith.index_cast %parallel_loop3A_323 : i32 to index
        %parallel_loop3A_848 = arith.constant 752 : index
        %parallel_loop3A_849 = tpu.vector_load %arg8[%parallel_loop3A_846, %parallel_loop3A_847, %parallel_loop3A_848] {strides = array<i32>} : memref<3x16x1024xf32, #tpu.memory_space<vmem>>, vector<1x1x16xf32>,
        %parallel_loop3A_850 = vector.shape_cast %parallel_loop3A_849 : vector<1x1x16xf32> to vector<16xf32>
        %parallel_loop3A_851 = vector.shape_cast %parallel_loop3A_845 : vector<16xf32> to vector<1x1x16xf32>
        tpu.vector_store %arg8[%parallel_loop3A_846, %parallel_loop3A_847, %parallel_loop3A_848], %parallel_loop3A_851 {add = true, strides = array<i32>} : memref<3x16x1024xf32, #tpu.memory_space<vmem>>, vector<1x1x16xf32>,
        %parallel_loop3A_852 = arith.index_cast %rem3A_266 : i32 to index
        %parallel_loop3A_853 = arith.index_cast %parallel_loop3A_323 : i32 to index
        %parallel_loop3A_854 = arith.constant 768 : index
        %parallel_loop3A_855 = tpu.vector_load %arg7[%parallel_loop3A_852, %parallel_loop3A_853, %parallel_loop3A_854] {strides = array<i32>} : memref<4x16x1024xf32, #tpu.memory_space<vmem>>, vector<1x1x16xf32>,
        %parallel_loop3A_856 = vector.shape_cast %parallel_loop3A_855 : vector<1x1x16xf32> to vector<16xf32>
        %parallel_loop3A_857 = arith.index_cast %rem3A_264 : i32 to index
        %parallel_loop3A_858 = arith.index_cast %parallel_loop3A_323 : i32 to index
        %parallel_loop3A_859 = arith.constant 768 : index
        %parallel_loop3A_860 = tpu.vector_load %arg8[%parallel_loop3A_857, %parallel_loop3A_858, %parallel_loop3A_859] {strides = array<i32>} : memref<3x16x1024xf32, #tpu.memory_space<vmem>>, vector<1x1x16xf32>,
        %parallel_loop3A_861 = vector.shape_cast %parallel_loop3A_860 : vector<1x1x16xf32> to vector<16xf32>
        %parallel_loop3A_862 = vector.shape_cast %parallel_loop3A_856 : vector<16xf32> to vector<1x1x16xf32>
        tpu.vector_store %arg8[%parallel_loop3A_857, %parallel_loop3A_858, %parallel_loop3A_859], %parallel_loop3A_862 {add = true, strides = array<i32>} : memref<3x16x1024xf32, #tpu.memory_space<vmem>>, vector<1x1x16xf32>,
        %parallel_loop3A_863 = arith.index_cast %rem3A_266 : i32 to index
        %parallel_loop3A_864 = arith.index_cast %parallel_loop3A_323 : i32 to index
        %parallel_loop3A_865 = arith.constant 784 : index
        %parallel_loop3A_866 = tpu.vector_load %arg7[%parallel_loop3A_863, %parallel_loop3A_864, %parallel_loop3A_865] {strides = array<i32>} : memref<4x16x1024xf32, #tpu.memory_space<vmem>>, vector<1x1x16xf32>,
        %parallel_loop3A_867 = vector.shape_cast %parallel_loop3A_866 : vector<1x1x16xf32> to vector<16xf32>
        %parallel_loop3A_868 = arith.index_cast %rem3A_264 : i32 to index
        %parallel_loop3A_869 = arith.index_cast %parallel_loop3A_323 : i32 to index
        %parallel_loop3A_870 = arith.constant 784 : index
        %parallel_loop3A_871 = tpu.vector_load %arg8[%parallel_loop3A_868, %parallel_loop3A_869, %parallel_loop3A_870] {strides = array<i32>} : memref<3x16x1024xf32, #tpu.memory_space<vmem>>, vector<1x1x16xf32>,
        %parallel_loop3A_872 = vector.shape_cast %parallel_loop3A_871 : vector<1x1x16xf32> to vector<16xf32>
        %parallel_loop3A_873 = vector.shape_cast %parallel_loop3A_867 : vector<16xf32> to vector<1x1x16xf32>
        tpu.vector_store %arg8[%parallel_loop3A_868, %parallel_loop3A_869, %parallel_loop3A_870], %parallel_loop3A_873 {add = true, strides = array<i32>} : memref<3x16x1024xf32, #tpu.memory_space<vmem>>, vector<1x1x16xf32>,
        %parallel_loop3A_874 = arith.index_cast %rem3A_266 : i32 to index
        %parallel_loop3A_875 = arith.index_cast %parallel_loop3A_323 : i32 to index
        %parallel_loop3A_876 = arith.constant 800 : index
        %parallel_loop3A_877 = tpu.vector_load %arg7[%parallel_loop3A_874, %parallel_loop3A_875, %parallel_loop3A_876] {strides = array<i32>} : memref<4x16x1024xf32, #tpu.memory_space<vmem>>, vector<1x1x16xf32>,
        %parallel_loop3A_878 = vector.shape_cast %parallel_loop3A_877 : vector<1x1x16xf32> to vector<16xf32>
        %parallel_loop3A_879 = arith.index_cast %rem3A_264 : i32 to index
        %parallel_loop3A_880 = arith.index_cast %parallel_loop3A_323 : i32 to index
        %parallel_loop3A_881 = arith.constant 800 : index
        %parallel_loop3A_882 = tpu.vector_load %arg8[%parallel_loop3A_879, %parallel_loop3A_880, %parallel_loop3A_881] {strides = array<i32>} : memref<3x16x1024xf32, #tpu.memory_space<vmem>>, vector<1x1x16xf32>,
        %parallel_loop3A_883 = vector.shape_cast %parallel_loop3A_882 : vector<1x1x16xf32> to vector<16xf32>
        %parallel_loop3A_884 = vector.shape_cast %parallel_loop3A_878 : vector<16xf32> to vector<1x1x16xf32>
        tpu.vector_store %arg8[%parallel_loop3A_879, %parallel_loop3A_880, %parallel_loop3A_881], %parallel_loop3A_884 {add = true, strides = array<i32>} : memref<3x16x1024xf32, #tpu.memory_space<vmem>>, vector<1x1x16xf32>,
        %parallel_loop3A_885 = arith.index_cast %rem3A_266 : i32 to index
        %parallel_loop3A_886 = arith.index_cast %parallel_loop3A_323 : i32 to index
        %parallel_loop3A_887 = arith.constant 816 : index
        %parallel_loop3A_888 = tpu.vector_load %arg7[%parallel_loop3A_885, %parallel_loop3A_886, %parallel_loop3A_887] {strides = array<i32>} : memref<4x16x1024xf32, #tpu.memory_space<vmem>>, vector<1x1x16xf32>,
        %parallel_loop3A_889 = vector.shape_cast %parallel_loop3A_888 : vector<1x1x16xf32> to vector<16xf32>
        %parallel_loop3A_890 = arith.index_cast %rem3A_264 : i32 to index
        %parallel_loop3A_891 = arith.index_cast %parallel_loop3A_323 : i32 to index
        %parallel_loop3A_892 = arith.constant 816 : index
        %parallel_loop3A_893 = tpu.vector_load %arg8[%parallel_loop3A_890, %parallel_loop3A_891, %parallel_loop3A_892] {strides = array<i32>} : memref<3x16x1024xf32, #tpu.memory_space<vmem>>, vector<1x1x16xf32>,
        %parallel_loop3A_894 = vector.shape_cast %parallel_loop3A_893 : vector<1x1x16xf32> to vector<16xf32>
        %parallel_loop3A_895 = vector.shape_cast %parallel_loop3A_889 : vector<16xf32> to vector<1x1x16xf32>
        tpu.vector_store %arg8[%parallel_loop3A_890, %parallel_loop3A_891, %parallel_loop3A_892], %parallel_loop3A_895 {add = true, strides = array<i32>} : memref<3x16x1024xf32, #tpu.memory_space<vmem>>, vector<1x1x16xf32>,
        %parallel_loop3A_896 = arith.index_cast %rem3A_266 : i32 to index
        %parallel_loop3A_897 = arith.index_cast %parallel_loop3A_323 : i32 to index
        %parallel_loop3A_898 = arith.constant 832 : index
        %parallel_loop3A_899 = tpu.vector_load %arg7[%parallel_loop3A_896, %parallel_loop3A_897, %parallel_loop3A_898] {strides = array<i32>} : memref<4x16x1024xf32, #tpu.memory_space<vmem>>, vector<1x1x16xf32>,
        %parallel_loop3A_900 = vector.shape_cast %parallel_loop3A_899 : vector<1x1x16xf32> to vector<16xf32>
        %parallel_loop3A_901 = arith.index_cast %rem3A_264 : i32 to index
        %parallel_loop3A_902 = arith.index_cast %parallel_loop3A_323 : i32 to index
        %parallel_loop3A_903 = arith.constant 832 : index
        %parallel_loop3A_904 = tpu.vector_load %arg8[%parallel_loop3A_901, %parallel_loop3A_902, %parallel_loop3A_903] {strides = array<i32>} : memref<3x16x1024xf32, #tpu.memory_space<vmem>>, vector<1x1x16xf32>,
        %parallel_loop3A_905 = vector.shape_cast %parallel_loop3A_904 : vector<1x1x16xf32> to vector<16xf32>
        %parallel_loop3A_906 = vector.shape_cast %parallel_loop3A_900 : vector<16xf32> to vector<1x1x16xf32>
        tpu.vector_store %arg8[%parallel_loop3A_901, %parallel_loop3A_902, %parallel_loop3A_903], %parallel_loop3A_906 {add = true, strides = array<i32>} : memref<3x16x1024xf32, #tpu.memory_space<vmem>>, vector<1x1x16xf32>,
        %parallel_loop3A_907 = arith.index_cast %rem3A_266 : i32 to index
        %parallel_loop3A_908 = arith.index_cast %parallel_loop3A_323 : i32 to index
        %parallel_loop3A_909 = arith.constant 848 : index
        %parallel_loop3A_910 = tpu.vector_load %arg7[%parallel_loop3A_907, %parallel_loop3A_908, %parallel_loop3A_909] {strides = array<i32>} : memref<4x16x1024xf32, #tpu.memory_space<vmem>>, vector<1x1x16xf32>,
        %parallel_loop3A_911 = vector.shape_cast %parallel_loop3A_910 : vector<1x1x16xf32> to vector<16xf32>
        %parallel_loop3A_912 = arith.index_cast %rem3A_264 : i32 to index
        %parallel_loop3A_913 = arith.index_cast %parallel_loop3A_323 : i32 to index
        %parallel_loop3A_914 = arith.constant 848 : index
        %parallel_loop3A_915 = tpu.vector_load %arg8[%parallel_loop3A_912, %parallel_loop3A_913, %parallel_loop3A_914] {strides = array<i32>} : memref<3x16x1024xf32, #tpu.memory_space<vmem>>, vector<1x1x16xf32>,
        %parallel_loop3A_916 = vector.shape_cast %parallel_loop3A_915 : vector<1x1x16xf32> to vector<16xf32>
        %parallel_loop3A_917 = vector.shape_cast %parallel_loop3A_911 : vector<16xf32> to vector<1x1x16xf32>
        tpu.vector_store %arg8[%parallel_loop3A_912, %parallel_loop3A_913, %parallel_loop3A_914], %parallel_loop3A_917 {add = true, strides = array<i32>} : memref<3x16x1024xf32, #tpu.memory_space<vmem>>, vector<1x1x16xf32>,
        %parallel_loop3A_918 = arith.index_cast %rem3A_266 : i32 to index
        %parallel_loop3A_919 = arith.index_cast %parallel_loop3A_323 : i32 to index
        %parallel_loop3A_920 = arith.constant 864 : index
        %parallel_loop3A_921 = tpu.vector_load %arg7[%parallel_loop3A_918, %parallel_loop3A_919, %parallel_loop3A_920] {strides = array<i32>} : memref<4x16x1024xf32, #tpu.memory_space<vmem>>, vector<1x1x16xf32>,
        %parallel_loop3A_922 = vector.shape_cast %parallel_loop3A_921 : vector<1x1x16xf32> to vector<16xf32>
        %parallel_loop3A_923 = arith.index_cast %rem3A_264 : i32 to index
        %parallel_loop3A_924 = arith.index_cast %parallel_loop3A_323 : i32 to index
        %parallel_loop3A_925 = arith.constant 864 : index
        %parallel_loop3A_926 = tpu.vector_load %arg8[%parallel_loop3A_923, %parallel_loop3A_924, %parallel_loop3A_925] {strides = array<i32>} : memref<3x16x1024xf32, #tpu.memory_space<vmem>>, vector<1x1x16xf32>,
        %parallel_loop3A_927 = vector.shape_cast %parallel_loop3A_926 : vector<1x1x16xf32> to vector<16xf32>
        %parallel_loop3A_928 = vector.shape_cast %parallel_loop3A_922 : vector<16xf32> to vector<1x1x16xf32>
        tpu.vector_store %arg8[%parallel_loop3A_923, %parallel_loop3A_924, %parallel_loop3A_925], %parallel_loop3A_928 {add = true, strides = array<i32>} : memref<3x16x1024xf32, #tpu.memory_space<vmem>>, vector<1x1x16xf32>,
        %parallel_loop3A_929 = arith.index_cast %rem3A_266 : i32 to index
        %parallel_loop3A_930 = arith.index_cast %parallel_loop3A_323 : i32 to index
        %parallel_loop3A_931 = arith.constant 880 : index
        %parallel_loop3A_932 = tpu.vector_load %arg7[%parallel_loop3A_929, %parallel_loop3A_930, %parallel_loop3A_931] {strides = array<i32>} : memref<4x16x1024xf32, #tpu.memory_space<vmem>>, vector<1x1x16xf32>,
        %parallel_loop3A_933 = vector.shape_cast %parallel_loop3A_932 : vector<1x1x16xf32> to vector<16xf32>
        %parallel_loop3A_934 = arith.index_cast %rem3A_264 : i32 to index
        %parallel_loop3A_935 = arith.index_cast %parallel_loop3A_323 : i32 to index
        %parallel_loop3A_936 = arith.constant 880 : index
        %parallel_loop3A_937 = tpu.vector_load %arg8[%parallel_loop3A_934, %parallel_loop3A_935, %parallel_loop3A_936] {strides = array<i32>} : memref<3x16x1024xf32, #tpu.memory_space<vmem>>, vector<1x1x16xf32>,
        %parallel_loop3A_938 = vector.shape_cast %parallel_loop3A_937 : vector<1x1x16xf32> to vector<16xf32>
        %parallel_loop3A_939 = vector.shape_cast %parallel_loop3A_933 : vector<16xf32> to vector<1x1x16xf32>
        tpu.vector_store %arg8[%parallel_loop3A_934, %parallel_loop3A_935, %parallel_loop3A_936], %parallel_loop3A_939 {add = true, strides = array<i32>} : memref<3x16x1024xf32, #tpu.memory_space<vmem>>, vector<1x1x16xf32>,
        %parallel_loop3A_940 = arith.index_cast %rem3A_266 : i32 to index
        %parallel_loop3A_941 = arith.index_cast %parallel_loop3A_323 : i32 to index
        %parallel_loop3A_942 = arith.constant 896 : index
        %parallel_loop3A_943 = tpu.vector_load %arg7[%parallel_loop3A_940, %parallel_loop3A_941, %parallel_loop3A_942] {strides = array<i32>} : memref<4x16x1024xf32, #tpu.memory_space<vmem>>, vector<1x1x16xf32>,
        %parallel_loop3A_944 = vector.shape_cast %parallel_loop3A_943 : vector<1x1x16xf32> to vector<16xf32>
        %parallel_loop3A_945 = arith.index_cast %rem3A_264 : i32 to index
        %parallel_loop3A_946 = arith.index_cast %parallel_loop3A_323 : i32 to index
        %parallel_loop3A_947 = arith.constant 896 : index
        %parallel_loop3A_948 = tpu.vector_load %arg8[%parallel_loop3A_945, %parallel_loop3A_946, %parallel_loop3A_947] {strides = array<i32>} : memref<3x16x1024xf32, #tpu.memory_space<vmem>>, vector<1x1x16xf32>,
        %parallel_loop3A_949 = vector.shape_cast %parallel_loop3A_948 : vector<1x1x16xf32> to vector<16xf32>
        %parallel_loop3A_950 = vector.shape_cast %parallel_loop3A_944 : vector<16xf32> to vector<1x1x16xf32>
        tpu.vector_store %arg8[%parallel_loop3A_945, %parallel_loop3A_946, %parallel_loop3A_947], %parallel_loop3A_950 {add = true, strides = array<i32>} : memref<3x16x1024xf32, #tpu.memory_space<vmem>>, vector<1x1x16xf32>,
        %parallel_loop3A_951 = arith.index_cast %rem3A_266 : i32 to index
        %parallel_loop3A_952 = arith.index_cast %parallel_loop3A_323 : i32 to index
        %parallel_loop3A_953 = arith.constant 912 : index
        %parallel_loop3A_954 = tpu.vector_load %arg7[%parallel_loop3A_951, %parallel_loop3A_952, %parallel_loop3A_953] {strides = array<i32>} : memref<4x16x1024xf32, #tpu.memory_space<vmem>>, vector<1x1x16xf32>,
        %parallel_loop3A_955 = vector.shape_cast %parallel_loop3A_954 : vector<1x1x16xf32> to vector<16xf32>
        %parallel_loop3A_956 = arith.index_cast %rem3A_264 : i32 to index
        %parallel_loop3A_957 = arith.index_cast %parallel_loop3A_323 : i32 to index
        %parallel_loop3A_958 = arith.constant 912 : index
        %parallel_loop3A_959 = tpu.vector_load %arg8[%parallel_loop3A_956, %parallel_loop3A_957, %parallel_loop3A_958] {strides = array<i32>} : memref<3x16x1024xf32, #tpu.memory_space<vmem>>, vector<1x1x16xf32>,
        %parallel_loop3A_960 = vector.shape_cast %parallel_loop3A_959 : vector<1x1x16xf32> to vector<16xf32>
        %parallel_loop3A_961 = vector.shape_cast %parallel_loop3A_955 : vector<16xf32> to vector<1x1x16xf32>
        tpu.vector_store %arg8[%parallel_loop3A_956, %parallel_loop3A_957, %parallel_loop3A_958], %parallel_loop3A_961 {add = true, strides = array<i32>} : memref<3x16x1024xf32, #tpu.memory_space<vmem>>, vector<1x1x16xf32>,
        %parallel_loop3A_962 = arith.index_cast %rem3A_266 : i32 to index
        %parallel_loop3A_963 = arith.index_cast %parallel_loop3A_323 : i32 to index
        %parallel_loop3A_964 = arith.constant 928 : index
        %parallel_loop3A_965 = tpu.vector_load %arg7[%parallel_loop3A_962, %parallel_loop3A_963, %parallel_loop3A_964] {strides = array<i32>} : memref<4x16x1024xf32, #tpu.memory_space<vmem>>, vector<1x1x16xf32>,
        %parallel_loop3A_966 = vector.shape_cast %parallel_loop3A_965 : vector<1x1x16xf32> to vector<16xf32>
        %parallel_loop3A_967 = arith.index_cast %rem3A_264 : i32 to index
        %parallel_loop3A_968 = arith.index_cast %parallel_loop3A_323 : i32 to index
        %parallel_loop3A_969 = arith.constant 928 : index
        %parallel_loop3A_970 = tpu.vector_load %arg8[%parallel_loop3A_967, %parallel_loop3A_968, %parallel_loop3A_969] {strides = array<i32>} : memref<3x16x1024xf32, #tpu.memory_space<vmem>>, vector<1x1x16xf32>,
        %parallel_loop3A_971 = vector.shape_cast %parallel_loop3A_970 : vector<1x1x16xf32> to vector<16xf32>
        %parallel_loop3A_972 = vector.shape_cast %parallel_loop3A_966 : vector<16xf32> to vector<1x1x16xf32>
        tpu.vector_store %arg8[%parallel_loop3A_967, %parallel_loop3A_968, %parallel_loop3A_969], %parallel_loop3A_972 {add = true, strides = array<i32>} : memref<3x16x1024xf32, #tpu.memory_space<vmem>>, vector<1x1x16xf32>,
        %parallel_loop3A_973 = arith.index_cast %rem3A_266 : i32 to index
        %parallel_loop3A_974 = arith.index_cast %parallel_loop3A_323 : i32 to index
        %parallel_loop3A_975 = arith.constant 944 : index
        %parallel_loop3A_976 = tpu.vector_load %arg7[%parallel_loop3A_973, %parallel_loop3A_974, %parallel_loop3A_975] {strides = array<i32>} : memref<4x16x1024xf32, #tpu.memory_space<vmem>>, vector<1x1x16xf32>,
        %parallel_loop3A_977 = vector.shape_cast %parallel_loop3A_976 : vector<1x1x16xf32> to vector<16xf32>
        %parallel_loop3A_978 = arith.index_cast %rem3A_264 : i32 to index
        %parallel_loop3A_979 = arith.index_cast %parallel_loop3A_323 : i32 to index
        %parallel_loop3A_980 = arith.constant 944 : index
        %parallel_loop3A_981 = tpu.vector_load %arg8[%parallel_loop3A_978, %parallel_loop3A_979, %parallel_loop3A_980] {strides = array<i32>} : memref<3x16x1024xf32, #tpu.memory_space<vmem>>, vector<1x1x16xf32>,
        %parallel_loop3A_982 = vector.shape_cast %parallel_loop3A_981 : vector<1x1x16xf32> to vector<16xf32>
        %parallel_loop3A_983 = vector.shape_cast %parallel_loop3A_977 : vector<16xf32> to vector<1x1x16xf32>
        tpu.vector_store %arg8[%parallel_loop3A_978, %parallel_loop3A_979, %parallel_loop3A_980], %parallel_loop3A_983 {add = true, strides = array<i32>} : memref<3x16x1024xf32, #tpu.memory_space<vmem>>, vector<1x1x16xf32>,
        %parallel_loop3A_984 = arith.index_cast %rem3A_266 : i32 to index
        %parallel_loop3A_985 = arith.index_cast %parallel_loop3A_323 : i32 to index
        %parallel_loop3A_986 = arith.constant 960 : index
        %parallel_loop3A_987 = tpu.vector_load %arg7[%parallel_loop3A_984, %parallel_loop3A_985, %parallel_loop3A_986] {strides = array<i32>} : memref<4x16x1024xf32, #tpu.memory_space<vmem>>, vector<1x1x16xf32>,
        %parallel_loop3A_988 = vector.shape_cast %parallel_loop3A_987 : vector<1x1x16xf32> to vector<16xf32>
        %parallel_loop3A_989 = arith.index_cast %rem3A_264 : i32 to index
        %parallel_loop3A_990 = arith.index_cast %parallel_loop3A_323 : i32 to index
        %parallel_loop3A_991 = arith.constant 960 : index
        %parallel_loop3A_992 = tpu.vector_load %arg8[%parallel_loop3A_989, %parallel_loop3A_990, %parallel_loop3A_991] {strides = array<i32>} : memref<3x16x1024xf32, #tpu.memory_space<vmem>>, vector<1x1x16xf32>,
        %parallel_loop3A_993 = vector.shape_cast %parallel_loop3A_992 : vector<1x1x16xf32> to vector<16xf32>
        %parallel_loop3A_994 = vector.shape_cast %parallel_loop3A_988 : vector<16xf32> to vector<1x1x16xf32>
        tpu.vector_store %arg8[%parallel_loop3A_989, %parallel_loop3A_990, %parallel_loop3A_991], %parallel_loop3A_994 {add = true, strides = array<i32>} : memref<3x16x1024xf32, #tpu.memory_space<vmem>>, vector<1x1x16xf32>,
        %parallel_loop3A_995 = arith.index_cast %rem3A_266 : i32 to index
        %parallel_loop3A_996 = arith.index_cast %parallel_loop3A_323 : i32 to index
        %parallel_loop3A_997 = arith.constant 976 : index
        %parallel_loop3A_998 = tpu.vector_load %arg7[%parallel_loop3A_995, %parallel_loop3A_996, %parallel_loop3A_997] {strides = array<i32>} : memref<4x16x1024xf32, #tpu.memory_space<vmem>>, vector<1x1x16xf32>,
        %parallel_loop3A_999 = vector.shape_cast %parallel_loop3A_998 : vector<1x1x16xf32> to vector<16xf32>
        %parallel_loop3A_1000 = arith.index_cast %rem3A_264 : i32 to index
        %parallel_loop3A_1001 = arith.index_cast %parallel_loop3A_323 : i32 to index
        %parallel_loop3A_1002 = arith.constant 976 : index
        %parallel_loop3A_1003 = tpu.vector_load %arg8[%parallel_loop3A_1000, %parallel_loop3A_1001, %parallel_loop3A_1002] {strides = array<i32>} : memref<3x16x1024xf32, #tpu.memory_space<vmem>>, vector<1x1x16xf32>,
        %parallel_loop3A_1004 = vector.shape_cast %parallel_loop3A_1003 : vector<1x1x16xf32> to vector<16xf32>
        %parallel_loop3A_1005 = vector.shape_cast %parallel_loop3A_999 : vector<16xf32> to vector<1x1x16xf32>
        tpu.vector_store %arg8[%parallel_loop3A_1000, %parallel_loop3A_1001, %parallel_loop3A_1002], %parallel_loop3A_1005 {add = true, strides = array<i32>} : memref<3x16x1024xf32, #tpu.memory_space<vmem>>, vector<1x1x16xf32>,
        %parallel_loop3A_1006 = arith.index_cast %rem3A_266 : i32 to index
        %parallel_loop3A_1007 = arith.index_cast %parallel_loop3A_323 : i32 to index
        %parallel_loop3A_1008 = arith.constant 992 : index
        %parallel_loop3A_1009 = tpu.vector_load %arg7[%parallel_loop3A_1006, %parallel_loop3A_1007, %parallel_loop3A_1008] {strides = array<i32>} : memref<4x16x1024xf32, #tpu.memory_space<vmem>>, vector<1x1x16xf32>,
        %parallel_loop3A_1010 = vector.shape_cast %parallel_loop3A_1009 : vector<1x1x16xf32> to vector<16xf32>
        %parallel_loop3A_1011 = arith.index_cast %rem3A_264 : i32 to index
        %parallel_loop3A_1012 = arith.index_cast %parallel_loop3A_323 : i32 to index
        %parallel_loop3A_1013 = arith.constant 992 : index
        %parallel_loop3A_1014 = tpu.vector_load %arg8[%parallel_loop3A_1011, %parallel_loop3A_1012, %parallel_loop3A_1013] {strides = array<i32>} : memref<3x16x1024xf32, #tpu.memory_space<vmem>>, vector<1x1x16xf32>,
        %parallel_loop3A_1015 = vector.shape_cast %parallel_loop3A_1014 : vector<1x1x16xf32> to vector<16xf32>
        %parallel_loop3A_1016 = vector.shape_cast %parallel_loop3A_1010 : vector<16xf32> to vector<1x1x16xf32>
        tpu.vector_store %arg8[%parallel_loop3A_1011, %parallel_loop3A_1012, %parallel_loop3A_1013], %parallel_loop3A_1016 {add = true, strides = array<i32>} : memref<3x16x1024xf32, #tpu.memory_space<vmem>>, vector<1x1x16xf32>,
        %parallel_loop3A_1017 = arith.index_cast %rem3A_266 : i32 to index
        %parallel_loop3A_1018 = arith.index_cast %parallel_loop3A_323 : i32 to index
        %parallel_loop3A_1019 = arith.constant 1008 : index
        %parallel_loop3A_1020 = tpu.vector_load %arg7[%parallel_loop3A_1017, %parallel_loop3A_1018, %parallel_loop3A_1019] {strides = array<i32>} : memref<4x16x1024xf32, #tpu.memory_space<vmem>>, vector<1x1x16xf32>,
        %parallel_loop3A_1021 = vector.shape_cast %parallel_loop3A_1020 : vector<1x1x16xf32> to vector<16xf32>
        %parallel_loop3A_1022 = arith.index_cast %rem3A_264 : i32 to index
        %parallel_loop3A_1023 = arith.index_cast %parallel_loop3A_323 : i32 to index
        %parallel_loop3A_1024 = arith.constant 1008 : index
        %parallel_loop3A_1025 = tpu.vector_load %arg8[%parallel_loop3A_1022, %parallel_loop3A_1023, %parallel_loop3A_1024] {strides = array<i32>} : memref<3x16x1024xf32, #tpu.memory_space<vmem>>, vector<1x1x16xf32>,
        %parallel_loop3A_1026 = vector.shape_cast %parallel_loop3A_1025 : vector<1x1x16xf32> to vector<16xf32>
        %parallel_loop3A_1027 = vector.shape_cast %parallel_loop3A_1021 : vector<16xf32> to vector<1x1x16xf32>
        tpu.vector_store %arg8[%parallel_loop3A_1022, %parallel_loop3A_1023, %parallel_loop3A_1024], %parallel_loop3A_1027 {add = true, strides = array<i32>} : memref<3x16x1024xf32, #tpu.memory_space<vmem>>, vector<1x1x16xf32>,
      } {sc.loop_unroll_factor = 1 : i64, sc.parallel_access}
      %jit3A = arith.constant 4 : i32
      %div3A = arith.divsi %sub3A_262, %jit3A : i32
      %sign3A = arith.constant 0 : i32
      %sign3A_286 = arith.cmpi sgt, %sub3A_262, %sign3A : i32
      %sign3A_287 = arith.extui %sign3A_286 : i1 to i32
      %sign3A_288 = arith.constant 0 : i32
      %sign3A_289 = arith.cmpi slt, %sub3A_262, %sign3A_288 : i32
      %sign3A_290 = arith.extui %sign3A_289 : i1 to i32
      %sign3A_291 = arith.subi %sign3A_287, %sign3A_290 : i32
      %sign3A_292 = arith.constant 0 : i32
      %sign3A_293 = arith.cmpi sgt, %jit3A, %sign3A_292 : i32
      %sign3A_294 = arith.extui %sign3A_293 : i1 to i32
      %sign3A_295 = arith.constant 0 : i32
      %sign3A_296 = arith.cmpi slt, %jit3A, %sign3A_295 : i32
      %sign3A_297 = arith.extui %sign3A_296 : i1 to i32
      %sign3A_298 = arith.subi %sign3A_294, %sign3A_297 : i32
      %ne3A = arith.cmpi ne, %sign3A_291, %sign3A_298 : i32
      %rem3A_299 = arith.remsi %sub3A_262, %jit3A : i32
      %ne3A_300 = arith.constant 0 : i32
      %ne3A_301 = arith.cmpi ne, %rem3A_299, %ne3A_300 : i32
      %and3A = arith.andi %ne3A, %ne3A_301 : i1
      %sub3A_302 = arith.constant 1 : i32
      %sub3A_303 = arith.subi %div3A, %sub3A_302 : i32
      %select_n3A = arith.select %and3A, %sub3A_303, %div3A : i32
      %mul3A_304 = arith.constant 16 : i32
      %mul3A_305 = arith.muli %rem3A_266, %mul3A_304 : i32
      %add3A_306 = arith.addi %mul3A_2, %mul3A_305 : i32
      %dma_start3A_307 = arith.constant 0 : i32
      %dma_start3A_308 = arith.constant 0 : i32
      %dma_start3A_309 = tpu.memref_slice %arg8[%rem3A_264, %dma_start3A_307, %dma_start3A_308] : memref<3x16x1024xf32, #tpu.memory_space<vmem>> -> memref<1x16x1024xf32, #tpu.memory_space<vmem>>
      %dma_start3A_310 = tpu.memref_squeeze %dma_start3A_309 : memref<1x16x1024xf32, #tpu.memory_space<vmem>> -> memref<16x1024xf32, #tpu.memory_space<vmem>>
      %dma_start3A_311 = arith.constant 0 : i32
      %dma_start3A_312 = tpu.memref_slice %arg5[%select_n3A, %add3A_306, %dma_start3A_311] : memref<4x2048x1024xf32, #tpu.memory_space<hbm>> -> memref<1x16x1024xf32, #tpu.memory_space<hbm>>
      %dma_start3A_313 = tpu.memref_squeeze %dma_start3A_312 : memref<1x16x1024xf32, #tpu.memory_space<hbm>> -> memref<16x1024xf32, #tpu.memory_space<hbm>>
      %dma_start3A_314 = tpu.memref_slice %arg11[%rem3A_264] : memref<3x!tpu.dma_semaphore, #tpu.memory_space<semaphore_mem>> -> memref<1x!tpu.dma_semaphore, #tpu.memory_space<semaphore_mem>>
      %dma_start3A_315 = tpu.memref_squeeze %dma_start3A_314 : memref<1x!tpu.dma_semaphore, #tpu.memory_space<semaphore_mem>> -> memref<!tpu.dma_semaphore, #tpu.memory_space<semaphore_mem>>
      %dma_start3A_316 = arith.constant 0 : i32
      %dma_start3A_317 = tpu.memref_slice %arg5[%select_n3A, %add3A_306, %dma_start3A_316] : memref<4x2048x1024xf32, #tpu.memory_space<hbm>> -> memref<1x16x1024xf32, #tpu.memory_space<hbm>>
      %dma_start3A_318 = tpu.memref_squeeze %dma_start3A_317 : memref<1x16x1024xf32, #tpu.memory_space<hbm>> -> memref<16x1024xf32, #tpu.memory_space<hbm>>
      %dma_start3A_319 = arith.constant 0 : i32
      %dma_start3A_320 = arith.constant 0 : i32
      %dma_start3A_321 = tpu.memref_slice %arg8[%rem3A_264, %dma_start3A_319, %dma_start3A_320] : memref<3x16x1024xf32, #tpu.memory_space<vmem>> -> memref<1x16x1024xf32, #tpu.memory_space<vmem>>
      %dma_start3A_322 = tpu.memref_squeeze %dma_start3A_321 : memref<1x16x1024xf32, #tpu.memory_space<vmem>> -> memref<16x1024xf32, #tpu.memory_space<vmem>>
      tpu.enqueue_dma source(%dma_start3A_322 : memref<16x1024xf32, #tpu.memory_space<vmem>>) target(%dma_start3A_318 : memref<16x1024xf32, #tpu.memory_space<hbm>>) target_semaphore(%dma_start3A_315 : memref<!tpu.dma_semaphore, #tpu.memory_space<semaphore_mem>>)
    }
    %scan3A_132 = arith.constant 15 : i32
    %rem3A_133 = arith.constant 15 : i32
    %rem3A_134 = arith.constant 3 : i32
    %rem3A_135 = arith.remsi %rem3A_133, %rem3A_134 : i32
    %rem3A_136 = arith.constant 15 : i32
    %rem3A_137 = arith.constant 4 : i32
    %rem3A_138 = arith.remsi %rem3A_136, %rem3A_137 : i32
    %dma_wait3A_139 = arith.constant 0 : i32
    %dma_wait3A_140 = arith.constant 0 : i32
    %dma_wait3A_141 = tpu.memref_slice %arg8[%rem3A_135, %dma_wait3A_139, %dma_wait3A_140] : memref<3x16x1024xf32, #tpu.memory_space<vmem>> -> memref<1x16x1024xf32, #tpu.memory_space<vmem>>
    %dma_wait3A_142 = tpu.memref_squeeze %dma_wait3A_141 : memref<1x16x1024xf32, #tpu.memory_space<vmem>> -> memref<16x1024xf32, #tpu.memory_space<vmem>>
    %dma_wait3A_143 = arith.constant 0 : i32
    %dma_wait3A_144 = arith.constant 0 : i32
    %dma_wait3A_145 = tpu.memref_slice %arg3[%dma_wait3A_143, %dma_wait3A_144] : memref<50257x1024xf32, #tpu.memory_space<hbm>> -> memref<16x1024xf32, #tpu.memory_space<hbm>>
    %dma_wait3A_146 = tpu.memref_slice %arg9[%rem3A_135] : memref<3x!tpu.dma_semaphore, #tpu.memory_space<semaphore_mem>> -> memref<1x!tpu.dma_semaphore, #tpu.memory_space<semaphore_mem>>
    %dma_wait3A_147 = tpu.memref_squeeze %dma_wait3A_146 : memref<1x!tpu.dma_semaphore, #tpu.memory_space<semaphore_mem>> -> memref<!tpu.dma_semaphore, #tpu.memory_space<semaphore_mem>>
    %dma_wait3A_148 = arith.constant 0 : i32
    %dma_wait3A_149 = arith.constant 0 : i32
    %dma_wait3A_150 = tpu.memref_slice %arg8[%rem3A_135, %dma_wait3A_148, %dma_wait3A_149] : memref<3x16x1024xf32, #tpu.memory_space<vmem>> -> memref<1x16x1024xf32, #tpu.memory_space<vmem>>
    %dma_wait3A_151 = tpu.memref_squeeze %dma_wait3A_150 : memref<1x16x1024xf32, #tpu.memory_space<vmem>> -> memref<16x1024xf32, #tpu.memory_space<vmem>>
    %dma_wait3A_152 = arith.constant 0 : i32
    %dma_wait3A_153 = arith.constant 0 : i32
    %dma_wait3A_154 = tpu.memref_slice %arg3[%dma_wait3A_152, %dma_wait3A_153] : memref<50257x1024xf32, #tpu.memory_space<hbm>> -> memref<16x1024xf32, #tpu.memory_space<hbm>>
    tpu.wait_dma2 semaphore(%dma_wait3A_147 : memref<!tpu.dma_semaphore, #tpu.memory_space<semaphore_mem>>) src(%dma_wait3A_154 : memref<16x1024xf32, #tpu.memory_space<hbm>>) dst(%dma_wait3A_151 : memref<16x1024xf32, #tpu.memory_space<vmem>>)
    %parallel_loop3A = arith.constant 0 : i32
    %parallel_loop3A_155 = arith.constant 16 : i32
    %parallel_loop3A_156 = arith.constant 1 : i32
    scf.for %parallel_loop3A_243 = %parallel_loop3A to %parallel_loop3A_155 step %parallel_loop3A_156  : i32 {
      %parallel_loop3A_244 = arith.index_cast %rem3A_138 : i32 to index
      %parallel_loop3A_245 = arith.index_cast %parallel_loop3A_243 : i32 to index
      %parallel_loop3A_246 = arith.constant 0 : index
      %parallel_loop3A_247 = tpu.vector_load %arg7[%parallel_loop3A_244, %parallel_loop3A_245, %parallel_loop3A_246] {strides = array<i32>} : memref<4x16x1024xf32, #tpu.memory_space<vmem>>, vector<1x1x16xf32>,
      %parallel_loop3A_248 = vector.shape_cast %parallel_loop3A_247 : vector<1x1x16xf32> to vector<16xf32>
      %parallel_loop3A_249 = arith.index_cast %rem3A_135 : i32 to index
      %parallel_loop3A_250 = arith.index_cast %parallel_loop3A_243 : i32 to index
      %parallel_loop3A_251 = arith.constant 0 : index
      %parallel_loop3A_252 = tpu.vector_load %arg8[%parallel_loop3A_249, %parallel_loop3A_250, %parallel_loop3A_251] {strides = array<i32>} : memref<3x16x1024xf32, #tpu.memory_space<vmem>>, vector<1x1x16xf32>,
      %parallel_loop3A_253 = vector.shape_cast %parallel_loop3A_252 : vector<1x1x16xf32> to vector<16xf32>
      %parallel_loop3A_254 = vector.shape_cast %parallel_loop3A_248 : vector<16xf32> to vector<1x1x16xf32>
      tpu.vector_store %arg8[%parallel_loop3A_249, %parallel_loop3A_250, %parallel_loop3A_251], %parallel_loop3A_254 {add = true, strides = array<i32>} : memref<3x16x1024xf32, #tpu.memory_space<vmem>>, vector<1x1x16xf32>,
      %parallel_loop3A_255 = arith.index_cast %rem3A_138 : i32 to index
      %parallel_loop3A_256 = arith.index_cast %parallel_loop3A_243 : i32 to index
      %parallel_loop3A_257 = arith.constant 16 : index
      %parallel_loop3A_258 = tpu.vector_load %arg7[%parallel_loop3A_255, %parallel_loop3A_256, %parallel_loop3A_257] {strides = array<i32>} : memref<4x16x1024xf32, #tpu.memory_space<vmem>>, vector<1x1x16xf32>,
      %parallel_loop3A_259 = vector.shape_cast %parallel_loop3A_258 : vector<1x1x16xf32> to vector<16xf32>
      %parallel_loop3A_260 = arith.index_cast %rem3A_135 : i32 to index
      %parallel_loop3A_261 = arith.index_cast %parallel_loop3A_243 : i32 to index
      %parallel_loop3A_262 = arith.constant 16 : index
      %parallel_loop3A_263 = tpu.vector_load %arg8[%parallel_loop3A_260, %parallel_loop3A_261, %parallel_loop3A_262] {strides = array<i32>} : memref<3x16x1024xf32, #tpu.memory_space<vmem>>, vector<1x1x16xf32>,
      %parallel_loop3A_264 = vector.shape_cast %parallel_loop3A_263 : vector<1x1x16xf32> to vector<16xf32>
      %parallel_loop3A_265 = vector.shape_cast %parallel_loop3A_259 : vector<16xf32> to vector<1x1x16xf32>
      tpu.vector_store %arg8[%parallel_loop3A_260, %parallel_loop3A_261, %parallel_loop3A_262], %parallel_loop3A_265 {add = true, strides = array<i32>} : memref<3x16x1024xf32, #tpu.memory_space<vmem>>, vector<1x1x16xf32>,
      %parallel_loop3A_266 = arith.index_cast %rem3A_138 : i32 to index
      %parallel_loop3A_267 = arith.index_cast %parallel_loop3A_243 : i32 to index
      %parallel_loop3A_268 = arith.constant 32 : index
      %parallel_loop3A_269 = tpu.vector_load %arg7[%parallel_loop3A_266, %parallel_loop3A_267, %parallel_loop3A_268] {strides = array<i32>} : memref<4x16x1024xf32, #tpu.memory_space<vmem>>, vector<1x1x16xf32>,
      %parallel_loop3A_270 = vector.shape_cast %parallel_loop3A_269 : vector<1x1x16xf32> to vector<16xf32>
      %parallel_loop3A_271 = arith.index_cast %rem3A_135 : i32 to index
      %parallel_loop3A_272 = arith.index_cast %parallel_loop3A_243 : i32 to index
      %parallel_loop3A_273 = arith.constant 32 : index
      %parallel_loop3A_274 = tpu.vector_load %arg8[%parallel_loop3A_271, %parallel_loop3A_272, %parallel_loop3A_273] {strides = array<i32>} : memref<3x16x1024xf32, #tpu.memory_space<vmem>>, vector<1x1x16xf32>,
      %parallel_loop3A_275 = vector.shape_cast %parallel_loop3A_274 : vector<1x1x16xf32> to vector<16xf32>
      %parallel_loop3A_276 = vector.shape_cast %parallel_loop3A_270 : vector<16xf32> to vector<1x1x16xf32>
      tpu.vector_store %arg8[%parallel_loop3A_271, %parallel_loop3A_272, %parallel_loop3A_273], %parallel_loop3A_276 {add = true, strides = array<i32>} : memref<3x16x1024xf32, #tpu.memory_space<vmem>>, vector<1x1x16xf32>,
      %parallel_loop3A_277 = arith.index_cast %rem3A_138 : i32 to index
      %parallel_loop3A_278 = arith.index_cast %parallel_loop3A_243 : i32 to index
      %parallel_loop3A_279 = arith.constant 48 : index
      %parallel_loop3A_280 = tpu.vector_load %arg7[%parallel_loop3A_277, %parallel_loop3A_278, %parallel_loop3A_279] {strides = array<i32>} : memref<4x16x1024xf32, #tpu.memory_space<vmem>>, vector<1x1x16xf32>,
      %parallel_loop3A_281 = vector.shape_cast %parallel_loop3A_280 : vector<1x1x16xf32> to vector<16xf32>
      %parallel_loop3A_282 = arith.index_cast %rem3A_135 : i32 to index
      %parallel_loop3A_283 = arith.index_cast %parallel_loop3A_243 : i32 to index
      %parallel_loop3A_284 = arith.constant 48 : index
      %parallel_loop3A_285 = tpu.vector_load %arg8[%parallel_loop3A_282, %parallel_loop3A_283, %parallel_loop3A_284] {strides = array<i32>} : memref<3x16x1024xf32, #tpu.memory_space<vmem>>, vector<1x1x16xf32>,
      %parallel_loop3A_286 = vector.shape_cast %parallel_loop3A_285 : vector<1x1x16xf32> to vector<16xf32>
      %parallel_loop3A_287 = vector.shape_cast %parallel_loop3A_281 : vector<16xf32> to vector<1x1x16xf32>
      tpu.vector_store %arg8[%parallel_loop3A_282, %parallel_loop3A_283, %parallel_loop3A_284], %parallel_loop3A_287 {add = true, strides = array<i32>} : memref<3x16x1024xf32, #tpu.memory_space<vmem>>, vector<1x1x16xf32>,
      %parallel_loop3A_288 = arith.index_cast %rem3A_138 : i32 to index
      %parallel_loop3A_289 = arith.index_cast %parallel_loop3A_243 : i32 to index
      %parallel_loop3A_290 = arith.constant 64 : index
      %parallel_loop3A_291 = tpu.vector_load %arg7[%parallel_loop3A_288, %parallel_loop3A_289, %parallel_loop3A_290] {strides = array<i32>} : memref<4x16x1024xf32, #tpu.memory_space<vmem>>, vector<1x1x16xf32>,
      %parallel_loop3A_292 = vector.shape_cast %parallel_loop3A_291 : vector<1x1x16xf32> to vector<16xf32>
      %parallel_loop3A_293 = arith.index_cast %rem3A_135 : i32 to index
      %parallel_loop3A_294 = arith.index_cast %parallel_loop3A_243 : i32 to index
      %parallel_loop3A_295 = arith.constant 64 : index
      %parallel_loop3A_296 = tpu.vector_load %arg8[%parallel_loop3A_293, %parallel_loop3A_294, %parallel_loop3A_295] {strides = array<i32>} : memref<3x16x1024xf32, #tpu.memory_space<vmem>>, vector<1x1x16xf32>,
      %parallel_loop3A_297 = vector.shape_cast %parallel_loop3A_296 : vector<1x1x16xf32> to vector<16xf32>
      %parallel_loop3A_298 = vector.shape_cast %parallel_loop3A_292 : vector<16xf32> to vector<1x1x16xf32>
      tpu.vector_store %arg8[%parallel_loop3A_293, %parallel_loop3A_294, %parallel_loop3A_295], %parallel_loop3A_298 {add = true, strides = array<i32>} : memref<3x16x1024xf32, #tpu.memory_space<vmem>>, vector<1x1x16xf32>,
      %parallel_loop3A_299 = arith.index_cast %rem3A_138 : i32 to index
      %parallel_loop3A_300 = arith.index_cast %parallel_loop3A_243 : i32 to index
      %parallel_loop3A_301 = arith.constant 80 : index
      %parallel_loop3A_302 = tpu.vector_load %arg7[%parallel_loop3A_299, %parallel_loop3A_300, %parallel_loop3A_301] {strides = array<i32>} : memref<4x16x1024xf32, #tpu.memory_space<vmem>>, vector<1x1x16xf32>,
      %parallel_loop3A_303 = vector.shape_cast %parallel_loop3A_302 : vector<1x1x16xf32> to vector<16xf32>
      %parallel_loop3A_304 = arith.index_cast %rem3A_135 : i32 to index
      %parallel_loop3A_305 = arith.index_cast %parallel_loop3A_243 : i32 to index
      %parallel_loop3A_306 = arith.constant 80 : index
      %parallel_loop3A_307 = tpu.vector_load %arg8[%parallel_loop3A_304, %parallel_loop3A_305, %parallel_loop3A_306] {strides = array<i32>} : memref<3x16x1024xf32, #tpu.memory_space<vmem>>, vector<1x1x16xf32>,
      %parallel_loop3A_308 = vector.shape_cast %parallel_loop3A_307 : vector<1x1x16xf32> to vector<16xf32>
      %parallel_loop3A_309 = vector.shape_cast %parallel_loop3A_303 : vector<16xf32> to vector<1x1x16xf32>
      tpu.vector_store %arg8[%parallel_loop3A_304, %parallel_loop3A_305, %parallel_loop3A_306], %parallel_loop3A_309 {add = true, strides = array<i32>} : memref<3x16x1024xf32, #tpu.memory_space<vmem>>, vector<1x1x16xf32>,
      %parallel_loop3A_310 = arith.index_cast %rem3A_138 : i32 to index
      %parallel_loop3A_311 = arith.index_cast %parallel_loop3A_243 : i32 to index
      %parallel_loop3A_312 = arith.constant 96 : index
      %parallel_loop3A_313 = tpu.vector_load %arg7[%parallel_loop3A_310, %parallel_loop3A_311, %parallel_loop3A_312] {strides = array<i32>} : memref<4x16x1024xf32, #tpu.memory_space<vmem>>, vector<1x1x16xf32>,
      %parallel_loop3A_314 = vector.shape_cast %parallel_loop3A_313 : vector<1x1x16xf32> to vector<16xf32>
      %parallel_loop3A_315 = arith.index_cast %rem3A_135 : i32 to index
      %parallel_loop3A_316 = arith.index_cast %parallel_loop3A_243 : i32 to index
      %parallel_loop3A_317 = arith.constant 96 : index
      %parallel_loop3A_318 = tpu.vector_load %arg8[%parallel_loop3A_315, %parallel_loop3A_316, %parallel_loop3A_317] {strides = array<i32>} : memref<3x16x1024xf32, #tpu.memory_space<vmem>>, vector<1x1x16xf32>,
      %parallel_loop3A_319 = vector.shape_cast %parallel_loop3A_318 : vector<1x1x16xf32> to vector<16xf32>
      %parallel_loop3A_320 = vector.shape_cast %parallel_loop3A_314 : vector<16xf32> to vector<1x1x16xf32>
      tpu.vector_store %arg8[%parallel_loop3A_315, %parallel_loop3A_316, %parallel_loop3A_317], %parallel_loop3A_320 {add = true, strides = array<i32>} : memref<3x16x1024xf32, #tpu.memory_space<vmem>>, vector<1x1x16xf32>,
      %parallel_loop3A_321 = arith.index_cast %rem3A_138 : i32 to index
      %parallel_loop3A_322 = arith.index_cast %parallel_loop3A_243 : i32 to index
      %parallel_loop3A_323 = arith.constant 112 : index
      %parallel_loop3A_324 = tpu.vector_load %arg7[%parallel_loop3A_321, %parallel_loop3A_322, %parallel_loop3A_323] {strides = array<i32>} : memref<4x16x1024xf32, #tpu.memory_space<vmem>>, vector<1x1x16xf32>,
      %parallel_loop3A_325 = vector.shape_cast %parallel_loop3A_324 : vector<1x1x16xf32> to vector<16xf32>
      %parallel_loop3A_326 = arith.index_cast %rem3A_135 : i32 to index
      %parallel_loop3A_327 = arith.index_cast %parallel_loop3A_243 : i32 to index
      %parallel_loop3A_328 = arith.constant 112 : index
      %parallel_loop3A_329 = tpu.vector_load %arg8[%parallel_loop3A_326, %parallel_loop3A_327, %parallel_loop3A_328] {strides = array<i32>} : memref<3x16x1024xf32, #tpu.memory_space<vmem>>, vector<1x1x16xf32>,
      %parallel_loop3A_330 = vector.shape_cast %parallel_loop3A_329 : vector<1x1x16xf32> to vector<16xf32>
      %parallel_loop3A_331 = vector.shape_cast %parallel_loop3A_325 : vector<16xf32> to vector<1x1x16xf32>
      tpu.vector_store %arg8[%parallel_loop3A_326, %parallel_loop3A_327, %parallel_loop3A_328], %parallel_loop3A_331 {add = true, strides = array<i32>} : memref<3x16x1024xf32, #tpu.memory_space<vmem>>, vector<1x1x16xf32>,
      %parallel_loop3A_332 = arith.index_cast %rem3A_138 : i32 to index
      %parallel_loop3A_333 = arith.index_cast %parallel_loop3A_243 : i32 to index
      %parallel_loop3A_334 = arith.constant 128 : index
      %parallel_loop3A_335 = tpu.vector_load %arg7[%parallel_loop3A_332, %parallel_loop3A_333, %parallel_loop3A_334] {strides = array<i32>} : memref<4x16x1024xf32, #tpu.memory_space<vmem>>, vector<1x1x16xf32>,
      %parallel_loop3A_336 = vector.shape_cast %parallel_loop3A_335 : vector<1x1x16xf32> to vector<16xf32>
      %parallel_loop3A_337 = arith.index_cast %rem3A_135 : i32 to index
      %parallel_loop3A_338 = arith.index_cast %parallel_loop3A_243 : i32 to index
      %parallel_loop3A_339 = arith.constant 128 : index
      %parallel_loop3A_340 = tpu.vector_load %arg8[%parallel_loop3A_337, %parallel_loop3A_338, %parallel_loop3A_339] {strides = array<i32>} : memref<3x16x1024xf32, #tpu.memory_space<vmem>>, vector<1x1x16xf32>,
      %parallel_loop3A_341 = vector.shape_cast %parallel_loop3A_340 : vector<1x1x16xf32> to vector<16xf32>
      %parallel_loop3A_342 = vector.shape_cast %parallel_loop3A_336 : vector<16xf32> to vector<1x1x16xf32>
      tpu.vector_store %arg8[%parallel_loop3A_337, %parallel_loop3A_338, %parallel_loop3A_339], %parallel_loop3A_342 {add = true, strides = array<i32>} : memref<3x16x1024xf32, #tpu.memory_space<vmem>>, vector<1x1x16xf32>,
      %parallel_loop3A_343 = arith.index_cast %rem3A_138 : i32 to index
      %parallel_loop3A_344 = arith.index_cast %parallel_loop3A_243 : i32 to index
      %parallel_loop3A_345 = arith.constant 144 : index
      %parallel_loop3A_346 = tpu.vector_load %arg7[%parallel_loop3A_343, %parallel_loop3A_344, %parallel_loop3A_345] {strides = array<i32>} : memref<4x16x1024xf32, #tpu.memory_space<vmem>>, vector<1x1x16xf32>,
      %parallel_loop3A_347 = vector.shape_cast %parallel_loop3A_346 : vector<1x1x16xf32> to vector<16xf32>
      %parallel_loop3A_348 = arith.index_cast %rem3A_135 : i32 to index
      %parallel_loop3A_349 = arith.index_cast %parallel_loop3A_243 : i32 to index
      %parallel_loop3A_350 = arith.constant 144 : index
      %parallel_loop3A_351 = tpu.vector_load %arg8[%parallel_loop3A_348, %parallel_loop3A_349, %parallel_loop3A_350] {strides = array<i32>} : memref<3x16x1024xf32, #tpu.memory_space<vmem>>, vector<1x1x16xf32>,
      %parallel_loop3A_352 = vector.shape_cast %parallel_loop3A_351 : vector<1x1x16xf32> to vector<16xf32>
      %parallel_loop3A_353 = vector.shape_cast %parallel_loop3A_347 : vector<16xf32> to vector<1x1x16xf32>
      tpu.vector_store %arg8[%parallel_loop3A_348, %parallel_loop3A_349, %parallel_loop3A_350], %parallel_loop3A_353 {add = true, strides = array<i32>} : memref<3x16x1024xf32, #tpu.memory_space<vmem>>, vector<1x1x16xf32>,
      %parallel_loop3A_354 = arith.index_cast %rem3A_138 : i32 to index
      %parallel_loop3A_355 = arith.index_cast %parallel_loop3A_243 : i32 to index
      %parallel_loop3A_356 = arith.constant 160 : index
      %parallel_loop3A_357 = tpu.vector_load %arg7[%parallel_loop3A_354, %parallel_loop3A_355, %parallel_loop3A_356] {strides = array<i32>} : memref<4x16x1024xf32, #tpu.memory_space<vmem>>, vector<1x1x16xf32>,
      %parallel_loop3A_358 = vector.shape_cast %parallel_loop3A_357 : vector<1x1x16xf32> to vector<16xf32>
      %parallel_loop3A_359 = arith.index_cast %rem3A_135 : i32 to index
      %parallel_loop3A_360 = arith.index_cast %parallel_loop3A_243 : i32 to index
      %parallel_loop3A_361 = arith.constant 160 : index
      %parallel_loop3A_362 = tpu.vector_load %arg8[%parallel_loop3A_359, %parallel_loop3A_360, %parallel_loop3A_361] {strides = array<i32>} : memref<3x16x1024xf32, #tpu.memory_space<vmem>>, vector<1x1x16xf32>,
      %parallel_loop3A_363 = vector.shape_cast %parallel_loop3A_362 : vector<1x1x16xf32> to vector<16xf32>
      %parallel_loop3A_364 = vector.shape_cast %parallel_loop3A_358 : vector<16xf32> to vector<1x1x16xf32>
      tpu.vector_store %arg8[%parallel_loop3A_359, %parallel_loop3A_360, %parallel_loop3A_361], %parallel_loop3A_364 {add = true, strides = array<i32>} : memref<3x16x1024xf32, #tpu.memory_space<vmem>>, vector<1x1x16xf32>,
      %parallel_loop3A_365 = arith.index_cast %rem3A_138 : i32 to index
      %parallel_loop3A_366 = arith.index_cast %parallel_loop3A_243 : i32 to index
      %parallel_loop3A_367 = arith.constant 176 : index
      %parallel_loop3A_368 = tpu.vector_load %arg7[%parallel_loop3A_365, %parallel_loop3A_366, %parallel_loop3A_367] {strides = array<i32>} : memref<4x16x1024xf32, #tpu.memory_space<vmem>>, vector<1x1x16xf32>,
      %parallel_loop3A_369 = vector.shape_cast %parallel_loop3A_368 : vector<1x1x16xf32> to vector<16xf32>
      %parallel_loop3A_370 = arith.index_cast %rem3A_135 : i32 to index
      %parallel_loop3A_371 = arith.index_cast %parallel_loop3A_243 : i32 to index
      %parallel_loop3A_372 = arith.constant 176 : index
      %parallel_loop3A_373 = tpu.vector_load %arg8[%parallel_loop3A_370, %parallel_loop3A_371, %parallel_loop3A_372] {strides = array<i32>} : memref<3x16x1024xf32, #tpu.memory_space<vmem>>, vector<1x1x16xf32>,
      %parallel_loop3A_374 = vector.shape_cast %parallel_loop3A_373 : vector<1x1x16xf32> to vector<16xf32>
      %parallel_loop3A_375 = vector.shape_cast %parallel_loop3A_369 : vector<16xf32> to vector<1x1x16xf32>
      tpu.vector_store %arg8[%parallel_loop3A_370, %parallel_loop3A_371, %parallel_loop3A_372], %parallel_loop3A_375 {add = true, strides = array<i32>} : memref<3x16x1024xf32, #tpu.memory_space<vmem>>, vector<1x1x16xf32>,
      %parallel_loop3A_376 = arith.index_cast %rem3A_138 : i32 to index
      %parallel_loop3A_377 = arith.index_cast %parallel_loop3A_243 : i32 to index
      %parallel_loop3A_378 = arith.constant 192 : index
      %parallel_loop3A_379 = tpu.vector_load %arg7[%parallel_loop3A_376, %parallel_loop3A_377, %parallel_loop3A_378] {strides = array<i32>} : memref<4x16x1024xf32, #tpu.memory_space<vmem>>, vector<1x1x16xf32>,
      %parallel_loop3A_380 = vector.shape_cast %parallel_loop3A_379 : vector<1x1x16xf32> to vector<16xf32>
      %parallel_loop3A_381 = arith.index_cast %rem3A_135 : i32 to index
      %parallel_loop3A_382 = arith.index_cast %parallel_loop3A_243 : i32 to index
      %parallel_loop3A_383 = arith.constant 192 : index
      %parallel_loop3A_384 = tpu.vector_load %arg8[%parallel_loop3A_381, %parallel_loop3A_382, %parallel_loop3A_383] {strides = array<i32>} : memref<3x16x1024xf32, #tpu.memory_space<vmem>>, vector<1x1x16xf32>,
      %parallel_loop3A_385 = vector.shape_cast %parallel_loop3A_384 : vector<1x1x16xf32> to vector<16xf32>
      %parallel_loop3A_386 = vector.shape_cast %parallel_loop3A_380 : vector<16xf32> to vector<1x1x16xf32>
      tpu.vector_store %arg8[%parallel_loop3A_381, %parallel_loop3A_382, %parallel_loop3A_383], %parallel_loop3A_386 {add = true, strides = array<i32>} : memref<3x16x1024xf32, #tpu.memory_space<vmem>>, vector<1x1x16xf32>,
      %parallel_loop3A_387 = arith.index_cast %rem3A_138 : i32 to index
      %parallel_loop3A_388 = arith.index_cast %parallel_loop3A_243 : i32 to index
      %parallel_loop3A_389 = arith.constant 208 : index
      %parallel_loop3A_390 = tpu.vector_load %arg7[%parallel_loop3A_387, %parallel_loop3A_388, %parallel_loop3A_389] {strides = array<i32>} : memref<4x16x1024xf32, #tpu.memory_space<vmem>>, vector<1x1x16xf32>,
      %parallel_loop3A_391 = vector.shape_cast %parallel_loop3A_390 : vector<1x1x16xf32> to vector<16xf32>
      %parallel_loop3A_392 = arith.index_cast %rem3A_135 : i32 to index
      %parallel_loop3A_393 = arith.index_cast %parallel_loop3A_243 : i32 to index
      %parallel_loop3A_394 = arith.constant 208 : index
      %parallel_loop3A_395 = tpu.vector_load %arg8[%parallel_loop3A_392, %parallel_loop3A_393, %parallel_loop3A_394] {strides = array<i32>} : memref<3x16x1024xf32, #tpu.memory_space<vmem>>, vector<1x1x16xf32>,
      %parallel_loop3A_396 = vector.shape_cast %parallel_loop3A_395 : vector<1x1x16xf32> to vector<16xf32>
      %parallel_loop3A_397 = vector.shape_cast %parallel_loop3A_391 : vector<16xf32> to vector<1x1x16xf32>
      tpu.vector_store %arg8[%parallel_loop3A_392, %parallel_loop3A_393, %parallel_loop3A_394], %parallel_loop3A_397 {add = true, strides = array<i32>} : memref<3x16x1024xf32, #tpu.memory_space<vmem>>, vector<1x1x16xf32>,
      %parallel_loop3A_398 = arith.index_cast %rem3A_138 : i32 to index
      %parallel_loop3A_399 = arith.index_cast %parallel_loop3A_243 : i32 to index
      %parallel_loop3A_400 = arith.constant 224 : index
      %parallel_loop3A_401 = tpu.vector_load %arg7[%parallel_loop3A_398, %parallel_loop3A_399, %parallel_loop3A_400] {strides = array<i32>} : memref<4x16x1024xf32, #tpu.memory_space<vmem>>, vector<1x1x16xf32>,
      %parallel_loop3A_402 = vector.shape_cast %parallel_loop3A_401 : vector<1x1x16xf32> to vector<16xf32>
      %parallel_loop3A_403 = arith.index_cast %rem3A_135 : i32 to index
      %parallel_loop3A_404 = arith.index_cast %parallel_loop3A_243 : i32 to index
      %parallel_loop3A_405 = arith.constant 224 : index
      %parallel_loop3A_406 = tpu.vector_load %arg8[%parallel_loop3A_403, %parallel_loop3A_404, %parallel_loop3A_405] {strides = array<i32>} : memref<3x16x1024xf32, #tpu.memory_space<vmem>>, vector<1x1x16xf32>,
      %parallel_loop3A_407 = vector.shape_cast %parallel_loop3A_406 : vector<1x1x16xf32> to vector<16xf32>
      %parallel_loop3A_408 = vector.shape_cast %parallel_loop3A_402 : vector<16xf32> to vector<1x1x16xf32>
      tpu.vector_store %arg8[%parallel_loop3A_403, %parallel_loop3A_404, %parallel_loop3A_405], %parallel_loop3A_408 {add = true, strides = array<i32>} : memref<3x16x1024xf32, #tpu.memory_space<vmem>>, vector<1x1x16xf32>,
      %parallel_loop3A_409 = arith.index_cast %rem3A_138 : i32 to index
      %parallel_loop3A_410 = arith.index_cast %parallel_loop3A_243 : i32 to index
      %parallel_loop3A_411 = arith.constant 240 : index
      %parallel_loop3A_412 = tpu.vector_load %arg7[%parallel_loop3A_409, %parallel_loop3A_410, %parallel_loop3A_411] {strides = array<i32>} : memref<4x16x1024xf32, #tpu.memory_space<vmem>>, vector<1x1x16xf32>,
      %parallel_loop3A_413 = vector.shape_cast %parallel_loop3A_412 : vector<1x1x16xf32> to vector<16xf32>
      %parallel_loop3A_414 = arith.index_cast %rem3A_135 : i32 to index
      %parallel_loop3A_415 = arith.index_cast %parallel_loop3A_243 : i32 to index
      %parallel_loop3A_416 = arith.constant 240 : index
      %parallel_loop3A_417 = tpu.vector_load %arg8[%parallel_loop3A_414, %parallel_loop3A_415, %parallel_loop3A_416] {strides = array<i32>} : memref<3x16x1024xf32, #tpu.memory_space<vmem>>, vector<1x1x16xf32>,
      %parallel_loop3A_418 = vector.shape_cast %parallel_loop3A_417 : vector<1x1x16xf32> to vector<16xf32>
      %parallel_loop3A_419 = vector.shape_cast %parallel_loop3A_413 : vector<16xf32> to vector<1x1x16xf32>
      tpu.vector_store %arg8[%parallel_loop3A_414, %parallel_loop3A_415, %parallel_loop3A_416], %parallel_loop3A_419 {add = true, strides = array<i32>} : memref<3x16x1024xf32, #tpu.memory_space<vmem>>, vector<1x1x16xf32>,
      %parallel_loop3A_420 = arith.index_cast %rem3A_138 : i32 to index
      %parallel_loop3A_421 = arith.index_cast %parallel_loop3A_243 : i32 to index
      %parallel_loop3A_422 = arith.constant 256 : index
      %parallel_loop3A_423 = tpu.vector_load %arg7[%parallel_loop3A_420, %parallel_loop3A_421, %parallel_loop3A_422] {strides = array<i32>} : memref<4x16x1024xf32, #tpu.memory_space<vmem>>, vector<1x1x16xf32>,
      %parallel_loop3A_424 = vector.shape_cast %parallel_loop3A_423 : vector<1x1x16xf32> to vector<16xf32>
      %parallel_loop3A_425 = arith.index_cast %rem3A_135 : i32 to index
      %parallel_loop3A_426 = arith.index_cast %parallel_loop3A_243 : i32 to index
      %parallel_loop3A_427 = arith.constant 256 : index
      %parallel_loop3A_428 = tpu.vector_load %arg8[%parallel_loop3A_425, %parallel_loop3A_426, %parallel_loop3A_427] {strides = array<i32>} : memref<3x16x1024xf32, #tpu.memory_space<vmem>>, vector<1x1x16xf32>,
      %parallel_loop3A_429 = vector.shape_cast %parallel_loop3A_428 : vector<1x1x16xf32> to vector<16xf32>
      %parallel_loop3A_430 = vector.shape_cast %parallel_loop3A_424 : vector<16xf32> to vector<1x1x16xf32>
      tpu.vector_store %arg8[%parallel_loop3A_425, %parallel_loop3A_426, %parallel_loop3A_427], %parallel_loop3A_430 {add = true, strides = array<i32>} : memref<3x16x1024xf32, #tpu.memory_space<vmem>>, vector<1x1x16xf32>,
      %parallel_loop3A_431 = arith.index_cast %rem3A_138 : i32 to index
      %parallel_loop3A_432 = arith.index_cast %parallel_loop3A_243 : i32 to index
      %parallel_loop3A_433 = arith.constant 272 : index
      %parallel_loop3A_434 = tpu.vector_load %arg7[%parallel_loop3A_431, %parallel_loop3A_432, %parallel_loop3A_433] {strides = array<i32>} : memref<4x16x1024xf32, #tpu.memory_space<vmem>>, vector<1x1x16xf32>,
      %parallel_loop3A_435 = vector.shape_cast %parallel_loop3A_434 : vector<1x1x16xf32> to vector<16xf32>
      %parallel_loop3A_436 = arith.index_cast %rem3A_135 : i32 to index
      %parallel_loop3A_437 = arith.index_cast %parallel_loop3A_243 : i32 to index
      %parallel_loop3A_438 = arith.constant 272 : index
      %parallel_loop3A_439 = tpu.vector_load %arg8[%parallel_loop3A_436, %parallel_loop3A_437, %parallel_loop3A_438] {strides = array<i32>} : memref<3x16x1024xf32, #tpu.memory_space<vmem>>, vector<1x1x16xf32>,
      %parallel_loop3A_440 = vector.shape_cast %parallel_loop3A_439 : vector<1x1x16xf32> to vector<16xf32>
      %parallel_loop3A_441 = vector.shape_cast %parallel_loop3A_435 : vector<16xf32> to vector<1x1x16xf32>
      tpu.vector_store %arg8[%parallel_loop3A_436, %parallel_loop3A_437, %parallel_loop3A_438], %parallel_loop3A_441 {add = true, strides = array<i32>} : memref<3x16x1024xf32, #tpu.memory_space<vmem>>, vector<1x1x16xf32>,
      %parallel_loop3A_442 = arith.index_cast %rem3A_138 : i32 to index
      %parallel_loop3A_443 = arith.index_cast %parallel_loop3A_243 : i32 to index
      %parallel_loop3A_444 = arith.constant 288 : index
      %parallel_loop3A_445 = tpu.vector_load %arg7[%parallel_loop3A_442, %parallel_loop3A_443, %parallel_loop3A_444] {strides = array<i32>} : memref<4x16x1024xf32, #tpu.memory_space<vmem>>, vector<1x1x16xf32>,
      %parallel_loop3A_446 = vector.shape_cast %parallel_loop3A_445 : vector<1x1x16xf32> to vector<16xf32>
      %parallel_loop3A_447 = arith.index_cast %rem3A_135 : i32 to index
      %parallel_loop3A_448 = arith.index_cast %parallel_loop3A_243 : i32 to index
      %parallel_loop3A_449 = arith.constant 288 : index
      %parallel_loop3A_450 = tpu.vector_load %arg8[%parallel_loop3A_447, %parallel_loop3A_448, %parallel_loop3A_449] {strides = array<i32>} : memref<3x16x1024xf32, #tpu.memory_space<vmem>>, vector<1x1x16xf32>,
      %parallel_loop3A_451 = vector.shape_cast %parallel_loop3A_450 : vector<1x1x16xf32> to vector<16xf32>
      %parallel_loop3A_452 = vector.shape_cast %parallel_loop3A_446 : vector<16xf32> to vector<1x1x16xf32>
      tpu.vector_store %arg8[%parallel_loop3A_447, %parallel_loop3A_448, %parallel_loop3A_449], %parallel_loop3A_452 {add = true, strides = array<i32>} : memref<3x16x1024xf32, #tpu.memory_space<vmem>>, vector<1x1x16xf32>,
      %parallel_loop3A_453 = arith.index_cast %rem3A_138 : i32 to index
      %parallel_loop3A_454 = arith.index_cast %parallel_loop3A_243 : i32 to index
      %parallel_loop3A_455 = arith.constant 304 : index
      %parallel_loop3A_456 = tpu.vector_load %arg7[%parallel_loop3A_453, %parallel_loop3A_454, %parallel_loop3A_455] {strides = array<i32>} : memref<4x16x1024xf32, #tpu.memory_space<vmem>>, vector<1x1x16xf32>,
      %parallel_loop3A_457 = vector.shape_cast %parallel_loop3A_456 : vector<1x1x16xf32> to vector<16xf32>
      %parallel_loop3A_458 = arith.index_cast %rem3A_135 : i32 to index
      %parallel_loop3A_459 = arith.index_cast %parallel_loop3A_243 : i32 to index
      %parallel_loop3A_460 = arith.constant 304 : index
      %parallel_loop3A_461 = tpu.vector_load %arg8[%parallel_loop3A_458, %parallel_loop3A_459, %parallel_loop3A_460] {strides = array<i32>} : memref<3x16x1024xf32, #tpu.memory_space<vmem>>, vector<1x1x16xf32>,
      %parallel_loop3A_462 = vector.shape_cast %parallel_loop3A_461 : vector<1x1x16xf32> to vector<16xf32>
      %parallel_loop3A_463 = vector.shape_cast %parallel_loop3A_457 : vector<16xf32> to vector<1x1x16xf32>
      tpu.vector_store %arg8[%parallel_loop3A_458, %parallel_loop3A_459, %parallel_loop3A_460], %parallel_loop3A_463 {add = true, strides = array<i32>} : memref<3x16x1024xf32, #tpu.memory_space<vmem>>, vector<1x1x16xf32>,
      %parallel_loop3A_464 = arith.index_cast %rem3A_138 : i32 to index
      %parallel_loop3A_465 = arith.index_cast %parallel_loop3A_243 : i32 to index
      %parallel_loop3A_466 = arith.constant 320 : index
      %parallel_loop3A_467 = tpu.vector_load %arg7[%parallel_loop3A_464, %parallel_loop3A_465, %parallel_loop3A_466] {strides = array<i32>} : memref<4x16x1024xf32, #tpu.memory_space<vmem>>, vector<1x1x16xf32>,
      %parallel_loop3A_468 = vector.shape_cast %parallel_loop3A_467 : vector<1x1x16xf32> to vector<16xf32>
      %parallel_loop3A_469 = arith.index_cast %rem3A_135 : i32 to index
      %parallel_loop3A_470 = arith.index_cast %parallel_loop3A_243 : i32 to index
      %parallel_loop3A_471 = arith.constant 320 : index
      %parallel_loop3A_472 = tpu.vector_load %arg8[%parallel_loop3A_469, %parallel_loop3A_470, %parallel_loop3A_471] {strides = array<i32>} : memref<3x16x1024xf32, #tpu.memory_space<vmem>>, vector<1x1x16xf32>,
      %parallel_loop3A_473 = vector.shape_cast %parallel_loop3A_472 : vector<1x1x16xf32> to vector<16xf32>
      %parallel_loop3A_474 = vector.shape_cast %parallel_loop3A_468 : vector<16xf32> to vector<1x1x16xf32>
      tpu.vector_store %arg8[%parallel_loop3A_469, %parallel_loop3A_470, %parallel_loop3A_471], %parallel_loop3A_474 {add = true, strides = array<i32>} : memref<3x16x1024xf32, #tpu.memory_space<vmem>>, vector<1x1x16xf32>,
      %parallel_loop3A_475 = arith.index_cast %rem3A_138 : i32 to index
      %parallel_loop3A_476 = arith.index_cast %parallel_loop3A_243 : i32 to index
      %parallel_loop3A_477 = arith.constant 336 : index
      %parallel_loop3A_478 = tpu.vector_load %arg7[%parallel_loop3A_475, %parallel_loop3A_476, %parallel_loop3A_477] {strides = array<i32>} : memref<4x16x1024xf32, #tpu.memory_space<vmem>>, vector<1x1x16xf32>,
      %parallel_loop3A_479 = vector.shape_cast %parallel_loop3A_478 : vector<1x1x16xf32> to vector<16xf32>
      %parallel_loop3A_480 = arith.index_cast %rem3A_135 : i32 to index
      %parallel_loop3A_481 = arith.index_cast %parallel_loop3A_243 : i32 to index
      %parallel_loop3A_482 = arith.constant 336 : index
      %parallel_loop3A_483 = tpu.vector_load %arg8[%parallel_loop3A_480, %parallel_loop3A_481, %parallel_loop3A_482] {strides = array<i32>} : memref<3x16x1024xf32, #tpu.memory_space<vmem>>, vector<1x1x16xf32>,
      %parallel_loop3A_484 = vector.shape_cast %parallel_loop3A_483 : vector<1x1x16xf32> to vector<16xf32>
      %parallel_loop3A_485 = vector.shape_cast %parallel_loop3A_479 : vector<16xf32> to vector<1x1x16xf32>
      tpu.vector_store %arg8[%parallel_loop3A_480, %parallel_loop3A_481, %parallel_loop3A_482], %parallel_loop3A_485 {add = true, strides = array<i32>} : memref<3x16x1024xf32, #tpu.memory_space<vmem>>, vector<1x1x16xf32>,
      %parallel_loop3A_486 = arith.index_cast %rem3A_138 : i32 to index
      %parallel_loop3A_487 = arith.index_cast %parallel_loop3A_243 : i32 to index
      %parallel_loop3A_488 = arith.constant 352 : index
      %parallel_loop3A_489 = tpu.vector_load %arg7[%parallel_loop3A_486, %parallel_loop3A_487, %parallel_loop3A_488] {strides = array<i32>} : memref<4x16x1024xf32, #tpu.memory_space<vmem>>, vector<1x1x16xf32>,
      %parallel_loop3A_490 = vector.shape_cast %parallel_loop3A_489 : vector<1x1x16xf32> to vector<16xf32>
      %parallel_loop3A_491 = arith.index_cast %rem3A_135 : i32 to index
      %parallel_loop3A_492 = arith.index_cast %parallel_loop3A_243 : i32 to index
      %parallel_loop3A_493 = arith.constant 352 : index
      %parallel_loop3A_494 = tpu.vector_load %arg8[%parallel_loop3A_491, %parallel_loop3A_492, %parallel_loop3A_493] {strides = array<i32>} : memref<3x16x1024xf32, #tpu.memory_space<vmem>>, vector<1x1x16xf32>,
      %parallel_loop3A_495 = vector.shape_cast %parallel_loop3A_494 : vector<1x1x16xf32> to vector<16xf32>
      %parallel_loop3A_496 = vector.shape_cast %parallel_loop3A_490 : vector<16xf32> to vector<1x1x16xf32>
      tpu.vector_store %arg8[%parallel_loop3A_491, %parallel_loop3A_492, %parallel_loop3A_493], %parallel_loop3A_496 {add = true, strides = array<i32>} : memref<3x16x1024xf32, #tpu.memory_space<vmem>>, vector<1x1x16xf32>,
      %parallel_loop3A_497 = arith.index_cast %rem3A_138 : i32 to index
      %parallel_loop3A_498 = arith.index_cast %parallel_loop3A_243 : i32 to index
      %parallel_loop3A_499 = arith.constant 368 : index
      %parallel_loop3A_500 = tpu.vector_load %arg7[%parallel_loop3A_497, %parallel_loop3A_498, %parallel_loop3A_499] {strides = array<i32>} : memref<4x16x1024xf32, #tpu.memory_space<vmem>>, vector<1x1x16xf32>,
      %parallel_loop3A_501 = vector.shape_cast %parallel_loop3A_500 : vector<1x1x16xf32> to vector<16xf32>
      %parallel_loop3A_502 = arith.index_cast %rem3A_135 : i32 to index
      %parallel_loop3A_503 = arith.index_cast %parallel_loop3A_243 : i32 to index
      %parallel_loop3A_504 = arith.constant 368 : index
      %parallel_loop3A_505 = tpu.vector_load %arg8[%parallel_loop3A_502, %parallel_loop3A_503, %parallel_loop3A_504] {strides = array<i32>} : memref<3x16x1024xf32, #tpu.memory_space<vmem>>, vector<1x1x16xf32>,
      %parallel_loop3A_506 = vector.shape_cast %parallel_loop3A_505 : vector<1x1x16xf32> to vector<16xf32>
      %parallel_loop3A_507 = vector.shape_cast %parallel_loop3A_501 : vector<16xf32> to vector<1x1x16xf32>
      tpu.vector_store %arg8[%parallel_loop3A_502, %parallel_loop3A_503, %parallel_loop3A_504], %parallel_loop3A_507 {add = true, strides = array<i32>} : memref<3x16x1024xf32, #tpu.memory_space<vmem>>, vector<1x1x16xf32>,
      %parallel_loop3A_508 = arith.index_cast %rem3A_138 : i32 to index
      %parallel_loop3A_509 = arith.index_cast %parallel_loop3A_243 : i32 to index
      %parallel_loop3A_510 = arith.constant 384 : index
      %parallel_loop3A_511 = tpu.vector_load %arg7[%parallel_loop3A_508, %parallel_loop3A_509, %parallel_loop3A_510] {strides = array<i32>} : memref<4x16x1024xf32, #tpu.memory_space<vmem>>, vector<1x1x16xf32>,
      %parallel_loop3A_512 = vector.shape_cast %parallel_loop3A_511 : vector<1x1x16xf32> to vector<16xf32>
      %parallel_loop3A_513 = arith.index_cast %rem3A_135 : i32 to index
      %parallel_loop3A_514 = arith.index_cast %parallel_loop3A_243 : i32 to index
      %parallel_loop3A_515 = arith.constant 384 : index
      %parallel_loop3A_516 = tpu.vector_load %arg8[%parallel_loop3A_513, %parallel_loop3A_514, %parallel_loop3A_515] {strides = array<i32>} : memref<3x16x1024xf32, #tpu.memory_space<vmem>>, vector<1x1x16xf32>,
      %parallel_loop3A_517 = vector.shape_cast %parallel_loop3A_516 : vector<1x1x16xf32> to vector<16xf32>
      %parallel_loop3A_518 = vector.shape_cast %parallel_loop3A_512 : vector<16xf32> to vector<1x1x16xf32>
      tpu.vector_store %arg8[%parallel_loop3A_513, %parallel_loop3A_514, %parallel_loop3A_515], %parallel_loop3A_518 {add = true, strides = array<i32>} : memref<3x16x1024xf32, #tpu.memory_space<vmem>>, vector<1x1x16xf32>,
      %parallel_loop3A_519 = arith.index_cast %rem3A_138 : i32 to index
      %parallel_loop3A_520 = arith.index_cast %parallel_loop3A_243 : i32 to index
      %parallel_loop3A_521 = arith.constant 400 : index
      %parallel_loop3A_522 = tpu.vector_load %arg7[%parallel_loop3A_519, %parallel_loop3A_520, %parallel_loop3A_521] {strides = array<i32>} : memref<4x16x1024xf32, #tpu.memory_space<vmem>>, vector<1x1x16xf32>,
      %parallel_loop3A_523 = vector.shape_cast %parallel_loop3A_522 : vector<1x1x16xf32> to vector<16xf32>
      %parallel_loop3A_524 = arith.index_cast %rem3A_135 : i32 to index
      %parallel_loop3A_525 = arith.index_cast %parallel_loop3A_243 : i32 to index
      %parallel_loop3A_526 = arith.constant 400 : index
      %parallel_loop3A_527 = tpu.vector_load %arg8[%parallel_loop3A_524, %parallel_loop3A_525, %parallel_loop3A_526] {strides = array<i32>} : memref<3x16x1024xf32, #tpu.memory_space<vmem>>, vector<1x1x16xf32>,
      %parallel_loop3A_528 = vector.shape_cast %parallel_loop3A_527 : vector<1x1x16xf32> to vector<16xf32>
      %parallel_loop3A_529 = vector.shape_cast %parallel_loop3A_523 : vector<16xf32> to vector<1x1x16xf32>
      tpu.vector_store %arg8[%parallel_loop3A_524, %parallel_loop3A_525, %parallel_loop3A_526], %parallel_loop3A_529 {add = true, strides = array<i32>} : memref<3x16x1024xf32, #tpu.memory_space<vmem>>, vector<1x1x16xf32>,
      %parallel_loop3A_530 = arith.index_cast %rem3A_138 : i32 to index
      %parallel_loop3A_531 = arith.index_cast %parallel_loop3A_243 : i32 to index
      %parallel_loop3A_532 = arith.constant 416 : index
      %parallel_loop3A_533 = tpu.vector_load %arg7[%parallel_loop3A_530, %parallel_loop3A_531, %parallel_loop3A_532] {strides = array<i32>} : memref<4x16x1024xf32, #tpu.memory_space<vmem>>, vector<1x1x16xf32>,
      %parallel_loop3A_534 = vector.shape_cast %parallel_loop3A_533 : vector<1x1x16xf32> to vector<16xf32>
      %parallel_loop3A_535 = arith.index_cast %rem3A_135 : i32 to index
      %parallel_loop3A_536 = arith.index_cast %parallel_loop3A_243 : i32 to index
      %parallel_loop3A_537 = arith.constant 416 : index
      %parallel_loop3A_538 = tpu.vector_load %arg8[%parallel_loop3A_535, %parallel_loop3A_536, %parallel_loop3A_537] {strides = array<i32>} : memref<3x16x1024xf32, #tpu.memory_space<vmem>>, vector<1x1x16xf32>,
      %parallel_loop3A_539 = vector.shape_cast %parallel_loop3A_538 : vector<1x1x16xf32> to vector<16xf32>
      %parallel_loop3A_540 = vector.shape_cast %parallel_loop3A_534 : vector<16xf32> to vector<1x1x16xf32>
      tpu.vector_store %arg8[%parallel_loop3A_535, %parallel_loop3A_536, %parallel_loop3A_537], %parallel_loop3A_540 {add = true, strides = array<i32>} : memref<3x16x1024xf32, #tpu.memory_space<vmem>>, vector<1x1x16xf32>,
      %parallel_loop3A_541 = arith.index_cast %rem3A_138 : i32 to index
      %parallel_loop3A_542 = arith.index_cast %parallel_loop3A_243 : i32 to index
      %parallel_loop3A_543 = arith.constant 432 : index
      %parallel_loop3A_544 = tpu.vector_load %arg7[%parallel_loop3A_541, %parallel_loop3A_542, %parallel_loop3A_543] {strides = array<i32>} : memref<4x16x1024xf32, #tpu.memory_space<vmem>>, vector<1x1x16xf32>,
      %parallel_loop3A_545 = vector.shape_cast %parallel_loop3A_544 : vector<1x1x16xf32> to vector<16xf32>
      %parallel_loop3A_546 = arith.index_cast %rem3A_135 : i32 to index
      %parallel_loop3A_547 = arith.index_cast %parallel_loop3A_243 : i32 to index
      %parallel_loop3A_548 = arith.constant 432 : index
      %parallel_loop3A_549 = tpu.vector_load %arg8[%parallel_loop3A_546, %parallel_loop3A_547, %parallel_loop3A_548] {strides = array<i32>} : memref<3x16x1024xf32, #tpu.memory_space<vmem>>, vector<1x1x16xf32>,
      %parallel_loop3A_550 = vector.shape_cast %parallel_loop3A_549 : vector<1x1x16xf32> to vector<16xf32>
      %parallel_loop3A_551 = vector.shape_cast %parallel_loop3A_545 : vector<16xf32> to vector<1x1x16xf32>
      tpu.vector_store %arg8[%parallel_loop3A_546, %parallel_loop3A_547, %parallel_loop3A_548], %parallel_loop3A_551 {add = true, strides = array<i32>} : memref<3x16x1024xf32, #tpu.memory_space<vmem>>, vector<1x1x16xf32>,
      %parallel_loop3A_552 = arith.index_cast %rem3A_138 : i32 to index
      %parallel_loop3A_553 = arith.index_cast %parallel_loop3A_243 : i32 to index
      %parallel_loop3A_554 = arith.constant 448 : index
      %parallel_loop3A_555 = tpu.vector_load %arg7[%parallel_loop3A_552, %parallel_loop3A_553, %parallel_loop3A_554] {strides = array<i32>} : memref<4x16x1024xf32, #tpu.memory_space<vmem>>, vector<1x1x16xf32>,
      %parallel_loop3A_556 = vector.shape_cast %parallel_loop3A_555 : vector<1x1x16xf32> to vector<16xf32>
      %parallel_loop3A_557 = arith.index_cast %rem3A_135 : i32 to index
      %parallel_loop3A_558 = arith.index_cast %parallel_loop3A_243 : i32 to index
      %parallel_loop3A_559 = arith.constant 448 : index
      %parallel_loop3A_560 = tpu.vector_load %arg8[%parallel_loop3A_557, %parallel_loop3A_558, %parallel_loop3A_559] {strides = array<i32>} : memref<3x16x1024xf32, #tpu.memory_space<vmem>>, vector<1x1x16xf32>,
      %parallel_loop3A_561 = vector.shape_cast %parallel_loop3A_560 : vector<1x1x16xf32> to vector<16xf32>
      %parallel_loop3A_562 = vector.shape_cast %parallel_loop3A_556 : vector<16xf32> to vector<1x1x16xf32>
      tpu.vector_store %arg8[%parallel_loop3A_557, %parallel_loop3A_558, %parallel_loop3A_559], %parallel_loop3A_562 {add = true, strides = array<i32>} : memref<3x16x1024xf32, #tpu.memory_space<vmem>>, vector<1x1x16xf32>,
      %parallel_loop3A_563 = arith.index_cast %rem3A_138 : i32 to index
      %parallel_loop3A_564 = arith.index_cast %parallel_loop3A_243 : i32 to index
      %parallel_loop3A_565 = arith.constant 464 : index
      %parallel_loop3A_566 = tpu.vector_load %arg7[%parallel_loop3A_563, %parallel_loop3A_564, %parallel_loop3A_565] {strides = array<i32>} : memref<4x16x1024xf32, #tpu.memory_space<vmem>>, vector<1x1x16xf32>,
      %parallel_loop3A_567 = vector.shape_cast %parallel_loop3A_566 : vector<1x1x16xf32> to vector<16xf32>
      %parallel_loop3A_568 = arith.index_cast %rem3A_135 : i32 to index
      %parallel_loop3A_569 = arith.index_cast %parallel_loop3A_243 : i32 to index
      %parallel_loop3A_570 = arith.constant 464 : index
      %parallel_loop3A_571 = tpu.vector_load %arg8[%parallel_loop3A_568, %parallel_loop3A_569, %parallel_loop3A_570] {strides = array<i32>} : memref<3x16x1024xf32, #tpu.memory_space<vmem>>, vector<1x1x16xf32>,
      %parallel_loop3A_572 = vector.shape_cast %parallel_loop3A_571 : vector<1x1x16xf32> to vector<16xf32>
      %parallel_loop3A_573 = vector.shape_cast %parallel_loop3A_567 : vector<16xf32> to vector<1x1x16xf32>
      tpu.vector_store %arg8[%parallel_loop3A_568, %parallel_loop3A_569, %parallel_loop3A_570], %parallel_loop3A_573 {add = true, strides = array<i32>} : memref<3x16x1024xf32, #tpu.memory_space<vmem>>, vector<1x1x16xf32>,
      %parallel_loop3A_574 = arith.index_cast %rem3A_138 : i32 to index
      %parallel_loop3A_575 = arith.index_cast %parallel_loop3A_243 : i32 to index
      %parallel_loop3A_576 = arith.constant 480 : index
      %parallel_loop3A_577 = tpu.vector_load %arg7[%parallel_loop3A_574, %parallel_loop3A_575, %parallel_loop3A_576] {strides = array<i32>} : memref<4x16x1024xf32, #tpu.memory_space<vmem>>, vector<1x1x16xf32>,
      %parallel_loop3A_578 = vector.shape_cast %parallel_loop3A_577 : vector<1x1x16xf32> to vector<16xf32>
      %parallel_loop3A_579 = arith.index_cast %rem3A_135 : i32 to index
      %parallel_loop3A_580 = arith.index_cast %parallel_loop3A_243 : i32 to index
      %parallel_loop3A_581 = arith.constant 480 : index
      %parallel_loop3A_582 = tpu.vector_load %arg8[%parallel_loop3A_579, %parallel_loop3A_580, %parallel_loop3A_581] {strides = array<i32>} : memref<3x16x1024xf32, #tpu.memory_space<vmem>>, vector<1x1x16xf32>,
      %parallel_loop3A_583 = vector.shape_cast %parallel_loop3A_582 : vector<1x1x16xf32> to vector<16xf32>
      %parallel_loop3A_584 = vector.shape_cast %parallel_loop3A_578 : vector<16xf32> to vector<1x1x16xf32>
      tpu.vector_store %arg8[%parallel_loop3A_579, %parallel_loop3A_580, %parallel_loop3A_581], %parallel_loop3A_584 {add = true, strides = array<i32>} : memref<3x16x1024xf32, #tpu.memory_space<vmem>>, vector<1x1x16xf32>,
      %parallel_loop3A_585 = arith.index_cast %rem3A_138 : i32 to index
      %parallel_loop3A_586 = arith.index_cast %parallel_loop3A_243 : i32 to index
      %parallel_loop3A_587 = arith.constant 496 : index
      %parallel_loop3A_588 = tpu.vector_load %arg7[%parallel_loop3A_585, %parallel_loop3A_586, %parallel_loop3A_587] {strides = array<i32>} : memref<4x16x1024xf32, #tpu.memory_space<vmem>>, vector<1x1x16xf32>,
      %parallel_loop3A_589 = vector.shape_cast %parallel_loop3A_588 : vector<1x1x16xf32> to vector<16xf32>
      %parallel_loop3A_590 = arith.index_cast %rem3A_135 : i32 to index
      %parallel_loop3A_591 = arith.index_cast %parallel_loop3A_243 : i32 to index
      %parallel_loop3A_592 = arith.constant 496 : index
      %parallel_loop3A_593 = tpu.vector_load %arg8[%parallel_loop3A_590, %parallel_loop3A_591, %parallel_loop3A_592] {strides = array<i32>} : memref<3x16x1024xf32, #tpu.memory_space<vmem>>, vector<1x1x16xf32>,
      %parallel_loop3A_594 = vector.shape_cast %parallel_loop3A_593 : vector<1x1x16xf32> to vector<16xf32>
      %parallel_loop3A_595 = vector.shape_cast %parallel_loop3A_589 : vector<16xf32> to vector<1x1x16xf32>
      tpu.vector_store %arg8[%parallel_loop3A_590, %parallel_loop3A_591, %parallel_loop3A_592], %parallel_loop3A_595 {add = true, strides = array<i32>} : memref<3x16x1024xf32, #tpu.memory_space<vmem>>, vector<1x1x16xf32>,
      %parallel_loop3A_596 = arith.index_cast %rem3A_138 : i32 to index
      %parallel_loop3A_597 = arith.index_cast %parallel_loop3A_243 : i32 to index
      %parallel_loop3A_598 = arith.constant 512 : index
      %parallel_loop3A_599 = tpu.vector_load %arg7[%parallel_loop3A_596, %parallel_loop3A_597, %parallel_loop3A_598] {strides = array<i32>} : memref<4x16x1024xf32, #tpu.memory_space<vmem>>, vector<1x1x16xf32>,
      %parallel_loop3A_600 = vector.shape_cast %parallel_loop3A_599 : vector<1x1x16xf32> to vector<16xf32>
      %parallel_loop3A_601 = arith.index_cast %rem3A_135 : i32 to index
      %parallel_loop3A_602 = arith.index_cast %parallel_loop3A_243 : i32 to index
      %parallel_loop3A_603 = arith.constant 512 : index
      %parallel_loop3A_604 = tpu.vector_load %arg8[%parallel_loop3A_601, %parallel_loop3A_602, %parallel_loop3A_603] {strides = array<i32>} : memref<3x16x1024xf32, #tpu.memory_space<vmem>>, vector<1x1x16xf32>,
      %parallel_loop3A_605 = vector.shape_cast %parallel_loop3A_604 : vector<1x1x16xf32> to vector<16xf32>
      %parallel_loop3A_606 = vector.shape_cast %parallel_loop3A_600 : vector<16xf32> to vector<1x1x16xf32>
      tpu.vector_store %arg8[%parallel_loop3A_601, %parallel_loop3A_602, %parallel_loop3A_603], %parallel_loop3A_606 {add = true, strides = array<i32>} : memref<3x16x1024xf32, #tpu.memory_space<vmem>>, vector<1x1x16xf32>,
      %parallel_loop3A_607 = arith.index_cast %rem3A_138 : i32 to index
      %parallel_loop3A_608 = arith.index_cast %parallel_loop3A_243 : i32 to index
      %parallel_loop3A_609 = arith.constant 528 : index
      %parallel_loop3A_610 = tpu.vector_load %arg7[%parallel_loop3A_607, %parallel_loop3A_608, %parallel_loop3A_609] {strides = array<i32>} : memref<4x16x1024xf32, #tpu.memory_space<vmem>>, vector<1x1x16xf32>,
      %parallel_loop3A_611 = vector.shape_cast %parallel_loop3A_610 : vector<1x1x16xf32> to vector<16xf32>
      %parallel_loop3A_612 = arith.index_cast %rem3A_135 : i32 to index
      %parallel_loop3A_613 = arith.index_cast %parallel_loop3A_243 : i32 to index
      %parallel_loop3A_614 = arith.constant 528 : index
      %parallel_loop3A_615 = tpu.vector_load %arg8[%parallel_loop3A_612, %parallel_loop3A_613, %parallel_loop3A_614] {strides = array<i32>} : memref<3x16x1024xf32, #tpu.memory_space<vmem>>, vector<1x1x16xf32>,
      %parallel_loop3A_616 = vector.shape_cast %parallel_loop3A_615 : vector<1x1x16xf32> to vector<16xf32>
      %parallel_loop3A_617 = vector.shape_cast %parallel_loop3A_611 : vector<16xf32> to vector<1x1x16xf32>
      tpu.vector_store %arg8[%parallel_loop3A_612, %parallel_loop3A_613, %parallel_loop3A_614], %parallel_loop3A_617 {add = true, strides = array<i32>} : memref<3x16x1024xf32, #tpu.memory_space<vmem>>, vector<1x1x16xf32>,
      %parallel_loop3A_618 = arith.index_cast %rem3A_138 : i32 to index
      %parallel_loop3A_619 = arith.index_cast %parallel_loop3A_243 : i32 to index
      %parallel_loop3A_620 = arith.constant 544 : index
      %parallel_loop3A_621 = tpu.vector_load %arg7[%parallel_loop3A_618, %parallel_loop3A_619, %parallel_loop3A_620] {strides = array<i32>} : memref<4x16x1024xf32, #tpu.memory_space<vmem>>, vector<1x1x16xf32>,
      %parallel_loop3A_622 = vector.shape_cast %parallel_loop3A_621 : vector<1x1x16xf32> to vector<16xf32>
      %parallel_loop3A_623 = arith.index_cast %rem3A_135 : i32 to index
      %parallel_loop3A_624 = arith.index_cast %parallel_loop3A_243 : i32 to index
      %parallel_loop3A_625 = arith.constant 544 : index
      %parallel_loop3A_626 = tpu.vector_load %arg8[%parallel_loop3A_623, %parallel_loop3A_624, %parallel_loop3A_625] {strides = array<i32>} : memref<3x16x1024xf32, #tpu.memory_space<vmem>>, vector<1x1x16xf32>,
      %parallel_loop3A_627 = vector.shape_cast %parallel_loop3A_626 : vector<1x1x16xf32> to vector<16xf32>
      %parallel_loop3A_628 = vector.shape_cast %parallel_loop3A_622 : vector<16xf32> to vector<1x1x16xf32>
      tpu.vector_store %arg8[%parallel_loop3A_623, %parallel_loop3A_624, %parallel_loop3A_625], %parallel_loop3A_628 {add = true, strides = array<i32>} : memref<3x16x1024xf32, #tpu.memory_space<vmem>>, vector<1x1x16xf32>,
      %parallel_loop3A_629 = arith.index_cast %rem3A_138 : i32 to index
      %parallel_loop3A_630 = arith.index_cast %parallel_loop3A_243 : i32 to index
      %parallel_loop3A_631 = arith.constant 560 : index
      %parallel_loop3A_632 = tpu.vector_load %arg7[%parallel_loop3A_629, %parallel_loop3A_630, %parallel_loop3A_631] {strides = array<i32>} : memref<4x16x1024xf32, #tpu.memory_space<vmem>>, vector<1x1x16xf32>,
      %parallel_loop3A_633 = vector.shape_cast %parallel_loop3A_632 : vector<1x1x16xf32> to vector<16xf32>
      %parallel_loop3A_634 = arith.index_cast %rem3A_135 : i32 to index
      %parallel_loop3A_635 = arith.index_cast %parallel_loop3A_243 : i32 to index
      %parallel_loop3A_636 = arith.constant 560 : index
      %parallel_loop3A_637 = tpu.vector_load %arg8[%parallel_loop3A_634, %parallel_loop3A_635, %parallel_loop3A_636] {strides = array<i32>} : memref<3x16x1024xf32, #tpu.memory_space<vmem>>, vector<1x1x16xf32>,
      %parallel_loop3A_638 = vector.shape_cast %parallel_loop3A_637 : vector<1x1x16xf32> to vector<16xf32>
      %parallel_loop3A_639 = vector.shape_cast %parallel_loop3A_633 : vector<16xf32> to vector<1x1x16xf32>
      tpu.vector_store %arg8[%parallel_loop3A_634, %parallel_loop3A_635, %parallel_loop3A_636], %parallel_loop3A_639 {add = true, strides = array<i32>} : memref<3x16x1024xf32, #tpu.memory_space<vmem>>, vector<1x1x16xf32>,
      %parallel_loop3A_640 = arith.index_cast %rem3A_138 : i32 to index
      %parallel_loop3A_641 = arith.index_cast %parallel_loop3A_243 : i32 to index
      %parallel_loop3A_642 = arith.constant 576 : index
      %parallel_loop3A_643 = tpu.vector_load %arg7[%parallel_loop3A_640, %parallel_loop3A_641, %parallel_loop3A_642] {strides = array<i32>} : memref<4x16x1024xf32, #tpu.memory_space<vmem>>, vector<1x1x16xf32>,
      %parallel_loop3A_644 = vector.shape_cast %parallel_loop3A_643 : vector<1x1x16xf32> to vector<16xf32>
      %parallel_loop3A_645 = arith.index_cast %rem3A_135 : i32 to index
      %parallel_loop3A_646 = arith.index_cast %parallel_loop3A_243 : i32 to index
      %parallel_loop3A_647 = arith.constant 576 : index
      %parallel_loop3A_648 = tpu.vector_load %arg8[%parallel_loop3A_645, %parallel_loop3A_646, %parallel_loop3A_647] {strides = array<i32>} : memref<3x16x1024xf32, #tpu.memory_space<vmem>>, vector<1x1x16xf32>,
      %parallel_loop3A_649 = vector.shape_cast %parallel_loop3A_648 : vector<1x1x16xf32> to vector<16xf32>
      %parallel_loop3A_650 = vector.shape_cast %parallel_loop3A_644 : vector<16xf32> to vector<1x1x16xf32>
      tpu.vector_store %arg8[%parallel_loop3A_645, %parallel_loop3A_646, %parallel_loop3A_647], %parallel_loop3A_650 {add = true, strides = array<i32>} : memref<3x16x1024xf32, #tpu.memory_space<vmem>>, vector<1x1x16xf32>,
      %parallel_loop3A_651 = arith.index_cast %rem3A_138 : i32 to index
      %parallel_loop3A_652 = arith.index_cast %parallel_loop3A_243 : i32 to index
      %parallel_loop3A_653 = arith.constant 592 : index
      %parallel_loop3A_654 = tpu.vector_load %arg7[%parallel_loop3A_651, %parallel_loop3A_652, %parallel_loop3A_653] {strides = array<i32>} : memref<4x16x1024xf32, #tpu.memory_space<vmem>>, vector<1x1x16xf32>,
      %parallel_loop3A_655 = vector.shape_cast %parallel_loop3A_654 : vector<1x1x16xf32> to vector<16xf32>
      %parallel_loop3A_656 = arith.index_cast %rem3A_135 : i32 to index
      %parallel_loop3A_657 = arith.index_cast %parallel_loop3A_243 : i32 to index
      %parallel_loop3A_658 = arith.constant 592 : index
      %parallel_loop3A_659 = tpu.vector_load %arg8[%parallel_loop3A_656, %parallel_loop3A_657, %parallel_loop3A_658] {strides = array<i32>} : memref<3x16x1024xf32, #tpu.memory_space<vmem>>, vector<1x1x16xf32>,
      %parallel_loop3A_660 = vector.shape_cast %parallel_loop3A_659 : vector<1x1x16xf32> to vector<16xf32>
      %parallel_loop3A_661 = vector.shape_cast %parallel_loop3A_655 : vector<16xf32> to vector<1x1x16xf32>
      tpu.vector_store %arg8[%parallel_loop3A_656, %parallel_loop3A_657, %parallel_loop3A_658], %parallel_loop3A_661 {add = true, strides = array<i32>} : memref<3x16x1024xf32, #tpu.memory_space<vmem>>, vector<1x1x16xf32>,
      %parallel_loop3A_662 = arith.index_cast %rem3A_138 : i32 to index
      %parallel_loop3A_663 = arith.index_cast %parallel_loop3A_243 : i32 to index
      %parallel_loop3A_664 = arith.constant 608 : index
      %parallel_loop3A_665 = tpu.vector_load %arg7[%parallel_loop3A_662, %parallel_loop3A_663, %parallel_loop3A_664] {strides = array<i32>} : memref<4x16x1024xf32, #tpu.memory_space<vmem>>, vector<1x1x16xf32>,
      %parallel_loop3A_666 = vector.shape_cast %parallel_loop3A_665 : vector<1x1x16xf32> to vector<16xf32>
      %parallel_loop3A_667 = arith.index_cast %rem3A_135 : i32 to index
      %parallel_loop3A_668 = arith.index_cast %parallel_loop3A_243 : i32 to index
      %parallel_loop3A_669 = arith.constant 608 : index
      %parallel_loop3A_670 = tpu.vector_load %arg8[%parallel_loop3A_667, %parallel_loop3A_668, %parallel_loop3A_669] {strides = array<i32>} : memref<3x16x1024xf32, #tpu.memory_space<vmem>>, vector<1x1x16xf32>,
      %parallel_loop3A_671 = vector.shape_cast %parallel_loop3A_670 : vector<1x1x16xf32> to vector<16xf32>
      %parallel_loop3A_672 = vector.shape_cast %parallel_loop3A_666 : vector<16xf32> to vector<1x1x16xf32>
      tpu.vector_store %arg8[%parallel_loop3A_667, %parallel_loop3A_668, %parallel_loop3A_669], %parallel_loop3A_672 {add = true, strides = array<i32>} : memref<3x16x1024xf32, #tpu.memory_space<vmem>>, vector<1x1x16xf32>,
      %parallel_loop3A_673 = arith.index_cast %rem3A_138 : i32 to index
      %parallel_loop3A_674 = arith.index_cast %parallel_loop3A_243 : i32 to index
      %parallel_loop3A_675 = arith.constant 624 : index
      %parallel_loop3A_676 = tpu.vector_load %arg7[%parallel_loop3A_673, %parallel_loop3A_674, %parallel_loop3A_675] {strides = array<i32>} : memref<4x16x1024xf32, #tpu.memory_space<vmem>>, vector<1x1x16xf32>,
      %parallel_loop3A_677 = vector.shape_cast %parallel_loop3A_676 : vector<1x1x16xf32> to vector<16xf32>
      %parallel_loop3A_678 = arith.index_cast %rem3A_135 : i32 to index
      %parallel_loop3A_679 = arith.index_cast %parallel_loop3A_243 : i32 to index
      %parallel_loop3A_680 = arith.constant 624 : index
      %parallel_loop3A_681 = tpu.vector_load %arg8[%parallel_loop3A_678, %parallel_loop3A_679, %parallel_loop3A_680] {strides = array<i32>} : memref<3x16x1024xf32, #tpu.memory_space<vmem>>, vector<1x1x16xf32>,
      %parallel_loop3A_682 = vector.shape_cast %parallel_loop3A_681 : vector<1x1x16xf32> to vector<16xf32>
      %parallel_loop3A_683 = vector.shape_cast %parallel_loop3A_677 : vector<16xf32> to vector<1x1x16xf32>
      tpu.vector_store %arg8[%parallel_loop3A_678, %parallel_loop3A_679, %parallel_loop3A_680], %parallel_loop3A_683 {add = true, strides = array<i32>} : memref<3x16x1024xf32, #tpu.memory_space<vmem>>, vector<1x1x16xf32>,
      %parallel_loop3A_684 = arith.index_cast %rem3A_138 : i32 to index
      %parallel_loop3A_685 = arith.index_cast %parallel_loop3A_243 : i32 to index
      %parallel_loop3A_686 = arith.constant 640 : index
      %parallel_loop3A_687 = tpu.vector_load %arg7[%parallel_loop3A_684, %parallel_loop3A_685, %parallel_loop3A_686] {strides = array<i32>} : memref<4x16x1024xf32, #tpu.memory_space<vmem>>, vector<1x1x16xf32>,
      %parallel_loop3A_688 = vector.shape_cast %parallel_loop3A_687 : vector<1x1x16xf32> to vector<16xf32>
      %parallel_loop3A_689 = arith.index_cast %rem3A_135 : i32 to index
      %parallel_loop3A_690 = arith.index_cast %parallel_loop3A_243 : i32 to index
      %parallel_loop3A_691 = arith.constant 640 : index
      %parallel_loop3A_692 = tpu.vector_load %arg8[%parallel_loop3A_689, %parallel_loop3A_690, %parallel_loop3A_691] {strides = array<i32>} : memref<3x16x1024xf32, #tpu.memory_space<vmem>>, vector<1x1x16xf32>,
      %parallel_loop3A_693 = vector.shape_cast %parallel_loop3A_692 : vector<1x1x16xf32> to vector<16xf32>
      %parallel_loop3A_694 = vector.shape_cast %parallel_loop3A_688 : vector<16xf32> to vector<1x1x16xf32>
      tpu.vector_store %arg8[%parallel_loop3A_689, %parallel_loop3A_690, %parallel_loop3A_691], %parallel_loop3A_694 {add = true, strides = array<i32>} : memref<3x16x1024xf32, #tpu.memory_space<vmem>>, vector<1x1x16xf32>,
      %parallel_loop3A_695 = arith.index_cast %rem3A_138 : i32 to index
      %parallel_loop3A_696 = arith.index_cast %parallel_loop3A_243 : i32 to index
      %parallel_loop3A_697 = arith.constant 656 : index
      %parallel_loop3A_698 = tpu.vector_load %arg7[%parallel_loop3A_695, %parallel_loop3A_696, %parallel_loop3A_697] {strides = array<i32>} : memref<4x16x1024xf32, #tpu.memory_space<vmem>>, vector<1x1x16xf32>,
      %parallel_loop3A_699 = vector.shape_cast %parallel_loop3A_698 : vector<1x1x16xf32> to vector<16xf32>
      %parallel_loop3A_700 = arith.index_cast %rem3A_135 : i32 to index
      %parallel_loop3A_701 = arith.index_cast %parallel_loop3A_243 : i32 to index
      %parallel_loop3A_702 = arith.constant 656 : index
      %parallel_loop3A_703 = tpu.vector_load %arg8[%parallel_loop3A_700, %parallel_loop3A_701, %parallel_loop3A_702] {strides = array<i32>} : memref<3x16x1024xf32, #tpu.memory_space<vmem>>, vector<1x1x16xf32>,
      %parallel_loop3A_704 = vector.shape_cast %parallel_loop3A_703 : vector<1x1x16xf32> to vector<16xf32>
      %parallel_loop3A_705 = vector.shape_cast %parallel_loop3A_699 : vector<16xf32> to vector<1x1x16xf32>
      tpu.vector_store %arg8[%parallel_loop3A_700, %parallel_loop3A_701, %parallel_loop3A_702], %parallel_loop3A_705 {add = true, strides = array<i32>} : memref<3x16x1024xf32, #tpu.memory_space<vmem>>, vector<1x1x16xf32>,
      %parallel_loop3A_706 = arith.index_cast %rem3A_138 : i32 to index
      %parallel_loop3A_707 = arith.index_cast %parallel_loop3A_243 : i32 to index
      %parallel_loop3A_708 = arith.constant 672 : index
      %parallel_loop3A_709 = tpu.vector_load %arg7[%parallel_loop3A_706, %parallel_loop3A_707, %parallel_loop3A_708] {strides = array<i32>} : memref<4x16x1024xf32, #tpu.memory_space<vmem>>, vector<1x1x16xf32>,
      %parallel_loop3A_710 = vector.shape_cast %parallel_loop3A_709 : vector<1x1x16xf32> to vector<16xf32>
      %parallel_loop3A_711 = arith.index_cast %rem3A_135 : i32 to index
      %parallel_loop3A_712 = arith.index_cast %parallel_loop3A_243 : i32 to index
      %parallel_loop3A_713 = arith.constant 672 : index
      %parallel_loop3A_714 = tpu.vector_load %arg8[%parallel_loop3A_711, %parallel_loop3A_712, %parallel_loop3A_713] {strides = array<i32>} : memref<3x16x1024xf32, #tpu.memory_space<vmem>>, vector<1x1x16xf32>,
      %parallel_loop3A_715 = vector.shape_cast %parallel_loop3A_714 : vector<1x1x16xf32> to vector<16xf32>
      %parallel_loop3A_716 = vector.shape_cast %parallel_loop3A_710 : vector<16xf32> to vector<1x1x16xf32>
      tpu.vector_store %arg8[%parallel_loop3A_711, %parallel_loop3A_712, %parallel_loop3A_713], %parallel_loop3A_716 {add = true, strides = array<i32>} : memref<3x16x1024xf32, #tpu.memory_space<vmem>>, vector<1x1x16xf32>,
      %parallel_loop3A_717 = arith.index_cast %rem3A_138 : i32 to index
      %parallel_loop3A_718 = arith.index_cast %parallel_loop3A_243 : i32 to index
      %parallel_loop3A_719 = arith.constant 688 : index
      %parallel_loop3A_720 = tpu.vector_load %arg7[%parallel_loop3A_717, %parallel_loop3A_718, %parallel_loop3A_719] {strides = array<i32>} : memref<4x16x1024xf32, #tpu.memory_space<vmem>>, vector<1x1x16xf32>,
      %parallel_loop3A_721 = vector.shape_cast %parallel_loop3A_720 : vector<1x1x16xf32> to vector<16xf32>
      %parallel_loop3A_722 = arith.index_cast %rem3A_135 : i32 to index
      %parallel_loop3A_723 = arith.index_cast %parallel_loop3A_243 : i32 to index
      %parallel_loop3A_724 = arith.constant 688 : index
      %parallel_loop3A_725 = tpu.vector_load %arg8[%parallel_loop3A_722, %parallel_loop3A_723, %parallel_loop3A_724] {strides = array<i32>} : memref<3x16x1024xf32, #tpu.memory_space<vmem>>, vector<1x1x16xf32>,
      %parallel_loop3A_726 = vector.shape_cast %parallel_loop3A_725 : vector<1x1x16xf32> to vector<16xf32>
      %parallel_loop3A_727 = vector.shape_cast %parallel_loop3A_721 : vector<16xf32> to vector<1x1x16xf32>
      tpu.vector_store %arg8[%parallel_loop3A_722, %parallel_loop3A_723, %parallel_loop3A_724], %parallel_loop3A_727 {add = true, strides = array<i32>} : memref<3x16x1024xf32, #tpu.memory_space<vmem>>, vector<1x1x16xf32>,
      %parallel_loop3A_728 = arith.index_cast %rem3A_138 : i32 to index
      %parallel_loop3A_729 = arith.index_cast %parallel_loop3A_243 : i32 to index
      %parallel_loop3A_730 = arith.constant 704 : index
      %parallel_loop3A_731 = tpu.vector_load %arg7[%parallel_loop3A_728, %parallel_loop3A_729, %parallel_loop3A_730] {strides = array<i32>} : memref<4x16x1024xf32, #tpu.memory_space<vmem>>, vector<1x1x16xf32>,
      %parallel_loop3A_732 = vector.shape_cast %parallel_loop3A_731 : vector<1x1x16xf32> to vector<16xf32>
      %parallel_loop3A_733 = arith.index_cast %rem3A_135 : i32 to index
      %parallel_loop3A_734 = arith.index_cast %parallel_loop3A_243 : i32 to index
      %parallel_loop3A_735 = arith.constant 704 : index
      %parallel_loop3A_736 = tpu.vector_load %arg8[%parallel_loop3A_733, %parallel_loop3A_734, %parallel_loop3A_735] {strides = array<i32>} : memref<3x16x1024xf32, #tpu.memory_space<vmem>>, vector<1x1x16xf32>,
      %parallel_loop3A_737 = vector.shape_cast %parallel_loop3A_736 : vector<1x1x16xf32> to vector<16xf32>
      %parallel_loop3A_738 = vector.shape_cast %parallel_loop3A_732 : vector<16xf32> to vector<1x1x16xf32>
      tpu.vector_store %arg8[%parallel_loop3A_733, %parallel_loop3A_734, %parallel_loop3A_735], %parallel_loop3A_738 {add = true, strides = array<i32>} : memref<3x16x1024xf32, #tpu.memory_space<vmem>>, vector<1x1x16xf32>,
      %parallel_loop3A_739 = arith.index_cast %rem3A_138 : i32 to index
      %parallel_loop3A_740 = arith.index_cast %parallel_loop3A_243 : i32 to index
      %parallel_loop3A_741 = arith.constant 720 : index
      %parallel_loop3A_742 = tpu.vector_load %arg7[%parallel_loop3A_739, %parallel_loop3A_740, %parallel_loop3A_741] {strides = array<i32>} : memref<4x16x1024xf32, #tpu.memory_space<vmem>>, vector<1x1x16xf32>,
      %parallel_loop3A_743 = vector.shape_cast %parallel_loop3A_742 : vector<1x1x16xf32> to vector<16xf32>
      %parallel_loop3A_744 = arith.index_cast %rem3A_135 : i32 to index
      %parallel_loop3A_745 = arith.index_cast %parallel_loop3A_243 : i32 to index
      %parallel_loop3A_746 = arith.constant 720 : index
      %parallel_loop3A_747 = tpu.vector_load %arg8[%parallel_loop3A_744, %parallel_loop3A_745, %parallel_loop3A_746] {strides = array<i32>} : memref<3x16x1024xf32, #tpu.memory_space<vmem>>, vector<1x1x16xf32>,
      %parallel_loop3A_748 = vector.shape_cast %parallel_loop3A_747 : vector<1x1x16xf32> to vector<16xf32>
      %parallel_loop3A_749 = vector.shape_cast %parallel_loop3A_743 : vector<16xf32> to vector<1x1x16xf32>
      tpu.vector_store %arg8[%parallel_loop3A_744, %parallel_loop3A_745, %parallel_loop3A_746], %parallel_loop3A_749 {add = true, strides = array<i32>} : memref<3x16x1024xf32, #tpu.memory_space<vmem>>, vector<1x1x16xf32>,
      %parallel_loop3A_750 = arith.index_cast %rem3A_138 : i32 to index
      %parallel_loop3A_751 = arith.index_cast %parallel_loop3A_243 : i32 to index
      %parallel_loop3A_752 = arith.constant 736 : index
      %parallel_loop3A_753 = tpu.vector_load %arg7[%parallel_loop3A_750, %parallel_loop3A_751, %parallel_loop3A_752] {strides = array<i32>} : memref<4x16x1024xf32, #tpu.memory_space<vmem>>, vector<1x1x16xf32>,
      %parallel_loop3A_754 = vector.shape_cast %parallel_loop3A_753 : vector<1x1x16xf32> to vector<16xf32>
      %parallel_loop3A_755 = arith.index_cast %rem3A_135 : i32 to index
      %parallel_loop3A_756 = arith.index_cast %parallel_loop3A_243 : i32 to index
      %parallel_loop3A_757 = arith.constant 736 : index
      %parallel_loop3A_758 = tpu.vector_load %arg8[%parallel_loop3A_755, %parallel_loop3A_756, %parallel_loop3A_757] {strides = array<i32>} : memref<3x16x1024xf32, #tpu.memory_space<vmem>>, vector<1x1x16xf32>,
      %parallel_loop3A_759 = vector.shape_cast %parallel_loop3A_758 : vector<1x1x16xf32> to vector<16xf32>
      %parallel_loop3A_760 = vector.shape_cast %parallel_loop3A_754 : vector<16xf32> to vector<1x1x16xf32>
      tpu.vector_store %arg8[%parallel_loop3A_755, %parallel_loop3A_756, %parallel_loop3A_757], %parallel_loop3A_760 {add = true, strides = array<i32>} : memref<3x16x1024xf32, #tpu.memory_space<vmem>>, vector<1x1x16xf32>,
      %parallel_loop3A_761 = arith.index_cast %rem3A_138 : i32 to index
      %parallel_loop3A_762 = arith.index_cast %parallel_loop3A_243 : i32 to index
      %parallel_loop3A_763 = arith.constant 752 : index
      %parallel_loop3A_764 = tpu.vector_load %arg7[%parallel_loop3A_761, %parallel_loop3A_762, %parallel_loop3A_763] {strides = array<i32>} : memref<4x16x1024xf32, #tpu.memory_space<vmem>>, vector<1x1x16xf32>,
      %parallel_loop3A_765 = vector.shape_cast %parallel_loop3A_764 : vector<1x1x16xf32> to vector<16xf32>
      %parallel_loop3A_766 = arith.index_cast %rem3A_135 : i32 to index
      %parallel_loop3A_767 = arith.index_cast %parallel_loop3A_243 : i32 to index
      %parallel_loop3A_768 = arith.constant 752 : index
      %parallel_loop3A_769 = tpu.vector_load %arg8[%parallel_loop3A_766, %parallel_loop3A_767, %parallel_loop3A_768] {strides = array<i32>} : memref<3x16x1024xf32, #tpu.memory_space<vmem>>, vector<1x1x16xf32>,
      %parallel_loop3A_770 = vector.shape_cast %parallel_loop3A_769 : vector<1x1x16xf32> to vector<16xf32>
      %parallel_loop3A_771 = vector.shape_cast %parallel_loop3A_765 : vector<16xf32> to vector<1x1x16xf32>
      tpu.vector_store %arg8[%parallel_loop3A_766, %parallel_loop3A_767, %parallel_loop3A_768], %parallel_loop3A_771 {add = true, strides = array<i32>} : memref<3x16x1024xf32, #tpu.memory_space<vmem>>, vector<1x1x16xf32>,
      %parallel_loop3A_772 = arith.index_cast %rem3A_138 : i32 to index
      %parallel_loop3A_773 = arith.index_cast %parallel_loop3A_243 : i32 to index
      %parallel_loop3A_774 = arith.constant 768 : index
      %parallel_loop3A_775 = tpu.vector_load %arg7[%parallel_loop3A_772, %parallel_loop3A_773, %parallel_loop3A_774] {strides = array<i32>} : memref<4x16x1024xf32, #tpu.memory_space<vmem>>, vector<1x1x16xf32>,
      %parallel_loop3A_776 = vector.shape_cast %parallel_loop3A_775 : vector<1x1x16xf32> to vector<16xf32>
      %parallel_loop3A_777 = arith.index_cast %rem3A_135 : i32 to index
      %parallel_loop3A_778 = arith.index_cast %parallel_loop3A_243 : i32 to index
      %parallel_loop3A_779 = arith.constant 768 : index
      %parallel_loop3A_780 = tpu.vector_load %arg8[%parallel_loop3A_777, %parallel_loop3A_778, %parallel_loop3A_779] {strides = array<i32>} : memref<3x16x1024xf32, #tpu.memory_space<vmem>>, vector<1x1x16xf32>,
      %parallel_loop3A_781 = vector.shape_cast %parallel_loop3A_780 : vector<1x1x16xf32> to vector<16xf32>
      %parallel_loop3A_782 = vector.shape_cast %parallel_loop3A_776 : vector<16xf32> to vector<1x1x16xf32>
      tpu.vector_store %arg8[%parallel_loop3A_777, %parallel_loop3A_778, %parallel_loop3A_779], %parallel_loop3A_782 {add = true, strides = array<i32>} : memref<3x16x1024xf32, #tpu.memory_space<vmem>>, vector<1x1x16xf32>,
      %parallel_loop3A_783 = arith.index_cast %rem3A_138 : i32 to index
      %parallel_loop3A_784 = arith.index_cast %parallel_loop3A_243 : i32 to index
      %parallel_loop3A_785 = arith.constant 784 : index
      %parallel_loop3A_786 = tpu.vector_load %arg7[%parallel_loop3A_783, %parallel_loop3A_784, %parallel_loop3A_785] {strides = array<i32>} : memref<4x16x1024xf32, #tpu.memory_space<vmem>>, vector<1x1x16xf32>,
      %parallel_loop3A_787 = vector.shape_cast %parallel_loop3A_786 : vector<1x1x16xf32> to vector<16xf32>
      %parallel_loop3A_788 = arith.index_cast %rem3A_135 : i32 to index
      %parallel_loop3A_789 = arith.index_cast %parallel_loop3A_243 : i32 to index
      %parallel_loop3A_790 = arith.constant 784 : index
      %parallel_loop3A_791 = tpu.vector_load %arg8[%parallel_loop3A_788, %parallel_loop3A_789, %parallel_loop3A_790] {strides = array<i32>} : memref<3x16x1024xf32, #tpu.memory_space<vmem>>, vector<1x1x16xf32>,
      %parallel_loop3A_792 = vector.shape_cast %parallel_loop3A_791 : vector<1x1x16xf32> to vector<16xf32>
      %parallel_loop3A_793 = vector.shape_cast %parallel_loop3A_787 : vector<16xf32> to vector<1x1x16xf32>
      tpu.vector_store %arg8[%parallel_loop3A_788, %parallel_loop3A_789, %parallel_loop3A_790], %parallel_loop3A_793 {add = true, strides = array<i32>} : memref<3x16x1024xf32, #tpu.memory_space<vmem>>, vector<1x1x16xf32>,
      %parallel_loop3A_794 = arith.index_cast %rem3A_138 : i32 to index
      %parallel_loop3A_795 = arith.index_cast %parallel_loop3A_243 : i32 to index
      %parallel_loop3A_796 = arith.constant 800 : index
      %parallel_loop3A_797 = tpu.vector_load %arg7[%parallel_loop3A_794, %parallel_loop3A_795, %parallel_loop3A_796] {strides = array<i32>} : memref<4x16x1024xf32, #tpu.memory_space<vmem>>, vector<1x1x16xf32>,
      %parallel_loop3A_798 = vector.shape_cast %parallel_loop3A_797 : vector<1x1x16xf32> to vector<16xf32>
      %parallel_loop3A_799 = arith.index_cast %rem3A_135 : i32 to index
      %parallel_loop3A_800 = arith.index_cast %parallel_loop3A_243 : i32 to index
      %parallel_loop3A_801 = arith.constant 800 : index
      %parallel_loop3A_802 = tpu.vector_load %arg8[%parallel_loop3A_799, %parallel_loop3A_800, %parallel_loop3A_801] {strides = array<i32>} : memref<3x16x1024xf32, #tpu.memory_space<vmem>>, vector<1x1x16xf32>,
      %parallel_loop3A_803 = vector.shape_cast %parallel_loop3A_802 : vector<1x1x16xf32> to vector<16xf32>
      %parallel_loop3A_804 = vector.shape_cast %parallel_loop3A_798 : vector<16xf32> to vector<1x1x16xf32>
      tpu.vector_store %arg8[%parallel_loop3A_799, %parallel_loop3A_800, %parallel_loop3A_801], %parallel_loop3A_804 {add = true, strides = array<i32>} : memref<3x16x1024xf32, #tpu.memory_space<vmem>>, vector<1x1x16xf32>,
      %parallel_loop3A_805 = arith.index_cast %rem3A_138 : i32 to index
      %parallel_loop3A_806 = arith.index_cast %parallel_loop3A_243 : i32 to index
      %parallel_loop3A_807 = arith.constant 816 : index
      %parallel_loop3A_808 = tpu.vector_load %arg7[%parallel_loop3A_805, %parallel_loop3A_806, %parallel_loop3A_807] {strides = array<i32>} : memref<4x16x1024xf32, #tpu.memory_space<vmem>>, vector<1x1x16xf32>,
      %parallel_loop3A_809 = vector.shape_cast %parallel_loop3A_808 : vector<1x1x16xf32> to vector<16xf32>
      %parallel_loop3A_810 = arith.index_cast %rem3A_135 : i32 to index
      %parallel_loop3A_811 = arith.index_cast %parallel_loop3A_243 : i32 to index
      %parallel_loop3A_812 = arith.constant 816 : index
      %parallel_loop3A_813 = tpu.vector_load %arg8[%parallel_loop3A_810, %parallel_loop3A_811, %parallel_loop3A_812] {strides = array<i32>} : memref<3x16x1024xf32, #tpu.memory_space<vmem>>, vector<1x1x16xf32>,
      %parallel_loop3A_814 = vector.shape_cast %parallel_loop3A_813 : vector<1x1x16xf32> to vector<16xf32>
      %parallel_loop3A_815 = vector.shape_cast %parallel_loop3A_809 : vector<16xf32> to vector<1x1x16xf32>
      tpu.vector_store %arg8[%parallel_loop3A_810, %parallel_loop3A_811, %parallel_loop3A_812], %parallel_loop3A_815 {add = true, strides = array<i32>} : memref<3x16x1024xf32, #tpu.memory_space<vmem>>, vector<1x1x16xf32>,
      %parallel_loop3A_816 = arith.index_cast %rem3A_138 : i32 to index
      %parallel_loop3A_817 = arith.index_cast %parallel_loop3A_243 : i32 to index
      %parallel_loop3A_818 = arith.constant 832 : index
      %parallel_loop3A_819 = tpu.vector_load %arg7[%parallel_loop3A_816, %parallel_loop3A_817, %parallel_loop3A_818] {strides = array<i32>} : memref<4x16x1024xf32, #tpu.memory_space<vmem>>, vector<1x1x16xf32>,
      %parallel_loop3A_820 = vector.shape_cast %parallel_loop3A_819 : vector<1x1x16xf32> to vector<16xf32>
      %parallel_loop3A_821 = arith.index_cast %rem3A_135 : i32 to index
      %parallel_loop3A_822 = arith.index_cast %parallel_loop3A_243 : i32 to index
      %parallel_loop3A_823 = arith.constant 832 : index
      %parallel_loop3A_824 = tpu.vector_load %arg8[%parallel_loop3A_821, %parallel_loop3A_822, %parallel_loop3A_823] {strides = array<i32>} : memref<3x16x1024xf32, #tpu.memory_space<vmem>>, vector<1x1x16xf32>,
      %parallel_loop3A_825 = vector.shape_cast %parallel_loop3A_824 : vector<1x1x16xf32> to vector<16xf32>
      %parallel_loop3A_826 = vector.shape_cast %parallel_loop3A_820 : vector<16xf32> to vector<1x1x16xf32>
      tpu.vector_store %arg8[%parallel_loop3A_821, %parallel_loop3A_822, %parallel_loop3A_823], %parallel_loop3A_826 {add = true, strides = array<i32>} : memref<3x16x1024xf32, #tpu.memory_space<vmem>>, vector<1x1x16xf32>,
      %parallel_loop3A_827 = arith.index_cast %rem3A_138 : i32 to index
      %parallel_loop3A_828 = arith.index_cast %parallel_loop3A_243 : i32 to index
      %parallel_loop3A_829 = arith.constant 848 : index
      %parallel_loop3A_830 = tpu.vector_load %arg7[%parallel_loop3A_827, %parallel_loop3A_828, %parallel_loop3A_829] {strides = array<i32>} : memref<4x16x1024xf32, #tpu.memory_space<vmem>>, vector<1x1x16xf32>,
      %parallel_loop3A_831 = vector.shape_cast %parallel_loop3A_830 : vector<1x1x16xf32> to vector<16xf32>
      %parallel_loop3A_832 = arith.index_cast %rem3A_135 : i32 to index
      %parallel_loop3A_833 = arith.index_cast %parallel_loop3A_243 : i32 to index
      %parallel_loop3A_834 = arith.constant 848 : index
      %parallel_loop3A_835 = tpu.vector_load %arg8[%parallel_loop3A_832, %parallel_loop3A_833, %parallel_loop3A_834] {strides = array<i32>} : memref<3x16x1024xf32, #tpu.memory_space<vmem>>, vector<1x1x16xf32>,
      %parallel_loop3A_836 = vector.shape_cast %parallel_loop3A_835 : vector<1x1x16xf32> to vector<16xf32>
      %parallel_loop3A_837 = vector.shape_cast %parallel_loop3A_831 : vector<16xf32> to vector<1x1x16xf32>
      tpu.vector_store %arg8[%parallel_loop3A_832, %parallel_loop3A_833, %parallel_loop3A_834], %parallel_loop3A_837 {add = true, strides = array<i32>} : memref<3x16x1024xf32, #tpu.memory_space<vmem>>, vector<1x1x16xf32>,
      %parallel_loop3A_838 = arith.index_cast %rem3A_138 : i32 to index
      %parallel_loop3A_839 = arith.index_cast %parallel_loop3A_243 : i32 to index
      %parallel_loop3A_840 = arith.constant 864 : index
      %parallel_loop3A_841 = tpu.vector_load %arg7[%parallel_loop3A_838, %parallel_loop3A_839, %parallel_loop3A_840] {strides = array<i32>} : memref<4x16x1024xf32, #tpu.memory_space<vmem>>, vector<1x1x16xf32>,
      %parallel_loop3A_842 = vector.shape_cast %parallel_loop3A_841 : vector<1x1x16xf32> to vector<16xf32>
      %parallel_loop3A_843 = arith.index_cast %rem3A_135 : i32 to index
      %parallel_loop3A_844 = arith.index_cast %parallel_loop3A_243 : i32 to index
      %parallel_loop3A_845 = arith.constant 864 : index
      %parallel_loop3A_846 = tpu.vector_load %arg8[%parallel_loop3A_843, %parallel_loop3A_844, %parallel_loop3A_845] {strides = array<i32>} : memref<3x16x1024xf32, #tpu.memory_space<vmem>>, vector<1x1x16xf32>,
      %parallel_loop3A_847 = vector.shape_cast %parallel_loop3A_846 : vector<1x1x16xf32> to vector<16xf32>
      %parallel_loop3A_848 = vector.shape_cast %parallel_loop3A_842 : vector<16xf32> to vector<1x1x16xf32>
      tpu.vector_store %arg8[%parallel_loop3A_843, %parallel_loop3A_844, %parallel_loop3A_845], %parallel_loop3A_848 {add = true, strides = array<i32>} : memref<3x16x1024xf32, #tpu.memory_space<vmem>>, vector<1x1x16xf32>,
      %parallel_loop3A_849 = arith.index_cast %rem3A_138 : i32 to index
      %parallel_loop3A_850 = arith.index_cast %parallel_loop3A_243 : i32 to index
      %parallel_loop3A_851 = arith.constant 880 : index
      %parallel_loop3A_852 = tpu.vector_load %arg7[%parallel_loop3A_849, %parallel_loop3A_850, %parallel_loop3A_851] {strides = array<i32>} : memref<4x16x1024xf32, #tpu.memory_space<vmem>>, vector<1x1x16xf32>,
      %parallel_loop3A_853 = vector.shape_cast %parallel_loop3A_852 : vector<1x1x16xf32> to vector<16xf32>
      %parallel_loop3A_854 = arith.index_cast %rem3A_135 : i32 to index
      %parallel_loop3A_855 = arith.index_cast %parallel_loop3A_243 : i32 to index
      %parallel_loop3A_856 = arith.constant 880 : index
      %parallel_loop3A_857 = tpu.vector_load %arg8[%parallel_loop3A_854, %parallel_loop3A_855, %parallel_loop3A_856] {strides = array<i32>} : memref<3x16x1024xf32, #tpu.memory_space<vmem>>, vector<1x1x16xf32>,
      %parallel_loop3A_858 = vector.shape_cast %parallel_loop3A_857 : vector<1x1x16xf32> to vector<16xf32>
      %parallel_loop3A_859 = vector.shape_cast %parallel_loop3A_853 : vector<16xf32> to vector<1x1x16xf32>
      tpu.vector_store %arg8[%parallel_loop3A_854, %parallel_loop3A_855, %parallel_loop3A_856], %parallel_loop3A_859 {add = true, strides = array<i32>} : memref<3x16x1024xf32, #tpu.memory_space<vmem>>, vector<1x1x16xf32>,
      %parallel_loop3A_860 = arith.index_cast %rem3A_138 : i32 to index
      %parallel_loop3A_861 = arith.index_cast %parallel_loop3A_243 : i32 to index
      %parallel_loop3A_862 = arith.constant 896 : index
      %parallel_loop3A_863 = tpu.vector_load %arg7[%parallel_loop3A_860, %parallel_loop3A_861, %parallel_loop3A_862] {strides = array<i32>} : memref<4x16x1024xf32, #tpu.memory_space<vmem>>, vector<1x1x16xf32>,
      %parallel_loop3A_864 = vector.shape_cast %parallel_loop3A_863 : vector<1x1x16xf32> to vector<16xf32>
      %parallel_loop3A_865 = arith.index_cast %rem3A_135 : i32 to index
      %parallel_loop3A_866 = arith.index_cast %parallel_loop3A_243 : i32 to index
      %parallel_loop3A_867 = arith.constant 896 : index
      %parallel_loop3A_868 = tpu.vector_load %arg8[%parallel_loop3A_865, %parallel_loop3A_866, %parallel_loop3A_867] {strides = array<i32>} : memref<3x16x1024xf32, #tpu.memory_space<vmem>>, vector<1x1x16xf32>,
      %parallel_loop3A_869 = vector.shape_cast %parallel_loop3A_868 : vector<1x1x16xf32> to vector<16xf32>
      %parallel_loop3A_870 = vector.shape_cast %parallel_loop3A_864 : vector<16xf32> to vector<1x1x16xf32>
      tpu.vector_store %arg8[%parallel_loop3A_865, %parallel_loop3A_866, %parallel_loop3A_867], %parallel_loop3A_870 {add = true, strides = array<i32>} : memref<3x16x1024xf32, #tpu.memory_space<vmem>>, vector<1x1x16xf32>,
      %parallel_loop3A_871 = arith.index_cast %rem3A_138 : i32 to index
      %parallel_loop3A_872 = arith.index_cast %parallel_loop3A_243 : i32 to index
      %parallel_loop3A_873 = arith.constant 912 : index
      %parallel_loop3A_874 = tpu.vector_load %arg7[%parallel_loop3A_871, %parallel_loop3A_872, %parallel_loop3A_873] {strides = array<i32>} : memref<4x16x1024xf32, #tpu.memory_space<vmem>>, vector<1x1x16xf32>,
      %parallel_loop3A_875 = vector.shape_cast %parallel_loop3A_874 : vector<1x1x16xf32> to vector<16xf32>
      %parallel_loop3A_876 = arith.index_cast %rem3A_135 : i32 to index
      %parallel_loop3A_877 = arith.index_cast %parallel_loop3A_243 : i32 to index
      %parallel_loop3A_878 = arith.constant 912 : index
      %parallel_loop3A_879 = tpu.vector_load %arg8[%parallel_loop3A_876, %parallel_loop3A_877, %parallel_loop3A_878] {strides = array<i32>} : memref<3x16x1024xf32, #tpu.memory_space<vmem>>, vector<1x1x16xf32>,
      %parallel_loop3A_880 = vector.shape_cast %parallel_loop3A_879 : vector<1x1x16xf32> to vector<16xf32>
      %parallel_loop3A_881 = vector.shape_cast %parallel_loop3A_875 : vector<16xf32> to vector<1x1x16xf32>
      tpu.vector_store %arg8[%parallel_loop3A_876, %parallel_loop3A_877, %parallel_loop3A_878], %parallel_loop3A_881 {add = true, strides = array<i32>} : memref<3x16x1024xf32, #tpu.memory_space<vmem>>, vector<1x1x16xf32>,
      %parallel_loop3A_882 = arith.index_cast %rem3A_138 : i32 to index
      %parallel_loop3A_883 = arith.index_cast %parallel_loop3A_243 : i32 to index
      %parallel_loop3A_884 = arith.constant 928 : index
      %parallel_loop3A_885 = tpu.vector_load %arg7[%parallel_loop3A_882, %parallel_loop3A_883, %parallel_loop3A_884] {strides = array<i32>} : memref<4x16x1024xf32, #tpu.memory_space<vmem>>, vector<1x1x16xf32>,
      %parallel_loop3A_886 = vector.shape_cast %parallel_loop3A_885 : vector<1x1x16xf32> to vector<16xf32>
      %parallel_loop3A_887 = arith.index_cast %rem3A_135 : i32 to index
      %parallel_loop3A_888 = arith.index_cast %parallel_loop3A_243 : i32 to index
      %parallel_loop3A_889 = arith.constant 928 : index
      %parallel_loop3A_890 = tpu.vector_load %arg8[%parallel_loop3A_887, %parallel_loop3A_888, %parallel_loop3A_889] {strides = array<i32>} : memref<3x16x1024xf32, #tpu.memory_space<vmem>>, vector<1x1x16xf32>,
      %parallel_loop3A_891 = vector.shape_cast %parallel_loop3A_890 : vector<1x1x16xf32> to vector<16xf32>
      %parallel_loop3A_892 = vector.shape_cast %parallel_loop3A_886 : vector<16xf32> to vector<1x1x16xf32>
      tpu.vector_store %arg8[%parallel_loop3A_887, %parallel_loop3A_888, %parallel_loop3A_889], %parallel_loop3A_892 {add = true, strides = array<i32>} : memref<3x16x1024xf32, #tpu.memory_space<vmem>>, vector<1x1x16xf32>,
      %parallel_loop3A_893 = arith.index_cast %rem3A_138 : i32 to index
      %parallel_loop3A_894 = arith.index_cast %parallel_loop3A_243 : i32 to index
      %parallel_loop3A_895 = arith.constant 944 : index
      %parallel_loop3A_896 = tpu.vector_load %arg7[%parallel_loop3A_893, %parallel_loop3A_894, %parallel_loop3A_895] {strides = array<i32>} : memref<4x16x1024xf32, #tpu.memory_space<vmem>>, vector<1x1x16xf32>,
      %parallel_loop3A_897 = vector.shape_cast %parallel_loop3A_896 : vector<1x1x16xf32> to vector<16xf32>
      %parallel_loop3A_898 = arith.index_cast %rem3A_135 : i32 to index
      %parallel_loop3A_899 = arith.index_cast %parallel_loop3A_243 : i32 to index
      %parallel_loop3A_900 = arith.constant 944 : index
      %parallel_loop3A_901 = tpu.vector_load %arg8[%parallel_loop3A_898, %parallel_loop3A_899, %parallel_loop3A_900] {strides = array<i32>} : memref<3x16x1024xf32, #tpu.memory_space<vmem>>, vector<1x1x16xf32>,
      %parallel_loop3A_902 = vector.shape_cast %parallel_loop3A_901 : vector<1x1x16xf32> to vector<16xf32>
      %parallel_loop3A_903 = vector.shape_cast %parallel_loop3A_897 : vector<16xf32> to vector<1x1x16xf32>
      tpu.vector_store %arg8[%parallel_loop3A_898, %parallel_loop3A_899, %parallel_loop3A_900], %parallel_loop3A_903 {add = true, strides = array<i32>} : memref<3x16x1024xf32, #tpu.memory_space<vmem>>, vector<1x1x16xf32>,
      %parallel_loop3A_904 = arith.index_cast %rem3A_138 : i32 to index
      %parallel_loop3A_905 = arith.index_cast %parallel_loop3A_243 : i32 to index
      %parallel_loop3A_906 = arith.constant 960 : index
      %parallel_loop3A_907 = tpu.vector_load %arg7[%parallel_loop3A_904, %parallel_loop3A_905, %parallel_loop3A_906] {strides = array<i32>} : memref<4x16x1024xf32, #tpu.memory_space<vmem>>, vector<1x1x16xf32>,
      %parallel_loop3A_908 = vector.shape_cast %parallel_loop3A_907 : vector<1x1x16xf32> to vector<16xf32>
      %parallel_loop3A_909 = arith.index_cast %rem3A_135 : i32 to index
      %parallel_loop3A_910 = arith.index_cast %parallel_loop3A_243 : i32 to index
      %parallel_loop3A_911 = arith.constant 960 : index
      %parallel_loop3A_912 = tpu.vector_load %arg8[%parallel_loop3A_909, %parallel_loop3A_910, %parallel_loop3A_911] {strides = array<i32>} : memref<3x16x1024xf32, #tpu.memory_space<vmem>>, vector<1x1x16xf32>,
      %parallel_loop3A_913 = vector.shape_cast %parallel_loop3A_912 : vector<1x1x16xf32> to vector<16xf32>
      %parallel_loop3A_914 = vector.shape_cast %parallel_loop3A_908 : vector<16xf32> to vector<1x1x16xf32>
      tpu.vector_store %arg8[%parallel_loop3A_909, %parallel_loop3A_910, %parallel_loop3A_911], %parallel_loop3A_914 {add = true, strides = array<i32>} : memref<3x16x1024xf32, #tpu.memory_space<vmem>>, vector<1x1x16xf32>,
      %parallel_loop3A_915 = arith.index_cast %rem3A_138 : i32 to index
      %parallel_loop3A_916 = arith.index_cast %parallel_loop3A_243 : i32 to index
      %parallel_loop3A_917 = arith.constant 976 : index
      %parallel_loop3A_918 = tpu.vector_load %arg7[%parallel_loop3A_915, %parallel_loop3A_916, %parallel_loop3A_917] {strides = array<i32>} : memref<4x16x1024xf32, #tpu.memory_space<vmem>>, vector<1x1x16xf32>,
      %parallel_loop3A_919 = vector.shape_cast %parallel_loop3A_918 : vector<1x1x16xf32> to vector<16xf32>
      %parallel_loop3A_920 = arith.index_cast %rem3A_135 : i32 to index
      %parallel_loop3A_921 = arith.index_cast %parallel_loop3A_243 : i32 to index
      %parallel_loop3A_922 = arith.constant 976 : index
      %parallel_loop3A_923 = tpu.vector_load %arg8[%parallel_loop3A_920, %parallel_loop3A_921, %parallel_loop3A_922] {strides = array<i32>} : memref<3x16x1024xf32, #tpu.memory_space<vmem>>, vector<1x1x16xf32>,
      %parallel_loop3A_924 = vector.shape_cast %parallel_loop3A_923 : vector<1x1x16xf32> to vector<16xf32>
      %parallel_loop3A_925 = vector.shape_cast %parallel_loop3A_919 : vector<16xf32> to vector<1x1x16xf32>
      tpu.vector_store %arg8[%parallel_loop3A_920, %parallel_loop3A_921, %parallel_loop3A_922], %parallel_loop3A_925 {add = true, strides = array<i32>} : memref<3x16x1024xf32, #tpu.memory_space<vmem>>, vector<1x1x16xf32>,
      %parallel_loop3A_926 = arith.index_cast %rem3A_138 : i32 to index
      %parallel_loop3A_927 = arith.index_cast %parallel_loop3A_243 : i32 to index
      %parallel_loop3A_928 = arith.constant 992 : index
      %parallel_loop3A_929 = tpu.vector_load %arg7[%parallel_loop3A_926, %parallel_loop3A_927, %parallel_loop3A_928] {strides = array<i32>} : memref<4x16x1024xf32, #tpu.memory_space<vmem>>, vector<1x1x16xf32>,
      %parallel_loop3A_930 = vector.shape_cast %parallel_loop3A_929 : vector<1x1x16xf32> to vector<16xf32>
      %parallel_loop3A_931 = arith.index_cast %rem3A_135 : i32 to index
      %parallel_loop3A_932 = arith.index_cast %parallel_loop3A_243 : i32 to index
      %parallel_loop3A_933 = arith.constant 992 : index
      %parallel_loop3A_934 = tpu.vector_load %arg8[%parallel_loop3A_931, %parallel_loop3A_932, %parallel_loop3A_933] {strides = array<i32>} : memref<3x16x1024xf32, #tpu.memory_space<vmem>>, vector<1x1x16xf32>,
      %parallel_loop3A_935 = vector.shape_cast %parallel_loop3A_934 : vector<1x1x16xf32> to vector<16xf32>
      %parallel_loop3A_936 = vector.shape_cast %parallel_loop3A_930 : vector<16xf32> to vector<1x1x16xf32>
      tpu.vector_store %arg8[%parallel_loop3A_931, %parallel_loop3A_932, %parallel_loop3A_933], %parallel_loop3A_936 {add = true, strides = array<i32>} : memref<3x16x1024xf32, #tpu.memory_space<vmem>>, vector<1x1x16xf32>,
      %parallel_loop3A_937 = arith.index_cast %rem3A_138 : i32 to index
      %parallel_loop3A_938 = arith.index_cast %parallel_loop3A_243 : i32 to index
      %parallel_loop3A_939 = arith.constant 1008 : index
      %parallel_loop3A_940 = tpu.vector_load %arg7[%parallel_loop3A_937, %parallel_loop3A_938, %parallel_loop3A_939] {strides = array<i32>} : memref<4x16x1024xf32, #tpu.memory_space<vmem>>, vector<1x1x16xf32>,
      %parallel_loop3A_941 = vector.shape_cast %parallel_loop3A_940 : vector<1x1x16xf32> to vector<16xf32>
      %parallel_loop3A_942 = arith.index_cast %rem3A_135 : i32 to index
      %parallel_loop3A_943 = arith.index_cast %parallel_loop3A_243 : i32 to index
      %parallel_loop3A_944 = arith.constant 1008 : index
      %parallel_loop3A_945 = tpu.vector_load %arg8[%parallel_loop3A_942, %parallel_loop3A_943, %parallel_loop3A_944] {strides = array<i32>} : memref<3x16x1024xf32, #tpu.memory_space<vmem>>, vector<1x1x16xf32>,
      %parallel_loop3A_946 = vector.shape_cast %parallel_loop3A_945 : vector<1x1x16xf32> to vector<16xf32>
      %parallel_loop3A_947 = vector.shape_cast %parallel_loop3A_941 : vector<16xf32> to vector<1x1x16xf32>
      tpu.vector_store %arg8[%parallel_loop3A_942, %parallel_loop3A_943, %parallel_loop3A_944], %parallel_loop3A_947 {add = true, strides = array<i32>} : memref<3x16x1024xf32, #tpu.memory_space<vmem>>, vector<1x1x16xf32>,
    } {sc.loop_unroll_factor = 1 : i64, sc.parallel_access}
    %mul3A_157 = arith.constant 16 : i32
    %mul3A_158 = arith.muli %rem3A_138, %mul3A_157 : i32
    %add3A_159 = arith.addi %mul3A_2, %mul3A_158 : i32
    %dma_start3A_160 = arith.constant 3 : i32
    %dma_start3A_161 = arith.constant 0 : i32
    %dma_start3A_162 = arith.constant 0 : i32
    %dma_start3A_163 = tpu.memref_slice %arg8[%rem3A_135, %dma_start3A_161, %dma_start3A_162] : memref<3x16x1024xf32, #tpu.memory_space<vmem>> -> memref<1x16x1024xf32, #tpu.memory_space<vmem>>
    %dma_start3A_164 = tpu.memref_squeeze %dma_start3A_163 : memref<1x16x1024xf32, #tpu.memory_space<vmem>> -> memref<16x1024xf32, #tpu.memory_space<vmem>>
    %dma_start3A_165 = arith.constant 0 : i32
    %dma_start3A_166 = tpu.memref_slice %arg5[%dma_start3A_160, %add3A_159, %dma_start3A_165] : memref<4x2048x1024xf32, #tpu.memory_space<hbm>> -> memref<1x16x1024xf32, #tpu.memory_space<hbm>>
    %dma_start3A_167 = tpu.memref_squeeze %dma_start3A_166 : memref<1x16x1024xf32, #tpu.memory_space<hbm>> -> memref<16x1024xf32, #tpu.memory_space<hbm>>
    %dma_start3A_168 = tpu.memref_slice %arg11[%rem3A_135] : memref<3x!tpu.dma_semaphore, #tpu.memory_space<semaphore_mem>> -> memref<1x!tpu.dma_semaphore, #tpu.memory_space<semaphore_mem>>
    %dma_start3A_169 = tpu.memref_squeeze %dma_start3A_168 : memref<1x!tpu.dma_semaphore, #tpu.memory_space<semaphore_mem>> -> memref<!tpu.dma_semaphore, #tpu.memory_space<semaphore_mem>>
    %dma_start3A_170 = arith.constant 0 : i32
    %dma_start3A_171 = tpu.memref_slice %arg5[%dma_start3A_160, %add3A_159, %dma_start3A_170] : memref<4x2048x1024xf32, #tpu.memory_space<hbm>> -> memref<1x16x1024xf32, #tpu.memory_space<hbm>>
    %dma_start3A_172 = tpu.memref_squeeze %dma_start3A_171 : memref<1x16x1024xf32, #tpu.memory_space<hbm>> -> memref<16x1024xf32, #tpu.memory_space<hbm>>
    %dma_start3A_173 = arith.constant 0 : i32
    %dma_start3A_174 = arith.constant 0 : i32
    %dma_start3A_175 = tpu.memref_slice %arg8[%rem3A_135, %dma_start3A_173, %dma_start3A_174] : memref<3x16x1024xf32, #tpu.memory_space<vmem>> -> memref<1x16x1024xf32, #tpu.memory_space<vmem>>
    %dma_start3A_176 = tpu.memref_squeeze %dma_start3A_175 : memref<1x16x1024xf32, #tpu.memory_space<vmem>> -> memref<16x1024xf32, #tpu.memory_space<vmem>>
    tpu.enqueue_dma source(%dma_start3A_176 : memref<16x1024xf32, #tpu.memory_space<vmem>>) target(%dma_start3A_172 : memref<16x1024xf32, #tpu.memory_space<hbm>>) target_semaphore(%dma_start3A_169 : memref<!tpu.dma_semaphore, #tpu.memory_space<semaphore_mem>>)
    %rem3A_177 = arith.constant 13 : i32
    %rem3A_178 = arith.constant 3 : i32
    %rem3A_179 = arith.remsi %rem3A_177, %rem3A_178 : i32
    %dma_wait3A_180 = arith.constant 0 : i32
    %dma_wait3A_181 = arith.constant 0 : i32
    %dma_wait3A_182 = arith.constant 0 : i32
    %dma_wait3A_183 = tpu.memref_slice %arg8[%rem3A_179, %dma_wait3A_181, %dma_wait3A_182] : memref<3x16x1024xf32, #tpu.memory_space<vmem>> -> memref<1x16x1024xf32, #tpu.memory_space<vmem>>
    %dma_wait3A_184 = tpu.memref_squeeze %dma_wait3A_183 : memref<1x16x1024xf32, #tpu.memory_space<vmem>> -> memref<16x1024xf32, #tpu.memory_space<vmem>>
    %dma_wait3A_185 = arith.constant 0 : i32
    %dma_wait3A_186 = arith.constant 0 : i32
    %dma_wait3A_187 = tpu.memref_slice %arg5[%dma_wait3A_180, %dma_wait3A_185, %dma_wait3A_186] : memref<4x2048x1024xf32, #tpu.memory_space<hbm>> -> memref<1x16x1024xf32, #tpu.memory_space<hbm>>
    %dma_wait3A_188 = tpu.memref_squeeze %dma_wait3A_187 : memref<1x16x1024xf32, #tpu.memory_space<hbm>> -> memref<16x1024xf32, #tpu.memory_space<hbm>>
    %dma_wait3A_189 = tpu.memref_slice %arg11[%rem3A_179] : memref<3x!tpu.dma_semaphore, #tpu.memory_space<semaphore_mem>> -> memref<1x!tpu.dma_semaphore, #tpu.memory_space<semaphore_mem>>
    %dma_wait3A_190 = tpu.memref_squeeze %dma_wait3A_189 : memref<1x!tpu.dma_semaphore, #tpu.memory_space<semaphore_mem>> -> memref<!tpu.dma_semaphore, #tpu.memory_space<semaphore_mem>>
    %dma_wait3A_191 = arith.constant 0 : i32
    %dma_wait3A_192 = arith.constant 0 : i32
    %dma_wait3A_193 = tpu.memref_slice %arg5[%dma_wait3A_180, %dma_wait3A_191, %dma_wait3A_192] : memref<4x2048x1024xf32, #tpu.memory_space<hbm>> -> memref<1x16x1024xf32, #tpu.memory_space<hbm>>
    %dma_wait3A_194 = tpu.memref_squeeze %dma_wait3A_193 : memref<1x16x1024xf32, #tpu.memory_space<hbm>> -> memref<16x1024xf32, #tpu.memory_space<hbm>>
    %dma_wait3A_195 = arith.constant 0 : i32
    %dma_wait3A_196 = arith.constant 0 : i32
    %dma_wait3A_197 = tpu.memref_slice %arg8[%rem3A_179, %dma_wait3A_195, %dma_wait3A_196] : memref<3x16x1024xf32, #tpu.memory_space<vmem>> -> memref<1x16x1024xf32, #tpu.memory_space<vmem>>
    %dma_wait3A_198 = tpu.memref_squeeze %dma_wait3A_197 : memref<1x16x1024xf32, #tpu.memory_space<vmem>> -> memref<16x1024xf32, #tpu.memory_space<vmem>>
    tpu.wait_dma2 semaphore(%dma_wait3A_190 : memref<!tpu.dma_semaphore, #tpu.memory_space<semaphore_mem>>) src(%dma_wait3A_198 : memref<16x1024xf32, #tpu.memory_space<vmem>>) dst(%dma_wait3A_194 : memref<16x1024xf32, #tpu.memory_space<hbm>>)
    %rem3A_199 = arith.constant 14 : i32
    %rem3A_200 = arith.constant 3 : i32
    %rem3A_201 = arith.remsi %rem3A_199, %rem3A_200 : i32
    %dma_wait3A_202 = arith.constant 0 : i32
    %dma_wait3A_203 = arith.constant 0 : i32
    %dma_wait3A_204 = arith.constant 0 : i32
    %dma_wait3A_205 = tpu.memref_slice %arg8[%rem3A_201, %dma_wait3A_203, %dma_wait3A_204] : memref<3x16x1024xf32, #tpu.memory_space<vmem>> -> memref<1x16x1024xf32, #tpu.memory_space<vmem>>
    %dma_wait3A_206 = tpu.memref_squeeze %dma_wait3A_205 : memref<1x16x1024xf32, #tpu.memory_space<vmem>> -> memref<16x1024xf32, #tpu.memory_space<vmem>>
    %dma_wait3A_207 = arith.constant 0 : i32
    %dma_wait3A_208 = arith.constant 0 : i32
    %dma_wait3A_209 = tpu.memref_slice %arg5[%dma_wait3A_202, %dma_wait3A_207, %dma_wait3A_208] : memref<4x2048x1024xf32, #tpu.memory_space<hbm>> -> memref<1x16x1024xf32, #tpu.memory_space<hbm>>
    %dma_wait3A_210 = tpu.memref_squeeze %dma_wait3A_209 : memref<1x16x1024xf32, #tpu.memory_space<hbm>> -> memref<16x1024xf32, #tpu.memory_space<hbm>>
    %dma_wait3A_211 = tpu.memref_slice %arg11[%rem3A_201] : memref<3x!tpu.dma_semaphore, #tpu.memory_space<semaphore_mem>> -> memref<1x!tpu.dma_semaphore, #tpu.memory_space<semaphore_mem>>
    %dma_wait3A_212 = tpu.memref_squeeze %dma_wait3A_211 : memref<1x!tpu.dma_semaphore, #tpu.memory_space<semaphore_mem>> -> memref<!tpu.dma_semaphore, #tpu.memory_space<semaphore_mem>>
    %dma_wait3A_213 = arith.constant 0 : i32
    %dma_wait3A_214 = arith.constant 0 : i32
    %dma_wait3A_215 = tpu.memref_slice %arg5[%dma_wait3A_202, %dma_wait3A_213, %dma_wait3A_214] : memref<4x2048x1024xf32, #tpu.memory_space<hbm>> -> memref<1x16x1024xf32, #tpu.memory_space<hbm>>
    %dma_wait3A_216 = tpu.memref_squeeze %dma_wait3A_215 : memref<1x16x1024xf32, #tpu.memory_space<hbm>> -> memref<16x1024xf32, #tpu.memory_space<hbm>>
    %dma_wait3A_217 = arith.constant 0 : i32
    %dma_wait3A_218 = arith.constant 0 : i32
    %dma_wait3A_219 = tpu.memref_slice %arg8[%rem3A_201, %dma_wait3A_217, %dma_wait3A_218] : memref<3x16x1024xf32, #tpu.memory_space<vmem>> -> memref<1x16x1024xf32, #tpu.memory_space<vmem>>
    %dma_wait3A_220 = tpu.memref_squeeze %dma_wait3A_219 : memref<1x16x1024xf32, #tpu.memory_space<vmem>> -> memref<16x1024xf32, #tpu.memory_space<vmem>>
    tpu.wait_dma2 semaphore(%dma_wait3A_212 : memref<!tpu.dma_semaphore, #tpu.memory_space<semaphore_mem>>) src(%dma_wait3A_220 : memref<16x1024xf32, #tpu.memory_space<vmem>>) dst(%dma_wait3A_216 : memref<16x1024xf32, #tpu.memory_space<hbm>>)
    %rem3A_221 = arith.constant 15 : i32
    %rem3A_222 = arith.constant 3 : i32
    %rem3A_223 = arith.remsi %rem3A_221, %rem3A_222 : i32
    %dma_wait3A_224 = arith.constant 0 : i32
    %dma_wait3A_225 = arith.constant 0 : i32
    %dma_wait3A_226 = arith.constant 0 : i32
    %dma_wait3A_227 = tpu.memref_slice %arg8[%rem3A_223, %dma_wait3A_225, %dma_wait3A_226] : memref<3x16x1024xf32, #tpu.memory_space<vmem>> -> memref<1x16x1024xf32, #tpu.memory_space<vmem>>
    %dma_wait3A_228 = tpu.memref_squeeze %dma_wait3A_227 : memref<1x16x1024xf32, #tpu.memory_space<vmem>> -> memref<16x1024xf32, #tpu.memory_space<vmem>>
    %dma_wait3A_229 = arith.constant 0 : i32
    %dma_wait3A_230 = arith.constant 0 : i32
    %dma_wait3A_231 = tpu.memref_slice %arg5[%dma_wait3A_224, %dma_wait3A_229, %dma_wait3A_230] : memref<4x2048x1024xf32, #tpu.memory_space<hbm>> -> memref<1x16x1024xf32, #tpu.memory_space<hbm>>
    %dma_wait3A_232 = tpu.memref_squeeze %dma_wait3A_231 : memref<1x16x1024xf32, #tpu.memory_space<hbm>> -> memref<16x1024xf32, #tpu.memory_space<hbm>>
    %dma_wait3A_233 = tpu.memref_slice %arg11[%rem3A_223] : memref<3x!tpu.dma_semaphore, #tpu.memory_space<semaphore_mem>> -> memref<1x!tpu.dma_semaphore, #tpu.memory_space<semaphore_mem>>
    %dma_wait3A_234 = tpu.memref_squeeze %dma_wait3A_233 : memref<1x!tpu.dma_semaphore, #tpu.memory_space<semaphore_mem>> -> memref<!tpu.dma_semaphore, #tpu.memory_space<semaphore_mem>>
    %dma_wait3A_235 = arith.constant 0 : i32
    %dma_wait3A_236 = arith.constant 0 : i32
    %dma_wait3A_237 = tpu.memref_slice %arg5[%dma_wait3A_224, %dma_wait3A_235, %dma_wait3A_236] : memref<4x2048x1024xf32, #tpu.memory_space<hbm>> -> memref<1x16x1024xf32, #tpu.memory_space<hbm>>
    %dma_wait3A_238 = tpu.memref_squeeze %dma_wait3A_237 : memref<1x16x1024xf32, #tpu.memory_space<hbm>> -> memref<16x1024xf32, #tpu.memory_space<hbm>>
    %dma_wait3A_239 = arith.constant 0 : i32
    %dma_wait3A_240 = arith.constant 0 : i32
    %dma_wait3A_241 = tpu.memref_slice %arg8[%rem3A_223, %dma_wait3A_239, %dma_wait3A_240] : memref<3x16x1024xf32, #tpu.memory_space<vmem>> -> memref<1x16x1024xf32, #tpu.memory_space<vmem>>
    %dma_wait3A_242 = tpu.memref_squeeze %dma_wait3A_241 : memref<1x16x1024xf32, #tpu.memory_space<vmem>> -> memref<16x1024xf32, #tpu.memory_space<vmem>>
    tpu.wait_dma2 semaphore(%dma_wait3A_234 : memref<!tpu.dma_semaphore, #tpu.memory_space<semaphore_mem>>) src(%dma_wait3A_242 : memref<16x1024xf32, #tpu.memory_space<vmem>>) dst(%dma_wait3A_238 : memref<16x1024xf32, #tpu.memory_space<hbm>>)
    return
  }
}

</mosaic_0001>

<sc_bundles>
// kernel: kernel.3.cloned.1.call-start
scs
__scs_entry_jumppad:
0x0: {  	(pc) =	sbr.rel $0x88, $3  }
0x1: {  	(tag) =	ssettag $0x0;
	lr =	simm.s32 $0x1  }
0x2: {  	[smem:$0x3F9E] =	sst lr;
	_ =	strace $0xD0000000  }
0x3: {  	_ = 	snop  }
0x4: {  	_ = 	snop  }
0x5: {  	_ = 	snop  }
0x6: {  	_ = 	snop  }
0x7: {  	_ = 	snop  }
__scs_overlays_trampoline_lowered:
0x8: {  	[smem:$0x3FAD] =	sst s0  }
0x9: {  	[smem:$0x3FAE] =	sst s1  }
0xa: {  	[smem:$0x3FAF] =	sst s2  }
0xb: {  	[smem:$0x3FB0] =	sst s3  }
0xc: {  	[smem:$0x3FB1] =	sst s4  }
0xd: {  	[smem:$0x3FB2] =	sst s5  }
0xe: {  	[smem:$0x3FB3] =	sst s6  }
0xf: {  	[smem:$0x3FB4] =	sst s7  }
0x10: {  	[smem:$0x3FB5] =	sst s8  }
0x11: {  	[smem:$0x3FB6] =	sst s9;
	s0 =	simm.s32 @!p0 $0x0  }
0x12: {  	s1 =	sld [smem:$0x3F9C];
	s0 =	simm.s32 @p0 $0x1  }
0x13: {  	[smem:$0x3FB7] =	sst s0;
	s0 =	simm.s32 @!p1 $0x0  }
0x14: {  	s2 =	sld [smem:$0x3F9B];
	s0 =	simm.s32 @p1 $0x1  }
0x15: {  	[smem:$0x3FB8] =	sst s0;
	s0 =	simm.s32 @!p2 $0x0  }
0x16: {  	s3 =	sld [smem:$0x3FDB];
	s0 =	simm.s32 @p2 $0x1  }
0x17: {  	s4 =	simm.s32 $0x1BF5;
	[smem:$0x3FBA] =	sst s0  }
0x18: {  	s0 =	sld [smem:$0x3F9D];
	_ =	swait.ge [sflag:s4], $0x0  }
0x19: {  	s7 =	sld [smem:$0x3F9E]  }
0x1a: {  	s8 =	sadd.s32 $0xFFFFE003, lr  }
0x1b: {  	s9 =	sadd.s32 $0xFFFFFEF7, lr;
	s5 =	simm.s32 $0xFFFFFFFF;
	p2 =	slt.u32 s8, $0xFFFFF086  }
0x1c: {  	p1 =	slt.u32 s9, $0xF7A;
	s5 =	simm.s32 @!p2 $0x0  }
0x1d: {  	s5 =	simm.s32 @p1 $0x1;
	p0 =	seq.s32 s7, s2  }
0x1e: {  	s7 =	smul.u32 @!p0 $0xF7A, s2;
	p2 =	seq.s32 @!p0 s5, $0x0  }
0x1f: {  	s9 =	smul.u32 $0xF7A, s1;
	s8 =	simm.s32 @!p0 $0x1BF5;
	p2 =	por !p2, p0  }
0x20: {  	[sflag:s8] =	ssyncset.s32 @!p0 $0xFFFFF086;
	s6 =	sadd.s32 @!p0 s3, s7;
	s7 =	simm.s32 @!p0 $0x108  }
0x21: {  	s3 =	sadd.s32 s3, s9;
	s6 =	sadd.s32 @!p0 $0x88, s6;
	s7 =	simm.s32 @p2 $0x1082  }
0x22: {  	[simem:s7], [sflag:s8] =	dma.local @!p0 [hbm:s6], $0xF7A  }
0x23: {  	s9 =	sor.u32 $0xD0000000, s2;
	s6 =	simm.s32 $0x108;
	_ =	swait.ge @!p0 [sflag:s8], $0x0  }
0x24: {  	s3 =	sadd.s32 $0x88, s3;
	s6 =	simm.s32 @!p1 $0x1082;
	[sflag:s4] =	ssyncset.s32 $0xFFFFF086  }
0x25: {  	[simem:s6], [sflag:s4] =	dma.local [hbm:s3], $0xF7A  }
0x26: {  	[smem:$0x3F9E] =	sst s1;
	(tag) =	ssettag s2;
	_ =	strace s9  }
0x27: {  	s1 =	sld [smem:$0x3FAE]  }
0x28: {  	s2 =	sld [smem:$0x3FAF]  }
0x29: {  	s4 =	sld [smem:$0x3FB1]  }
0x2a: {  	p0 =	seq.s32 s5, $0x0;
	s5 =	sld [smem:$0x3FB2]  }
0x2b: {  	s6 =	sld [smem:$0x3FB3]  }
0x2c: {  	s7 =	sld [smem:$0x3FB4]  }
0x2d: {  	s3 =	simm.s32 $0x108;
	s8 =	sld [smem:$0x3FB5]  }
0x2e: {  	s3 =	simm.s32 @!p0 $0x1082;
	s9 =	sld [smem:$0x3FB6]  }
0x2f: {  	lr =	sadd.s32 s0, s3;
	s0 =	sld [smem:$0x3FAD]  }
0x30: {  	s3 =	sld [smem:$0x3FB0]  }
0x31: {  	[smem:$0x3FB9] =	sst s10  }
0x32: {  	s10 =	sld [smem:$0x3FB7];
	_ =	sdelay $0x3  }
0x33: {  	p0 =	seq.s32 s10, $0x1;
	s10 =	sld [smem:$0x3FB9];
	_ =	sdelay $0x3  }
0x34: {  	[smem:$0x3FB9] =	sst s10  }
0x35: {  	s10 =	sld [smem:$0x3FB8];
	_ =	sdelay $0x3  }
0x36: {  	p1 =	seq.s32 s10, $0x1;
	s10 =	sld [smem:$0x3FB9];
	_ =	sdelay $0x3  }
0x37: {  	[smem:$0x3FB9] =	sst s10  }
0x38: {  	s10 =	sld [smem:$0x3FBA]  }
0x39: {  	_ = 	snop;
	(pc) =	sbr.ind lr, $3  }
0x3a: {  	_ = 	snop  }
0x3b: {  	_ = 	snop  }
0x3c: {  	p2 =	seq.s32 s10, $0x1;
	s10 =	sld [smem:$0x3FB9]  }
0x3d: {  	_ =	shalt  }
0x3e: {  	_ =	shalt  }
0x3f: {  	_ =	shalt  }
0x40: {  	_ =	shalt  }
0x41: {  	_ =	shalt  }
0x42: {  	_ =	shalt  }
0x43: {  	_ =	shalt  }
0x44: {  	_ =	shalt  }
0x45: {  	_ =	shalt  }
0x46: {  	_ =	shalt  }
0x47: {  	_ =	shalt  }
0x48: {  	_ =	shalt  }
0x49: {  	_ =	shalt  }
0x4a: {  	_ =	shalt  }
0x4b: {  	_ =	shalt  }
0x4c: {  	_ =	shalt  }
0x4d: {  	_ =	shalt  }
0x4e: {  	_ =	shalt  }
0x4f: {  	_ =	shalt  }
0x50: {  	_ =	shalt  }
0x51: {  	_ =	shalt  }
0x52: {  	_ =	shalt  }
0x53: {  	_ =	shalt  }
0x54: {  	_ =	shalt  }
0x55: {  	_ =	shalt  }
0x56: {  	_ =	shalt  }
0x57: {  	_ =	shalt  }
0x58: {  	_ =	shalt  }
0x59: {  	_ =	shalt  }
0x5a: {  	_ =	shalt  }
0x5b: {  	_ =	shalt  }
0x5c: {  	_ =	shalt  }
0x5d: {  	_ =	shalt  }
0x5e: {  	_ =	shalt  }
0x5f: {  	_ =	shalt  }
0x60: {  	_ =	shalt  }
0x61: {  	_ =	shalt  }
0x62: {  	_ =	shalt  }
0x63: {  	_ =	shalt  }
0x64: {  	_ =	shalt  }
0x65: {  	_ =	shalt  }
0x66: {  	_ =	shalt  }
0x67: {  	_ =	shalt  }
0x68: {  	_ =	shalt  }
0x69: {  	_ =	shalt  }
0x6a: {  	_ =	shalt  }
0x6b: {  	_ =	shalt  }
0x6c: {  	_ =	shalt  }
0x6d: {  	_ =	shalt  }
0x6e: {  	_ =	shalt  }
0x6f: {  	_ =	shalt  }
0x70: {  	_ =	shalt  }
0x71: {  	_ =	shalt  }
0x72: {  	_ =	shalt  }
0x73: {  	_ =	shalt  }
0x74: {  	_ =	shalt  }
0x75: {  	_ =	shalt  }
0x76: {  	_ =	shalt  }
0x77: {  	_ =	shalt  }
0x78: {  	_ =	shalt  }
0x79: {  	_ =	shalt  }
0x7a: {  	_ =	shalt  }
0x7b: {  	_ =	shalt  }
0x7c: {  	_ =	shalt  }
0x7d: {  	_ =	shalt  }
0x7e: {  	_ =	shalt  }
0x7f: {  	_ =	shalt  }
0x80: {  	_ =	shalt  }
0x81: {  	_ =	shalt  }
0x82: {  	_ =	shalt  }
0x83: {  	_ =	shalt  }
0x84: {  	_ =	shalt  }
0x85: {  	_ =	shalt  }
0x86: {  	_ =	shalt  }
0x87: {  	_ =	shalt  }
.Lfunc_end0:
.L_simem_size_0:
called_computation_lowered:
.L_overlay_start_0:
0x88: {  	s2 =	sld [smem:$0x3FD9]  }
0x89: {  	s3 =	sld [smem:$0x3FFE];
	_ =	sdelay $0x1  }
0x8a: {  	s1 =	srdreg.scid  }
0x8b: {  	s0 =	sand.u32 $0x1, s1  }
0x8c: {  	s18 =	sshll.u32 s0, $0xA;
	s2 =	sadd.s32 s3, s2  }
0x8d: {  	s2 =	sadd.s32 s2, s18  }
0x8e: {  	[smem:$0x3FC5] =	sst s2  }
0x8f: {  	_ = 	snop  }
0x90: {  	s2 =	sld [smem:$0x3FC9]  }
0x91: {  	s19 =	sld [smem:$0x3FC8]  }
0x92: {  	s4 =	sld [smem:$0x3FC7]  }
0x93: {  	s5 =	sld [smem:$0x3FD0];
	(tm) =	ssettm $0x1  }
0x94: {  	s6 =	sld [smem:$0x3FFB];
	_ =	sdelay $0x3  }
0x95: {  	_ =	strace s6  }
0x96: {  	s6 =	sld [smem:$0x3FFC];
	_ =	sdelay $0x3  }
0x97: {  	_ =	strace s6  }
0x98: {  	s6 =	sld [smem:$0x3FFD];
	_ =	sdelay $0x3  }
0x99: {  	_ =	strace s6  }
0x9a: {  	_ =	strace $0x8FFFFFFF  }
0x9b: {  	s20 =	sld [smem:$0x3FDB];
	_ =	sdelay $0x1  }
0x9c: {  	s7 =	simm.s32 $_scs_section_size  }
0x9d: {  	s8 =	simm.s32 $_size__tile_overlayer_lowered;
	s9 =	simm.s32 $_tile_overlayer_lowered  }
0x9e: {  	s23 =	simm.s32 $0x1BFF;
	s22 =	sshll.u32 s9, $0x1;
	s6 =	sadd.s32 s7, s20  }
0x9f: {  	s10 =	simm.s32 $0x0;
	s21 =	sshll.u32 s8, $0x1;
	s8 =	sadd.s32 s22, s6  }
0xa0: {  	[timem:s10], [sflag:s23] =	dma.local [hbm:s8], s21  }
0xa1: {  	_ =	swait.ge [sflag:s23], s21  }
0xa2: {  	s7 =	ssub.s32 $0x0, s21;
	[sflag:s23] =	ssyncset.done $0x0  }
0xa3: {  	[sflag:s23] =	ssyncadd.s32 s7;
	_ =	sdelay $0x1  }
0xa4: {  	s24 =	simm.s32 $0x1B8B  }
0xa5: {  	_ =	swait.ge [sflag:s24], $0x1  }
0xa6: {  	[sflag:s24] =	ssyncset.done $0x0  }
0xa7: {  	s25 =	simm.s32 $0x1B8E;
	[sflag:s24] =	ssyncadd.s32 $0xFFFFFFFF  }
0xa8: {  	s26 =	simm.s32 $execute0_lowered;
	[smem:$0x3FD2] =	sst s25  }
0xa9: {  	s7 =	sshll.u32 s26, $0x1;
	_ =	strace $0x80000046;
	[dreg:$0x1] =	wrdreg $0xFFFFFFFF  }
0xaa: {  	s28 =	simm.s32 $_size_execute0_lowered;
	s6 =	sadd.s32 s6, s7;
	[dreg:$0x0] =	wrdreg $0x0  }
0xab: {  	s7 =	sshll.u32 s28, $0x1;
	[dreg:$0x2] =	wrdreg s6  }
0xac: {  	[dreg:$0x3] =	wrdreg s7  }
0xad: {  	[dreg:$0x4] =	wrdreg $0xC0  }
0xae: {  	_ =	task [dreg:s10], $0x5FFFF  }
0xaf: {  	[dreg:$0x1] =	wrdreg $0xFFFFFFFF  }
0xb0: {  	[dreg:$0x0] =	wrdreg $0x60  }
0xb1: {  	[dreg:$0x2] =	wrdreg s2  }
0xb2: {  	[dreg:$0x3] =	wrdreg s19  }
0xb3: {  	[dreg:$0x4] =	wrdreg s4  }
0xb4: {  	[dreg:$0x5] =	wrdreg s5  }
0xb5: {  	[dreg:$0x6] =	wrdreg $0x9  }
0xb6: {  	_ =	task.clear_ibuf [dreg:s10], $0x7FFFF;
	_ =	strace $0x90000046  }
0xb7: {  	s29 =	simm.s32 $0x9;
	_ =	strace $0x80000048  }
0xb8: {  	_ =	swait.ge [sflag:s29], $0x1  }
0xb9: {  	[sflag:s29] =	ssyncadd.s32 $0xFFFFFFFF  }
0xba: {  	_ =	strace $0x90000048  }
0xbb: {  	_ =	sfence  }
0xbc: {  	s30 =	sld [smem:$0x0];
	_ =	sdelay $0x2  }
0xbd: {  	s31 =	sshll.u32 s1, $0xD;
	s1 =	sshrl.u32 s1, $0x2  }
0xbe: {  	s3 =	sand.u32 $0x4000, s31;
	s1 =	sadd.s32 s1, s30  }
0xbf: {  	s0 =	sor.u32 s3, s0;
	s1 =	sshll.u32 s1, $0x11  }
0xc0: {  	s0 =	sor.u32 s1, s0  }
0xc1: {  	s0 =	sadd.s32 $0x8F2B, s0  }
0xc2: {  	[sflag:s0] =	ssyncadd.remote.s32 $0x1  }
0xc3: {  	_ =	sfence.sel $0xFFFF  }
0xc4: {  	[dreg:$0x0] =	wrdreg $0xFFFFFFFF;
	(pc) =	sbr.abs _section_cstart, $3  }
0xc5: {  	[dreg:$0x1] =	wrdreg $0xFFFFFFFF  }
0xc6: {  	_ =	task.clear_ibuf [dreg:s10], $0x2FFFF;
	_ =	strace $0x9FFFFFFF  }
0xc7: {  	(tm) =	ssettm $0x7FFFFFFF  }
tec
execute0_lowered:
.L_overlay_start_1:
0x0: {  	(tag) =	ssettag $0x1  }
0x1: {  	s0 =	rddreg [dreg:$0x0]  }
0x2: {  	s1 =	rddreg [dreg:$0x1]  }
0x3: {  	s2 =	rddreg [dreg:$0x2]  }
0x4: {  	s3 =	rddreg [dreg:$0x3]  }
0x5: {  	s5 =	srdreg.scid;
	s4 =	simm.s32 $0x0;
	s6 =	stileid.u32  }
0x6: {  	s29 =	simm.s32 $0x0;
	s5 =	sand.u32 $0x1, s5;
	[smem:$0x7FF] =	sst s4  }
0x7: {  	s6 =	sshll.u32 s6, $0x7;
	s14 =	sadd.s32 $0x100, s1;
	s15 =	sadd.s32 $0x200, s1  }
0x8: {  	s16 =	sadd.s32 $0x300, s1;
	s7 =	sshll.u32 s5, $0x6;
	s5 =	ssub.s32 $0x2, s5  }
0x9: {  	_ =	strace $0x80000047;
	s6 =	sor.u32 s7, s6;
	s8 =	sshrl.u32 s5, $0x1  }
0xa: {  	s9 =	sshll.u32 s6, $0x7;
	s10 =	sshll.u32 s6, $0x2;
	s11 =	ssub.s32 s5, s8  }
0xb: {  	s8 =	sshll.u32 s6, $0xA;
	s20 =	sadd.s32 s2, s9;
	s21 =	sand.u32 $0x1E00, s10  }
0xc: {  	s24 =	sor.u32 s7, s10;
	s30 =	sadd.s32 s9, s3;
	s31 =	smax.u32 s11, $0x1  }
0xd: {  	s22 =	sadd.s32 $0x800, s20;
	s23 =	sadd.s32 $0x1000, s20;
	[dreg:$0x5] =	wrdreg s20  }
0xe: {  	s2 =	sor.u32 s7, s21;
	s5 =	sadd.s32 $0x1800, s20;
	[dreg:$0xe] =	wrdreg s31  }
0xf: {  	s26 =	sshrl.u32 s24, $0x3;
	s21 =	simm.s32 $0x4;
	[dreg:$0x6] =	wrdreg s22  }
0x10: {  	s24 =	simm.s32 $0x6;
	[dreg:$0x7] =	wrdreg s23;
	s2 =	sshrl.u32 s2, $0x3  }
0x11: {  	[dreg:$0x8] =	wrdreg s5;
	s6 =	sor.u32 $0x20, s26;
	s25 =	sadd.s32 s0, s2  }
0x12: {  	s23 =	simm.s32 $0x8;
	s28 =	sadd.s32 s0, s6;
	[dreg:$0x9] =	wrdreg s25  }
0x13: {  	s2 =	sor.u32 $0x30, s26;
	s5 =	sadd.s32 $0x10, s25;
	[dreg:$0xb] =	wrdreg s28  }
0x14: {  	v2 =	vlaneseq.u32;
	s22 =	simm.s32 $0x1;
	s0 =	sadd.s32 s0, s2;
	[dreg:$0xa] =	wrdreg s5  }
0x15: {  	vm0 =	vmmov $0xffff;
	v1 =	vshrl.u32 v2, $0x3;
	s26 =	simm.s32 $0x5;
	[dreg:$0xc] =	wrdreg s0;
	s0 =	sadd.s32 $0xC1800, s30  }
0x16: {  	v0 =	vand.u32 $0x7, v2;
	v2 =	vor.u32 $0x8, v2;
	v1 =	vmul.u32 $0x8, v1;
	s25 =	simm.s32 $0x7;
	s5 =	simm.s32 $0x10100;
	[dreg:$0xd] =	wrdreg s0  }
.LBB2_1:
0x17: {  	s0 =	rddreg [dreg:$0x5];
	s2 =	simm.s32 $0x100  }
0x18: {  	[tilespmem:s2], [sflag:$0x4] =	stream.linear.gather [hbm4b:s0+s4], $0x4000, $0x38;
	[tilespmem:$0x1C100] =	vst v63  }
0x19: {  	s17 =	rddreg [dreg:$0x6];
	s18 =	simm.s32 $0x4100  }
0x1a: {  	[tilespmem:s18], [sflag:$0x4] =	stream.linear.gather [hbm4b:s17+s4], $0x4000, $0x38;
	[tilespmem:$0x1C100] =	vst v63  }
0x1b: {  	s19 =	rddreg [dreg:$0x7];
	s20 =	simm.s32 $0x8100  }
0x1c: {  	[tilespmem:s20], [sflag:$0x4] =	stream.linear.gather [hbm4b:s19+s4], $0x4000, $0x38;
	[tilespmem:$0x1C100] =	vst v63  }
0x1d: {  	s28 =	rddreg [dreg:$0x8];
	s31 =	simm.s32 $0xC100  }
0x1e: {  	[tilespmem:s31], [sflag:$0x4] =	stream.linear.gather [hbm4b:s28+s4], $0x4000, $0x38;
	[tilespmem:$0x1C100] =	vst v63  }
0x1f: {  	s2 =	rddreg [dreg:$0x9]  }
0x20: {  	[tilespmem:s4], [sflag:$0x8] =	stream.linear.gather [hbm4b:s2+s4], $0x40, $0x38;
	[tilespmem:$0x1C100] =	vst v63  }
0x21: {  	_ =	swait.ge [sflag:s23], $0x40  }
0x22: {  	[sflag:s23] =	ssyncset.done $0x0  }
0x23: {  	s7 =	simm.s32 $0x40;
	s6 =	rddreg [dreg:$0xa];
	[sflag:s23] =	ssyncadd.s32 $0xFFFFFFC0  }
0x24: {  	[tilespmem:s7], [sflag:$0x8] =	stream.linear.gather [hbm4b:s6+s4], $0x40, $0x38;
	[tilespmem:$0x1C100] =	vst v63  }
0x25: {  	_ =	swait.ge [sflag:s23], $0x40  }
0x26: {  	[sflag:s23] =	ssyncset.done $0x0  }
0x27: {  	s10 =	simm.s32 $0x80;
	s9 =	rddreg [dreg:$0xb];
	[sflag:s23] =	ssyncadd.s32 $0xFFFFFFC0  }
0x28: {  	[tilespmem:s10], [sflag:$0x8] =	stream.linear.gather [hbm4b:s9+s4], $0x40, $0x38;
	[tilespmem:$0x1C100] =	vst v63  }
0x29: {  	_ =	swait.ge [sflag:s23], $0x40  }
0x2a: {  	[sflag:s23] =	ssyncset.done $0x0  }
0x2b: {  	s12 =	simm.s32 $0xC0;
	s11 =	rddreg [dreg:$0xc];
	[sflag:s23] =	ssyncadd.s32 $0xFFFFFFC0  }
0x2c: {  	[tilespmem:s12], [sflag:$0x8] =	stream.linear.gather [hbm4b:s11+s4], $0x40, $0x38;
	[tilespmem:$0x1C100] =	vst v63  }
0x2d: {  	_ =	swait.ge [sflag:s23], $0x40  }
0x2e: {  	[sflag:s23] =	ssyncset.done $0x0  }
0x2f: {  	[sflag:s23] =	ssyncadd.s32 $0xFFFFFFC0  }
0x30: {  	v3 =	vld [tilespmem:$0x0];
	_ =	sdelay $0x4  }
0x31: {  	v4 =	vshll.u32 v3, $0x3  }
0x32: {  	v3 =	vand.u32 $0x7, v3;
	v4 =	vand.u32 $0xFFFFFFC0, v4  }
0x33: {  	v3 =	vor.u32 v3, v4  }
0x34: {  	v4 =	vperm.xlane v3, v0;
	_ =	sdelay $0x1  }
0x35: {  	v4 =	vadd.s32 v1, v4;
	_ =	sdelay $0x4  }
0x36: {  	[tilespmem:s5], [sflag:$0x1] =	stream.indirect_vreg.gather [hbm4b:s1+s4], $0x80, v4, vm0, $0xb8;
	[tilespmem:$0x1C100] =	vst v63  }
0x37: {  	s13 =	simm.s32 $0x10900;
	v3 =	vperm.xlane v3, v2  }
0x38: {  	[tilespmem:s13], [sflag:$0x1] =	stream.indirect_vreg.gather [hbm4b:s14+s4], $0x80, v4, vm0, $0xb8;
	[tilespmem:$0x1C100] =	vst v63  }
0x39: {  	s17 =	simm.s32 $0x11100;
	v3 =	vadd.s32 v1, v3  }
0x3a: {  	[tilespmem:s17], [sflag:$0x1] =	stream.indirect_vreg.gather [hbm4b:s15+s4], $0x80, v4, vm0, $0xb8;
	[tilespmem:$0x1C100] =	vst v63  }
0x3b: {  	s18 =	simm.s32 $0x11900  }
0x3c: {  	[tilespmem:s18], [sflag:$0x1] =	stream.indirect_vreg.gather [hbm4b:s16+s4], $0x80, v4, vm0, $0xb8;
	[tilespmem:$0x1C100] =	vst v63  }
0x3d: {  	s19 =	simm.s32 $0x12100  }
0x3e: {  	[tilespmem:s19], [sflag:$0x1] =	stream.indirect_vreg.gather [hbm4b:s1+s4], $0x80, v3, vm0, $0xb8;
	[tilespmem:$0x1C100] =	vst v63  }
0x3f: {  	s20 =	simm.s32 $0x12900  }
0x40: {  	[tilespmem:s20], [sflag:$0x1] =	stream.indirect_vreg.gather [hbm4b:s14+s4], $0x80, v3, vm0, $0xb8;
	[tilespmem:$0x1C100] =	vst v63  }
0x41: {  	s28 =	simm.s32 $0x13100  }
0x42: {  	[tilespmem:s28], [sflag:$0x1] =	stream.indirect_vreg.gather [hbm4b:s15+s4], $0x80, v3, vm0, $0xb8;
	[tilespmem:$0x1C100] =	vst v63  }
0x43: {  	s31 =	simm.s32 $0x13900  }
0x44: {  	[tilespmem:s31], [sflag:$0x1] =	stream.indirect_vreg.gather [hbm4b:s16+s4], $0x80, v3, vm0, $0xb8;
	[tilespmem:$0x1C100] =	vst v63  }
0x45: {  	_ =	swait.ge [sflag:s21], $0x4000  }
0x46: {  	[sflag:s21] =	ssyncset.done $0x0  }
0x47: {  	[sflag:s21] =	ssyncadd.s32 $0xFFFFC000  }
0x48: {  	_ =	swait.ge [sflag:s21], $0x4000  }
0x49: {  	[sflag:s21] =	ssyncset.done $0x0  }
0x4a: {  	[sflag:s21] =	ssyncadd.s32 $0xFFFFC000  }
0x4b: {  	_ =	swait.ge [sflag:s21], $0x4000  }
0x4c: {  	[sflag:s21] =	ssyncset.done $0x0  }
0x4d: {  	[sflag:s21] =	ssyncadd.s32 $0xFFFFC000  }
0x4e: {  	_ =	swait.ge [sflag:s21], $0x4000  }
0x4f: {  	[sflag:s21] =	ssyncset.done $0x0  }
0x50: {  	s30 =	simm.s32 $0x1;
	[sflag:s21] =	ssyncadd.s32 $0xFFFFC000  }
.LBB2_2:
0x51: {  	p0 =	slt.u32 s30, $0x3  }
0x52: {  	s0 =	sadd.s32 @!p0 $0xFFFFFFFD, s30  }
0x53: {  	s2 =	sand.u32 @!p0 $0xFF, s0  }
0x54: {  	s2 =	smul.u32 @!p0 $0xAB, s2;
	_ =	sdelay $0x1  }
0x55: {  	s2 =	sshrl.u32 @!p0 s2, $0x9  }
0x56: {  	s2 =	smul.u32 @!p0 $0x3, s2;
	_ =	sdelay $0x1  }
0x57: {  	s0 =	ssub.s32 @!p0 s0, s2  }
0x58: {  	s0 =	sand.u32 @!p0 $0xFF, s0  }
0x59: {  	s0 =	sadd.s32 @!p0 $0x5, s0  }
0x5a: {  	_ =	swait.ge @!p0 [sflag:s0], $0x4000  }
0x5b: {  	s9 =	sshll.u32 s30, $0x4;
	[sflag:s0] =	ssyncset.done @!p0 $0x0  }
0x5c: {  	s10 =	sand.u32 $0x3FFFFFF0, s9;
	[sflag:s0] =	ssyncadd.s32 @!p0 $0xFFFFC000  }
0x5d: {  	v3 =	vld [tilespmem:s10+$0x0];
	_ =	sdelay $0x4  }
0x5e: {  	s11 =	smul.u32 $0xAB, s30;
	v4 =	vshll.u32 v3, $0x3  }
0x5f: {  	v3 =	vand.u32 $0x7, v3;
	v4 =	vand.u32 $0xFFFFFFC0, v4  }
0x60: {  	s0 =	sshrl.u32 s11, $0x9;
	v3 =	vor.u32 v3, v4  }
0x61: {  	s0 =	sand.u32 $0x7F, s0;
	v4 =	vperm.xlane v3, v0  }
0x62: {  	s0 =	smul.u32 $0x3, s0  }
0x63: {  	v4 =	vadd.s32 v1, v4  }
0x64: {  	s0 =	ssub.s32 s30, s0  }
0x65: {  	s0 =	sand.u32 $0xFF, s0  }
0x66: {  	s12 =	sshll.u32 s0, $0xE  }
0x67: {  	s9 =	simm.s32 $0x0;
	s7 =	sadd.s32 $0x1, s0;
	s6 =	sor.u32 $0x10100, s12  }
0x68: {  	[tilespmem:s6], [sflag:s7] =	stream.indirect_vreg.gather [hbm4b:s1+s9], $0x80, v4, vm0, $0xb8;
	[tilespmem:$0x1C100] =	vst v63  }
0x69: {  	s13 =	sor.u32 $0x10900, s12;
	v3 =	vperm.xlane v3, v2  }
0x6a: {  	[tilespmem:s13], [sflag:s7] =	stream.indirect_vreg.gather [hbm4b:s14+s9], $0x80, v4, vm0, $0xb8;
	[tilespmem:$0x1C100] =	vst v63  }
0x6b: {  	s17 =	sor.u32 $0x11100, s12;
	v3 =	vadd.s32 v1, v3  }
0x6c: {  	[tilespmem:s17], [sflag:s7] =	stream.indirect_vreg.gather [hbm4b:s15+s9], $0x80, v4, vm0, $0xb8;
	[tilespmem:$0x1C100] =	vst v63  }
0x6d: {  	s0 =	sadd.s32 $0xFFFFFFFF, s30;
	s18 =	sor.u32 $0x11900, s12  }
0x6e: {  	[tilespmem:s18], [sflag:s7] =	stream.indirect_vreg.gather [hbm4b:s16+s9], $0x80, v4, vm0, $0xb8;
	[tilespmem:$0x1C100] =	vst v63  }
0x6f: {  	s19 =	sor.u32 $0x12100, s12;
	s5 =	sand.u32 $0xFF, s0  }
0x70: {  	[tilespmem:s19], [sflag:s7] =	stream.indirect_vreg.gather [hbm4b:s1+s9], $0x80, v3, vm0, $0xb8;
	[tilespmem:$0x1C100] =	vst v63  }
0x71: {  	s20 =	sor.u32 $0x12900, s12;
	s6 =	smul.u32 $0xAB, s5  }
0x72: {  	[tilespmem:s20], [sflag:s7] =	stream.indirect_vreg.gather [hbm4b:s14+s9], $0x80, v3, vm0, $0xb8;
	[tilespmem:$0x1C100] =	vst v63  }
0x73: {  	s10 =	sor.u32 $0x13100, s12;
	s6 =	sshrl.u32 s6, $0x9  }
0x74: {  	[tilespmem:s10], [sflag:s7] =	stream.indirect_vreg.gather [hbm4b:s15+s9], $0x80, v3, vm0, $0xb8;
	[tilespmem:$0x1C100] =	vst v63  }
0x75: {  	s2 =	sor.u32 $0x13900, s12;
	s6 =	smul.u32 $0x3, s6  }
0x76: {  	[tilespmem:s2], [sflag:s7] =	stream.indirect_vreg.gather [hbm4b:s16+s9], $0x80, v3, vm0, $0xb8;
	[tilespmem:$0x1C100] =	vst v63  }
0x77: {  	s7 =	ssub.s32 s0, s6  }
0x78: {  	s20 =	sand.u32 $0x3, s0;
	s31 =	sand.u32 $0xFF, s7  }
0x79: {  	s2 =	sshll.u32 s20, $0xE;
	s10 =	sadd.s32 $0x1, s31  }
0x7a: {  	s11 =	sand.u32 $0x2000, s9;
	s12 =	sor.u32 $0x100, s2;
	_ =	swait.ge [sflag:s10], $0x4000  }
0x7b: {  	s9 =	sand.u32 $0x380, s9;
	s13 =	sadd.s32 s11, s12;
	[sflag:s10] =	ssyncset.done $0x0  }
0x7c: {  	s13 =	sadd.s32 s9, s13;
	[sflag:s10] =	ssyncadd.s32 $0xFFFFC000  }
0x7d: {  	v3 =	vld [tilespmem:s13+$0x0]  }
0x7e: {  	s17 =	sshll.u32 s31, $0xE  }
0x7f: {  	s19 =	sor.u32 $0x10100, s17  }
0x80: {  	s6 =	sadd.s32 s11, s19  }
0x81: {  	s6 =	sadd.s32 s9, s6  }
0x82: {  	[tilespmem:s6+$0x0] =	vst.add.f32.msk $0xffff, v3  }
0x83: {  	v3 =	vld [tilespmem:s13+$0x10];
	_ =	sdelay $0x4  }
0x84: {  	[tilespmem:s6+$0x10] =	vst.add.f32.msk $0xffff, v3  }
0x85: {  	v3 =	vld [tilespmem:s13+$0x20];
	_ =	sdelay $0x4  }
0x86: {  	[tilespmem:s6+$0x20] =	vst.add.f32.msk $0xffff, v3  }
0x87: {  	v3 =	vld [tilespmem:s13+$0x30];
	_ =	sdelay $0x4  }
0x88: {  	[tilespmem:s6+$0x30] =	vst.add.f32.msk $0xffff, v3  }
0x89: {  	v3 =	vld [tilespmem:s13+$0x40];
	_ =	sdelay $0x4  }
0x8a: {  	[tilespmem:s6+$0x40] =	vst.add.f32.msk $0xffff, v3  }
0x8b: {  	v3 =	vld [tilespmem:s13+$0x50];
	_ =	sdelay $0x4  }
0x8c: {  	[tilespmem:s6+$0x50] =	vst.add.f32.msk $0xffff, v3  }
0x8d: {  	v3 =	vld [tilespmem:s13+$0x60];
	_ =	sdelay $0x4  }
0x8e: {  	[tilespmem:s6+$0x60] =	vst.add.f32.msk $0xffff, v3  }
0x8f: {  	v3 =	vld [tilespmem:s13+$0x70];
	_ =	sdelay $0x4  }
0x90: {  	[tilespmem:s6+$0x70] =	vst.add.f32.msk $0xffff, v3  }
0x91: {  	v3 =	vld [tilespmem:s13+$0x400];
	_ =	sdelay $0x4  }
0x92: {  	[tilespmem:s6+$0x400] =	vst.add.f32.msk $0xffff, v3  }
0x93: {  	v3 =	vld [tilespmem:s13+$0x410];
	_ =	sdelay $0x4  }
0x94: {  	[tilespmem:s6+$0x410] =	vst.add.f32.msk $0xffff, v3  }
0x95: {  	v3 =	vld [tilespmem:s13+$0x420];
	_ =	sdelay $0x4  }
0x96: {  	[tilespmem:s6+$0x420] =	vst.add.f32.msk $0xffff, v3  }
0x97: {  	v3 =	vld [tilespmem:s13+$0x430];
	_ =	sdelay $0x4  }
0x98: {  	[tilespmem:s6+$0x430] =	vst.add.f32.msk $0xffff, v3  }
0x99: {  	v3 =	vld [tilespmem:s13+$0x440];
	_ =	sdelay $0x4  }
0x9a: {  	[tilespmem:s6+$0x440] =	vst.add.f32.msk $0xffff, v3  }
0x9b: {  	v3 =	vld [tilespmem:s13+$0x450];
	_ =	sdelay $0x4  }
0x9c: {  	[tilespmem:s6+$0x450] =	vst.add.f32.msk $0xffff, v3  }
0x9d: {  	v3 =	vld [tilespmem:s13+$0x460];
	_ =	sdelay $0x4  }
0x9e: {  	[tilespmem:s6+$0x460] =	vst.add.f32.msk $0xffff, v3  }
0x9f: {  	v3 =	vld [tilespmem:s13+$0x470];
	_ =	sdelay $0x4  }
0xa0: {  	[tilespmem:s6+$0x470] =	vst.add.f32.msk $0xffff, v3  }
0xa1: {  	v3 =	vld [tilespmem:s13+$0x800];
	_ =	sdelay $0x4  }
0xa2: {  	[tilespmem:s6+$0x800] =	vst.add.f32.msk $0xffff, v3  }
0xa3: {  	v3 =	vld [tilespmem:s13+$0x810];
	_ =	sdelay $0x4  }
0xa4: {  	[tilespmem:s6+$0x810] =	vst.add.f32.msk $0xffff, v3  }
0xa5: {  	v3 =	vld [tilespmem:s13+$0x820];
	_ =	sdelay $0x4  }
0xa6: {  	[tilespmem:s6+$0x820] =	vst.add.f32.msk $0xffff, v3  }
0xa7: {  	v3 =	vld [tilespmem:s13+$0x830];
	_ =	sdelay $0x4  }
0xa8: {  	[tilespmem:s6+$0x830] =	vst.add.f32.msk $0xffff, v3  }
0xa9: {  	v3 =	vld [tilespmem:s13+$0x840];
	_ =	sdelay $0x3  }
0xaa: {  	s18 =	simm.s32 $0x400  }
0xab: {  	s5 =	sand.u32 $0x2000, s18;
	s10 =	simm.s32 $0x80;
	[tilespmem:s6+$0x840] =	vst.add.f32.msk $0xffff, v3  }
0xac: {  	s17 =	sadd.s32 s5, s12;
	s11 =	sand.u32 $0x380, s10;
	v3 =	vld [tilespmem:s13+$0x850]  }
0xad: {  	s7 =	sadd.s32 s11, s17  }
0xae: {  	v4 =	vld [tilespmem:s7+$0x0];
	_ =	sdelay $0x2  }
0xaf: {  	s9 =	sadd.s32 s5, s19;
	[tilespmem:s6+$0x850] =	vst.add.f32.msk $0xffff, v3  }
0xb0: {  	s28 =	sadd.s32 s11, s9;
	v3 =	vld [tilespmem:s13+$0x860]  }
0xb1: {  	[tilespmem:s28+$0x0] =	vst.add.f32.msk $0xffff, v4  }
0xb2: {  	v4 =	vld [tilespmem:s7+$0x10];
	_ =	sdelay $0x2  }
0xb3: {  	[tilespmem:s6+$0x860] =	vst.add.f32.msk $0xffff, v3  }
0xb4: {  	v3 =	vld [tilespmem:s13+$0x870]  }
0xb5: {  	[tilespmem:s28+$0x10] =	vst.add.f32.msk $0xffff, v4  }
0xb6: {  	v4 =	vld [tilespmem:s7+$0x20];
	_ =	sdelay $0x2  }
0xb7: {  	[tilespmem:s6+$0x870] =	vst.add.f32.msk $0xffff, v3  }
0xb8: {  	v3 =	vld [tilespmem:s13+$0xC00]  }
0xb9: {  	[tilespmem:s28+$0x20] =	vst.add.f32.msk $0xffff, v4  }
0xba: {  	v4 =	vld [tilespmem:s7+$0x30];
	_ =	sdelay $0x2  }
0xbb: {  	[tilespmem:s6+$0xC00] =	vst.add.f32.msk $0xffff, v3  }
0xbc: {  	v3 =	vld [tilespmem:s13+$0xC10]  }
0xbd: {  	[tilespmem:s28+$0x30] =	vst.add.f32.msk $0xffff, v4  }
0xbe: {  	v4 =	vld [tilespmem:s7+$0x40];
	_ =	sdelay $0x2  }
0xbf: {  	[tilespmem:s6+$0xC10] =	vst.add.f32.msk $0xffff, v3  }
0xc0: {  	v3 =	vld [tilespmem:s13+$0xC20]  }
0xc1: {  	[tilespmem:s28+$0x40] =	vst.add.f32.msk $0xffff, v4  }
0xc2: {  	v4 =	vld [tilespmem:s7+$0x50];
	_ =	sdelay $0x2  }
0xc3: {  	[tilespmem:s6+$0xC20] =	vst.add.f32.msk $0xffff, v3  }
0xc4: {  	v3 =	vld [tilespmem:s13+$0xC30]  }
0xc5: {  	[tilespmem:s28+$0x50] =	vst.add.f32.msk $0xffff, v4  }
0xc6: {  	v4 =	vld [tilespmem:s7+$0x60];
	_ =	sdelay $0x2  }
0xc7: {  	[tilespmem:s6+$0xC30] =	vst.add.f32.msk $0xffff, v3  }
0xc8: {  	v3 =	vld [tilespmem:s13+$0xC40]  }
0xc9: {  	[tilespmem:s28+$0x60] =	vst.add.f32.msk $0xffff, v4  }
0xca: {  	v4 =	vld [tilespmem:s7+$0x70];
	_ =	sdelay $0x2  }
0xcb: {  	[tilespmem:s6+$0xC40] =	vst.add.f32.msk $0xffff, v3  }
0xcc: {  	v3 =	vld [tilespmem:s13+$0xC50]  }
0xcd: {  	[tilespmem:s28+$0x70] =	vst.add.f32.msk $0xffff, v4  }
0xce: {  	v4 =	vld [tilespmem:s7+$0x400];
	_ =	sdelay $0x2  }
0xcf: {  	[tilespmem:s6+$0xC50] =	vst.add.f32.msk $0xffff, v3  }
0xd0: {  	v3 =	vld [tilespmem:s13+$0xC60]  }
0xd1: {  	[tilespmem:s28+$0x400] =	vst.add.f32.msk $0xffff, v4  }
0xd2: {  	v4 =	vld [tilespmem:s7+$0x410];
	_ =	sdelay $0x2  }
0xd3: {  	[tilespmem:s6+$0xC60] =	vst.add.f32.msk $0xffff, v3  }
0xd4: {  	v3 =	vld [tilespmem:s13+$0xC70]  }
0xd5: {  	[tilespmem:s28+$0x410] =	vst.add.f32.msk $0xffff, v4  }
0xd6: {  	v4 =	vld [tilespmem:s7+$0x420];
	_ =	sdelay $0x2  }
0xd7: {  	[tilespmem:s6+$0xC70] =	vst.add.f32.msk $0xffff, v3  }
0xd8: {  	v3 =	vld [tilespmem:s13+$0x1000]  }
0xd9: {  	[tilespmem:s28+$0x420] =	vst.add.f32.msk $0xffff, v4  }
0xda: {  	v4 =	vld [tilespmem:s7+$0x430];
	_ =	sdelay $0x2  }
0xdb: {  	[tilespmem:s6+$0x1000] =	vst.add.f32.msk $0xffff, v3  }
0xdc: {  	v3 =	vld [tilespmem:s13+$0x1010]  }
0xdd: {  	[tilespmem:s28+$0x430] =	vst.add.f32.msk $0xffff, v4  }
0xde: {  	v4 =	vld [tilespmem:s7+$0x440];
	_ =	sdelay $0x2  }
0xdf: {  	[tilespmem:s6+$0x1010] =	vst.add.f32.msk $0xffff, v3  }
0xe0: {  	v3 =	vld [tilespmem:s13+$0x1020]  }
0xe1: {  	[tilespmem:s28+$0x440] =	vst.add.f32.msk $0xffff, v4  }
0xe2: {  	v4 =	vld [tilespmem:s7+$0x450];
	_ =	sdelay $0x2  }
0xe3: {  	[tilespmem:s6+$0x1020] =	vst.add.f32.msk $0xffff, v3  }
0xe4: {  	v3 =	vld [tilespmem:s13+$0x1030]  }
0xe5: {  	[tilespmem:s28+$0x450] =	vst.add.f32.msk $0xffff, v4  }
0xe6: {  	v4 =	vld [tilespmem:s7+$0x460];
	_ =	sdelay $0x2  }
0xe7: {  	[tilespmem:s6+$0x1030] =	vst.add.f32.msk $0xffff, v3  }
0xe8: {  	v3 =	vld [tilespmem:s13+$0x1040]  }
0xe9: {  	[tilespmem:s28+$0x460] =	vst.add.f32.msk $0xffff, v4  }
0xea: {  	v4 =	vld [tilespmem:s7+$0x470];
	_ =	sdelay $0x2  }
0xeb: {  	[tilespmem:s6+$0x1040] =	vst.add.f32.msk $0xffff, v3  }
0xec: {  	v3 =	vld [tilespmem:s13+$0x1050]  }
0xed: {  	[tilespmem:s28+$0x470] =	vst.add.f32.msk $0xffff, v4  }
0xee: {  	v4 =	vld [tilespmem:s7+$0x800];
	_ =	sdelay $0x2  }
0xef: {  	[tilespmem:s6+$0x1050] =	vst.add.f32.msk $0xffff, v3  }
0xf0: {  	v3 =	vld [tilespmem:s13+$0x1060]  }
0xf1: {  	[tilespmem:s28+$0x800] =	vst.add.f32.msk $0xffff, v4  }
0xf2: {  	v4 =	vld [tilespmem:s7+$0x810];
	_ =	sdelay $0x2  }
0xf3: {  	[tilespmem:s6+$0x1060] =	vst.add.f32.msk $0xffff, v3  }
0xf4: {  	v3 =	vld [tilespmem:s13+$0x1070]  }
0xf5: {  	[tilespmem:s28+$0x810] =	vst.add.f32.msk $0xffff, v4  }
0xf6: {  	v4 =	vld [tilespmem:s7+$0x820];
	_ =	sdelay $0x2  }
0xf7: {  	[tilespmem:s6+$0x1070] =	vst.add.f32.msk $0xffff, v3  }
0xf8: {  	v3 =	vld [tilespmem:s13+$0x1400]  }
0xf9: {  	[tilespmem:s28+$0x820] =	vst.add.f32.msk $0xffff, v4  }
0xfa: {  	v4 =	vld [tilespmem:s7+$0x830];
	_ =	sdelay $0x2  }
0xfb: {  	[tilespmem:s6+$0x1400] =	vst.add.f32.msk $0xffff, v3  }
0xfc: {  	v3 =	vld [tilespmem:s13+$0x1410]  }
0xfd: {  	[tilespmem:s28+$0x830] =	vst.add.f32.msk $0xffff, v4  }
0xfe: {  	v4 =	vld [tilespmem:s7+$0x840];
	_ =	sdelay $0x2  }
0xff: {  	[tilespmem:s6+$0x1410] =	vst.add.f32.msk $0xffff, v3  }
0x100: {  	s18 =	simm.s32 $0x800;
	v3 =	vld [tilespmem:s13+$0x1420]  }
0x101: {  	s5 =	sand.u32 $0x2000, s18;
	s11 =	simm.s32 $0x100;
	[tilespmem:s28+$0x840] =	vst.add.f32.msk $0xffff, v4  }
0x102: {  	s17 =	sadd.s32 s5, s12;
	s11 =	sand.u32 $0x380, s11;
	v4 =	vld [tilespmem:s7+$0x850]  }
0x103: {  	s9 =	sadd.s32 s11, s17  }
0x104: {  	v5 =	vld [tilespmem:s9+$0x0]  }
0x105: {  	[tilespmem:s6+$0x1420] =	vst.add.f32.msk $0xffff, v3  }
0x106: {  	v3 =	vld [tilespmem:s13+$0x1430]  }
0x107: {  	s10 =	sadd.s32 s5, s19;
	[tilespmem:s28+$0x850] =	vst.add.f32.msk $0xffff, v4  }
0x108: {  	s11 =	sadd.s32 s11, s10;
	v4 =	vld [tilespmem:s7+$0x860]  }
0x109: {  	[tilespmem:s11+$0x0] =	vst.add.f32.msk $0xffff, v5  }
0x10a: {  	v5 =	vld [tilespmem:s9+$0x10]  }
0x10b: {  	[tilespmem:s6+$0x1430] =	vst.add.f32.msk $0xffff, v3  }
0x10c: {  	v3 =	vld [tilespmem:s13+$0x1440]  }
0x10d: {  	[tilespmem:s28+$0x860] =	vst.add.f32.msk $0xffff, v4  }
0x10e: {  	v4 =	vld [tilespmem:s7+$0x870]  }
0x10f: {  	[tilespmem:s11+$0x10] =	vst.add.f32.msk $0xffff, v5  }
0x110: {  	v5 =	vld [tilespmem:s9+$0x20]  }
0x111: {  	[tilespmem:s6+$0x1440] =	vst.add.f32.msk $0xffff, v3  }
0x112: {  	v3 =	vld [tilespmem:s13+$0x1450]  }
0x113: {  	[tilespmem:s28+$0x870] =	vst.add.f32.msk $0xffff, v4  }
0x114: {  	v4 =	vld [tilespmem:s7+$0xC00]  }
0x115: {  	[tilespmem:s11+$0x20] =	vst.add.f32.msk $0xffff, v5  }
0x116: {  	v5 =	vld [tilespmem:s9+$0x30]  }
0x117: {  	[tilespmem:s6+$0x1450] =	vst.add.f32.msk $0xffff, v3  }
0x118: {  	v3 =	vld [tilespmem:s13+$0x1460]  }
0x119: {  	[tilespmem:s28+$0xC00] =	vst.add.f32.msk $0xffff, v4  }
0x11a: {  	v4 =	vld [tilespmem:s7+$0xC10]  }
0x11b: {  	[tilespmem:s11+$0x30] =	vst.add.f32.msk $0xffff, v5  }
0x11c: {  	v5 =	vld [tilespmem:s9+$0x40]  }
0x11d: {  	[tilespmem:s6+$0x1460] =	vst.add.f32.msk $0xffff, v3  }
0x11e: {  	v3 =	vld [tilespmem:s13+$0x1470]  }
0x11f: {  	[tilespmem:s28+$0xC10] =	vst.add.f32.msk $0xffff, v4  }
0x120: {  	v4 =	vld [tilespmem:s7+$0xC20]  }
0x121: {  	[tilespmem:s11+$0x40] =	vst.add.f32.msk $0xffff, v5  }
0x122: {  	v5 =	vld [tilespmem:s9+$0x50]  }
0x123: {  	[tilespmem:s6+$0x1470] =	vst.add.f32.msk $0xffff, v3  }
0x124: {  	v3 =	vld [tilespmem:s13+$0x1800]  }
0x125: {  	[tilespmem:s28+$0xC20] =	vst.add.f32.msk $0xffff, v4  }
0x126: {  	v4 =	vld [tilespmem:s7+$0xC30]  }
0x127: {  	[tilespmem:s11+$0x50] =	vst.add.f32.msk $0xffff, v5  }
0x128: {  	v5 =	vld [tilespmem:s9+$0x60]  }
0x129: {  	[tilespmem:s6+$0x1800] =	vst.add.f32.msk $0xffff, v3  }
0x12a: {  	v3 =	vld [tilespmem:s13+$0x1810]  }
0x12b: {  	[tilespmem:s28+$0xC30] =	vst.add.f32.msk $0xffff, v4  }
0x12c: {  	v4 =	vld [tilespmem:s7+$0xC40]  }
0x12d: {  	[tilespmem:s11+$0x60] =	vst.add.f32.msk $0xffff, v5  }
0x12e: {  	v5 =	vld [tilespmem:s9+$0x70]  }
0x12f: {  	[tilespmem:s6+$0x1810] =	vst.add.f32.msk $0xffff, v3  }
0x130: {  	v3 =	vld [tilespmem:s13+$0x1820]  }
0x131: {  	[tilespmem:s28+$0xC40] =	vst.add.f32.msk $0xffff, v4  }
0x132: {  	v4 =	vld [tilespmem:s7+$0xC50]  }
0x133: {  	[tilespmem:s11+$0x70] =	vst.add.f32.msk $0xffff, v5  }
0x134: {  	v5 =	vld [tilespmem:s9+$0x400]  }
0x135: {  	[tilespmem:s6+$0x1820] =	vst.add.f32.msk $0xffff, v3  }
0x136: {  	v3 =	vld [tilespmem:s13+$0x1830]  }
0x137: {  	[tilespmem:s28+$0xC50] =	vst.add.f32.msk $0xffff, v4  }
0x138: {  	v4 =	vld [tilespmem:s7+$0xC60]  }
0x139: {  	[tilespmem:s11+$0x400] =	vst.add.f32.msk $0xffff, v5  }
0x13a: {  	v5 =	vld [tilespmem:s9+$0x410]  }
0x13b: {  	[tilespmem:s6+$0x1830] =	vst.add.f32.msk $0xffff, v3  }
0x13c: {  	v3 =	vld [tilespmem:s13+$0x1840]  }
0x13d: {  	[tilespmem:s28+$0xC60] =	vst.add.f32.msk $0xffff, v4  }
0x13e: {  	v4 =	vld [tilespmem:s7+$0xC70]  }
0x13f: {  	[tilespmem:s11+$0x410] =	vst.add.f32.msk $0xffff, v5  }
0x140: {  	v5 =	vld [tilespmem:s9+$0x420]  }
0x141: {  	[tilespmem:s6+$0x1840] =	vst.add.f32.msk $0xffff, v3  }
0x142: {  	v3 =	vld [tilespmem:s13+$0x1850]  }
0x143: {  	[tilespmem:s28+$0xC70] =	vst.add.f32.msk $0xffff, v4  }
0x144: {  	v4 =	vld [tilespmem:s7+$0x1000]  }
0x145: {  	[tilespmem:s11+$0x420] =	vst.add.f32.msk $0xffff, v5  }
0x146: {  	v5 =	vld [tilespmem:s9+$0x430]  }
0x147: {  	[tilespmem:s6+$0x1850] =	vst.add.f32.msk $0xffff, v3  }
0x148: {  	v3 =	vld [tilespmem:s13+$0x1860]  }
0x149: {  	[tilespmem:s28+$0x1000] =	vst.add.f32.msk $0xffff, v4  }
0x14a: {  	v4 =	vld [tilespmem:s7+$0x1010]  }
0x14b: {  	[tilespmem:s11+$0x430] =	vst.add.f32.msk $0xffff, v5  }
0x14c: {  	v5 =	vld [tilespmem:s9+$0x440]  }
0x14d: {  	[tilespmem:s6+$0x1860] =	vst.add.f32.msk $0xffff, v3  }
0x14e: {  	v3 =	vld [tilespmem:s13+$0x1870]  }
0x14f: {  	[tilespmem:s28+$0x1010] =	vst.add.f32.msk $0xffff, v4  }
0x150: {  	v4 =	vld [tilespmem:s7+$0x1020]  }
0x151: {  	[tilespmem:s11+$0x440] =	vst.add.f32.msk $0xffff, v5  }
0x152: {  	v5 =	vld [tilespmem:s9+$0x450]  }
0x153: {  	[tilespmem:s6+$0x1870] =	vst.add.f32.msk $0xffff, v3  }
0x154: {  	v3 =	vld [tilespmem:s13+$0x1C00]  }
0x155: {  	[tilespmem:s28+$0x1020] =	vst.add.f32.msk $0xffff, v4  }
0x156: {  	v4 =	vld [tilespmem:s7+$0x1030]  }
0x157: {  	[tilespmem:s11+$0x450] =	vst.add.f32.msk $0xffff, v5  }
0x158: {  	v5 =	vld [tilespmem:s9+$0x460]  }
0x159: {  	[tilespmem:s6+$0x1C00] =	vst.add.f32.msk $0xffff, v3  }
0x15a: {  	v3 =	vld [tilespmem:s13+$0x1C10]  }
0x15b: {  	[tilespmem:s28+$0x1030] =	vst.add.f32.msk $0xffff, v4  }
0x15c: {  	v4 =	vld [tilespmem:s7+$0x1040]  }
0x15d: {  	[tilespmem:s11+$0x460] =	vst.add.f32.msk $0xffff, v5  }
0x15e: {  	v5 =	vld [tilespmem:s9+$0x470]  }
0x15f: {  	[tilespmem:s6+$0x1C10] =	vst.add.f32.msk $0xffff, v3  }
0x160: {  	v3 =	vld [tilespmem:s13+$0x1C20]  }
0x161: {  	[tilespmem:s28+$0x1040] =	vst.add.f32.msk $0xffff, v4  }
0x162: {  	v4 =	vld [tilespmem:s7+$0x1050]  }
0x163: {  	[tilespmem:s11+$0x470] =	vst.add.f32.msk $0xffff, v5  }
0x164: {  	v5 =	vld [tilespmem:s9+$0x800]  }
0x165: {  	[tilespmem:s6+$0x1C20] =	vst.add.f32.msk $0xffff, v3  }
0x166: {  	v3 =	vld [tilespmem:s13+$0x1C30]  }
0x167: {  	[tilespmem:s28+$0x1050] =	vst.add.f32.msk $0xffff, v4  }
0x168: {  	v4 =	vld [tilespmem:s7+$0x1060]  }
0x169: {  	[tilespmem:s11+$0x800] =	vst.add.f32.msk $0xffff, v5  }
0x16a: {  	v5 =	vld [tilespmem:s9+$0x810]  }
0x16b: {  	[tilespmem:s6+$0x1C30] =	vst.add.f32.msk $0xffff, v3  }
0x16c: {  	v3 =	vld [tilespmem:s13+$0x1C40]  }
0x16d: {  	[tilespmem:s28+$0x1060] =	vst.add.f32.msk $0xffff, v4  }
0x16e: {  	v4 =	vld [tilespmem:s7+$0x1070]  }
0x16f: {  	[tilespmem:s11+$0x810] =	vst.add.f32.msk $0xffff, v5  }
0x170: {  	v5 =	vld [tilespmem:s9+$0x820]  }
0x171: {  	[tilespmem:s6+$0x1C40] =	vst.add.f32.msk $0xffff, v3  }
0x172: {  	v3 =	vld [tilespmem:s13+$0x1C50]  }
0x173: {  	[tilespmem:s28+$0x1070] =	vst.add.f32.msk $0xffff, v4  }
0x174: {  	v4 =	vld [tilespmem:s7+$0x1400]  }
0x175: {  	[tilespmem:s11+$0x820] =	vst.add.f32.msk $0xffff, v5  }
0x176: {  	v5 =	vld [tilespmem:s9+$0x830]  }
0x177: {  	[tilespmem:s6+$0x1C50] =	vst.add.f32.msk $0xffff, v3  }
0x178: {  	v3 =	vld [tilespmem:s13+$0x1C60]  }
0x179: {  	[tilespmem:s28+$0x1400] =	vst.add.f32.msk $0xffff, v4  }
0x17a: {  	v4 =	vld [tilespmem:s7+$0x1410]  }
0x17b: {  	[tilespmem:s11+$0x830] =	vst.add.f32.msk $0xffff, v5  }
0x17c: {  	v5 =	vld [tilespmem:s9+$0x840]  }
0x17d: {  	[tilespmem:s6+$0x1C60] =	vst.add.f32.msk $0xffff, v3  }
0x17e: {  	v3 =	vld [tilespmem:s13+$0x1C70]  }
0x17f: {  	[tilespmem:s28+$0x1410] =	vst.add.f32.msk $0xffff, v4  }
0x180: {  	s18 =	simm.s32 $0xC00;
	v4 =	vld [tilespmem:s7+$0x1420]  }
0x181: {  	s10 =	sand.u32 $0x2000, s18;
	s17 =	simm.s32 $0x180;
	[tilespmem:s11+$0x840] =	vst.add.f32.msk $0xffff, v5;
	s13 =	simm.s32 $0x1000  }
.LBB2_3:
0x182: {  	p0 =	sne.s32 s13, $0x3C00;
	s5 =	sand.u32 $0x380, s17;
	s18 =	sadd.s32 s10, s12;
	v5 =	vld [tilespmem:s9+$0x850]  }
0x183: {  	s18 =	sadd.s32 s5, s18;
	[tilespmem:s6+$0x1C70] =	vst.add.f32.msk $0xffff, v3;
	s6 =	smov.u32 s28;
	s28 =	smov.u32 s11  }
0x184: {  	v3 =	vld [tilespmem:s18+$0x0]  }
0x185: {  	[tilespmem:s6+$0x1420] =	vst.add.f32.msk $0xffff, v4  }
0x186: {  	v4 =	vld [tilespmem:s7+$0x1430]  }
0x187: {  	s10 =	sadd.s32 s10, s19;
	[tilespmem:s28+$0x850] =	vst.add.f32.msk $0xffff, v5  }
0x188: {  	s11 =	sadd.s32 s5, s10;
	v5 =	vld [tilespmem:s9+$0x860]  }
0x189: {  	[tilespmem:s11+$0x0] =	vst.add.f32.msk $0xffff, v3  }
0x18a: {  	v3 =	vld [tilespmem:s18+$0x10]  }
0x18b: {  	[tilespmem:s6+$0x1430] =	vst.add.f32.msk $0xffff, v4  }
0x18c: {  	v4 =	vld [tilespmem:s7+$0x1440]  }
0x18d: {  	[tilespmem:s28+$0x860] =	vst.add.f32.msk $0xffff, v5  }
0x18e: {  	v5 =	vld [tilespmem:s9+$0x870]  }
0x18f: {  	[tilespmem:s11+$0x10] =	vst.add.f32.msk $0xffff, v3  }
0x190: {  	v3 =	vld [tilespmem:s18+$0x20]  }
0x191: {  	[tilespmem:s6+$0x1440] =	vst.add.f32.msk $0xffff, v4  }
0x192: {  	v4 =	vld [tilespmem:s7+$0x1450]  }
0x193: {  	[tilespmem:s28+$0x870] =	vst.add.f32.msk $0xffff, v5  }
0x194: {  	v5 =	vld [tilespmem:s9+$0xC00]  }
0x195: {  	[tilespmem:s11+$0x20] =	vst.add.f32.msk $0xffff, v3  }
0x196: {  	v3 =	vld [tilespmem:s18+$0x30]  }
0x197: {  	[tilespmem:s6+$0x1450] =	vst.add.f32.msk $0xffff, v4  }
0x198: {  	v4 =	vld [tilespmem:s7+$0x1460]  }
0x199: {  	[tilespmem:s28+$0xC00] =	vst.add.f32.msk $0xffff, v5  }
0x19a: {  	v5 =	vld [tilespmem:s9+$0xC10]  }
0x19b: {  	[tilespmem:s11+$0x30] =	vst.add.f32.msk $0xffff, v3  }
0x19c: {  	v3 =	vld [tilespmem:s18+$0x40]  }
0x19d: {  	[tilespmem:s6+$0x1460] =	vst.add.f32.msk $0xffff, v4  }
0x19e: {  	v4 =	vld [tilespmem:s7+$0x1470]  }
0x19f: {  	[tilespmem:s28+$0xC10] =	vst.add.f32.msk $0xffff, v5  }
0x1a0: {  	v5 =	vld [tilespmem:s9+$0xC20]  }
0x1a1: {  	[tilespmem:s11+$0x40] =	vst.add.f32.msk $0xffff, v3  }
0x1a2: {  	v3 =	vld [tilespmem:s18+$0x50]  }
0x1a3: {  	[tilespmem:s6+$0x1470] =	vst.add.f32.msk $0xffff, v4  }
0x1a4: {  	v4 =	vld [tilespmem:s7+$0x1800]  }
0x1a5: {  	[tilespmem:s28+$0xC20] =	vst.add.f32.msk $0xffff, v5  }
0x1a6: {  	v5 =	vld [tilespmem:s9+$0xC30]  }
0x1a7: {  	[tilespmem:s11+$0x50] =	vst.add.f32.msk $0xffff, v3  }
0x1a8: {  	v3 =	vld [tilespmem:s18+$0x60]  }
0x1a9: {  	[tilespmem:s6+$0x1800] =	vst.add.f32.msk $0xffff, v4  }
0x1aa: {  	v4 =	vld [tilespmem:s7+$0x1810]  }
0x1ab: {  	[tilespmem:s28+$0xC30] =	vst.add.f32.msk $0xffff, v5  }
0x1ac: {  	v5 =	vld [tilespmem:s9+$0xC40]  }
0x1ad: {  	[tilespmem:s11+$0x60] =	vst.add.f32.msk $0xffff, v3  }
0x1ae: {  	v3 =	vld [tilespmem:s18+$0x70]  }
0x1af: {  	[tilespmem:s6+$0x1810] =	vst.add.f32.msk $0xffff, v4  }
0x1b0: {  	v4 =	vld [tilespmem:s7+$0x1820]  }
0x1b1: {  	[tilespmem:s28+$0xC40] =	vst.add.f32.msk $0xffff, v5  }
0x1b2: {  	v5 =	vld [tilespmem:s9+$0xC50]  }
0x1b3: {  	[tilespmem:s11+$0x70] =	vst.add.f32.msk $0xffff, v3  }
0x1b4: {  	v3 =	vld [tilespmem:s18+$0x400]  }
0x1b5: {  	[tilespmem:s6+$0x1820] =	vst.add.f32.msk $0xffff, v4  }
0x1b6: {  	v4 =	vld [tilespmem:s7+$0x1830]  }
0x1b7: {  	[tilespmem:s28+$0xC50] =	vst.add.f32.msk $0xffff, v5  }
0x1b8: {  	v5 =	vld [tilespmem:s9+$0xC60]  }
0x1b9: {  	[tilespmem:s11+$0x400] =	vst.add.f32.msk $0xffff, v3  }
0x1ba: {  	v3 =	vld [tilespmem:s18+$0x410]  }
0x1bb: {  	[tilespmem:s6+$0x1830] =	vst.add.f32.msk $0xffff, v4  }
0x1bc: {  	v4 =	vld [tilespmem:s7+$0x1840]  }
0x1bd: {  	[tilespmem:s28+$0xC60] =	vst.add.f32.msk $0xffff, v5  }
0x1be: {  	v5 =	vld [tilespmem:s9+$0xC70]  }
0x1bf: {  	[tilespmem:s11+$0x410] =	vst.add.f32.msk $0xffff, v3  }
0x1c0: {  	v3 =	vld [tilespmem:s18+$0x420]  }
0x1c1: {  	[tilespmem:s6+$0x1840] =	vst.add.f32.msk $0xffff, v4  }
0x1c2: {  	v4 =	vld [tilespmem:s7+$0x1850]  }
0x1c3: {  	[tilespmem:s28+$0xC70] =	vst.add.f32.msk $0xffff, v5  }
0x1c4: {  	v5 =	vld [tilespmem:s9+$0x1000]  }
0x1c5: {  	[tilespmem:s11+$0x420] =	vst.add.f32.msk $0xffff, v3  }
0x1c6: {  	v3 =	vld [tilespmem:s18+$0x430]  }
0x1c7: {  	[tilespmem:s6+$0x1850] =	vst.add.f32.msk $0xffff, v4  }
0x1c8: {  	v4 =	vld [tilespmem:s7+$0x1860]  }
0x1c9: {  	[tilespmem:s28+$0x1000] =	vst.add.f32.msk $0xffff, v5  }
0x1ca: {  	v5 =	vld [tilespmem:s9+$0x1010]  }
0x1cb: {  	[tilespmem:s11+$0x430] =	vst.add.f32.msk $0xffff, v3  }
0x1cc: {  	v3 =	vld [tilespmem:s18+$0x440]  }
0x1cd: {  	[tilespmem:s6+$0x1860] =	vst.add.f32.msk $0xffff, v4  }
0x1ce: {  	v4 =	vld [tilespmem:s7+$0x1870]  }
0x1cf: {  	[tilespmem:s28+$0x1010] =	vst.add.f32.msk $0xffff, v5  }
0x1d0: {  	v5 =	vld [tilespmem:s9+$0x1020]  }
0x1d1: {  	[tilespmem:s11+$0x440] =	vst.add.f32.msk $0xffff, v3  }
0x1d2: {  	v3 =	vld [tilespmem:s18+$0x450]  }
0x1d3: {  	[tilespmem:s6+$0x1870] =	vst.add.f32.msk $0xffff, v4  }
0x1d4: {  	v4 =	vld [tilespmem:s7+$0x1C00]  }
0x1d5: {  	[tilespmem:s28+$0x1020] =	vst.add.f32.msk $0xffff, v5  }
0x1d6: {  	v5 =	vld [tilespmem:s9+$0x1030]  }
0x1d7: {  	[tilespmem:s11+$0x450] =	vst.add.f32.msk $0xffff, v3  }
0x1d8: {  	v3 =	vld [tilespmem:s18+$0x460]  }
0x1d9: {  	[tilespmem:s6+$0x1C00] =	vst.add.f32.msk $0xffff, v4  }
0x1da: {  	v4 =	vld [tilespmem:s7+$0x1C10]  }
0x1db: {  	[tilespmem:s28+$0x1030] =	vst.add.f32.msk $0xffff, v5  }
0x1dc: {  	v5 =	vld [tilespmem:s9+$0x1040]  }
0x1dd: {  	[tilespmem:s11+$0x460] =	vst.add.f32.msk $0xffff, v3  }
0x1de: {  	v3 =	vld [tilespmem:s18+$0x470]  }
0x1df: {  	[tilespmem:s6+$0x1C10] =	vst.add.f32.msk $0xffff, v4  }
0x1e0: {  	v4 =	vld [tilespmem:s7+$0x1C20]  }
0x1e1: {  	[tilespmem:s28+$0x1040] =	vst.add.f32.msk $0xffff, v5  }
0x1e2: {  	v5 =	vld [tilespmem:s9+$0x1050]  }
0x1e3: {  	[tilespmem:s11+$0x470] =	vst.add.f32.msk $0xffff, v3  }
0x1e4: {  	v3 =	vld [tilespmem:s18+$0x800]  }
0x1e5: {  	[tilespmem:s6+$0x1C20] =	vst.add.f32.msk $0xffff, v4  }
0x1e6: {  	v4 =	vld [tilespmem:s7+$0x1C30]  }
0x1e7: {  	[tilespmem:s28+$0x1050] =	vst.add.f32.msk $0xffff, v5  }
0x1e8: {  	v5 =	vld [tilespmem:s9+$0x1060]  }
0x1e9: {  	[tilespmem:s11+$0x800] =	vst.add.f32.msk $0xffff, v3  }
0x1ea: {  	v3 =	vld [tilespmem:s18+$0x810]  }
0x1eb: {  	[tilespmem:s6+$0x1C30] =	vst.add.f32.msk $0xffff, v4  }
0x1ec: {  	v4 =	vld [tilespmem:s7+$0x1C40]  }
0x1ed: {  	[tilespmem:s28+$0x1060] =	vst.add.f32.msk $0xffff, v5  }
0x1ee: {  	v5 =	vld [tilespmem:s9+$0x1070]  }
0x1ef: {  	[tilespmem:s11+$0x810] =	vst.add.f32.msk $0xffff, v3  }
0x1f0: {  	v3 =	vld [tilespmem:s18+$0x820]  }
0x1f1: {  	[tilespmem:s6+$0x1C40] =	vst.add.f32.msk $0xffff, v4  }
0x1f2: {  	v4 =	vld [tilespmem:s7+$0x1C50]  }
0x1f3: {  	[tilespmem:s28+$0x1070] =	vst.add.f32.msk $0xffff, v5  }
0x1f4: {  	v5 =	vld [tilespmem:s9+$0x1400]  }
0x1f5: {  	[tilespmem:s11+$0x820] =	vst.add.f32.msk $0xffff, v3  }
0x1f6: {  	v3 =	vld [tilespmem:s18+$0x830]  }
0x1f7: {  	[tilespmem:s6+$0x1C50] =	vst.add.f32.msk $0xffff, v4  }
0x1f8: {  	v4 =	vld [tilespmem:s7+$0x1C60]  }
0x1f9: {  	[tilespmem:s28+$0x1400] =	vst.add.f32.msk $0xffff, v5  }
0x1fa: {  	v5 =	vld [tilespmem:s9+$0x1410]  }
0x1fb: {  	[tilespmem:s11+$0x830] =	vst.add.f32.msk $0xffff, v3  }
0x1fc: {  	v6 =	vld [tilespmem:s18+$0x840]  }
.Ltmp0:
0x1fd: {  	[tilespmem:s6+$0x1C60] =	vst.add.f32.msk $0xffff, v4;
	(pc) =	sbr.rel @p0 .LBB2_3-.Ltmp0, $4  }
0x1fe: {  	v3 =	vld [tilespmem:s7+$0x1C70];
	s7 =	smov.u32 s9;
	s9 =	smov.u32 s18  }
0x1ff: {  	[tilespmem:s28+$0x1410] =	vst.add.f32.msk $0xffff, v5  }
0x200: {  	v4 =	vld [tilespmem:s7+$0x1420]  }
0x201: {  	s17 =	sadd.s32 $0x80, s17;
	s10 =	sand.u32 $0x2000, s13;
	s13 =	sadd.s32 $0x400, s13;
	[tilespmem:s11+$0x840] =	vst.add.f32.msk $0xffff, v6  }
0x202: {  	s5 =	sand.u32 $0x380, s17;
	s12 =	sadd.s32 s10, s12  }
0x203: {  	s13 =	sadd.s32 s5, s12  }
0x204: {  	v5 =	vld [tilespmem:s13+$0x0];
	_ =	sdelay $0x2  }
0x205: {  	s17 =	sadd.s32 s10, s19  }
0x206: {  	s18 =	sadd.s32 s5, s17  }
0x207: {  	[tilespmem:s18+$0x0] =	vst.add.f32.msk $0xffff, v5  }
0x208: {  	v5 =	vld [tilespmem:s13+$0x10];
	_ =	sdelay $0x4  }
0x209: {  	[tilespmem:s18+$0x10] =	vst.add.f32.msk $0xffff, v5  }
0x20a: {  	v5 =	vld [tilespmem:s13+$0x20];
	_ =	sdelay $0x4  }
0x20b: {  	[tilespmem:s18+$0x20] =	vst.add.f32.msk $0xffff, v5  }
0x20c: {  	v5 =	vld [tilespmem:s13+$0x30];
	_ =	sdelay $0x4  }
0x20d: {  	[tilespmem:s18+$0x30] =	vst.add.f32.msk $0xffff, v5  }
0x20e: {  	v5 =	vld [tilespmem:s13+$0x40];
	_ =	sdelay $0x4  }
0x20f: {  	[tilespmem:s18+$0x40] =	vst.add.f32.msk $0xffff, v5  }
0x210: {  	v5 =	vld [tilespmem:s13+$0x50];
	_ =	sdelay $0x4  }
0x211: {  	[tilespmem:s18+$0x50] =	vst.add.f32.msk $0xffff, v5  }
0x212: {  	v5 =	vld [tilespmem:s13+$0x60];
	_ =	sdelay $0x4  }
0x213: {  	[tilespmem:s18+$0x60] =	vst.add.f32.msk $0xffff, v5  }
0x214: {  	v5 =	vld [tilespmem:s13+$0x70];
	_ =	sdelay $0x4  }
0x215: {  	[tilespmem:s18+$0x70] =	vst.add.f32.msk $0xffff, v5  }
0x216: {  	v5 =	vld [tilespmem:s13+$0x400];
	_ =	sdelay $0x4  }
0x217: {  	[tilespmem:s18+$0x400] =	vst.add.f32.msk $0xffff, v5  }
0x218: {  	v5 =	vld [tilespmem:s13+$0x410];
	_ =	sdelay $0x4  }
0x219: {  	[tilespmem:s18+$0x410] =	vst.add.f32.msk $0xffff, v5  }
0x21a: {  	v5 =	vld [tilespmem:s13+$0x420];
	_ =	sdelay $0x4  }
0x21b: {  	[tilespmem:s18+$0x420] =	vst.add.f32.msk $0xffff, v5  }
0x21c: {  	v5 =	vld [tilespmem:s13+$0x430];
	_ =	sdelay $0x4  }
0x21d: {  	[tilespmem:s18+$0x430] =	vst.add.f32.msk $0xffff, v5  }
0x21e: {  	v5 =	vld [tilespmem:s13+$0x440];
	_ =	sdelay $0x4  }
0x21f: {  	[tilespmem:s18+$0x440] =	vst.add.f32.msk $0xffff, v5  }
0x220: {  	v5 =	vld [tilespmem:s13+$0x450];
	_ =	sdelay $0x4  }
0x221: {  	[tilespmem:s18+$0x450] =	vst.add.f32.msk $0xffff, v5  }
0x222: {  	v5 =	vld [tilespmem:s13+$0x460];
	_ =	sdelay $0x4  }
0x223: {  	[tilespmem:s18+$0x460] =	vst.add.f32.msk $0xffff, v5  }
0x224: {  	v5 =	vld [tilespmem:s13+$0x470];
	_ =	sdelay $0x4  }
0x225: {  	[tilespmem:s18+$0x470] =	vst.add.f32.msk $0xffff, v5  }
0x226: {  	v5 =	vld [tilespmem:s13+$0x800];
	_ =	sdelay $0x4  }
0x227: {  	[tilespmem:s18+$0x800] =	vst.add.f32.msk $0xffff, v5  }
0x228: {  	v5 =	vld [tilespmem:s13+$0x810];
	_ =	sdelay $0x4  }
0x229: {  	[tilespmem:s18+$0x810] =	vst.add.f32.msk $0xffff, v5  }
0x22a: {  	v5 =	vld [tilespmem:s13+$0x820];
	_ =	sdelay $0x4  }
0x22b: {  	[tilespmem:s18+$0x820] =	vst.add.f32.msk $0xffff, v5  }
0x22c: {  	v5 =	vld [tilespmem:s13+$0x830];
	_ =	sdelay $0x4  }
0x22d: {  	[tilespmem:s18+$0x830] =	vst.add.f32.msk $0xffff, v5  }
0x22e: {  	v5 =	vld [tilespmem:s13+$0x840];
	_ =	sdelay $0x3  }
0x22f: {  	v6 =	vld [tilespmem:s9+$0x850]  }
0x230: {  	[tilespmem:s18+$0x840] =	vst.add.f32.msk $0xffff, v5  }
0x231: {  	v5 =	vld [tilespmem:s13+$0x850];
	_ =	sdelay $0x2  }
0x232: {  	[tilespmem:s11+$0x850] =	vst.add.f32.msk $0xffff, v6  }
0x233: {  	v6 =	vld [tilespmem:s9+$0x860]  }
0x234: {  	[tilespmem:s18+$0x850] =	vst.add.f32.msk $0xffff, v5  }
0x235: {  	v5 =	vld [tilespmem:s13+$0x860];
	_ =	sdelay $0x2  }
0x236: {  	[tilespmem:s11+$0x860] =	vst.add.f32.msk $0xffff, v6  }
0x237: {  	v6 =	vld [tilespmem:s9+$0x870]  }
0x238: {  	[tilespmem:s18+$0x860] =	vst.add.f32.msk $0xffff, v5  }
0x239: {  	v5 =	vld [tilespmem:s13+$0x870];
	_ =	sdelay $0x2  }
0x23a: {  	[tilespmem:s11+$0x870] =	vst.add.f32.msk $0xffff, v6  }
0x23b: {  	v6 =	vld [tilespmem:s9+$0xC00]  }
0x23c: {  	[tilespmem:s18+$0x870] =	vst.add.f32.msk $0xffff, v5  }
0x23d: {  	v5 =	vld [tilespmem:s13+$0xC00];
	_ =	sdelay $0x2  }
0x23e: {  	[tilespmem:s11+$0xC00] =	vst.add.f32.msk $0xffff, v6  }
0x23f: {  	v6 =	vld [tilespmem:s9+$0xC10]  }
0x240: {  	[tilespmem:s18+$0xC00] =	vst.add.f32.msk $0xffff, v5  }
0x241: {  	v5 =	vld [tilespmem:s13+$0xC10];
	_ =	sdelay $0x2  }
0x242: {  	[tilespmem:s11+$0xC10] =	vst.add.f32.msk $0xffff, v6  }
0x243: {  	v6 =	vld [tilespmem:s9+$0xC20]  }
0x244: {  	[tilespmem:s18+$0xC10] =	vst.add.f32.msk $0xffff, v5  }
0x245: {  	v5 =	vld [tilespmem:s13+$0xC20];
	_ =	sdelay $0x2  }
0x246: {  	[tilespmem:s11+$0xC20] =	vst.add.f32.msk $0xffff, v6  }
0x247: {  	v6 =	vld [tilespmem:s9+$0xC30]  }
0x248: {  	[tilespmem:s18+$0xC20] =	vst.add.f32.msk $0xffff, v5  }
0x249: {  	v5 =	vld [tilespmem:s13+$0xC30];
	_ =	sdelay $0x2  }
0x24a: {  	[tilespmem:s11+$0xC30] =	vst.add.f32.msk $0xffff, v6  }
0x24b: {  	v6 =	vld [tilespmem:s9+$0xC40]  }
0x24c: {  	[tilespmem:s18+$0xC30] =	vst.add.f32.msk $0xffff, v5  }
0x24d: {  	v5 =	vld [tilespmem:s13+$0xC40];
	_ =	sdelay $0x2  }
0x24e: {  	[tilespmem:s11+$0xC40] =	vst.add.f32.msk $0xffff, v6  }
0x24f: {  	v6 =	vld [tilespmem:s9+$0xC50]  }
0x250: {  	[tilespmem:s18+$0xC40] =	vst.add.f32.msk $0xffff, v5  }
0x251: {  	v5 =	vld [tilespmem:s13+$0xC50];
	_ =	sdelay $0x2  }
0x252: {  	[tilespmem:s11+$0xC50] =	vst.add.f32.msk $0xffff, v6  }
0x253: {  	v6 =	vld [tilespmem:s9+$0xC60]  }
0x254: {  	[tilespmem:s18+$0xC50] =	vst.add.f32.msk $0xffff, v5  }
0x255: {  	v5 =	vld [tilespmem:s13+$0xC60];
	_ =	sdelay $0x2  }
0x256: {  	[tilespmem:s11+$0xC60] =	vst.add.f32.msk $0xffff, v6  }
0x257: {  	v6 =	vld [tilespmem:s9+$0xC70]  }
0x258: {  	[tilespmem:s18+$0xC60] =	vst.add.f32.msk $0xffff, v5  }
0x259: {  	v5 =	vld [tilespmem:s13+$0xC70];
	_ =	sdelay $0x2  }
0x25a: {  	[tilespmem:s11+$0xC70] =	vst.add.f32.msk $0xffff, v6  }
0x25b: {  	v6 =	vld [tilespmem:s9+$0x1000]  }
0x25c: {  	[tilespmem:s18+$0xC70] =	vst.add.f32.msk $0xffff, v5  }
0x25d: {  	v5 =	vld [tilespmem:s13+$0x1000];
	_ =	sdelay $0x2  }
0x25e: {  	[tilespmem:s11+$0x1000] =	vst.add.f32.msk $0xffff, v6  }
0x25f: {  	v6 =	vld [tilespmem:s9+$0x1010]  }
0x260: {  	[tilespmem:s18+$0x1000] =	vst.add.f32.msk $0xffff, v5  }
0x261: {  	v5 =	vld [tilespmem:s13+$0x1010];
	_ =	sdelay $0x2  }
0x262: {  	[tilespmem:s11+$0x1010] =	vst.add.f32.msk $0xffff, v6  }
0x263: {  	v6 =	vld [tilespmem:s9+$0x1020]  }
0x264: {  	[tilespmem:s18+$0x1010] =	vst.add.f32.msk $0xffff, v5  }
0x265: {  	v5 =	vld [tilespmem:s13+$0x1020];
	_ =	sdelay $0x2  }
0x266: {  	[tilespmem:s11+$0x1020] =	vst.add.f32.msk $0xffff, v6  }
0x267: {  	v6 =	vld [tilespmem:s9+$0x1030]  }
0x268: {  	[tilespmem:s18+$0x1020] =	vst.add.f32.msk $0xffff, v5  }
0x269: {  	v5 =	vld [tilespmem:s13+$0x1030];
	_ =	sdelay $0x2  }
0x26a: {  	[tilespmem:s11+$0x1030] =	vst.add.f32.msk $0xffff, v6  }
0x26b: {  	v6 =	vld [tilespmem:s9+$0x1040]  }
0x26c: {  	[tilespmem:s18+$0x1030] =	vst.add.f32.msk $0xffff, v5  }
0x26d: {  	v5 =	vld [tilespmem:s13+$0x1040];
	_ =	sdelay $0x2  }
0x26e: {  	[tilespmem:s11+$0x1040] =	vst.add.f32.msk $0xffff, v6  }
0x26f: {  	v6 =	vld [tilespmem:s9+$0x1050]  }
0x270: {  	[tilespmem:s18+$0x1040] =	vst.add.f32.msk $0xffff, v5  }
0x271: {  	v5 =	vld [tilespmem:s13+$0x1050];
	_ =	sdelay $0x2  }
0x272: {  	[tilespmem:s11+$0x1050] =	vst.add.f32.msk $0xffff, v6  }
0x273: {  	v6 =	vld [tilespmem:s9+$0x1060]  }
0x274: {  	[tilespmem:s18+$0x1050] =	vst.add.f32.msk $0xffff, v5  }
0x275: {  	v5 =	vld [tilespmem:s13+$0x1060];
	_ =	sdelay $0x2  }
0x276: {  	[tilespmem:s11+$0x1060] =	vst.add.f32.msk $0xffff, v6  }
0x277: {  	v6 =	vld [tilespmem:s9+$0x1070]  }
0x278: {  	[tilespmem:s18+$0x1060] =	vst.add.f32.msk $0xffff, v5  }
0x279: {  	v5 =	vld [tilespmem:s13+$0x1070];
	_ =	sdelay $0x2  }
0x27a: {  	[tilespmem:s11+$0x1070] =	vst.add.f32.msk $0xffff, v6  }
0x27b: {  	v6 =	vld [tilespmem:s9+$0x1400]  }
0x27c: {  	[tilespmem:s18+$0x1070] =	vst.add.f32.msk $0xffff, v5  }
0x27d: {  	v5 =	vld [tilespmem:s13+$0x1400];
	_ =	sdelay $0x2  }
0x27e: {  	[tilespmem:s11+$0x1400] =	vst.add.f32.msk $0xffff, v6  }
0x27f: {  	v6 =	vld [tilespmem:s9+$0x1410]  }
0x280: {  	[tilespmem:s18+$0x1400] =	vst.add.f32.msk $0xffff, v5  }
0x281: {  	v5 =	vld [tilespmem:s13+$0x1410];
	_ =	sdelay $0x2  }
0x282: {  	[tilespmem:s11+$0x1410] =	vst.add.f32.msk $0xffff, v6  }
0x283: {  	v6 =	vld [tilespmem:s9+$0x1420]  }
0x284: {  	[tilespmem:s18+$0x1410] =	vst.add.f32.msk $0xffff, v5  }
0x285: {  	v5 =	vld [tilespmem:s13+$0x1420]  }
0x286: {  	[tilespmem:s28+$0x1420] =	vst.add.f32.msk $0xffff, v4  }
0x287: {  	v4 =	vld [tilespmem:s7+$0x1430]  }
0x288: {  	[tilespmem:s11+$0x1420] =	vst.add.f32.msk $0xffff, v6  }
0x289: {  	v6 =	vld [tilespmem:s9+$0x1430]  }
0x28a: {  	[tilespmem:s18+$0x1420] =	vst.add.f32.msk $0xffff, v5  }
0x28b: {  	v5 =	vld [tilespmem:s13+$0x1430]  }
0x28c: {  	[tilespmem:s28+$0x1430] =	vst.add.f32.msk $0xffff, v4  }
0x28d: {  	v4 =	vld [tilespmem:s7+$0x1440]  }
0x28e: {  	[tilespmem:s11+$0x1430] =	vst.add.f32.msk $0xffff, v6  }
0x28f: {  	v6 =	vld [tilespmem:s9+$0x1440]  }
0x290: {  	[tilespmem:s18+$0x1430] =	vst.add.f32.msk $0xffff, v5  }
0x291: {  	v5 =	vld [tilespmem:s13+$0x1440]  }
0x292: {  	[tilespmem:s28+$0x1440] =	vst.add.f32.msk $0xffff, v4  }
0x293: {  	v4 =	vld [tilespmem:s7+$0x1450]  }
0x294: {  	[tilespmem:s11+$0x1440] =	vst.add.f32.msk $0xffff, v6  }
0x295: {  	v6 =	vld [tilespmem:s9+$0x1450]  }
0x296: {  	[tilespmem:s18+$0x1440] =	vst.add.f32.msk $0xffff, v5  }
0x297: {  	v5 =	vld [tilespmem:s13+$0x1450]  }
0x298: {  	[tilespmem:s28+$0x1450] =	vst.add.f32.msk $0xffff, v4  }
0x299: {  	v4 =	vld [tilespmem:s7+$0x1460]  }
0x29a: {  	[tilespmem:s11+$0x1450] =	vst.add.f32.msk $0xffff, v6  }
0x29b: {  	v6 =	vld [tilespmem:s9+$0x1460]  }
0x29c: {  	[tilespmem:s18+$0x1450] =	vst.add.f32.msk $0xffff, v5  }
0x29d: {  	v5 =	vld [tilespmem:s13+$0x1460]  }
0x29e: {  	[tilespmem:s28+$0x1460] =	vst.add.f32.msk $0xffff, v4  }
0x29f: {  	v4 =	vld [tilespmem:s7+$0x1470]  }
0x2a0: {  	[tilespmem:s11+$0x1460] =	vst.add.f32.msk $0xffff, v6  }
0x2a1: {  	v6 =	vld [tilespmem:s9+$0x1470]  }
0x2a2: {  	[tilespmem:s18+$0x1460] =	vst.add.f32.msk $0xffff, v5  }
0x2a3: {  	v5 =	vld [tilespmem:s13+$0x1470]  }
0x2a4: {  	[tilespmem:s28+$0x1470] =	vst.add.f32.msk $0xffff, v4  }
0x2a5: {  	v4 =	vld [tilespmem:s7+$0x1800]  }
0x2a6: {  	[tilespmem:s11+$0x1470] =	vst.add.f32.msk $0xffff, v6  }
0x2a7: {  	v6 =	vld [tilespmem:s9+$0x1800]  }
0x2a8: {  	[tilespmem:s18+$0x1470] =	vst.add.f32.msk $0xffff, v5  }
0x2a9: {  	v5 =	vld [tilespmem:s13+$0x1800]  }
0x2aa: {  	[tilespmem:s28+$0x1800] =	vst.add.f32.msk $0xffff, v4  }
0x2ab: {  	v4 =	vld [tilespmem:s7+$0x1810]  }
0x2ac: {  	[tilespmem:s11+$0x1800] =	vst.add.f32.msk $0xffff, v6  }
0x2ad: {  	v6 =	vld [tilespmem:s9+$0x1810]  }
0x2ae: {  	[tilespmem:s18+$0x1800] =	vst.add.f32.msk $0xffff, v5  }
0x2af: {  	v5 =	vld [tilespmem:s13+$0x1810]  }
0x2b0: {  	[tilespmem:s28+$0x1810] =	vst.add.f32.msk $0xffff, v4  }
0x2b1: {  	v4 =	vld [tilespmem:s7+$0x1820]  }
0x2b2: {  	[tilespmem:s11+$0x1810] =	vst.add.f32.msk $0xffff, v6  }
0x2b3: {  	v6 =	vld [tilespmem:s9+$0x1820]  }
0x2b4: {  	[tilespmem:s18+$0x1810] =	vst.add.f32.msk $0xffff, v5  }
0x2b5: {  	v5 =	vld [tilespmem:s13+$0x1820]  }
0x2b6: {  	[tilespmem:s28+$0x1820] =	vst.add.f32.msk $0xffff, v4  }
0x2b7: {  	v4 =	vld [tilespmem:s7+$0x1830]  }
0x2b8: {  	[tilespmem:s11+$0x1820] =	vst.add.f32.msk $0xffff, v6  }
0x2b9: {  	v6 =	vld [tilespmem:s9+$0x1830]  }
0x2ba: {  	[tilespmem:s18+$0x1820] =	vst.add.f32.msk $0xffff, v5  }
0x2bb: {  	v5 =	vld [tilespmem:s13+$0x1830]  }
0x2bc: {  	[tilespmem:s28+$0x1830] =	vst.add.f32.msk $0xffff, v4  }
0x2bd: {  	v4 =	vld [tilespmem:s7+$0x1840]  }
0x2be: {  	[tilespmem:s11+$0x1830] =	vst.add.f32.msk $0xffff, v6  }
0x2bf: {  	v6 =	vld [tilespmem:s9+$0x1840]  }
0x2c0: {  	[tilespmem:s18+$0x1830] =	vst.add.f32.msk $0xffff, v5  }
0x2c1: {  	v5 =	vld [tilespmem:s13+$0x1840]  }
0x2c2: {  	[tilespmem:s28+$0x1840] =	vst.add.f32.msk $0xffff, v4  }
0x2c3: {  	v4 =	vld [tilespmem:s7+$0x1850]  }
0x2c4: {  	[tilespmem:s11+$0x1840] =	vst.add.f32.msk $0xffff, v6  }
0x2c5: {  	v6 =	vld [tilespmem:s9+$0x1850]  }
0x2c6: {  	[tilespmem:s18+$0x1840] =	vst.add.f32.msk $0xffff, v5  }
0x2c7: {  	v5 =	vld [tilespmem:s13+$0x1850]  }
0x2c8: {  	[tilespmem:s28+$0x1850] =	vst.add.f32.msk $0xffff, v4  }
0x2c9: {  	v4 =	vld [tilespmem:s7+$0x1860]  }
0x2ca: {  	[tilespmem:s11+$0x1850] =	vst.add.f32.msk $0xffff, v6  }
0x2cb: {  	v6 =	vld [tilespmem:s9+$0x1860]  }
0x2cc: {  	[tilespmem:s18+$0x1850] =	vst.add.f32.msk $0xffff, v5  }
0x2cd: {  	v5 =	vld [tilespmem:s13+$0x1860]  }
0x2ce: {  	[tilespmem:s28+$0x1860] =	vst.add.f32.msk $0xffff, v4  }
0x2cf: {  	v4 =	vld [tilespmem:s7+$0x1870]  }
0x2d0: {  	[tilespmem:s11+$0x1860] =	vst.add.f32.msk $0xffff, v6  }
0x2d1: {  	v6 =	vld [tilespmem:s9+$0x1870]  }
0x2d2: {  	[tilespmem:s18+$0x1860] =	vst.add.f32.msk $0xffff, v5  }
0x2d3: {  	v5 =	vld [tilespmem:s13+$0x1870]  }
0x2d4: {  	[tilespmem:s28+$0x1870] =	vst.add.f32.msk $0xffff, v4  }
0x2d5: {  	v4 =	vld [tilespmem:s7+$0x1C00]  }
0x2d6: {  	[tilespmem:s11+$0x1870] =	vst.add.f32.msk $0xffff, v6  }
0x2d7: {  	v6 =	vld [tilespmem:s9+$0x1C00]  }
0x2d8: {  	[tilespmem:s18+$0x1870] =	vst.add.f32.msk $0xffff, v5  }
0x2d9: {  	v5 =	vld [tilespmem:s13+$0x1C00]  }
0x2da: {  	[tilespmem:s28+$0x1C00] =	vst.add.f32.msk $0xffff, v4  }
0x2db: {  	v4 =	vld [tilespmem:s7+$0x1C10]  }
0x2dc: {  	[tilespmem:s11+$0x1C00] =	vst.add.f32.msk $0xffff, v6  }
0x2dd: {  	v6 =	vld [tilespmem:s9+$0x1C10]  }
0x2de: {  	[tilespmem:s18+$0x1C00] =	vst.add.f32.msk $0xffff, v5  }
0x2df: {  	v5 =	vld [tilespmem:s13+$0x1C10]  }
0x2e0: {  	[tilespmem:s28+$0x1C10] =	vst.add.f32.msk $0xffff, v4  }
0x2e1: {  	v4 =	vld [tilespmem:s7+$0x1C20]  }
0x2e2: {  	[tilespmem:s11+$0x1C10] =	vst.add.f32.msk $0xffff, v6  }
0x2e3: {  	v6 =	vld [tilespmem:s9+$0x1C20]  }
0x2e4: {  	[tilespmem:s18+$0x1C10] =	vst.add.f32.msk $0xffff, v5  }
0x2e5: {  	v5 =	vld [tilespmem:s13+$0x1C20]  }
0x2e6: {  	[tilespmem:s28+$0x1C20] =	vst.add.f32.msk $0xffff, v4  }
0x2e7: {  	v4 =	vld [tilespmem:s7+$0x1C30]  }
0x2e8: {  	[tilespmem:s11+$0x1C20] =	vst.add.f32.msk $0xffff, v6  }
0x2e9: {  	v6 =	vld [tilespmem:s9+$0x1C30]  }
0x2ea: {  	[tilespmem:s18+$0x1C20] =	vst.add.f32.msk $0xffff, v5  }
0x2eb: {  	v5 =	vld [tilespmem:s13+$0x1C30]  }
0x2ec: {  	[tilespmem:s28+$0x1C30] =	vst.add.f32.msk $0xffff, v4  }
0x2ed: {  	v4 =	vld [tilespmem:s7+$0x1C40]  }
0x2ee: {  	[tilespmem:s11+$0x1C30] =	vst.add.f32.msk $0xffff, v6  }
0x2ef: {  	v6 =	vld [tilespmem:s9+$0x1C40]  }
0x2f0: {  	[tilespmem:s18+$0x1C30] =	vst.add.f32.msk $0xffff, v5  }
0x2f1: {  	v5 =	vld [tilespmem:s13+$0x1C40]  }
0x2f2: {  	[tilespmem:s28+$0x1C40] =	vst.add.f32.msk $0xffff, v4  }
0x2f3: {  	v4 =	vld [tilespmem:s7+$0x1C50]  }
0x2f4: {  	[tilespmem:s11+$0x1C40] =	vst.add.f32.msk $0xffff, v6  }
0x2f5: {  	v6 =	vld [tilespmem:s9+$0x1C50]  }
0x2f6: {  	[tilespmem:s18+$0x1C40] =	vst.add.f32.msk $0xffff, v5  }
0x2f7: {  	v5 =	vld [tilespmem:s13+$0x1C50]  }
0x2f8: {  	[tilespmem:s28+$0x1C50] =	vst.add.f32.msk $0xffff, v4  }
0x2f9: {  	v4 =	vld [tilespmem:s7+$0x1C60]  }
0x2fa: {  	[tilespmem:s11+$0x1C50] =	vst.add.f32.msk $0xffff, v6  }
0x2fb: {  	v6 =	vld [tilespmem:s9+$0x1C60]  }
0x2fc: {  	[tilespmem:s18+$0x1C50] =	vst.add.f32.msk $0xffff, v5  }
0x2fd: {  	v5 =	vld [tilespmem:s13+$0x1C60]  }
0x2fe: {  	[tilespmem:s28+$0x1C60] =	vst.add.f32.msk $0xffff, v4  }
0x2ff: {  	v4 =	vld [tilespmem:s7+$0x1C70]  }
0x300: {  	p0 =	slt.u32 s30, $0x2;
	p1 =	sne.s32 s20, $0x0;
	[tilespmem:s11+$0x1C60] =	vst.add.f32.msk $0xffff, v6  }
0x301: {  	p0 =	por !p0, !p1;
	v6 =	vld [tilespmem:s9+$0x1C70]  }
0x302: {  	s5 =	simm.s32 $0x1;
	p0 =	por !p0, !p0;
	[tilespmem:s18+$0x1C60] =	vst.add.f32.msk $0xffff, v5  }
0x303: {  	s0 =	sshrl.u32 s0, $0x2;
	s30 =	sadd.s32 $0x1, s30;
	s5 =	simm.s32 @!p0 $0x0;
	v5 =	vld [tilespmem:s13+$0x1C70]  }
0x304: {  	p0 =	sne.s32 s30, $0x10;
	s0 =	ssub.s32 s0, s5  }
.Ltmp1:
0x305: {  	s2 =	sor.u32 s8, s2;
	[tilespmem:s6+$0x1C70] =	vst.add.f32.msk $0xffff, v3;
	s0 =	sshll.u32 s0, $0x15;
	(pc) =	sbr.rel @p0 .LBB2_2-.Ltmp1, $4  }
0x306: {  	s0 =	sor.u32 s2, s0;
	[tilespmem:s28+$0x1C70] =	vst.add.f32.msk $0xffff, v4  }
0x307: {  	s0 =	sshrl.u32 s0, $0x3;
	[tilespmem:s11+$0x1C70] =	vst.add.f32.msk $0xffff, v6  }
0x308: {  	s31 =	sadd.s32 $0x5, s31;
	s0 =	sadd.s32 s3, s0;
	[tilespmem:s18+$0x1C70] =	vst.add.f32.msk $0xffff, v5  }
0x309: {  	[hbm4b:s0+s4] =	stream.linear.scatter [tilespmem:s19], [sflag:s31], $0x4000, $0x38;
	[tilespmem:$0x1C100] =	vst v63  }
0x30a: {  	_ =	swait.ge [sflag:s22], $0x4000;
	s0 =	simm.s32 $0x0  }
0x30b: {  	[sflag:s22] =	ssyncset.done $0x0;
	s2 =	sand.u32 $0x2000, s0;
	s5 =	sand.u32 $0x380, s0  }
0x30c: {  	[sflag:s22] =	ssyncadd.s32 $0xFFFFC000;
	s9 =	sor.u32 s5, s2  }
0x30d: {  	v3 =	vld [tilespmem:s9+$0xC100]  }
0x30e: {  	v4 =	vld [tilespmem:s9+$0xC110]  }
0x30f: {  	v5 =	vld [tilespmem:s9+$0xC120]  }
0x310: {  	v6 =	vld [tilespmem:s9+$0xC130]  }
0x311: {  	v7 =	vld [tilespmem:s9+$0xC140]  }
0x312: {  	v8 =	vld [tilespmem:s9+$0xC150]  }
0x313: {  	v9 =	vld [tilespmem:s9+$0xC160]  }
0x314: {  	v10 =	vld [tilespmem:s9+$0xC170]  }
0x315: {  	[tilespmem:s9+$0x10100] =	vst.add.f32.msk $0xffff, v3  }
0x316: {  	[tilespmem:s9+$0x10110] =	vst.add.f32.msk $0xffff, v4  }
0x317: {  	[tilespmem:s9+$0x10120] =	vst.add.f32.msk $0xffff, v5  }
0x318: {  	[tilespmem:s9+$0x10130] =	vst.add.f32.msk $0xffff, v6  }
0x319: {  	[tilespmem:s9+$0x10140] =	vst.add.f32.msk $0xffff, v7  }
0x31a: {  	s11 =	sand.u32 $0xFFFFE000, s0;
	[tilespmem:s9+$0x10150] =	vst.add.f32.msk $0xffff, v8  }
0x31b: {  	s11 =	sadd.s32 $0x0, s11;
	[tilespmem:s9+$0x10160] =	vst.add.f32.msk $0xffff, v9  }
0x31c: {  	s2 =	sor.u32 $0xC400, s11;
	[tilespmem:s9+$0x10170] =	vst.add.f32.msk $0xffff, v10  }
0x31d: {  	v3 =	vld [tilespmem:s2+$0x100];
	_ =	sdelay $0x4  }
0x31e: {  	[tilespmem:s9+$0x10500] =	vst.add.f32.msk $0xffff, v3  }
0x31f: {  	v3 =	vld [tilespmem:s2+$0x110];
	_ =	sdelay $0x4  }
0x320: {  	[tilespmem:s9+$0x10510] =	vst.add.f32.msk $0xffff, v3  }
0x321: {  	v3 =	vld [tilespmem:s2+$0x120];
	_ =	sdelay $0x4  }
0x322: {  	[tilespmem:s9+$0x10520] =	vst.add.f32.msk $0xffff, v3  }
0x323: {  	v3 =	vld [tilespmem:s2+$0x130];
	_ =	sdelay $0x4  }
0x324: {  	[tilespmem:s9+$0x10530] =	vst.add.f32.msk $0xffff, v3  }
0x325: {  	v3 =	vld [tilespmem:s2+$0x140];
	_ =	sdelay $0x4  }
0x326: {  	[tilespmem:s9+$0x10540] =	vst.add.f32.msk $0xffff, v3  }
0x327: {  	v3 =	vld [tilespmem:s2+$0x150]  }
0x328: {  	v11 =	vld [tilespmem:s9+$0xC970]  }
0x329: {  	v4 =	vld [tilespmem:s9+$0xC900]  }
0x32a: {  	v5 =	vld [tilespmem:s9+$0xC910]  }
0x32b: {  	v6 =	vld [tilespmem:s9+$0xC920]  }
0x32c: {  	[tilespmem:s9+$0x10550] =	vst.add.f32.msk $0xffff, v3  }
0x32d: {  	v3 =	vld [tilespmem:s2+$0x160]  }
0x32e: {  	v7 =	vld [tilespmem:s9+$0xC930]  }
0x32f: {  	v8 =	vld [tilespmem:s9+$0xC940]  }
0x330: {  	v9 =	vld [tilespmem:s9+$0xC950]  }
0x331: {  	v10 =	vld [tilespmem:s9+$0xC960]  }
0x332: {  	[tilespmem:s9+$0x10560] =	vst.add.f32.msk $0xffff, v3  }
0x333: {  	v3 =	vld [tilespmem:s2+$0x170]  }
0x334: {  	[tilespmem:s9+$0x10900] =	vst.add.f32.msk $0xffff, v4  }
0x335: {  	[tilespmem:s9+$0x10910] =	vst.add.f32.msk $0xffff, v5  }
0x336: {  	[tilespmem:s9+$0x10920] =	vst.add.f32.msk $0xffff, v6  }
0x337: {  	[tilespmem:s9+$0x10930] =	vst.add.f32.msk $0xffff, v7  }
0x338: {  	[tilespmem:s9+$0x10940] =	vst.add.f32.msk $0xffff, v8  }
0x339: {  	[tilespmem:s9+$0x10950] =	vst.add.f32.msk $0xffff, v9  }
0x33a: {  	[tilespmem:s9+$0x10960] =	vst.add.f32.msk $0xffff, v10  }
0x33b: {  	[tilespmem:s9+$0x10970] =	vst.add.f32.msk $0xffff, v11  }
0x33c: {  	s12 =	sor.u32 $0xCC00, s11;
	[tilespmem:s9+$0x10570] =	vst.add.f32.msk $0xffff, v3  }
0x33d: {  	v3 =	vld [tilespmem:s12+$0x100];
	_ =	sdelay $0x4  }
0x33e: {  	[tilespmem:s9+$0x10D00] =	vst.add.f32.msk $0xffff, v3  }
0x33f: {  	v3 =	vld [tilespmem:s12+$0x110];
	_ =	sdelay $0x2  }
0x340: {  	v12 =	vld [tilespmem:s9+$0xD140]  }
0x341: {  	v13 =	vld [tilespmem:s9+$0xD150]  }
0x342: {  	[tilespmem:s9+$0x10D10] =	vst.add.f32.msk $0xffff, v3  }
0x343: {  	v3 =	vld [tilespmem:s12+$0x120]  }
0x344: {  	v14 =	vld [tilespmem:s9+$0xD160]  }
0x345: {  	v15 =	vld [tilespmem:s9+$0xD170]  }
0x346: {  	v4 =	vld [tilespmem:s9+$0xD900]  }
0x347: {  	v8 =	vld [tilespmem:s9+$0xD100]  }
0x348: {  	[tilespmem:s9+$0x10D20] =	vst.add.f32.msk $0xffff, v3  }
0x349: {  	v3 =	vld [tilespmem:s12+$0x130]  }
0x34a: {  	s6 =	simm.s32 $0x80;
	v9 =	vld [tilespmem:s9+$0xD110];
	s2 =	simm.s32 $0x400  }
0x34b: {  	s10 =	sand.u32 $0x380, s6;
	v10 =	vld [tilespmem:s9+$0xD120];
	s7 =	sand.u32 $0x2000, s2  }
0x34c: {  	v11 =	vld [tilespmem:s9+$0xD130];
	s7 =	sor.u32 s10, s7  }
0x34d: {  	v16 =	vld [tilespmem:s7+$0xC100]  }
0x34e: {  	[tilespmem:s9+$0x10D30] =	vst.add.f32.msk $0xffff, v3  }
0x34f: {  	v3 =	vld [tilespmem:s12+$0x140]  }
0x350: {  	v17 =	vld [tilespmem:s7+$0xC110]  }
0x351: {  	v18 =	vld [tilespmem:s7+$0xC120]  }
0x352: {  	v19 =	vld [tilespmem:s7+$0xC130]  }
0x353: {  	v20 =	vld [tilespmem:s7+$0xC140]  }
0x354: {  	[tilespmem:s9+$0x10D40] =	vst.add.f32.msk $0xffff, v3  }
0x355: {  	v3 =	vld [tilespmem:s12+$0x150]  }
0x356: {  	v21 =	vld [tilespmem:s7+$0xC150]  }
0x357: {  	v22 =	vld [tilespmem:s7+$0xC160]  }
0x358: {  	v23 =	vld [tilespmem:s7+$0xC170]  }
0x359: {  	[tilespmem:s7+$0x10100] =	vst.add.f32.msk $0xffff, v16  }
0x35a: {  	[tilespmem:s9+$0x10D50] =	vst.add.f32.msk $0xffff, v3  }
0x35b: {  	v3 =	vld [tilespmem:s12+$0x160]  }
0x35c: {  	[tilespmem:s7+$0x10110] =	vst.add.f32.msk $0xffff, v17  }
0x35d: {  	[tilespmem:s7+$0x10120] =	vst.add.f32.msk $0xffff, v18  }
0x35e: {  	[tilespmem:s7+$0x10130] =	vst.add.f32.msk $0xffff, v19  }
0x35f: {  	[tilespmem:s7+$0x10140] =	vst.add.f32.msk $0xffff, v20  }
0x360: {  	[tilespmem:s9+$0x10D60] =	vst.add.f32.msk $0xffff, v3  }
0x361: {  	v3 =	vld [tilespmem:s12+$0x170]  }
0x362: {  	[tilespmem:s9+$0x11100] =	vst.add.f32.msk $0xffff, v8  }
0x363: {  	[tilespmem:s9+$0x11110] =	vst.add.f32.msk $0xffff, v9  }
0x364: {  	[tilespmem:s9+$0x11120] =	vst.add.f32.msk $0xffff, v10  }
0x365: {  	[tilespmem:s9+$0x11130] =	vst.add.f32.msk $0xffff, v11  }
0x366: {  	[tilespmem:s9+$0x11140] =	vst.add.f32.msk $0xffff, v12  }
0x367: {  	[tilespmem:s9+$0x11150] =	vst.add.f32.msk $0xffff, v13  }
0x368: {  	[tilespmem:s9+$0x11160] =	vst.add.f32.msk $0xffff, v14  }
0x369: {  	[tilespmem:s9+$0x11170] =	vst.add.f32.msk $0xffff, v15  }
0x36a: {  	s13 =	sor.u32 $0xD400, s11;
	[tilespmem:s9+$0x10D70] =	vst.add.f32.msk $0xffff, v3  }
0x36b: {  	v3 =	vld [tilespmem:s13+$0x100]  }
0x36c: {  	s17 =	sand.u32 $0xFFFFE000, s2;
	[tilespmem:s7+$0x10150] =	vst.add.f32.msk $0xffff, v21  }
0x36d: {  	[tilespmem:s7+$0x10160] =	vst.add.f32.msk $0xffff, v22;
	s12 =	sadd.s32 $0x80, s17  }
0x36e: {  	[tilespmem:s7+$0x10170] =	vst.add.f32.msk $0xffff, v23;
	s10 =	sor.u32 $0xC400, s12  }
0x36f: {  	v8 =	vld [tilespmem:s10+$0x100]  }
0x370: {  	[tilespmem:s9+$0x11500] =	vst.add.f32.msk $0xffff, v3  }
0x371: {  	v3 =	vld [tilespmem:s13+$0x110]  }
0x372: {  	v5 =	vld [tilespmem:s9+$0xD910]  }
0x373: {  	v6 =	vld [tilespmem:s9+$0xD920]  }
0x374: {  	[tilespmem:s7+$0x10500] =	vst.add.f32.msk $0xffff, v8  }
0x375: {  	v8 =	vld [tilespmem:s10+$0x110]  }
0x376: {  	[tilespmem:s9+$0x11510] =	vst.add.f32.msk $0xffff, v3  }
0x377: {  	v3 =	vld [tilespmem:s13+$0x120]  }
0x378: {  	v7 =	vld [tilespmem:s9+$0xD930]  }
0x379: {  	v53 =	vld [tilespmem:s7+$0xC930]  }
0x37a: {  	[tilespmem:s7+$0x10510] =	vst.add.f32.msk $0xffff, v8  }
0x37b: {  	v8 =	vld [tilespmem:s10+$0x120]  }
0x37c: {  	[tilespmem:s9+$0x11520] =	vst.add.f32.msk $0xffff, v3  }
0x37d: {  	v3 =	vld [tilespmem:s13+$0x130]  }
0x37e: {  	v54 =	vld [tilespmem:s7+$0xC940]  }
0x37f: {  	v55 =	vld [tilespmem:s7+$0xC950]  }
0x380: {  	[tilespmem:s7+$0x10520] =	vst.add.f32.msk $0xffff, v8  }
0x381: {  	v8 =	vld [tilespmem:s10+$0x130]  }
0x382: {  	[tilespmem:s9+$0x11530] =	vst.add.f32.msk $0xffff, v3  }
0x383: {  	v3 =	vld [tilespmem:s13+$0x140]  }
0x384: {  	v9 =	vld [tilespmem:s9+$0xD940]  }
0x385: {  	v10 =	vld [tilespmem:s9+$0xD950]  }
0x386: {  	[tilespmem:s7+$0x10530] =	vst.add.f32.msk $0xffff, v8  }
0x387: {  	v8 =	vld [tilespmem:s10+$0x140]  }
0x388: {  	[tilespmem:s9+$0x11540] =	vst.add.f32.msk $0xffff, v3  }
0x389: {  	v3 =	vld [tilespmem:s13+$0x150]  }
0x38a: {  	v11 =	vld [tilespmem:s9+$0xD960]  }
0x38b: {  	v12 =	vld [tilespmem:s9+$0xD970]  }
0x38c: {  	[tilespmem:s7+$0x10540] =	vst.add.f32.msk $0xffff, v8  }
0x38d: {  	v8 =	vld [tilespmem:s10+$0x150]  }
0x38e: {  	[tilespmem:s9+$0x11550] =	vst.add.f32.msk $0xffff, v3  }
0x38f: {  	v3 =	vld [tilespmem:s13+$0x160]  }
0x390: {  	v13 =	vld [tilespmem:s7+$0xC900]  }
0x391: {  	v14 =	vld [tilespmem:s7+$0xC910]  }
0x392: {  	v15 =	vld [tilespmem:s7+$0xC920]  }
0x393: {  	[tilespmem:s7+$0x10550] =	vst.add.f32.msk $0xffff, v8  }
0x394: {  	[tilespmem:s9+$0x11560] =	vst.add.f32.msk $0xffff, v3  }
0x395: {  	v3 =	vld [tilespmem:s13+$0x170]  }
0x396: {  	[tilespmem:s9+$0x11900] =	vst.add.f32.msk $0xffff, v4  }
0x397: {  	[tilespmem:s9+$0x11910] =	vst.add.f32.msk $0xffff, v5  }
0x398: {  	[tilespmem:s9+$0x11920] =	vst.add.f32.msk $0xffff, v6  }
0x399: {  	[tilespmem:s9+$0x11930] =	vst.add.f32.msk $0xffff, v7  }
0x39a: {  	[tilespmem:s9+$0x11940] =	vst.add.f32.msk $0xffff, v9  }
0x39b: {  	[tilespmem:s9+$0x11950] =	vst.add.f32.msk $0xffff, v10  }
0x39c: {  	[tilespmem:s9+$0x11960] =	vst.add.f32.msk $0xffff, v11  }
0x39d: {  	v4 =	vld [tilespmem:s10+$0x160]  }
0x39e: {  	[tilespmem:s9+$0x11970] =	vst.add.f32.msk $0xffff, v12  }
0x39f: {  	v5 =	vld [tilespmem:s7+$0xC960]  }
0x3a0: {  	v6 =	vld [tilespmem:s7+$0xC970]  }
0x3a1: {  	s18 =	sor.u32 s0, s0;
	[tilespmem:s9+$0x11570] =	vst.add.f32.msk $0xffff, v3  }
0x3a2: {  	s5 =	sor.u32 $0xDC00, s18;
	[tilespmem:s7+$0x10560] =	vst.add.f32.msk $0xffff, v4  }
0x3a3: {  	v3 =	vld [tilespmem:s5+$0x100]  }
0x3a4: {  	v4 =	vld [tilespmem:s10+$0x170]  }
0x3a5: {  	[tilespmem:s7+$0x10900] =	vst.add.f32.msk $0xffff, v13  }
0x3a6: {  	[tilespmem:s7+$0x10910] =	vst.add.f32.msk $0xffff, v14  }
0x3a7: {  	[tilespmem:s7+$0x10920] =	vst.add.f32.msk $0xffff, v15  }
0x3a8: {  	[tilespmem:s7+$0x10930] =	vst.add.f32.msk $0xffff, v53  }
0x3a9: {  	s19 =	sand.u32 $0x7, s0;
	[tilespmem:s7+$0x10940] =	vst.add.f32.msk $0xffff, v54  }
0x3aa: {  	s9 =	sshll.u32 s19, $0x7;
	[tilespmem:s7+$0x10950] =	vst.add.f32.msk $0xffff, v55  }
0x3ab: {  	s9 =	sadd.s32 $0x0, s9;
	[tilespmem:s7+$0x10960] =	vst.add.f32.msk $0xffff, v5  }
0x3ac: {  	[tilespmem:s7+$0x10970] =	vst.add.f32.msk $0xffff, v6;
	s20 =	sor.u32 $0x1C00, s9  }
0x3ad: {  	[tilespmem:s20+$0x10100] =	vst.add.f32.msk $0xffff, v3  }
0x3ae: {  	[tilespmem:s7+$0x10570] =	vst.add.f32.msk $0xffff, v4  }
0x3af: {  	s31 =	sor.u32 $0xCC00, s12;
	v3 =	vld [tilespmem:s5+$0x110]  }
0x3b0: {  	v5 =	vld [tilespmem:s31+$0x100];
	_ =	sdelay $0x2  }
0x3b1: {  	s28 =	sor.u32 $0x1C10, s9  }
0x3b2: {  	[tilespmem:s28+$0x10100] =	vst.add.f32.msk $0xffff, v3  }
0x3b3: {  	[tilespmem:s7+$0x10D00] =	vst.add.f32.msk $0xffff, v5  }
0x3b4: {  	v3 =	vld [tilespmem:s5+$0x120]  }
0x3b5: {  	v7 =	vld [tilespmem:s31+$0x110];
	_ =	sdelay $0x2  }
0x3b6: {  	s30 =	sor.u32 $0x1C20, s9  }
0x3b7: {  	[tilespmem:s30+$0x10100] =	vst.add.f32.msk $0xffff, v3  }
0x3b8: {  	[tilespmem:s7+$0x10D10] =	vst.add.f32.msk $0xffff, v7  }
0x3b9: {  	v3 =	vld [tilespmem:s5+$0x130]  }
0x3ba: {  	v7 =	vld [tilespmem:s31+$0x120]  }
0x3bb: {  	v9 =	vld [tilespmem:s7+$0xD100]  }
0x3bc: {  	v10 =	vld [tilespmem:s7+$0xD110]  }
0x3bd: {  	v11 =	vld [tilespmem:s7+$0xD120];
	s17 =	sor.u32 $0x1C30, s9  }
0x3be: {  	[tilespmem:s17+$0x10100] =	vst.add.f32.msk $0xffff, v3  }
0x3bf: {  	[tilespmem:s7+$0x10D20] =	vst.add.f32.msk $0xffff, v7  }
0x3c0: {  	v6 =	vld [tilespmem:s5+$0x140]  }
0x3c1: {  	v7 =	vld [tilespmem:s31+$0x130]  }
0x3c2: {  	v12 =	vld [tilespmem:s7+$0xD130]  }
0x3c3: {  	v13 =	vld [tilespmem:s7+$0xD140]  }
0x3c4: {  	v14 =	vld [tilespmem:s7+$0xD160];
	s18 =	sor.u32 $0x1C40, s9  }
0x3c5: {  	[tilespmem:s18+$0x10100] =	vst.add.f32.msk $0xffff, v6  }
0x3c6: {  	[tilespmem:s7+$0x10D30] =	vst.add.f32.msk $0xffff, v7  }
0x3c7: {  	v8 =	vld [tilespmem:s5+$0x150]  }
0x3c8: {  	v7 =	vld [tilespmem:s31+$0x140]  }
0x3c9: {  	v15 =	vld [tilespmem:s7+$0xD170]  }
0x3ca: {  	v4 =	vld [tilespmem:s7+$0xD910]  }
0x3cb: {  	s11 =	simm.s32 $0x100;
	s19 =	sor.u32 $0x1C50, s9;
	v5 =	vld [tilespmem:s7+$0xD920]  }
0x3cc: {  	s20 =	sor.u32 $0x1C60, s9;
	s28 =	sor.u32 $0x1C70, s9;
	s9 =	simm.s32 $0x800;
	[tilespmem:s19+$0x10100] =	vst.add.f32.msk $0xffff, v8  }
0x3cd: {  	s13 =	sand.u32 $0x380, s11;
	s30 =	sand.u32 $0x2000, s9;
	[tilespmem:s7+$0x10D40] =	vst.add.f32.msk $0xffff, v7  }
0x3ce: {  	s19 =	sor.u32 s13, s30;
	v8 =	vld [tilespmem:s5+$0x160]  }
0x3cf: {  	v56 =	vld [tilespmem:s19+$0xC100]  }
0x3d0: {  	v7 =	vld [tilespmem:s31+$0x150]  }
0x3d1: {  	v57 =	vld [tilespmem:s19+$0xC110]  }
0x3d2: {  	v58 =	vld [tilespmem:s19+$0xC120]  }
0x3d3: {  	v59 =	vld [tilespmem:s19+$0xC130]  }
0x3d4: {  	v60 =	vld [tilespmem:s19+$0xC140]  }
0x3d5: {  	v61 =	vld [tilespmem:s19+$0xC150]  }
0x3d6: {  	v62 =	vld [tilespmem:s19+$0xC160]  }
0x3d7: {  	v63 =	vld [tilespmem:s19+$0xC170]  }
0x3d8: {  	[tilespmem:s20+$0x10100] =	vst.add.f32.msk $0xffff, v8  }
0x3d9: {  	[tilespmem:s7+$0x10D50] =	vst.add.f32.msk $0xffff, v7  }
0x3da: {  	v8 =	vld [tilespmem:s5+$0x170]  }
0x3db: {  	[tilespmem:s19+$0x10100] =	vst.add.f32.msk $0xffff, v56  }
0x3dc: {  	v7 =	vld [tilespmem:s31+$0x160]  }
0x3dd: {  	[tilespmem:s19+$0x10110] =	vst.add.f32.msk $0xffff, v57  }
0x3de: {  	[tilespmem:s19+$0x10120] =	vst.add.f32.msk $0xffff, v58  }
0x3df: {  	[tilespmem:s28+$0x10100] =	vst.add.f32.msk $0xffff, v8  }
0x3e0: {  	v8 =	vld [tilespmem:s7+$0xD150]  }
0x3e1: {  	[tilespmem:s7+$0x10D60] =	vst.add.f32.msk $0xffff, v7  }
0x3e2: {  	v7 =	vld [tilespmem:s31+$0x170]  }
0x3e3: {  	[tilespmem:s7+$0x11100] =	vst.add.f32.msk $0xffff, v9  }
0x3e4: {  	[tilespmem:s7+$0x11110] =	vst.add.f32.msk $0xffff, v10  }
0x3e5: {  	[tilespmem:s7+$0x11120] =	vst.add.f32.msk $0xffff, v11  }
0x3e6: {  	[tilespmem:s7+$0x11130] =	vst.add.f32.msk $0xffff, v12  }
0x3e7: {  	[tilespmem:s7+$0x11140] =	vst.add.f32.msk $0xffff, v13  }
0x3e8: {  	[tilespmem:s7+$0x11160] =	vst.add.f32.msk $0xffff, v14  }
0x3e9: {  	[tilespmem:s7+$0x11170] =	vst.add.f32.msk $0xffff, v15  }
0x3ea: {  	[tilespmem:s7+$0x11150] =	vst.add.f32.msk $0xffff, v8  }
0x3eb: {  	s13 =	sor.u32 $0xD400, s12;
	[tilespmem:s7+$0x10D70] =	vst.add.f32.msk $0xffff, v7  }
0x3ec: {  	v7 =	vld [tilespmem:s13+$0x100]  }
0x3ed: {  	[tilespmem:s19+$0x10130] =	vst.add.f32.msk $0xffff, v59  }
0x3ee: {  	[tilespmem:s19+$0x10140] =	vst.add.f32.msk $0xffff, v60  }
0x3ef: {  	[tilespmem:s19+$0x10150] =	vst.add.f32.msk $0xffff, v61  }
0x3f0: {  	[tilespmem:s19+$0x10160] =	vst.add.f32.msk $0xffff, v62  }
0x3f1: {  	s31 =	sand.u32 $0xFFFFE000, s9;
	[tilespmem:s7+$0x11500] =	vst.add.f32.msk $0xffff, v7  }
0x3f2: {  	s12 =	sadd.s32 $0x100, s31;
	v7 =	vld [tilespmem:s13+$0x110]  }
0x3f3: {  	[tilespmem:s19+$0x10170] =	vst.add.f32.msk $0xffff, v63;
	s17 =	sor.u32 $0xC400, s12  }
0x3f4: {  	v9 =	vld [tilespmem:s17+$0x100]  }
0x3f5: {  	v3 =	vld [tilespmem:s7+$0xD900]  }
0x3f6: {  	v6 =	vld [tilespmem:s7+$0xD930]  }
0x3f7: {  	[tilespmem:s7+$0x11510] =	vst.add.f32.msk $0xffff, v7  }
0x3f8: {  	v10 =	vld [tilespmem:s13+$0x120]  }
0x3f9: {  	[tilespmem:s19+$0x10500] =	vst.add.f32.msk $0xffff, v9  }
0x3fa: {  	v11 =	vld [tilespmem:s17+$0x110]  }
0x3fb: {  	v8 =	vld [tilespmem:s7+$0xD950]  }
0x3fc: {  	v9 =	vld [tilespmem:s7+$0xD960]  }
0x3fd: {  	[tilespmem:s7+$0x11520] =	vst.add.f32.msk $0xffff, v10  }
0x3fe: {  	v12 =	vld [tilespmem:s13+$0x130]  }
0x3ff: {  	[tilespmem:s19+$0x10510] =	vst.add.f32.msk $0xffff, v11  }
0x400: {  	v14 =	vld [tilespmem:s17+$0x120]  }
0x401: {  	v11 =	vld [tilespmem:s19+$0xC900]  }
0x402: {  	v7 =	vld [tilespmem:s7+$0xD940]  }
0x403: {  	[tilespmem:s7+$0x11530] =	vst.add.f32.msk $0xffff, v12  }
0x404: {  	v13 =	vld [tilespmem:s13+$0x140]  }
0x405: {  	[tilespmem:s19+$0x10520] =	vst.add.f32.msk $0xffff, v14  }
0x406: {  	v14 =	vld [tilespmem:s17+$0x130]  }
0x407: {  	v10 =	vld [tilespmem:s7+$0xD970]  }
0x408: {  	s20 =	simm.s32 $0xC00;
	v12 =	vld [tilespmem:s19+$0xC910]  }
.LBB2_6:
0x409: {  	p0 =	sne.s32 s20, $0x3C00;
	[tilespmem:s7+$0x11540] =	vst.add.f32.msk $0xffff, v13  }
0x40a: {  	v13 =	vld [tilespmem:s13+$0x150]  }
0x40b: {  	v15 =	vld [tilespmem:s19+$0xC920]  }
0x40c: {  	v16 =	vld [tilespmem:s19+$0xC930]  }
0x40d: {  	[tilespmem:s19+$0x10530] =	vst.add.f32.msk $0xffff, v14  }
0x40e: {  	v14 =	vld [tilespmem:s17+$0x140]  }
0x40f: {  	[tilespmem:s7+$0x11550] =	vst.add.f32.msk $0xffff, v13  }
0x410: {  	v13 =	vld [tilespmem:s13+$0x160]  }
0x411: {  	v17 =	vld [tilespmem:s19+$0xC940]  }
0x412: {  	v18 =	vld [tilespmem:s19+$0xC950]  }
0x413: {  	[tilespmem:s19+$0x10540] =	vst.add.f32.msk $0xffff, v14  }
0x414: {  	v14 =	vld [tilespmem:s17+$0x150]  }
0x415: {  	[tilespmem:s7+$0x11560] =	vst.add.f32.msk $0xffff, v13  }
0x416: {  	v13 =	vld [tilespmem:s13+$0x170]  }
0x417: {  	[tilespmem:s7+$0x11900] =	vst.add.f32.msk $0xffff, v3  }
0x418: {  	[tilespmem:s7+$0x11910] =	vst.add.f32.msk $0xffff, v4  }
0x419: {  	[tilespmem:s7+$0x11920] =	vst.add.f32.msk $0xffff, v5  }
0x41a: {  	[tilespmem:s7+$0x11930] =	vst.add.f32.msk $0xffff, v6  }
0x41b: {  	[tilespmem:s7+$0x11940] =	vst.add.f32.msk $0xffff, v7  }
0x41c: {  	[tilespmem:s7+$0x11950] =	vst.add.f32.msk $0xffff, v8  }
0x41d: {  	[tilespmem:s7+$0x11960] =	vst.add.f32.msk $0xffff, v9  }
0x41e: {  	s5 =	sor.u32 s2, s6;
	s6 =	smov.u32 s11;
	[tilespmem:s7+$0x11970] =	vst.add.f32.msk $0xffff, v10  }
0x41f: {  	s13 =	sor.u32 $0xDC00, s5;
	[tilespmem:s7+$0x11570] =	vst.add.f32.msk $0xffff, v13;
	s7 =	smov.u32 s19  }
0x420: {  	s0 =	sadd.s32 $0x1, s0;
	v3 =	vld [tilespmem:s13+$0x100]  }
0x421: {  	s5 =	sand.u32 $0x7, s0;
	[tilespmem:s7+$0x10550] =	vst.add.f32.msk $0xffff, v14  }
0x422: {  	s5 =	sshll.u32 s5, $0x7;
	v4 =	vld [tilespmem:s17+$0x160]  }
0x423: {  	s18 =	sadd.s32 s5, s2;
	s2 =	smov.u32 s9;
	s9 =	smov.u32 s20;
	v5 =	vld [tilespmem:s7+$0xC960]  }
0x424: {  	s5 =	sor.u32 $0x1C00, s18;
	v6 =	vld [tilespmem:s7+$0xC970]  }
0x425: {  	[tilespmem:s5+$0x10100] =	vst.add.f32.msk $0xffff, v3  }
0x426: {  	v3 =	vld [tilespmem:s13+$0x110]  }
0x427: {  	[tilespmem:s7+$0x10560] =	vst.add.f32.msk $0xffff, v4  }
0x428: {  	v4 =	vld [tilespmem:s17+$0x170]  }
0x429: {  	[tilespmem:s7+$0x10900] =	vst.add.f32.msk $0xffff, v11  }
0x42a: {  	s5 =	sor.u32 $0x1C10, s18;
	[tilespmem:s7+$0x10910] =	vst.add.f32.msk $0xffff, v12  }
0x42b: {  	[tilespmem:s5+$0x10100] =	vst.add.f32.msk $0xffff, v3  }
0x42c: {  	v3 =	vld [tilespmem:s13+$0x120]  }
0x42d: {  	[tilespmem:s7+$0x10920] =	vst.add.f32.msk $0xffff, v15  }
0x42e: {  	[tilespmem:s7+$0x10930] =	vst.add.f32.msk $0xffff, v16  }
0x42f: {  	[tilespmem:s7+$0x10940] =	vst.add.f32.msk $0xffff, v17  }
0x430: {  	s5 =	sor.u32 $0x1C20, s18;
	[tilespmem:s7+$0x10950] =	vst.add.f32.msk $0xffff, v18  }
0x431: {  	[tilespmem:s5+$0x10100] =	vst.add.f32.msk $0xffff, v3  }
0x432: {  	v3 =	vld [tilespmem:s13+$0x130]  }
0x433: {  	[tilespmem:s7+$0x10960] =	vst.add.f32.msk $0xffff, v5  }
0x434: {  	[tilespmem:s7+$0x10970] =	vst.add.f32.msk $0xffff, v6  }
0x435: {  	s17 =	sor.u32 $0xCC00, s12;
	[tilespmem:s7+$0x10570] =	vst.add.f32.msk $0xffff, v4  }
0x436: {  	s5 =	sor.u32 $0x1C30, s18;
	v5 =	vld [tilespmem:s17+$0x100]  }
0x437: {  	[tilespmem:s5+$0x10100] =	vst.add.f32.msk $0xffff, v3  }
0x438: {  	v6 =	vld [tilespmem:s13+$0x140]  }
0x439: {  	v3 =	vld [tilespmem:s7+$0xD900]  }
0x43a: {  	v4 =	vld [tilespmem:s7+$0xD910]  }
0x43b: {  	[tilespmem:s7+$0x10D00] =	vst.add.f32.msk $0xffff, v5  }
0x43c: {  	s5 =	sor.u32 $0x1C40, s18;
	v7 =	vld [tilespmem:s17+$0x110]  }
0x43d: {  	[tilespmem:s5+$0x10100] =	vst.add.f32.msk $0xffff, v6  }
0x43e: {  	v8 =	vld [tilespmem:s13+$0x150]  }
0x43f: {  	v5 =	vld [tilespmem:s7+$0xD920]  }
0x440: {  	v6 =	vld [tilespmem:s7+$0xD930]  }
0x441: {  	[tilespmem:s7+$0x10D10] =	vst.add.f32.msk $0xffff, v7  }
0x442: {  	s5 =	sor.u32 $0x1C50, s18;
	v7 =	vld [tilespmem:s17+$0x120]  }
0x443: {  	[tilespmem:s5+$0x10100] =	vst.add.f32.msk $0xffff, v8  }
0x444: {  	v8 =	vld [tilespmem:s13+$0x160]  }
0x445: {  	v9 =	vld [tilespmem:s7+$0xD100]  }
0x446: {  	v10 =	vld [tilespmem:s7+$0xD110]  }
0x447: {  	[tilespmem:s7+$0x10D20] =	vst.add.f32.msk $0xffff, v7  }
0x448: {  	s5 =	sor.u32 $0x1C60, s18;
	v7 =	vld [tilespmem:s17+$0x130]  }
0x449: {  	[tilespmem:s5+$0x10100] =	vst.add.f32.msk $0xffff, v8  }
0x44a: {  	v8 =	vld [tilespmem:s13+$0x170]  }
0x44b: {  	v11 =	vld [tilespmem:s7+$0xD120]  }
0x44c: {  	v12 =	vld [tilespmem:s7+$0xD130]  }
0x44d: {  	v13 =	vld [tilespmem:s7+$0xD140]  }
0x44e: {  	s5 =	sor.u32 $0x1C70, s18;
	[tilespmem:s7+$0x10D30] =	vst.add.f32.msk $0xffff, v7  }
0x44f: {  	[tilespmem:s5+$0x10100] =	vst.add.f32.msk $0xffff, v8  }
0x450: {  	v7 =	vld [tilespmem:s17+$0x140]  }
0x451: {  	s11 =	sadd.s32 $0x80, s11;
	v8 =	vld [tilespmem:s7+$0xD150]  }
0x452: {  	s10 =	sand.u32 $0x380, s11;
	s5 =	sand.u32 $0x2000, s20;
	v14 =	vld [tilespmem:s7+$0xD160]  }
0x453: {  	s19 =	sor.u32 s10, s5;
	v15 =	vld [tilespmem:s7+$0xD170]  }
0x454: {  	v16 =	vld [tilespmem:s19+$0xC100]  }
0x455: {  	[tilespmem:s7+$0x10D40] =	vst.add.f32.msk $0xffff, v7  }
0x456: {  	v7 =	vld [tilespmem:s17+$0x150]  }
0x457: {  	v17 =	vld [tilespmem:s19+$0xC110]  }
0x458: {  	v18 =	vld [tilespmem:s19+$0xC120]  }
0x459: {  	v19 =	vld [tilespmem:s19+$0xC130]  }
0x45a: {  	v20 =	vld [tilespmem:s19+$0xC140]  }
0x45b: {  	[tilespmem:s7+$0x10D50] =	vst.add.f32.msk $0xffff, v7  }
0x45c: {  	v7 =	vld [tilespmem:s17+$0x160]  }
0x45d: {  	v21 =	vld [tilespmem:s19+$0xC150]  }
0x45e: {  	v22 =	vld [tilespmem:s19+$0xC160]  }
0x45f: {  	v23 =	vld [tilespmem:s19+$0xC170]  }
0x460: {  	[tilespmem:s19+$0x10100] =	vst.add.f32.msk $0xffff, v16  }
0x461: {  	[tilespmem:s7+$0x10D60] =	vst.add.f32.msk $0xffff, v7  }
0x462: {  	v7 =	vld [tilespmem:s17+$0x170]  }
0x463: {  	[tilespmem:s7+$0x11100] =	vst.add.f32.msk $0xffff, v9  }
0x464: {  	[tilespmem:s7+$0x11110] =	vst.add.f32.msk $0xffff, v10  }
0x465: {  	[tilespmem:s7+$0x11120] =	vst.add.f32.msk $0xffff, v11  }
0x466: {  	[tilespmem:s7+$0x11130] =	vst.add.f32.msk $0xffff, v12  }
0x467: {  	[tilespmem:s7+$0x11140] =	vst.add.f32.msk $0xffff, v13  }
0x468: {  	[tilespmem:s7+$0x11150] =	vst.add.f32.msk $0xffff, v8  }
0x469: {  	[tilespmem:s7+$0x11160] =	vst.add.f32.msk $0xffff, v14  }
0x46a: {  	[tilespmem:s7+$0x11170] =	vst.add.f32.msk $0xffff, v15  }
0x46b: {  	s13 =	sor.u32 $0xD400, s12;
	[tilespmem:s7+$0x10D70] =	vst.add.f32.msk $0xffff, v7  }
0x46c: {  	v7 =	vld [tilespmem:s13+$0x100]  }
0x46d: {  	[tilespmem:s19+$0x10110] =	vst.add.f32.msk $0xffff, v17  }
0x46e: {  	[tilespmem:s19+$0x10120] =	vst.add.f32.msk $0xffff, v18  }
0x46f: {  	[tilespmem:s19+$0x10130] =	vst.add.f32.msk $0xffff, v19  }
0x470: {  	[tilespmem:s19+$0x10140] =	vst.add.f32.msk $0xffff, v20  }
0x471: {  	[tilespmem:s7+$0x11500] =	vst.add.f32.msk $0xffff, v7  }
0x472: {  	v7 =	vld [tilespmem:s13+$0x110]  }
0x473: {  	s5 =	sand.u32 $0xFFFFE000, s20;
	[tilespmem:s19+$0x10150] =	vst.add.f32.msk $0xffff, v21  }
0x474: {  	s12 =	sadd.s32 s5, s11;
	[tilespmem:s19+$0x10160] =	vst.add.f32.msk $0xffff, v22  }
0x475: {  	s17 =	sor.u32 $0xC400, s12;
	[tilespmem:s19+$0x10170] =	vst.add.f32.msk $0xffff, v23  }
0x476: {  	v9 =	vld [tilespmem:s17+$0x100]  }
0x477: {  	[tilespmem:s7+$0x11510] =	vst.add.f32.msk $0xffff, v7  }
0x478: {  	v10 =	vld [tilespmem:s13+$0x120]  }
0x479: {  	v7 =	vld [tilespmem:s7+$0xD940]  }
0x47a: {  	v8 =	vld [tilespmem:s7+$0xD950]  }
0x47b: {  	[tilespmem:s19+$0x10500] =	vst.add.f32.msk $0xffff, v9  }
0x47c: {  	v11 =	vld [tilespmem:s17+$0x110]  }
0x47d: {  	[tilespmem:s7+$0x11520] =	vst.add.f32.msk $0xffff, v10  }
0x47e: {  	v12 =	vld [tilespmem:s13+$0x130]  }
0x47f: {  	v9 =	vld [tilespmem:s7+$0xD960]  }
0x480: {  	v10 =	vld [tilespmem:s7+$0xD970]  }
0x481: {  	[tilespmem:s19+$0x10510] =	vst.add.f32.msk $0xffff, v11  }
0x482: {  	v14 =	vld [tilespmem:s17+$0x120]  }
0x483: {  	[tilespmem:s7+$0x11530] =	vst.add.f32.msk $0xffff, v12  }
.Ltmp2:
0x484: {  	v13 =	vld [tilespmem:s13+$0x140];
	(pc) =	sbr.rel @p0 .LBB2_6-.Ltmp2, $4  }
0x485: {  	v11 =	vld [tilespmem:s19+$0xC900]  }
0x486: {  	v12 =	vld [tilespmem:s19+$0xC910]  }
0x487: {  	[tilespmem:s19+$0x10520] =	vst.add.f32.msk $0xffff, v14  }
0x488: {  	s20 =	sadd.s32 $0x400, s20;
	v14 =	vld [tilespmem:s17+$0x130]  }
0x489: {  	_ =	sdelay $0x3  }
0x48a: {  	[tilespmem:s19+$0x10530] =	vst.add.f32.msk $0xffff, v14  }
0x48b: {  	v14 =	vld [tilespmem:s17+$0x140];
	_ =	sdelay $0x4  }
0x48c: {  	[tilespmem:s19+$0x10540] =	vst.add.f32.msk $0xffff, v14  }
0x48d: {  	v14 =	vld [tilespmem:s17+$0x150];
	_ =	sdelay $0x2  }
0x48e: {  	v15 =	vld [tilespmem:s19+$0xC920]  }
0x48f: {  	v16 =	vld [tilespmem:s19+$0xC930]  }
0x490: {  	[tilespmem:s19+$0x10550] =	vst.add.f32.msk $0xffff, v14  }
0x491: {  	v14 =	vld [tilespmem:s17+$0x160]  }
0x492: {  	v17 =	vld [tilespmem:s19+$0xC940]  }
0x493: {  	v18 =	vld [tilespmem:s19+$0xC950]  }
0x494: {  	v19 =	vld [tilespmem:s19+$0xC960]  }
0x495: {  	v20 =	vld [tilespmem:s19+$0xC970]  }
0x496: {  	[tilespmem:s19+$0x10560] =	vst.add.f32.msk $0xffff, v14  }
0x497: {  	v14 =	vld [tilespmem:s17+$0x170]  }
0x498: {  	[tilespmem:s19+$0x10900] =	vst.add.f32.msk $0xffff, v11  }
0x499: {  	[tilespmem:s19+$0x10910] =	vst.add.f32.msk $0xffff, v12  }
0x49a: {  	[tilespmem:s19+$0x10920] =	vst.add.f32.msk $0xffff, v15  }
0x49b: {  	[tilespmem:s19+$0x10930] =	vst.add.f32.msk $0xffff, v16  }
0x49c: {  	[tilespmem:s19+$0x10940] =	vst.add.f32.msk $0xffff, v17  }
0x49d: {  	[tilespmem:s19+$0x10950] =	vst.add.f32.msk $0xffff, v18  }
0x49e: {  	[tilespmem:s19+$0x10960] =	vst.add.f32.msk $0xffff, v19  }
0x49f: {  	[tilespmem:s19+$0x10970] =	vst.add.f32.msk $0xffff, v20  }
0x4a0: {  	s5 =	sor.u32 $0xCC00, s12;
	[tilespmem:s19+$0x10570] =	vst.add.f32.msk $0xffff, v14  }
0x4a1: {  	v11 =	vld [tilespmem:s5+$0x100];
	_ =	sdelay $0x4  }
0x4a2: {  	[tilespmem:s19+$0x10D00] =	vst.add.f32.msk $0xffff, v11  }
0x4a3: {  	v11 =	vld [tilespmem:s5+$0x110];
	_ =	sdelay $0x4  }
0x4a4: {  	[tilespmem:s19+$0x10D10] =	vst.add.f32.msk $0xffff, v11  }
0x4a5: {  	v11 =	vld [tilespmem:s5+$0x120];
	_ =	sdelay $0x4  }
0x4a6: {  	[tilespmem:s19+$0x10D20] =	vst.add.f32.msk $0xffff, v11  }
0x4a7: {  	v11 =	vld [tilespmem:s5+$0x130];
	_ =	sdelay $0x4  }
0x4a8: {  	[tilespmem:s19+$0x10D30] =	vst.add.f32.msk $0xffff, v11  }
0x4a9: {  	v11 =	vld [tilespmem:s5+$0x140];
	_ =	sdelay $0x4  }
0x4aa: {  	[tilespmem:s19+$0x10D40] =	vst.add.f32.msk $0xffff, v11  }
0x4ab: {  	v11 =	vld [tilespmem:s5+$0x150]  }
0x4ac: {  	v56 =	vld [tilespmem:s19+$0xD100]  }
0x4ad: {  	v57 =	vld [tilespmem:s19+$0xD110]  }
0x4ae: {  	v58 =	vld [tilespmem:s19+$0xD120]  }
0x4af: {  	v59 =	vld [tilespmem:s19+$0xD130]  }
0x4b0: {  	[tilespmem:s19+$0x10D50] =	vst.add.f32.msk $0xffff, v11  }
0x4b1: {  	v11 =	vld [tilespmem:s5+$0x160]  }
0x4b2: {  	v21 =	vld [tilespmem:s19+$0xD140]  }
0x4b3: {  	v22 =	vld [tilespmem:s19+$0xD150]  }
0x4b4: {  	v23 =	vld [tilespmem:s19+$0xD160]  }
0x4b5: {  	v24 =	vld [tilespmem:s19+$0xD170]  }
0x4b6: {  	[tilespmem:s19+$0x10D60] =	vst.add.f32.msk $0xffff, v11  }
0x4b7: {  	v11 =	vld [tilespmem:s5+$0x170]  }
0x4b8: {  	[tilespmem:s19+$0x11100] =	vst.add.f32.msk $0xffff, v56  }
0x4b9: {  	[tilespmem:s19+$0x11110] =	vst.add.f32.msk $0xffff, v57  }
0x4ba: {  	[tilespmem:s19+$0x11120] =	vst.add.f32.msk $0xffff, v58  }
0x4bb: {  	[tilespmem:s19+$0x11130] =	vst.add.f32.msk $0xffff, v59  }
0x4bc: {  	[tilespmem:s19+$0x11140] =	vst.add.f32.msk $0xffff, v21  }
0x4bd: {  	[tilespmem:s19+$0x11150] =	vst.add.f32.msk $0xffff, v22  }
0x4be: {  	[tilespmem:s19+$0x11160] =	vst.add.f32.msk $0xffff, v23  }
0x4bf: {  	[tilespmem:s19+$0x11170] =	vst.add.f32.msk $0xffff, v24  }
0x4c0: {  	s18 =	sor.u32 $0xD400, s12;
	[tilespmem:s19+$0x10D70] =	vst.add.f32.msk $0xffff, v11  }
0x4c1: {  	v11 =	vld [tilespmem:s18+$0x100];
	_ =	sdelay $0x4  }
0x4c2: {  	[tilespmem:s19+$0x11500] =	vst.add.f32.msk $0xffff, v11  }
0x4c3: {  	v11 =	vld [tilespmem:s18+$0x110]  }
0x4c4: {  	v52 =	vld [tilespmem:s19+$0xD900]  }
0x4c5: {  	v53 =	vld [tilespmem:s19+$0xD910]  }
0x4c6: {  	v54 =	vld [tilespmem:s19+$0xD920]  }
0x4c7: {  	v55 =	vld [tilespmem:s19+$0xD930]  }
0x4c8: {  	[tilespmem:s19+$0x11510] =	vst.add.f32.msk $0xffff, v11  }
0x4c9: {  	v11 =	vld [tilespmem:s18+$0x120]  }
0x4ca: {  	[tilespmem:s7+$0x11540] =	vst.add.f32.msk $0xffff, v13  }
0x4cb: {  	v13 =	vld [tilespmem:s13+$0x150]  }
0x4cc: {  	v60 =	vld [tilespmem:s19+$0xD940]  }
0x4cd: {  	v61 =	vld [tilespmem:s19+$0xD950]  }
0x4ce: {  	[tilespmem:s19+$0x11520] =	vst.add.f32.msk $0xffff, v11  }
0x4cf: {  	v11 =	vld [tilespmem:s18+$0x130]  }
0x4d0: {  	[tilespmem:s7+$0x11550] =	vst.add.f32.msk $0xffff, v13  }
0x4d1: {  	v13 =	vld [tilespmem:s13+$0x160]  }
0x4d2: {  	v62 =	vld [tilespmem:s19+$0xD960]  }
0x4d3: {  	v63 =	vld [tilespmem:s19+$0xD970]  }
0x4d4: {  	[tilespmem:s19+$0x11530] =	vst.add.f32.msk $0xffff, v11  }
0x4d5: {  	v11 =	vld [tilespmem:s18+$0x140]  }
0x4d6: {  	[tilespmem:s7+$0x11560] =	vst.add.f32.msk $0xffff, v13  }
0x4d7: {  	v13 =	vld [tilespmem:s13+$0x170]  }
0x4d8: {  	[tilespmem:s7+$0x11900] =	vst.add.f32.msk $0xffff, v3  }
0x4d9: {  	[tilespmem:s7+$0x11910] =	vst.add.f32.msk $0xffff, v4  }
0x4da: {  	[tilespmem:s19+$0x11540] =	vst.add.f32.msk $0xffff, v11  }
0x4db: {  	v3 =	vld [tilespmem:s18+$0x150]  }
0x4dc: {  	[tilespmem:s7+$0x11920] =	vst.add.f32.msk $0xffff, v5  }
0x4dd: {  	[tilespmem:s7+$0x11930] =	vst.add.f32.msk $0xffff, v6  }
0x4de: {  	[tilespmem:s7+$0x11940] =	vst.add.f32.msk $0xffff, v7  }
0x4df: {  	[tilespmem:s7+$0x11950] =	vst.add.f32.msk $0xffff, v8  }
0x4e0: {  	[tilespmem:s19+$0x11550] =	vst.add.f32.msk $0xffff, v3  }
0x4e1: {  	v3 =	vld [tilespmem:s18+$0x160]  }
0x4e2: {  	[tilespmem:s7+$0x11960] =	vst.add.f32.msk $0xffff, v9  }
0x4e3: {  	s6 =	sor.u32 s2, s6;
	[tilespmem:s7+$0x11970] =	vst.add.f32.msk $0xffff, v10  }
0x4e4: {  	s6 =	sor.u32 $0xDC00, s6;
	[tilespmem:s7+$0x11570] =	vst.add.f32.msk $0xffff, v13  }
0x4e5: {  	v4 =	vld [tilespmem:s6+$0x100]  }
0x4e6: {  	[tilespmem:s19+$0x11560] =	vst.add.f32.msk $0xffff, v3  }
0x4e7: {  	v3 =	vld [tilespmem:s18+$0x170]  }
0x4e8: {  	[tilespmem:s19+$0x11900] =	vst.add.f32.msk $0xffff, v52  }
0x4e9: {  	[tilespmem:s19+$0x11910] =	vst.add.f32.msk $0xffff, v53  }
0x4ea: {  	[tilespmem:s19+$0x11920] =	vst.add.f32.msk $0xffff, v54  }
0x4eb: {  	[tilespmem:s19+$0x11930] =	vst.add.f32.msk $0xffff, v55  }
0x4ec: {  	[tilespmem:s19+$0x11940] =	vst.add.f32.msk $0xffff, v60  }
0x4ed: {  	[tilespmem:s19+$0x11950] =	vst.add.f32.msk $0xffff, v61  }
0x4ee: {  	[tilespmem:s19+$0x11960] =	vst.add.f32.msk $0xffff, v62  }
0x4ef: {  	s0 =	sadd.s32 $0x1, s0;
	s20 =	sor.u32 s9, s11;
	[tilespmem:s19+$0x11970] =	vst.add.f32.msk $0xffff, v63  }
0x4f0: {  	s28 =	sand.u32 $0x7, s0;
	s5 =	sor.u32 $0xDC00, s20;
	[tilespmem:s19+$0x11570] =	vst.add.f32.msk $0xffff, v3  }
0x4f1: {  	s0 =	sadd.s32 $0x1, s0;
	s7 =	sshll.u32 s28, $0x7;
	v3 =	vld [tilespmem:s5+$0x100]  }
0x4f2: {  	s0 =	sand.u32 $0x7, s0;
	s2 =	sadd.s32 s7, s2  }
0x4f3: {  	s0 =	sshll.u32 s0, $0x7;
	s7 =	sor.u32 $0x1C00, s2  }
0x4f4: {  	s0 =	sadd.s32 s0, s9;
	[tilespmem:s7+$0x10100] =	vst.add.f32.msk $0xffff, v4  }
0x4f5: {  	s30 =	sor.u32 $0x1C00, s0;
	v4 =	vld [tilespmem:s6+$0x110]  }
0x4f6: {  	[tilespmem:s30+$0x10100] =	vst.add.f32.msk $0xffff, v3  }
0x4f7: {  	v3 =	vld [tilespmem:s5+$0x110];
	_ =	sdelay $0x1  }
0x4f8: {  	s31 =	sor.u32 $0x1C10, s2  }
0x4f9: {  	[tilespmem:s31+$0x10100] =	vst.add.f32.msk $0xffff, v4  }
0x4fa: {  	s9 =	sor.u32 $0x1C10, s0;
	v4 =	vld [tilespmem:s6+$0x120]  }
0x4fb: {  	[tilespmem:s9+$0x10100] =	vst.add.f32.msk $0xffff, v3  }
0x4fc: {  	v3 =	vld [tilespmem:s5+$0x120];
	_ =	sdelay $0x1  }
0x4fd: {  	s10 =	sor.u32 $0x1C20, s2  }
0x4fe: {  	[tilespmem:s10+$0x10100] =	vst.add.f32.msk $0xffff, v4  }
0x4ff: {  	s11 =	sor.u32 $0x1C20, s0;
	v4 =	vld [tilespmem:s6+$0x130]  }
0x500: {  	[tilespmem:s11+$0x10100] =	vst.add.f32.msk $0xffff, v3  }
0x501: {  	v3 =	vld [tilespmem:s5+$0x130];
	_ =	sdelay $0x1  }
0x502: {  	s12 =	sor.u32 $0x1C30, s2  }
0x503: {  	[tilespmem:s12+$0x10100] =	vst.add.f32.msk $0xffff, v4  }
0x504: {  	s13 =	sor.u32 $0x1C30, s0;
	v4 =	vld [tilespmem:s6+$0x140]  }
0x505: {  	[tilespmem:s13+$0x10100] =	vst.add.f32.msk $0xffff, v3  }
0x506: {  	v3 =	vld [tilespmem:s5+$0x140];
	_ =	sdelay $0x1  }
0x507: {  	s17 =	sor.u32 $0x1C40, s2  }
0x508: {  	[tilespmem:s17+$0x10100] =	vst.add.f32.msk $0xffff, v4  }
0x509: {  	v4 =	vld [tilespmem:s6+$0x150];
	s18 =	sor.u32 $0x1C40, s0  }
0x50a: {  	[tilespmem:s18+$0x10100] =	vst.add.f32.msk $0xffff, v3  }
0x50b: {  	v3 =	vld [tilespmem:s5+$0x150];
	_ =	sdelay $0x1  }
0x50c: {  	s19 =	sor.u32 $0x1C50, s2  }
0x50d: {  	[tilespmem:s19+$0x10100] =	vst.add.f32.msk $0xffff, v4  }
0x50e: {  	s20 =	sor.u32 $0x1C50, s0;
	v4 =	vld [tilespmem:s6+$0x160]  }
0x50f: {  	[tilespmem:s20+$0x10100] =	vst.add.f32.msk $0xffff, v3  }
0x510: {  	v3 =	vld [tilespmem:s5+$0x160];
	_ =	sdelay $0x1  }
0x511: {  	s28 =	sor.u32 $0x1C60, s2  }
0x512: {  	[tilespmem:s28+$0x10100] =	vst.add.f32.msk $0xffff, v4  }
0x513: {  	s30 =	sor.u32 $0x1C60, s0;
	v4 =	vld [tilespmem:s6+$0x170]  }
0x514: {  	[tilespmem:s30+$0x10100] =	vst.add.f32.msk $0xffff, v3  }
0x515: {  	v3 =	vld [tilespmem:s5+$0x170];
	_ =	sdelay $0x2  }
0x516: {  	s2 =	sor.u32 $0x1C70, s2  }
0x517: {  	s0 =	sor.u32 $0x1C70, s0;
	[tilespmem:s2+$0x10100] =	vst.add.f32.msk $0xffff, v4  }
0x518: {  	[tilespmem:s0+$0x10100] =	vst.add.f32.msk $0xffff, v3  }
0x519: {  	s5 =	simm.s32 $0x10100;
	s0 =	rddreg [dreg:$0xd]  }
0x51a: {  	[hbm4b:s0+s4] =	stream.linear.scatter [tilespmem:s5], [sflag:$0x5], $0x4000, $0x38;
	[tilespmem:$0x1C100] =	vst v63  }
0x51b: {  	_ =	swait.ge [sflag:s24], $0x4000  }
0x51c: {  	[sflag:s24] =	ssyncset.done $0x0  }
0x51d: {  	[sflag:s24] =	ssyncadd.s32 $0xFFFFC000  }
0x51e: {  	_ =	swait.ge [sflag:s25], $0x4000  }
0x51f: {  	[sflag:s25] =	ssyncset.done $0x0  }
0x520: {  	[sflag:s25] =	ssyncadd.s32 $0xFFFFC000  }
0x521: {  	_ =	swait.ge [sflag:s26], $0x4000  }
0x522: {  	s29 =	sadd.s32 $0x1, s29;
	s31 =	rddreg [dreg:$0xe]  }
0x523: {  	p0 =	sne.s32 s29, s31  }
.Ltmp3:
0x524: {  	_ = 	snop;
	(pc) =	sbr.rel @p0 .LBB2_1-.Ltmp3, $3  }
0x525: {  	_ =	sdelay $0x1  }
0x526: {  	[sflag:s26] =	ssyncset.done $0x0  }
0x527: {  	[sflag:s26] =	ssyncadd.s32 $0xFFFFC000  }
0x528: {  	_ =	sfence.sel $0x180000  }
0x529: {  	[bflag:$0x0] =	sbarrier.arrive $0xFFFF  }
0x52a: {  	_ =	strace $0x90000047  }
0x52b: {  	s0 =	stileid.u32;
	[bflag:$0x2] =	sbarrier.arrive $0xFFFF  }
0x52c: {  	p0 =	sne.s32 s0, $0x0;
	s0 =	rddreg [dreg:$0x4]  }
0x52d: {  	s0 =	sadd.s32 @!p0 $0x100000, s0  }
0x52e: {  	[sflag:s0] =	ssyncadd.tile.s32 @!p0 $0x1;
	_ =	shalt  }
.Lfunc_end2:
_tile_overlayer_lowered:
.L_overlay_start_2:
0x52f: {  	(tag) =	ssettag $0x2  }
0x530: {  	s0 =	rddreg [dreg:$0x0];
	s2 =	stileid.u32  }
0x531: {  	s1 =	rddreg [dreg:$0x1];
	p0 =	sne.s32 s2, $0x0  }
0x532: {  	s3 =	rddreg [dreg:$0x2];
	[bflag:$0x3] =	sbarrier.arrive $0xFFFF;
	s2 =	simm.s32 @!p0 $0x1C08  }
0x533: {  	[timem:s3], [sflag:s2] =	dma.local @!p0 [hbm:s0], s1  }
0x534: {  	s0 =	simm.s32 @!p0 $0x8  }
0x535: {  	_ =	swait.ge @!p0 [sflag:s0], s1  }
0x536: {  	s1 =	ssub.s32 @!p0 $0x0, s1;
	[sflag:s0] =	ssyncset.done @!p0 $0x0  }
0x537: {  	[sflag:s0] =	ssyncadd.s32 @!p0 s1  }
0x538: {  	[bflag:$0x3] =	sbarrier.arrive $0xFFFF  }
0x539: {  	_ =	shalt  }

</sc_bundles>
